<compile_context>
chip_gen: v7x
topology: tpu7x:2x2x1
jax: 0.10.2.dev20260603
libtpu: 0.0.44.dev20260713+nightly
codegen_flags: <defaults>
</compile_context>

<pallas_src>
import functools

import jax
import jax.numpy as jnp
from jax import lax
from jax.experimental import pallas as pl
from jax.experimental.pallas import tpu as pltpu
from jax.experimental.pallas import tpu_sc as plsc

VOCAB = 1000000
D = 64
B = 16384
H = 200

_NC = 2
_NS = 16
_NW = _NC * _NS
_SPW = B // _NW
_S = 2
_C0, _C1 = 128, 72
_GROUPS = _SPW // _S
_NBUF = 2
_NIB = 4


def _pool_body(x_hbm, emb_hbm, out_hbm, idxa_v, idxb_v, rows_v, out_v,
               sr0, sr1, si0, si1, si2, si3):
    wid = lax.axis_index("s") * _NC + lax.axis_index("c")
    base = wid * _SPW
    sems_r = (sr0, sr1)
    sems_i = (si0, si1, si2, si3)

    def idx_fetch(g, ib):
        for s in range(_S):
            m = base + g * _S + s
            pltpu.async_copy(
                x_hbm.at[m, pl.ds(0, _C0)], idxa_v.at[ib, s], sems_i[ib]
            )
            pltpu.async_copy(
                x_hbm.at[m, pl.ds(_C0, _C1)], idxb_v.at[ib, s], sems_i[ib]
            )

    def wait_idx(ib):
        pltpu.make_async_copy(
            x_hbm.at[pl.ds(0, _S), pl.ds(0, _C0)], idxa_v.at[ib], sems_i[ib]
        ).wait()
        pltpu.make_async_copy(
            x_hbm.at[pl.ds(0, _S), pl.ds(0, _C1)], idxb_v.at[ib], sems_i[ib]
        ).wait()

    def fire(ib, rb):
        for s in range(_S):
            pltpu.async_copy(
                emb_hbm.at[idxa_v.at[ib, s]],
                rows_v.at[rb, pl.ds(s * H, _C0)],
                sems_r[rb],
            )
            pltpu.async_copy(
                emb_hbm.at[idxb_v.at[ib, s]],
                rows_v.at[rb, pl.ds(s * H + _C0, _C1)],
                sems_r[rb],
            )

    def wait_rows(rb):
        pltpu.make_async_copy(
            emb_hbm.at[pl.ds(0, _S * H)], rows_v.at[rb], sems_r[rb]
        ).wait()

    def reduce(g, rb):
        for s in range(_S):
            r0 = s * H

            def red(r, acc):
                return tuple(
                    acc[k] + rows_v[rb, r0 + r, pl.ds(16 * k, 16)]
                    for k in range(4)
                )

            acc = lax.fori_loop(
                0, H, red,
                tuple(jnp.zeros((16,), jnp.float32) for _ in range(4)),
                unroll=8,
            )
            for k in range(4):
                out_v[g * _S + s, pl.ds(16 * k, 16)] = acc[k]

    for s in range(_S):
        pltpu.sync_copy(x_hbm.at[base + s, pl.ds(0, _C0)], idxa_v.at[0, s])
        pltpu.sync_copy(x_hbm.at[base + s, pl.ds(_C0, _C1)], idxb_v.at[0, s])
    fire(0, 0)
    for p in range(1, _NIB):
        idx_fetch(p, p)

    def quad(qq, carry):
        for b in range(_NIB):
            g = _NIB * qq + b
            rb = b % _NBUF
            nrb = (b + 1) % _NBUF

            @pl.when(g + 1 < _GROUPS)
            def _():
                wait_idx((b + 1) % _NIB)
                fire((b + 1) % _NIB, nrb)

            wait_rows(rb)

            @pl.when(g + _NIB < _GROUPS)
            def _():
                idx_fetch(g + _NIB, b)

            reduce(g, rb)
        return carry

    lax.fori_loop(0, _GROUPS // _NIB, quad, 0)
    pltpu.sync_copy(out_v, out_hbm.at[pl.ds(base, _SPW)])


def _pool(x, emb):
    mesh = plsc.VectorSubcoreMesh(core_axis_name="c", subcore_axis_name="s")
    fn = functools.partial(
        pl.kernel,
        mesh=mesh,
        compiler_params=pltpu.CompilerParams(use_tc_tiling_on_sc=False),
        out_type=jax.ShapeDtypeStruct((B, D), jnp.float32),
        scratch_types=[
            pltpu.VMEM((_NIB, _S, _C0), jnp.int32),
            pltpu.VMEM((_NIB, _S, _C1), jnp.int32),
            pltpu.VMEM((_NBUF, _S * H, D), jnp.float32),
            pltpu.VMEM((_SPW, D), jnp.float32),
        ] + [pltpu.SemaphoreType.DMA] * (_NBUF + _NIB),
    )(_pool_body)
    return fn(x, emb)


def _dense_body(h_ref, w_ref, b_ref, o_ref):
    o_ref[...] = jnp.tanh(
        jnp.dot(h_ref[...], w_ref[...], preferred_element_type=jnp.float32)
        + b_ref[...]
    )


def _dense(h, W, b):
    blk = 2048
    return pl.pallas_call(
        _dense_body,
        grid=(B // blk,),
        in_specs=[
            pl.BlockSpec((blk, D), lambda i: (i, 0)),
            pl.BlockSpec((D, D), lambda i: (0, 0)),
            pl.BlockSpec((1, D), lambda i: (0, 0)),
        ],
        out_specs=pl.BlockSpec((blk, D), lambda i: (i, 0)),
        out_shape=jax.ShapeDtypeStruct((B, D), jnp.float32),
    )(h, W, b.reshape(1, D))


def kernel(x, emb, W, b):
    pooled = _pool(x, emb)
    return _dense(pooled, W, b)

# --- scband reference (transcript-rebuilt; emitter-appended) ---
"""Pipeline reference for scband-summation-embedding-layer-52166672777225 (READ-ONLY COPY).

The authoritative reference and input builder live on the scoring server;
editing this copy changes nothing except your own understanding.
"""

import jax, jax.numpy as jnp
import numpy as np

VOCAB = 1000000
INPUT_DIM = 64
OUTPUT_DIM = 64
BATCH = 16384
HIST = 200

def setup_inputs(seed: int = 0) -> dict:
    key = jax.random.key(seed)
    k1, k2, k3, k4 = jax.random.split(key, 4)
    x = jax.random.randint(k1, (BATCH, HIST), 0, VOCAB, dtype=jnp.int64) if jax.config.jax_enable_x64 else jax.random.randint(k1, (BATCH, HIST), 0, VOCAB).astype(jnp.int32)
    emb = jax.random.normal(k2, (VOCAB, INPUT_DIM), dtype=jnp.float32) * 0.02
    W = jax.random.normal(k3, (INPUT_DIM, OUTPUT_DIM), dtype=jnp.float32) * (1.0 / np.sqrt(INPUT_DIM))
    b = jax.random.normal(k4, (OUTPUT_DIM,), dtype=jnp.float32) * 0.01
    return {"x": x, "emb": emb, "W": W, "b": b}

def reference(x, emb, W, b):
    # embedding lookup: [B, L, D]
    h = jnp.take(emb, x, axis=0)
    # sum over sequence dim
    h = jnp.sum(h, axis=1)
    # dropout_input: identity in eval mode
    # bottleneck: linear + tanh
    h = jnp.tanh(jnp.dot(h, W) + b)
    # dropout_output: identity in eval mode
    return h

if __name__ == "__main__":
    import jax
    _d = setup_inputs()
    print(jax.jit(kernel)(*tuple(_d.values())))

</pallas_src>

<mosaic_0001>
#map = affine_map<(d0, d1) -> (0, 0)>
module attributes {stable_mosaic.version = 14 : i64} {
  func.func @_pool_body(%arg0: i32, %arg1: i32, %arg2: memref<16384x200xi32, #tpu.memory_space<hbm>>, %arg3: memref<1000000x64xf32, #tpu.memory_space<hbm>>, %arg4: memref<16384x64xf32, #tpu.memory_space<hbm>>, %arg5: memref<4x2x128xi32, #tpu.memory_space<vmem>>, %arg6: memref<4x2x72xi32, #tpu.memory_space<vmem>>, %arg7: memref<2x400x64xf32, #tpu.memory_space<vmem>>, %arg8: memref<512x64xf32, #tpu.memory_space<vmem>>, %arg9: memref<!tpu.dma_semaphore, #tpu.memory_space<semaphore_mem>>, %arg10: memref<!tpu.dma_semaphore, #tpu.memory_space<semaphore_mem>>, %arg11: memref<!tpu.dma_semaphore, #tpu.memory_space<semaphore_mem>>, %arg12: memref<!tpu.dma_semaphore, #tpu.memory_space<semaphore_mem>>, %arg13: memref<!tpu.dma_semaphore, #tpu.memory_space<semaphore_mem>>, %arg14: memref<!tpu.dma_semaphore, #tpu.memory_space<semaphore_mem>>) attributes {dimension_semantics = [#tpu.dimension_semantics<core_parallel>, #tpu.dimension_semantics<subcore_parallel>], iteration_bounds = array<i64: 2, 16>, scalar_prefetch = 0 : i64, scratch_operands = 10 : i64, tpu.core_type = #tpu.core_type<sc_vector_subcore>, window_params = [{transform_indices = #map}, {transform_indices = #map}, {transform_indices = #map}]} {
    %mul3A = arith.constant 2 : i32
    %mul3A_0 = arith.muli %arg1, %mul3A : i32
    %add3A = arith.addi %mul3A_0, %arg0 : i32
    %mul3A_1 = arith.constant 512 : i32
    %mul3A_2 = arith.muli %add3A, %mul3A_1 : i32
    %add3A_3 = arith.constant 0 : i32
    %add3A_4 = arith.addi %mul3A_2, %add3A_3 : i32
    %run_scoped3A = arith.constant 0 : i32
    %run_scoped3A_5 = arith.constant 0 : i32
    "tpu.region"() ({
      %run_scoped3A_266 = tpu.sem_alloc : memref<!tpu.dma_semaphore, #tpu.memory_space<semaphore_mem>>
      %dma_start3A_267 = arith.constant 0 : i32
      %dma_start3A_268 = tpu.memref_slice %arg5[%run_scoped3A, %run_scoped3A_5, %dma_start3A_267] : memref<4x2x128xi32, #tpu.memory_space<vmem>> -> memref<1x1x128xi32, #tpu.memory_space<vmem>>
      %dma_start3A_269 = tpu.memref_squeeze %dma_start3A_268 : memref<1x1x128xi32, #tpu.memory_space<vmem>> -> memref<128xi32, #tpu.memory_space<vmem>>
      %dma_start3A_270 = arith.constant 0 : i32
      %dma_start3A_271 = tpu.memref_slice %arg2[%add3A_4, %dma_start3A_270] : memref<16384x200xi32, #tpu.memory_space<hbm>> -> memref<1x128xi32, #tpu.memory_space<hbm>>
      %dma_start3A_272 = tpu.memref_squeeze %dma_start3A_271 : memref<1x128xi32, #tpu.memory_space<hbm>> -> memref<128xi32, #tpu.memory_space<hbm>>
      %dma_start3A_273 = arith.constant 0 : i32
      %dma_start3A_274 = tpu.memref_slice %arg5[%run_scoped3A, %run_scoped3A_5, %dma_start3A_273] : memref<4x2x128xi32, #tpu.memory_space<vmem>> -> memref<1x1x128xi32, #tpu.memory_space<vmem>>
      %dma_start3A_275 = tpu.memref_squeeze %dma_start3A_274 : memref<1x1x128xi32, #tpu.memory_space<vmem>> -> memref<128xi32, #tpu.memory_space<vmem>>
      %dma_start3A_276 = arith.constant 0 : i32
      %dma_start3A_277 = tpu.memref_slice %arg2[%add3A_4, %dma_start3A_276] : memref<16384x200xi32, #tpu.memory_space<hbm>> -> memref<1x128xi32, #tpu.memory_space<hbm>>
      %dma_start3A_278 = tpu.memref_squeeze %dma_start3A_277 : memref<1x128xi32, #tpu.memory_space<hbm>> -> memref<128xi32, #tpu.memory_space<hbm>>
      tpu.enqueue_dma source(%dma_start3A_278 : memref<128xi32, #tpu.memory_space<hbm>>) target(%dma_start3A_275 : memref<128xi32, #tpu.memory_space<vmem>>) target_semaphore(%run_scoped3A_266 : memref<!tpu.dma_semaphore, #tpu.memory_space<semaphore_mem>>)
      %dma_wait3A = arith.constant 0 : i32
      %dma_wait3A_279 = tpu.memref_slice %arg5[%run_scoped3A, %run_scoped3A_5, %dma_wait3A] : memref<4x2x128xi32, #tpu.memory_space<vmem>> -> memref<1x1x128xi32, #tpu.memory_space<vmem>>
      %dma_wait3A_280 = tpu.memref_squeeze %dma_wait3A_279 : memref<1x1x128xi32, #tpu.memory_space<vmem>> -> memref<128xi32, #tpu.memory_space<vmem>>
      %dma_wait3A_281 = arith.constant 0 : i32
      %dma_wait3A_282 = tpu.memref_slice %arg2[%add3A_4, %dma_wait3A_281] : memref<16384x200xi32, #tpu.memory_space<hbm>> -> memref<1x128xi32, #tpu.memory_space<hbm>>
      %dma_wait3A_283 = tpu.memref_squeeze %dma_wait3A_282 : memref<1x128xi32, #tpu.memory_space<hbm>> -> memref<128xi32, #tpu.memory_space<hbm>>
      %dma_wait3A_284 = arith.constant 0 : i32
      %dma_wait3A_285 = tpu.memref_slice %arg5[%run_scoped3A, %run_scoped3A_5, %dma_wait3A_284] : memref<4x2x128xi32, #tpu.memory_space<vmem>> -> memref<1x1x128xi32, #tpu.memory_space<vmem>>
      %dma_wait3A_286 = tpu.memref_squeeze %dma_wait3A_285 : memref<1x1x128xi32, #tpu.memory_space<vmem>> -> memref<128xi32, #tpu.memory_space<vmem>>
      %dma_wait3A_287 = arith.constant 0 : i32
      %dma_wait3A_288 = tpu.memref_slice %arg2[%add3A_4, %dma_wait3A_287] : memref<16384x200xi32, #tpu.memory_space<hbm>> -> memref<1x128xi32, #tpu.memory_space<hbm>>
      %dma_wait3A_289 = tpu.memref_squeeze %dma_wait3A_288 : memref<1x128xi32, #tpu.memory_space<hbm>> -> memref<128xi32, #tpu.memory_space<hbm>>
      tpu.wait_dma2 semaphore(%run_scoped3A_266 : memref<!tpu.dma_semaphore, #tpu.memory_space<semaphore_mem>>) src(%dma_wait3A_289 : memref<128xi32, #tpu.memory_space<hbm>>) dst(%dma_wait3A_286 : memref<128xi32, #tpu.memory_space<vmem>>)
      tpu.yield
    }) : () -> ()
    %add3A_6 = arith.constant 0 : i32
    %add3A_7 = arith.addi %mul3A_2, %add3A_6 : i32
    %run_scoped3A_8 = arith.constant 0 : i32
    %run_scoped3A_9 = arith.constant 0 : i32
    "tpu.region"() ({
      %run_scoped3A_266 = tpu.sem_alloc : memref<!tpu.dma_semaphore, #tpu.memory_space<semaphore_mem>>
      %dma_start3A_267 = arith.constant 0 : i32
      %dma_start3A_268 = tpu.memref_slice %arg6[%run_scoped3A_8, %run_scoped3A_9, %dma_start3A_267] : memref<4x2x72xi32, #tpu.memory_space<vmem>> -> memref<1x1x72xi32, #tpu.memory_space<vmem>>
      %dma_start3A_269 = tpu.memref_squeeze %dma_start3A_268 : memref<1x1x72xi32, #tpu.memory_space<vmem>> -> memref<72xi32, #tpu.memory_space<vmem>>
      %dma_start3A_270 = arith.constant 128 : i32
      %dma_start3A_271 = tpu.memref_slice %arg2[%add3A_7, %dma_start3A_270] : memref<16384x200xi32, #tpu.memory_space<hbm>> -> memref<1x72xi32, #tpu.memory_space<hbm>>
      %dma_start3A_272 = tpu.memref_squeeze %dma_start3A_271 : memref<1x72xi32, #tpu.memory_space<hbm>> -> memref<72xi32, #tpu.memory_space<hbm>>
      %dma_start3A_273 = arith.constant 0 : i32
      %dma_start3A_274 = tpu.memref_slice %arg6[%run_scoped3A_8, %run_scoped3A_9, %dma_start3A_273] : memref<4x2x72xi32, #tpu.memory_space<vmem>> -> memref<1x1x72xi32, #tpu.memory_space<vmem>>
      %dma_start3A_275 = tpu.memref_squeeze %dma_start3A_274 : memref<1x1x72xi32, #tpu.memory_space<vmem>> -> memref<72xi32, #tpu.memory_space<vmem>>
      %dma_start3A_276 = arith.constant 128 : i32
      %dma_start3A_277 = tpu.memref_slice %arg2[%add3A_7, %dma_start3A_276] : memref<16384x200xi32, #tpu.memory_space<hbm>> -> memref<1x72xi32, #tpu.memory_space<hbm>>
      %dma_start3A_278 = tpu.memref_squeeze %dma_start3A_277 : memref<1x72xi32, #tpu.memory_space<hbm>> -> memref<72xi32, #tpu.memory_space<hbm>>
      tpu.enqueue_dma source(%dma_start3A_278 : memref<72xi32, #tpu.memory_space<hbm>>) target(%dma_start3A_275 : memref<72xi32, #tpu.memory_space<vmem>>) target_semaphore(%run_scoped3A_266 : memref<!tpu.dma_semaphore, #tpu.memory_space<semaphore_mem>>)
      %dma_wait3A = arith.constant 0 : i32
      %dma_wait3A_279 = tpu.memref_slice %arg6[%run_scoped3A_8, %run_scoped3A_9, %dma_wait3A] : memref<4x2x72xi32, #tpu.memory_space<vmem>> -> memref<1x1x72xi32, #tpu.memory_space<vmem>>
      %dma_wait3A_280 = tpu.memref_squeeze %dma_wait3A_279 : memref<1x1x72xi32, #tpu.memory_space<vmem>> -> memref<72xi32, #tpu.memory_space<vmem>>
      %dma_wait3A_281 = arith.constant 128 : i32
      %dma_wait3A_282 = tpu.memref_slice %arg2[%add3A_7, %dma_wait3A_281] : memref<16384x200xi32, #tpu.memory_space<hbm>> -> memref<1x72xi32, #tpu.memory_space<hbm>>
      %dma_wait3A_283 = tpu.memref_squeeze %dma_wait3A_282 : memref<1x72xi32, #tpu.memory_space<hbm>> -> memref<72xi32, #tpu.memory_space<hbm>>
      %dma_wait3A_284 = arith.constant 0 : i32
      %dma_wait3A_285 = tpu.memref_slice %arg6[%run_scoped3A_8, %run_scoped3A_9, %dma_wait3A_284] : memref<4x2x72xi32, #tpu.memory_space<vmem>> -> memref<1x1x72xi32, #tpu.memory_space<vmem>>
      %dma_wait3A_286 = tpu.memref_squeeze %dma_wait3A_285 : memref<1x1x72xi32, #tpu.memory_space<vmem>> -> memref<72xi32, #tpu.memory_space<vmem>>
      %dma_wait3A_287 = arith.constant 128 : i32
      %dma_wait3A_288 = tpu.memref_slice %arg2[%add3A_7, %dma_wait3A_287] : memref<16384x200xi32, #tpu.memory_space<hbm>> -> memref<1x72xi32, #tpu.memory_space<hbm>>
      %dma_wait3A_289 = tpu.memref_squeeze %dma_wait3A_288 : memref<1x72xi32, #tpu.memory_space<hbm>> -> memref<72xi32, #tpu.memory_space<hbm>>
      tpu.wait_dma2 semaphore(%run_scoped3A_266 : memref<!tpu.dma_semaphore, #tpu.memory_space<semaphore_mem>>) src(%dma_wait3A_289 : memref<72xi32, #tpu.memory_space<hbm>>) dst(%dma_wait3A_286 : memref<72xi32, #tpu.memory_space<vmem>>)
      tpu.yield
    }) : () -> ()
    %add3A_10 = arith.constant 1 : i32
    %add3A_11 = arith.addi %mul3A_2, %add3A_10 : i32
    %run_scoped3A_12 = arith.constant 0 : i32
    %run_scoped3A_13 = arith.constant 1 : i32
    "tpu.region"() ({
      %run_scoped3A_266 = tpu.sem_alloc : memref<!tpu.dma_semaphore, #tpu.memory_space<semaphore_mem>>
      %dma_start3A_267 = arith.constant 0 : i32
      %dma_start3A_268 = tpu.memref_slice %arg5[%run_scoped3A_12, %run_scoped3A_13, %dma_start3A_267] : memref<4x2x128xi32, #tpu.memory_space<vmem>> -> memref<1x1x128xi32, #tpu.memory_space<vmem>>
      %dma_start3A_269 = tpu.memref_squeeze %dma_start3A_268 : memref<1x1x128xi32, #tpu.memory_space<vmem>> -> memref<128xi32, #tpu.memory_space<vmem>>
      %dma_start3A_270 = arith.constant 0 : i32
      %dma_start3A_271 = tpu.memref_slice %arg2[%add3A_11, %dma_start3A_270] : memref<16384x200xi32, #tpu.memory_space<hbm>> -> memref<1x128xi32, #tpu.memory_space<hbm>>
      %dma_start3A_272 = tpu.memref_squeeze %dma_start3A_271 : memref<1x128xi32, #tpu.memory_space<hbm>> -> memref<128xi32, #tpu.memory_space<hbm>>
      %dma_start3A_273 = arith.constant 0 : i32
      %dma_start3A_274 = tpu.memref_slice %arg5[%run_scoped3A_12, %run_scoped3A_13, %dma_start3A_273] : memref<4x2x128xi32, #tpu.memory_space<vmem>> -> memref<1x1x128xi32, #tpu.memory_space<vmem>>
      %dma_start3A_275 = tpu.memref_squeeze %dma_start3A_274 : memref<1x1x128xi32, #tpu.memory_space<vmem>> -> memref<128xi32, #tpu.memory_space<vmem>>
      %dma_start3A_276 = arith.constant 0 : i32
      %dma_start3A_277 = tpu.memref_slice %arg2[%add3A_11, %dma_start3A_276] : memref<16384x200xi32, #tpu.memory_space<hbm>> -> memref<1x128xi32, #tpu.memory_space<hbm>>
      %dma_start3A_278 = tpu.memref_squeeze %dma_start3A_277 : memref<1x128xi32, #tpu.memory_space<hbm>> -> memref<128xi32, #tpu.memory_space<hbm>>
      tpu.enqueue_dma source(%dma_start3A_278 : memref<128xi32, #tpu.memory_space<hbm>>) target(%dma_start3A_275 : memref<128xi32, #tpu.memory_space<vmem>>) target_semaphore(%run_scoped3A_266 : memref<!tpu.dma_semaphore, #tpu.memory_space<semaphore_mem>>)
      %dma_wait3A = arith.constant 0 : i32
      %dma_wait3A_279 = tpu.memref_slice %arg5[%run_scoped3A_12, %run_scoped3A_13, %dma_wait3A] : memref<4x2x128xi32, #tpu.memory_space<vmem>> -> memref<1x1x128xi32, #tpu.memory_space<vmem>>
      %dma_wait3A_280 = tpu.memref_squeeze %dma_wait3A_279 : memref<1x1x128xi32, #tpu.memory_space<vmem>> -> memref<128xi32, #tpu.memory_space<vmem>>
      %dma_wait3A_281 = arith.constant 0 : i32
      %dma_wait3A_282 = tpu.memref_slice %arg2[%add3A_11, %dma_wait3A_281] : memref<16384x200xi32, #tpu.memory_space<hbm>> -> memref<1x128xi32, #tpu.memory_space<hbm>>
      %dma_wait3A_283 = tpu.memref_squeeze %dma_wait3A_282 : memref<1x128xi32, #tpu.memory_space<hbm>> -> memref<128xi32, #tpu.memory_space<hbm>>
      %dma_wait3A_284 = arith.constant 0 : i32
      %dma_wait3A_285 = tpu.memref_slice %arg5[%run_scoped3A_12, %run_scoped3A_13, %dma_wait3A_284] : memref<4x2x128xi32, #tpu.memory_space<vmem>> -> memref<1x1x128xi32, #tpu.memory_space<vmem>>
      %dma_wait3A_286 = tpu.memref_squeeze %dma_wait3A_285 : memref<1x1x128xi32, #tpu.memory_space<vmem>> -> memref<128xi32, #tpu.memory_space<vmem>>
      %dma_wait3A_287 = arith.constant 0 : i32
      %dma_wait3A_288 = tpu.memref_slice %arg2[%add3A_11, %dma_wait3A_287] : memref<16384x200xi32, #tpu.memory_space<hbm>> -> memref<1x128xi32, #tpu.memory_space<hbm>>
      %dma_wait3A_289 = tpu.memref_squeeze %dma_wait3A_288 : memref<1x128xi32, #tpu.memory_space<hbm>> -> memref<128xi32, #tpu.memory_space<hbm>>
      tpu.wait_dma2 semaphore(%run_scoped3A_266 : memref<!tpu.dma_semaphore, #tpu.memory_space<semaphore_mem>>) src(%dma_wait3A_289 : memref<128xi32, #tpu.memory_space<hbm>>) dst(%dma_wait3A_286 : memref<128xi32, #tpu.memory_space<vmem>>)
      tpu.yield
    }) : () -> ()
    %add3A_14 = arith.constant 1 : i32
    %add3A_15 = arith.addi %mul3A_2, %add3A_14 : i32
    %run_scoped3A_16 = arith.constant 0 : i32
    %run_scoped3A_17 = arith.constant 1 : i32
    "tpu.region"() ({
      %run_scoped3A_266 = tpu.sem_alloc : memref<!tpu.dma_semaphore, #tpu.memory_space<semaphore_mem>>
      %dma_start3A_267 = arith.constant 0 : i32
      %dma_start3A_268 = tpu.memref_slice %arg6[%run_scoped3A_16, %run_scoped3A_17, %dma_start3A_267] : memref<4x2x72xi32, #tpu.memory_space<vmem>> -> memref<1x1x72xi32, #tpu.memory_space<vmem>>
      %dma_start3A_269 = tpu.memref_squeeze %dma_start3A_268 : memref<1x1x72xi32, #tpu.memory_space<vmem>> -> memref<72xi32, #tpu.memory_space<vmem>>
      %dma_start3A_270 = arith.constant 128 : i32
      %dma_start3A_271 = tpu.memref_slice %arg2[%add3A_15, %dma_start3A_270] : memref<16384x200xi32, #tpu.memory_space<hbm>> -> memref<1x72xi32, #tpu.memory_space<hbm>>
      %dma_start3A_272 = tpu.memref_squeeze %dma_start3A_271 : memref<1x72xi32, #tpu.memory_space<hbm>> -> memref<72xi32, #tpu.memory_space<hbm>>
      %dma_start3A_273 = arith.constant 0 : i32
      %dma_start3A_274 = tpu.memref_slice %arg6[%run_scoped3A_16, %run_scoped3A_17, %dma_start3A_273] : memref<4x2x72xi32, #tpu.memory_space<vmem>> -> memref<1x1x72xi32, #tpu.memory_space<vmem>>
      %dma_start3A_275 = tpu.memref_squeeze %dma_start3A_274 : memref<1x1x72xi32, #tpu.memory_space<vmem>> -> memref<72xi32, #tpu.memory_space<vmem>>
      %dma_start3A_276 = arith.constant 128 : i32
      %dma_start3A_277 = tpu.memref_slice %arg2[%add3A_15, %dma_start3A_276] : memref<16384x200xi32, #tpu.memory_space<hbm>> -> memref<1x72xi32, #tpu.memory_space<hbm>>
      %dma_start3A_278 = tpu.memref_squeeze %dma_start3A_277 : memref<1x72xi32, #tpu.memory_space<hbm>> -> memref<72xi32, #tpu.memory_space<hbm>>
      tpu.enqueue_dma source(%dma_start3A_278 : memref<72xi32, #tpu.memory_space<hbm>>) target(%dma_start3A_275 : memref<72xi32, #tpu.memory_space<vmem>>) target_semaphore(%run_scoped3A_266 : memref<!tpu.dma_semaphore, #tpu.memory_space<semaphore_mem>>)
      %dma_wait3A = arith.constant 0 : i32
      %dma_wait3A_279 = tpu.memref_slice %arg6[%run_scoped3A_16, %run_scoped3A_17, %dma_wait3A] : memref<4x2x72xi32, #tpu.memory_space<vmem>> -> memref<1x1x72xi32, #tpu.memory_space<vmem>>
      %dma_wait3A_280 = tpu.memref_squeeze %dma_wait3A_279 : memref<1x1x72xi32, #tpu.memory_space<vmem>> -> memref<72xi32, #tpu.memory_space<vmem>>
      %dma_wait3A_281 = arith.constant 128 : i32
      %dma_wait3A_282 = tpu.memref_slice %arg2[%add3A_15, %dma_wait3A_281] : memref<16384x200xi32, #tpu.memory_space<hbm>> -> memref<1x72xi32, #tpu.memory_space<hbm>>
      %dma_wait3A_283 = tpu.memref_squeeze %dma_wait3A_282 : memref<1x72xi32, #tpu.memory_space<hbm>> -> memref<72xi32, #tpu.memory_space<hbm>>
      %dma_wait3A_284 = arith.constant 0 : i32
      %dma_wait3A_285 = tpu.memref_slice %arg6[%run_scoped3A_16, %run_scoped3A_17, %dma_wait3A_284] : memref<4x2x72xi32, #tpu.memory_space<vmem>> -> memref<1x1x72xi32, #tpu.memory_space<vmem>>
      %dma_wait3A_286 = tpu.memref_squeeze %dma_wait3A_285 : memref<1x1x72xi32, #tpu.memory_space<vmem>> -> memref<72xi32, #tpu.memory_space<vmem>>
      %dma_wait3A_287 = arith.constant 128 : i32
      %dma_wait3A_288 = tpu.memref_slice %arg2[%add3A_15, %dma_wait3A_287] : memref<16384x200xi32, #tpu.memory_space<hbm>> -> memref<1x72xi32, #tpu.memory_space<hbm>>
      %dma_wait3A_289 = tpu.memref_squeeze %dma_wait3A_288 : memref<1x72xi32, #tpu.memory_space<hbm>> -> memref<72xi32, #tpu.memory_space<hbm>>
      tpu.wait_dma2 semaphore(%run_scoped3A_266 : memref<!tpu.dma_semaphore, #tpu.memory_space<semaphore_mem>>) src(%dma_wait3A_289 : memref<72xi32, #tpu.memory_space<hbm>>) dst(%dma_wait3A_286 : memref<72xi32, #tpu.memory_space<vmem>>)
      tpu.yield
    }) : () -> ()
    %dma_start3A = arith.constant 0 : i32
    %dma_start3A_18 = arith.constant 0 : i32
    %dma_start3A_19 = arith.constant 0 : i32
    %dma_start3A_20 = arith.constant 0 : i32
    %dma_start3A_21 = arith.constant 0 : i32
    %dma_start3A_22 = tpu.memref_slice %arg7[%dma_start3A_19, %dma_start3A_20, %dma_start3A_21] : memref<2x400x64xf32, #tpu.memory_space<vmem>> -> memref<1x128x64xf32, #tpu.memory_space<vmem>>
    %dma_start3A_23 = tpu.memref_squeeze %dma_start3A_22 : memref<1x128x64xf32, #tpu.memory_space<vmem>> -> memref<128x64xf32, #tpu.memory_space<vmem>>
    %dma_start3A_24 = arith.constant 0 : i32
    %dma_start3A_25 = tpu.memref_slice %arg5[%dma_start3A, %dma_start3A_18, %dma_start3A_24] : memref<4x2x128xi32, #tpu.memory_space<vmem>> -> memref<1x1x128xi32, #tpu.memory_space<vmem>>
    %dma_start3A_26 = tpu.memref_squeeze %dma_start3A_25 : memref<1x1x128xi32, #tpu.memory_space<vmem>> -> memref<128xi32, #tpu.memory_space<vmem>>
    %dma_start3A_27 = arith.constant 0 : i32
    %dma_start3A_28 = arith.constant 0 : i32
    %dma_start3A_29 = tpu.memref_slice %arg3[%dma_start3A_27, %dma_start3A_28] : memref<1000000x64xf32, #tpu.memory_space<hbm>> -> memref<1000000x64xf32, #tpu.memory_space<hbm>>
    tpu.enqueue_indirect_dma source(%dma_start3A_29 : memref<1000000x64xf32, #tpu.memory_space<hbm>>) target(%dma_start3A_23 : memref<128x64xf32, #tpu.memory_space<vmem>>) offsets(%dma_start3A_26 : memref<128xi32, #tpu.memory_space<vmem>>) semaphore(%arg9 : memref<!tpu.dma_semaphore, #tpu.memory_space<semaphore_mem>>)
    %dma_start3A_30 = arith.constant 0 : i32
    %dma_start3A_31 = arith.constant 0 : i32
    %dma_start3A_32 = arith.constant 0 : i32
    %dma_start3A_33 = arith.constant 128 : i32
    %dma_start3A_34 = arith.constant 0 : i32
    %dma_start3A_35 = tpu.memref_slice %arg7[%dma_start3A_32, %dma_start3A_33, %dma_start3A_34] : memref<2x400x64xf32, #tpu.memory_space<vmem>> -> memref<1x72x64xf32, #tpu.memory_space<vmem>>
    %dma_start3A_36 = tpu.memref_squeeze %dma_start3A_35 : memref<1x72x64xf32, #tpu.memory_space<vmem>> -> memref<72x64xf32, #tpu.memory_space<vmem>>
    %dma_start3A_37 = arith.constant 0 : i32
    %dma_start3A_38 = tpu.memref_slice %arg6[%dma_start3A_30, %dma_start3A_31, %dma_start3A_37] : memref<4x2x72xi32, #tpu.memory_space<vmem>> -> memref<1x1x72xi32, #tpu.memory_space<vmem>>
    %dma_start3A_39 = tpu.memref_squeeze %dma_start3A_38 : memref<1x1x72xi32, #tpu.memory_space<vmem>> -> memref<72xi32, #tpu.memory_space<vmem>>
    %dma_start3A_40 = arith.constant 0 : i32
    %dma_start3A_41 = arith.constant 0 : i32
    %dma_start3A_42 = tpu.memref_slice %arg3[%dma_start3A_40, %dma_start3A_41] : memref<1000000x64xf32, #tpu.memory_space<hbm>> -> memref<1000000x64xf32, #tpu.memory_space<hbm>>
    tpu.enqueue_indirect_dma source(%dma_start3A_42 : memref<1000000x64xf32, #tpu.memory_space<hbm>>) target(%dma_start3A_36 : memref<72x64xf32, #tpu.memory_space<vmem>>) offsets(%dma_start3A_39 : memref<72xi32, #tpu.memory_space<vmem>>) semaphore(%arg9 : memref<!tpu.dma_semaphore, #tpu.memory_space<semaphore_mem>>)
    %dma_start3A_43 = arith.constant 0 : i32
    %dma_start3A_44 = arith.constant 1 : i32
    %dma_start3A_45 = arith.constant 0 : i32
    %dma_start3A_46 = arith.constant 200 : i32
    %dma_start3A_47 = arith.constant 0 : i32
    %dma_start3A_48 = tpu.memref_slice %arg7[%dma_start3A_45, %dma_start3A_46, %dma_start3A_47] : memref<2x400x64xf32, #tpu.memory_space<vmem>> -> memref<1x128x64xf32, #tpu.memory_space<vmem>>
    %dma_start3A_49 = tpu.memref_squeeze %dma_start3A_48 : memref<1x128x64xf32, #tpu.memory_space<vmem>> -> memref<128x64xf32, #tpu.memory_space<vmem>>
    %dma_start3A_50 = arith.constant 0 : i32
    %dma_start3A_51 = tpu.memref_slice %arg5[%dma_start3A_43, %dma_start3A_44, %dma_start3A_50] : memref<4x2x128xi32, #tpu.memory_space<vmem>> -> memref<1x1x128xi32, #tpu.memory_space<vmem>>
    %dma_start3A_52 = tpu.memref_squeeze %dma_start3A_51 : memref<1x1x128xi32, #tpu.memory_space<vmem>> -> memref<128xi32, #tpu.memory_space<vmem>>
    %dma_start3A_53 = arith.constant 0 : i32
    %dma_start3A_54 = arith.constant 0 : i32
    %dma_start3A_55 = tpu.memref_slice %arg3[%dma_start3A_53, %dma_start3A_54] : memref<1000000x64xf32, #tpu.memory_space<hbm>> -> memref<1000000x64xf32, #tpu.memory_space<hbm>>
    tpu.enqueue_indirect_dma source(%dma_start3A_55 : memref<1000000x64xf32, #tpu.memory_space<hbm>>) target(%dma_start3A_49 : memref<128x64xf32, #tpu.memory_space<vmem>>) offsets(%dma_start3A_52 : memref<128xi32, #tpu.memory_space<vmem>>) semaphore(%arg9 : memref<!tpu.dma_semaphore, #tpu.memory_space<semaphore_mem>>)
    %dma_start3A_56 = arith.constant 0 : i32
    %dma_start3A_57 = arith.constant 1 : i32
    %dma_start3A_58 = arith.constant 0 : i32
    %dma_start3A_59 = arith.constant 328 : i32
    %dma_start3A_60 = arith.constant 0 : i32
    %dma_start3A_61 = tpu.memref_slice %arg7[%dma_start3A_58, %dma_start3A_59, %dma_start3A_60] : memref<2x400x64xf32, #tpu.memory_space<vmem>> -> memref<1x72x64xf32, #tpu.memory_space<vmem>>
    %dma_start3A_62 = tpu.memref_squeeze %dma_start3A_61 : memref<1x72x64xf32, #tpu.memory_space<vmem>> -> memref<72x64xf32, #tpu.memory_space<vmem>>
    %dma_start3A_63 = arith.constant 0 : i32
    %dma_start3A_64 = tpu.memref_slice %arg6[%dma_start3A_56, %dma_start3A_57, %dma_start3A_63] : memref<4x2x72xi32, #tpu.memory_space<vmem>> -> memref<1x1x72xi32, #tpu.memory_space<vmem>>
    %dma_start3A_65 = tpu.memref_squeeze %dma_start3A_64 : memref<1x1x72xi32, #tpu.memory_space<vmem>> -> memref<72xi32, #tpu.memory_space<vmem>>
    %dma_start3A_66 = arith.constant 0 : i32
    %dma_start3A_67 = arith.constant 0 : i32
    %dma_start3A_68 = tpu.memref_slice %arg3[%dma_start3A_66, %dma_start3A_67] : memref<1000000x64xf32, #tpu.memory_space<hbm>> -> memref<1000000x64xf32, #tpu.memory_space<hbm>>
    tpu.enqueue_indirect_dma source(%dma_start3A_68 : memref<1000000x64xf32, #tpu.memory_space<hbm>>) target(%dma_start3A_62 : memref<72x64xf32, #tpu.memory_space<vmem>>) offsets(%dma_start3A_65 : memref<72xi32, #tpu.memory_space<vmem>>) semaphore(%arg9 : memref<!tpu.dma_semaphore, #tpu.memory_space<semaphore_mem>>)
    %add3A_69 = arith.constant 2 : i32
    %add3A_70 = arith.addi %mul3A_2, %add3A_69 : i32
    %add3A_71 = arith.constant 0 : i32
    %add3A_72 = arith.addi %add3A_70, %add3A_71 : i32
    %dma_start3A_73 = arith.constant 1 : i32
    %dma_start3A_74 = arith.constant 0 : i32
    %dma_start3A_75 = arith.constant 0 : i32
    %dma_start3A_76 = tpu.memref_slice %arg5[%dma_start3A_73, %dma_start3A_74, %dma_start3A_75] : memref<4x2x128xi32, #tpu.memory_space<vmem>> -> memref<1x1x128xi32, #tpu.memory_space<vmem>>
    %dma_start3A_77 = tpu.memref_squeeze %dma_start3A_76 : memref<1x1x128xi32, #tpu.memory_space<vmem>> -> memref<128xi32, #tpu.memory_space<vmem>>
    %dma_start3A_78 = arith.constant 0 : i32
    %dma_start3A_79 = tpu.memref_slice %arg2[%add3A_72, %dma_start3A_78] : memref<16384x200xi32, #tpu.memory_space<hbm>> -> memref<1x128xi32, #tpu.memory_space<hbm>>
    %dma_start3A_80 = tpu.memref_squeeze %dma_start3A_79 : memref<1x128xi32, #tpu.memory_space<hbm>> -> memref<128xi32, #tpu.memory_space<hbm>>
    %dma_start3A_81 = arith.constant 0 : i32
    %dma_start3A_82 = tpu.memref_slice %arg5[%dma_start3A_73, %dma_start3A_74, %dma_start3A_81] : memref<4x2x128xi32, #tpu.memory_space<vmem>> -> memref<1x1x128xi32, #tpu.memory_space<vmem>>
    %dma_start3A_83 = tpu.memref_squeeze %dma_start3A_82 : memref<1x1x128xi32, #tpu.memory_space<vmem>> -> memref<128xi32, #tpu.memory_space<vmem>>
    %dma_start3A_84 = arith.constant 0 : i32
    %dma_start3A_85 = tpu.memref_slice %arg2[%add3A_72, %dma_start3A_84] : memref<16384x200xi32, #tpu.memory_space<hbm>> -> memref<1x128xi32, #tpu.memory_space<hbm>>
    %dma_start3A_86 = tpu.memref_squeeze %dma_start3A_85 : memref<1x128xi32, #tpu.memory_space<hbm>> -> memref<128xi32, #tpu.memory_space<hbm>>
    tpu.enqueue_dma source(%dma_start3A_86 : memref<128xi32, #tpu.memory_space<hbm>>) target(%dma_start3A_83 : memref<128xi32, #tpu.memory_space<vmem>>) target_semaphore(%arg12 : memref<!tpu.dma_semaphore, #tpu.memory_space<semaphore_mem>>)
    %dma_start3A_87 = arith.constant 1 : i32
    %dma_start3A_88 = arith.constant 0 : i32
    %dma_start3A_89 = arith.constant 0 : i32
    %dma_start3A_90 = tpu.memref_slice %arg6[%dma_start3A_87, %dma_start3A_88, %dma_start3A_89] : memref<4x2x72xi32, #tpu.memory_space<vmem>> -> memref<1x1x72xi32, #tpu.memory_space<vmem>>
    %dma_start3A_91 = tpu.memref_squeeze %dma_start3A_90 : memref<1x1x72xi32, #tpu.memory_space<vmem>> -> memref<72xi32, #tpu.memory_space<vmem>>
    %dma_start3A_92 = arith.constant 128 : i32
    %dma_start3A_93 = tpu.memref_slice %arg2[%add3A_72, %dma_start3A_92] : memref<16384x200xi32, #tpu.memory_space<hbm>> -> memref<1x72xi32, #tpu.memory_space<hbm>>
    %dma_start3A_94 = tpu.memref_squeeze %dma_start3A_93 : memref<1x72xi32, #tpu.memory_space<hbm>> -> memref<72xi32, #tpu.memory_space<hbm>>
    %dma_start3A_95 = arith.constant 0 : i32
    %dma_start3A_96 = tpu.memref_slice %arg6[%dma_start3A_87, %dma_start3A_88, %dma_start3A_95] : memref<4x2x72xi32, #tpu.memory_space<vmem>> -> memref<1x1x72xi32, #tpu.memory_space<vmem>>
    %dma_start3A_97 = tpu.memref_squeeze %dma_start3A_96 : memref<1x1x72xi32, #tpu.memory_space<vmem>> -> memref<72xi32, #tpu.memory_space<vmem>>
    %dma_start3A_98 = arith.constant 128 : i32
    %dma_start3A_99 = tpu.memref_slice %arg2[%add3A_72, %dma_start3A_98] : memref<16384x200xi32, #tpu.memory_space<hbm>> -> memref<1x72xi32, #tpu.memory_space<hbm>>
    %dma_start3A_100 = tpu.memref_squeeze %dma_start3A_99 : memref<1x72xi32, #tpu.memory_space<hbm>> -> memref<72xi32, #tpu.memory_space<hbm>>
    tpu.enqueue_dma source(%dma_start3A_100 : memref<72xi32, #tpu.memory_space<hbm>>) target(%dma_start3A_97 : memref<72xi32, #tpu.memory_space<vmem>>) target_semaphore(%arg12 : memref<!tpu.dma_semaphore, #tpu.memory_space<semaphore_mem>>)
    %add3A_101 = arith.constant 2 : i32
    %add3A_102 = arith.addi %mul3A_2, %add3A_101 : i32
    %add3A_103 = arith.constant 1 : i32
    %add3A_104 = arith.addi %add3A_102, %add3A_103 : i32
    %dma_start3A_105 = arith.constant 1 : i32
    %dma_start3A_106 = arith.constant 1 : i32
    %dma_start3A_107 = arith.constant 0 : i32
    %dma_start3A_108 = tpu.memref_slice %arg5[%dma_start3A_105, %dma_start3A_106, %dma_start3A_107] : memref<4x2x128xi32, #tpu.memory_space<vmem>> -> memref<1x1x128xi32, #tpu.memory_space<vmem>>
    %dma_start3A_109 = tpu.memref_squeeze %dma_start3A_108 : memref<1x1x128xi32, #tpu.memory_space<vmem>> -> memref<128xi32, #tpu.memory_space<vmem>>
    %dma_start3A_110 = arith.constant 0 : i32
    %dma_start3A_111 = tpu.memref_slice %arg2[%add3A_104, %dma_start3A_110] : memref<16384x200xi32, #tpu.memory_space<hbm>> -> memref<1x128xi32, #tpu.memory_space<hbm>>
    %dma_start3A_112 = tpu.memref_squeeze %dma_start3A_111 : memref<1x128xi32, #tpu.memory_space<hbm>> -> memref<128xi32, #tpu.memory_space<hbm>>
    %dma_start3A_113 = arith.constant 0 : i32
    %dma_start3A_114 = tpu.memref_slice %arg5[%dma_start3A_105, %dma_start3A_106, %dma_start3A_113] : memref<4x2x128xi32, #tpu.memory_space<vmem>> -> memref<1x1x128xi32, #tpu.memory_space<vmem>>
    %dma_start3A_115 = tpu.memref_squeeze %dma_start3A_114 : memref<1x1x128xi32, #tpu.memory_space<vmem>> -> memref<128xi32, #tpu.memory_space<vmem>>
    %dma_start3A_116 = arith.constant 0 : i32
    %dma_start3A_117 = tpu.memref_slice %arg2[%add3A_104, %dma_start3A_116] : memref<16384x200xi32, #tpu.memory_space<hbm>> -> memref<1x128xi32, #tpu.memory_space<hbm>>
    %dma_start3A_118 = tpu.memref_squeeze %dma_start3A_117 : memref<1x128xi32, #tpu.memory_space<hbm>> -> memref<128xi32, #tpu.memory_space<hbm>>
    tpu.enqueue_dma source(%dma_start3A_118 : memref<128xi32, #tpu.memory_space<hbm>>) target(%dma_start3A_115 : memref<128xi32, #tpu.memory_space<vmem>>) target_semaphore(%arg12 : memref<!tpu.dma_semaphore, #tpu.memory_space<semaphore_mem>>)
    %dma_start3A_119 = arith.constant 1 : i32
    %dma_start3A_120 = arith.constant 1 : i32
    %dma_start3A_121 = arith.constant 0 : i32
    %dma_start3A_122 = tpu.memref_slice %arg6[%dma_start3A_119, %dma_start3A_120, %dma_start3A_121] : memref<4x2x72xi32, #tpu.memory_space<vmem>> -> memref<1x1x72xi32, #tpu.memory_space<vmem>>
    %dma_start3A_123 = tpu.memref_squeeze %dma_start3A_122 : memref<1x1x72xi32, #tpu.memory_space<vmem>> -> memref<72xi32, #tpu.memory_space<vmem>>
    %dma_start3A_124 = arith.constant 128 : i32
    %dma_start3A_125 = tpu.memref_slice %arg2[%add3A_104, %dma_start3A_124] : memref<16384x200xi32, #tpu.memory_space<hbm>> -> memref<1x72xi32, #tpu.memory_space<hbm>>
    %dma_start3A_126 = tpu.memref_squeeze %dma_start3A_125 : memref<1x72xi32, #tpu.memory_space<hbm>> -> memref<72xi32, #tpu.memory_space<hbm>>
    %dma_start3A_127 = arith.constant 0 : i32
    %dma_start3A_128 = tpu.memref_slice %arg6[%dma_start3A_119, %dma_start3A_120, %dma_start3A_127] : memref<4x2x72xi32, #tpu.memory_space<vmem>> -> memref<1x1x72xi32, #tpu.memory_space<vmem>>
    %dma_start3A_129 = tpu.memref_squeeze %dma_start3A_128 : memref<1x1x72xi32, #tpu.memory_space<vmem>> -> memref<72xi32, #tpu.memory_space<vmem>>
    %dma_start3A_130 = arith.constant 128 : i32
    %dma_start3A_131 = tpu.memref_slice %arg2[%add3A_104, %dma_start3A_130] : memref<16384x200xi32, #tpu.memory_space<hbm>> -> memref<1x72xi32, #tpu.memory_space<hbm>>
    %dma_start3A_132 = tpu.memref_squeeze %dma_start3A_131 : memref<1x72xi32, #tpu.memory_space<hbm>> -> memref<72xi32, #tpu.memory_space<hbm>>
    tpu.enqueue_dma source(%dma_start3A_132 : memref<72xi32, #tpu.memory_space<hbm>>) target(%dma_start3A_129 : memref<72xi32, #tpu.memory_space<vmem>>) target_semaphore(%arg12 : memref<!tpu.dma_semaphore, #tpu.memory_space<semaphore_mem>>)
    %add3A_133 = arith.constant 4 : i32
    %add3A_134 = arith.addi %mul3A_2, %add3A_133 : i32
    %add3A_135 = arith.constant 0 : i32
    %add3A_136 = arith.addi %add3A_134, %add3A_135 : i32
    %dma_start3A_137 = arith.constant 2 : i32
    %dma_start3A_138 = arith.constant 0 : i32
    %dma_start3A_139 = arith.constant 0 : i32
    %dma_start3A_140 = tpu.memref_slice %arg5[%dma_start3A_137, %dma_start3A_138, %dma_start3A_139] : memref<4x2x128xi32, #tpu.memory_space<vmem>> -> memref<1x1x128xi32, #tpu.memory_space<vmem>>
    %dma_start3A_141 = tpu.memref_squeeze %dma_start3A_140 : memref<1x1x128xi32, #tpu.memory_space<vmem>> -> memref<128xi32, #tpu.memory_space<vmem>>
    %dma_start3A_142 = arith.constant 0 : i32
    %dma_start3A_143 = tpu.memref_slice %arg2[%add3A_136, %dma_start3A_142] : memref<16384x200xi32, #tpu.memory_space<hbm>> -> memref<1x128xi32, #tpu.memory_space<hbm>>
    %dma_start3A_144 = tpu.memref_squeeze %dma_start3A_143 : memref<1x128xi32, #tpu.memory_space<hbm>> -> memref<128xi32, #tpu.memory_space<hbm>>
    %dma_start3A_145 = arith.constant 0 : i32
    %dma_start3A_146 = tpu.memref_slice %arg5[%dma_start3A_137, %dma_start3A_138, %dma_start3A_145] : memref<4x2x128xi32, #tpu.memory_space<vmem>> -> memref<1x1x128xi32, #tpu.memory_space<vmem>>
    %dma_start3A_147 = tpu.memref_squeeze %dma_start3A_146 : memref<1x1x128xi32, #tpu.memory_space<vmem>> -> memref<128xi32, #tpu.memory_space<vmem>>
    %dma_start3A_148 = arith.constant 0 : i32
    %dma_start3A_149 = tpu.memref_slice %arg2[%add3A_136, %dma_start3A_148] : memref<16384x200xi32, #tpu.memory_space<hbm>> -> memref<1x128xi32, #tpu.memory_space<hbm>>
    %dma_start3A_150 = tpu.memref_squeeze %dma_start3A_149 : memref<1x128xi32, #tpu.memory_space<hbm>> -> memref<128xi32, #tpu.memory_space<hbm>>
    tpu.enqueue_dma source(%dma_start3A_150 : memref<128xi32, #tpu.memory_space<hbm>>) target(%dma_start3A_147 : memref<128xi32, #tpu.memory_space<vmem>>) target_semaphore(%arg13 : memref<!tpu.dma_semaphore, #tpu.memory_space<semaphore_mem>>)
    %dma_start3A_151 = arith.constant 2 : i32
    %dma_start3A_152 = arith.constant 0 : i32
    %dma_start3A_153 = arith.constant 0 : i32
    %dma_start3A_154 = tpu.memref_slice %arg6[%dma_start3A_151, %dma_start3A_152, %dma_start3A_153] : memref<4x2x72xi32, #tpu.memory_space<vmem>> -> memref<1x1x72xi32, #tpu.memory_space<vmem>>
    %dma_start3A_155 = tpu.memref_squeeze %dma_start3A_154 : memref<1x1x72xi32, #tpu.memory_space<vmem>> -> memref<72xi32, #tpu.memory_space<vmem>>
    %dma_start3A_156 = arith.constant 128 : i32
    %dma_start3A_157 = tpu.memref_slice %arg2[%add3A_136, %dma_start3A_156] : memref<16384x200xi32, #tpu.memory_space<hbm>> -> memref<1x72xi32, #tpu.memory_space<hbm>>
    %dma_start3A_158 = tpu.memref_squeeze %dma_start3A_157 : memref<1x72xi32, #tpu.memory_space<hbm>> -> memref<72xi32, #tpu.memory_space<hbm>>
    %dma_start3A_159 = arith.constant 0 : i32
    %dma_start3A_160 = tpu.memref_slice %arg6[%dma_start3A_151, %dma_start3A_152, %dma_start3A_159] : memref<4x2x72xi32, #tpu.memory_space<vmem>> -> memref<1x1x72xi32, #tpu.memory_space<vmem>>
    %dma_start3A_161 = tpu.memref_squeeze %dma_start3A_160 : memref<1x1x72xi32, #tpu.memory_space<vmem>> -> memref<72xi32, #tpu.memory_space<vmem>>
    %dma_start3A_162 = arith.constant 128 : i32
    %dma_start3A_163 = tpu.memref_slice %arg2[%add3A_136, %dma_start3A_162] : memref<16384x200xi32, #tpu.memory_space<hbm>> -> memref<1x72xi32, #tpu.memory_space<hbm>>
    %dma_start3A_164 = tpu.memref_squeeze %dma_start3A_163 : memref<1x72xi32, #tpu.memory_space<hbm>> -> memref<72xi32, #tpu.memory_space<hbm>>
    tpu.enqueue_dma source(%dma_start3A_164 : memref<72xi32, #tpu.memory_space<hbm>>) target(%dma_start3A_161 : memref<72xi32, #tpu.memory_space<vmem>>) target_semaphore(%arg13 : memref<!tpu.dma_semaphore, #tpu.memory_space<semaphore_mem>>)
    %add3A_165 = arith.constant 4 : i32
    %add3A_166 = arith.addi %mul3A_2, %add3A_165 : i32
    %add3A_167 = arith.constant 1 : i32
    %add3A_168 = arith.addi %add3A_166, %add3A_167 : i32
    %dma_start3A_169 = arith.constant 2 : i32
    %dma_start3A_170 = arith.constant 1 : i32
    %dma_start3A_171 = arith.constant 0 : i32
    %dma_start3A_172 = tpu.memref_slice %arg5[%dma_start3A_169, %dma_start3A_170, %dma_start3A_171] : memref<4x2x128xi32, #tpu.memory_space<vmem>> -> memref<1x1x128xi32, #tpu.memory_space<vmem>>
    %dma_start3A_173 = tpu.memref_squeeze %dma_start3A_172 : memref<1x1x128xi32, #tpu.memory_space<vmem>> -> memref<128xi32, #tpu.memory_space<vmem>>
    %dma_start3A_174 = arith.constant 0 : i32
    %dma_start3A_175 = tpu.memref_slice %arg2[%add3A_168, %dma_start3A_174] : memref<16384x200xi32, #tpu.memory_space<hbm>> -> memref<1x128xi32, #tpu.memory_space<hbm>>
    %dma_start3A_176 = tpu.memref_squeeze %dma_start3A_175 : memref<1x128xi32, #tpu.memory_space<hbm>> -> memref<128xi32, #tpu.memory_space<hbm>>
    %dma_start3A_177 = arith.constant 0 : i32
    %dma_start3A_178 = tpu.memref_slice %arg5[%dma_start3A_169, %dma_start3A_170, %dma_start3A_177] : memref<4x2x128xi32, #tpu.memory_space<vmem>> -> memref<1x1x128xi32, #tpu.memory_space<vmem>>
    %dma_start3A_179 = tpu.memref_squeeze %dma_start3A_178 : memref<1x1x128xi32, #tpu.memory_space<vmem>> -> memref<128xi32, #tpu.memory_space<vmem>>
    %dma_start3A_180 = arith.constant 0 : i32
    %dma_start3A_181 = tpu.memref_slice %arg2[%add3A_168, %dma_start3A_180] : memref<16384x200xi32, #tpu.memory_space<hbm>> -> memref<1x128xi32, #tpu.memory_space<hbm>>
    %dma_start3A_182 = tpu.memref_squeeze %dma_start3A_181 : memref<1x128xi32, #tpu.memory_space<hbm>> -> memref<128xi32, #tpu.memory_space<hbm>>
    tpu.enqueue_dma source(%dma_start3A_182 : memref<128xi32, #tpu.memory_space<hbm>>) target(%dma_start3A_179 : memref<128xi32, #tpu.memory_space<vmem>>) target_semaphore(%arg13 : memref<!tpu.dma_semaphore, #tpu.memory_space<semaphore_mem>>)
    %dma_start3A_183 = arith.constant 2 : i32
    %dma_start3A_184 = arith.constant 1 : i32
    %dma_start3A_185 = arith.constant 0 : i32
    %dma_start3A_186 = tpu.memref_slice %arg6[%dma_start3A_183, %dma_start3A_184, %dma_start3A_185] : memref<4x2x72xi32, #tpu.memory_space<vmem>> -> memref<1x1x72xi32, #tpu.memory_space<vmem>>
    %dma_start3A_187 = tpu.memref_squeeze %dma_start3A_186 : memref<1x1x72xi32, #tpu.memory_space<vmem>> -> memref<72xi32, #tpu.memory_space<vmem>>
    %dma_start3A_188 = arith.constant 128 : i32
    %dma_start3A_189 = tpu.memref_slice %arg2[%add3A_168, %dma_start3A_188] : memref<16384x200xi32, #tpu.memory_space<hbm>> -> memref<1x72xi32, #tpu.memory_space<hbm>>
    %dma_start3A_190 = tpu.memref_squeeze %dma_start3A_189 : memref<1x72xi32, #tpu.memory_space<hbm>> -> memref<72xi32, #tpu.memory_space<hbm>>
    %dma_start3A_191 = arith.constant 0 : i32
    %dma_start3A_192 = tpu.memref_slice %arg6[%dma_start3A_183, %dma_start3A_184, %dma_start3A_191] : memref<4x2x72xi32, #tpu.memory_space<vmem>> -> memref<1x1x72xi32, #tpu.memory_space<vmem>>
    %dma_start3A_193 = tpu.memref_squeeze %dma_start3A_192 : memref<1x1x72xi32, #tpu.memory_space<vmem>> -> memref<72xi32, #tpu.memory_space<vmem>>
    %dma_start3A_194 = arith.constant 128 : i32
    %dma_start3A_195 = tpu.memref_slice %arg2[%add3A_168, %dma_start3A_194] : memref<16384x200xi32, #tpu.memory_space<hbm>> -> memref<1x72xi32, #tpu.memory_space<hbm>>
    %dma_start3A_196 = tpu.memref_squeeze %dma_start3A_195 : memref<1x72xi32, #tpu.memory_space<hbm>> -> memref<72xi32, #tpu.memory_space<hbm>>
    tpu.enqueue_dma source(%dma_start3A_196 : memref<72xi32, #tpu.memory_space<hbm>>) target(%dma_start3A_193 : memref<72xi32, #tpu.memory_space<vmem>>) target_semaphore(%arg13 : memref<!tpu.dma_semaphore, #tpu.memory_space<semaphore_mem>>)
    %add3A_197 = arith.constant 6 : i32
    %add3A_198 = arith.addi %mul3A_2, %add3A_197 : i32
    %add3A_199 = arith.constant 0 : i32
    %add3A_200 = arith.addi %add3A_198, %add3A_199 : i32
    %dma_start3A_201 = arith.constant 3 : i32
    %dma_start3A_202 = arith.constant 0 : i32
    %dma_start3A_203 = arith.constant 0 : i32
    %dma_start3A_204 = tpu.memref_slice %arg5[%dma_start3A_201, %dma_start3A_202, %dma_start3A_203] : memref<4x2x128xi32, #tpu.memory_space<vmem>> -> memref<1x1x128xi32, #tpu.memory_space<vmem>>
    %dma_start3A_205 = tpu.memref_squeeze %dma_start3A_204 : memref<1x1x128xi32, #tpu.memory_space<vmem>> -> memref<128xi32, #tpu.memory_space<vmem>>
    %dma_start3A_206 = arith.constant 0 : i32
    %dma_start3A_207 = tpu.memref_slice %arg2[%add3A_200, %dma_start3A_206] : memref<16384x200xi32, #tpu.memory_space<hbm>> -> memref<1x128xi32, #tpu.memory_space<hbm>>
    %dma_start3A_208 = tpu.memref_squeeze %dma_start3A_207 : memref<1x128xi32, #tpu.memory_space<hbm>> -> memref<128xi32, #tpu.memory_space<hbm>>
    %dma_start3A_209 = arith.constant 0 : i32
    %dma_start3A_210 = tpu.memref_slice %arg5[%dma_start3A_201, %dma_start3A_202, %dma_start3A_209] : memref<4x2x128xi32, #tpu.memory_space<vmem>> -> memref<1x1x128xi32, #tpu.memory_space<vmem>>
    %dma_start3A_211 = tpu.memref_squeeze %dma_start3A_210 : memref<1x1x128xi32, #tpu.memory_space<vmem>> -> memref<128xi32, #tpu.memory_space<vmem>>
    %dma_start3A_212 = arith.constant 0 : i32
    %dma_start3A_213 = tpu.memref_slice %arg2[%add3A_200, %dma_start3A_212] : memref<16384x200xi32, #tpu.memory_space<hbm>> -> memref<1x128xi32, #tpu.memory_space<hbm>>
    %dma_start3A_214 = tpu.memref_squeeze %dma_start3A_213 : memref<1x128xi32, #tpu.memory_space<hbm>> -> memref<128xi32, #tpu.memory_space<hbm>>
    tpu.enqueue_dma source(%dma_start3A_214 : memref<128xi32, #tpu.memory_space<hbm>>) target(%dma_start3A_211 : memref<128xi32, #tpu.memory_space<vmem>>) target_semaphore(%arg14 : memref<!tpu.dma_semaphore, #tpu.memory_space<semaphore_mem>>)
    %dma_start3A_215 = arith.constant 3 : i32
    %dma_start3A_216 = arith.constant 0 : i32
    %dma_start3A_217 = arith.constant 0 : i32
    %dma_start3A_218 = tpu.memref_slice %arg6[%dma_start3A_215, %dma_start3A_216, %dma_start3A_217] : memref<4x2x72xi32, #tpu.memory_space<vmem>> -> memref<1x1x72xi32, #tpu.memory_space<vmem>>
    %dma_start3A_219 = tpu.memref_squeeze %dma_start3A_218 : memref<1x1x72xi32, #tpu.memory_space<vmem>> -> memref<72xi32, #tpu.memory_space<vmem>>
    %dma_start3A_220 = arith.constant 128 : i32
    %dma_start3A_221 = tpu.memref_slice %arg2[%add3A_200, %dma_start3A_220] : memref<16384x200xi32, #tpu.memory_space<hbm>> -> memref<1x72xi32, #tpu.memory_space<hbm>>
    %dma_start3A_222 = tpu.memref_squeeze %dma_start3A_221 : memref<1x72xi32, #tpu.memory_space<hbm>> -> memref<72xi32, #tpu.memory_space<hbm>>
    %dma_start3A_223 = arith.constant 0 : i32
    %dma_start3A_224 = tpu.memref_slice %arg6[%dma_start3A_215, %dma_start3A_216, %dma_start3A_223] : memref<4x2x72xi32, #tpu.memory_space<vmem>> -> memref<1x1x72xi32, #tpu.memory_space<vmem>>
    %dma_start3A_225 = tpu.memref_squeeze %dma_start3A_224 : memref<1x1x72xi32, #tpu.memory_space<vmem>> -> memref<72xi32, #tpu.memory_space<vmem>>
    %dma_start3A_226 = arith.constant 128 : i32
    %dma_start3A_227 = tpu.memref_slice %arg2[%add3A_200, %dma_start3A_226] : memref<16384x200xi32, #tpu.memory_space<hbm>> -> memref<1x72xi32, #tpu.memory_space<hbm>>
    %dma_start3A_228 = tpu.memref_squeeze %dma_start3A_227 : memref<1x72xi32, #tpu.memory_space<hbm>> -> memref<72xi32, #tpu.memory_space<hbm>>
    tpu.enqueue_dma source(%dma_start3A_228 : memref<72xi32, #tpu.memory_space<hbm>>) target(%dma_start3A_225 : memref<72xi32, #tpu.memory_space<vmem>>) target_semaphore(%arg14 : memref<!tpu.dma_semaphore, #tpu.memory_space<semaphore_mem>>)
    %add3A_229 = arith.constant 6 : i32
    %add3A_230 = arith.addi %mul3A_2, %add3A_229 : i32
    %add3A_231 = arith.constant 1 : i32
    %add3A_232 = arith.addi %add3A_230, %add3A_231 : i32
    %dma_start3A_233 = arith.constant 3 : i32
    %dma_start3A_234 = arith.constant 1 : i32
    %dma_start3A_235 = arith.constant 0 : i32
    %dma_start3A_236 = tpu.memref_slice %arg5[%dma_start3A_233, %dma_start3A_234, %dma_start3A_235] : memref<4x2x128xi32, #tpu.memory_space<vmem>> -> memref<1x1x128xi32, #tpu.memory_space<vmem>>
    %dma_start3A_237 = tpu.memref_squeeze %dma_start3A_236 : memref<1x1x128xi32, #tpu.memory_space<vmem>> -> memref<128xi32, #tpu.memory_space<vmem>>
    %dma_start3A_238 = arith.constant 0 : i32
    %dma_start3A_239 = tpu.memref_slice %arg2[%add3A_232, %dma_start3A_238] : memref<16384x200xi32, #tpu.memory_space<hbm>> -> memref<1x128xi32, #tpu.memory_space<hbm>>
    %dma_start3A_240 = tpu.memref_squeeze %dma_start3A_239 : memref<1x128xi32, #tpu.memory_space<hbm>> -> memref<128xi32, #tpu.memory_space<hbm>>
    %dma_start3A_241 = arith.constant 0 : i32
    %dma_start3A_242 = tpu.memref_slice %arg5[%dma_start3A_233, %dma_start3A_234, %dma_start3A_241] : memref<4x2x128xi32, #tpu.memory_space<vmem>> -> memref<1x1x128xi32, #tpu.memory_space<vmem>>
    %dma_start3A_243 = tpu.memref_squeeze %dma_start3A_242 : memref<1x1x128xi32, #tpu.memory_space<vmem>> -> memref<128xi32, #tpu.memory_space<vmem>>
    %dma_start3A_244 = arith.constant 0 : i32
    %dma_start3A_245 = tpu.memref_slice %arg2[%add3A_232, %dma_start3A_244] : memref<16384x200xi32, #tpu.memory_space<hbm>> -> memref<1x128xi32, #tpu.memory_space<hbm>>
    %dma_start3A_246 = tpu.memref_squeeze %dma_start3A_245 : memref<1x128xi32, #tpu.memory_space<hbm>> -> memref<128xi32, #tpu.memory_space<hbm>>
    tpu.enqueue_dma source(%dma_start3A_246 : memref<128xi32, #tpu.memory_space<hbm>>) target(%dma_start3A_243 : memref<128xi32, #tpu.memory_space<vmem>>) target_semaphore(%arg14 : memref<!tpu.dma_semaphore, #tpu.memory_space<semaphore_mem>>)
    %dma_start3A_247 = arith.constant 3 : i32
    %dma_start3A_248 = arith.constant 1 : i32
    %dma_start3A_249 = arith.constant 0 : i32
    %dma_start3A_250 = tpu.memref_slice %arg6[%dma_start3A_247, %dma_start3A_248, %dma_start3A_249] : memref<4x2x72xi32, #tpu.memory_space<vmem>> -> memref<1x1x72xi32, #tpu.memory_space<vmem>>
    %dma_start3A_251 = tpu.memref_squeeze %dma_start3A_250 : memref<1x1x72xi32, #tpu.memory_space<vmem>> -> memref<72xi32, #tpu.memory_space<vmem>>
    %dma_start3A_252 = arith.constant 128 : i32
    %dma_start3A_253 = tpu.memref_slice %arg2[%add3A_232, %dma_start3A_252] : memref<16384x200xi32, #tpu.memory_space<hbm>> -> memref<1x72xi32, #tpu.memory_space<hbm>>
    %dma_start3A_254 = tpu.memref_squeeze %dma_start3A_253 : memref<1x72xi32, #tpu.memory_space<hbm>> -> memref<72xi32, #tpu.memory_space<hbm>>
    %dma_start3A_255 = arith.constant 0 : i32
    %dma_start3A_256 = tpu.memref_slice %arg6[%dma_start3A_247, %dma_start3A_248, %dma_start3A_255] : memref<4x2x72xi32, #tpu.memory_space<vmem>> -> memref<1x1x72xi32, #tpu.memory_space<vmem>>
    %dma_start3A_257 = tpu.memref_squeeze %dma_start3A_256 : memref<1x1x72xi32, #tpu.memory_space<vmem>> -> memref<72xi32, #tpu.memory_space<vmem>>
    %dma_start3A_258 = arith.constant 128 : i32
    %dma_start3A_259 = tpu.memref_slice %arg2[%add3A_232, %dma_start3A_258] : memref<16384x200xi32, #tpu.memory_space<hbm>> -> memref<1x72xi32, #tpu.memory_space<hbm>>
    %dma_start3A_260 = tpu.memref_squeeze %dma_start3A_259 : memref<1x72xi32, #tpu.memory_space<hbm>> -> memref<72xi32, #tpu.memory_space<hbm>>
    tpu.enqueue_dma source(%dma_start3A_260 : memref<72xi32, #tpu.memory_space<hbm>>) target(%dma_start3A_257 : memref<72xi32, #tpu.memory_space<vmem>>) target_semaphore(%arg14 : memref<!tpu.dma_semaphore, #tpu.memory_space<semaphore_mem>>)
    %scan3A = arith.constant 0 : i32
    %scan3A_261 = arith.constant 0 : i32
    %scan3A_262 = arith.constant 64 : i32
    %scan3A_263 = arith.addi %scan3A_261, %scan3A_262 : i32
    %scan3A_264 = arith.constant 1 : i32
    scf.for %scan3A_266 = %scan3A_261 to %scan3A_263 step %scan3A_264  : i32 {
      %mul3A_267 = arith.constant 4 : i32
      %mul3A_268 = arith.muli %mul3A_267, %scan3A_266 : i32
      %add3A_269 = arith.constant 0 : i32
      %add3A_270 = arith.addi %mul3A_268, %add3A_269 : i32
      %add3A_271 = arith.constant 1 : i32
      %add3A_272 = arith.addi %add3A_270, %add3A_271 : i32
      %lt3A = arith.constant 256 : i32
      %lt3A_273 = arith.cmpi slt, %add3A_272, %lt3A : i32
      %convert_element_type3A = arith.extui %lt3A_273 : i1 to i32
      %cond3A = arith.constant 0 : i32
      %cond3A_274 = arith.cmpi ne, %convert_element_type3A, %cond3A : i32
      scf.if %cond3A_274 {
        %dma_wait3A_793 = arith.constant 1 : i32
        %dma_wait3A_794 = arith.constant 0 : i32
        %dma_wait3A_795 = arith.constant 0 : i32
        %dma_wait3A_796 = tpu.memref_slice %arg5[%dma_wait3A_793, %dma_wait3A_794, %dma_wait3A_795] : memref<4x2x128xi32, #tpu.memory_space<vmem>> -> memref<1x2x128xi32, #tpu.memory_space<vmem>>
        %dma_wait3A_797 = tpu.memref_squeeze %dma_wait3A_796 : memref<1x2x128xi32, #tpu.memory_space<vmem>> -> memref<2x128xi32, #tpu.memory_space<vmem>>
        %dma_wait3A_798 = arith.constant 0 : i32
        %dma_wait3A_799 = arith.constant 0 : i32
        %dma_wait3A_800 = tpu.memref_slice %arg2[%dma_wait3A_798, %dma_wait3A_799] : memref<16384x200xi32, #tpu.memory_space<hbm>> -> memref<2x128xi32, #tpu.memory_space<hbm>>
        %dma_wait3A_801 = arith.constant 0 : i32
        %dma_wait3A_802 = arith.constant 0 : i32
        %dma_wait3A_803 = tpu.memref_slice %arg5[%dma_wait3A_793, %dma_wait3A_801, %dma_wait3A_802] : memref<4x2x128xi32, #tpu.memory_space<vmem>> -> memref<1x2x128xi32, #tpu.memory_space<vmem>>
        %dma_wait3A_804 = tpu.memref_squeeze %dma_wait3A_803 : memref<1x2x128xi32, #tpu.memory_space<vmem>> -> memref<2x128xi32, #tpu.memory_space<vmem>>
        %dma_wait3A_805 = arith.constant 0 : i32
        %dma_wait3A_806 = arith.constant 0 : i32
        %dma_wait3A_807 = tpu.memref_slice %arg2[%dma_wait3A_805, %dma_wait3A_806] : memref<16384x200xi32, #tpu.memory_space<hbm>> -> memref<2x128xi32, #tpu.memory_space<hbm>>
        tpu.wait_dma2 semaphore(%arg12 : memref<!tpu.dma_semaphore, #tpu.memory_space<semaphore_mem>>) src(%dma_wait3A_807 : memref<2x128xi32, #tpu.memory_space<hbm>>) dst(%dma_wait3A_804 : memref<2x128xi32, #tpu.memory_space<vmem>>)
        %dma_wait3A_808 = arith.constant 1 : i32
        %dma_wait3A_809 = arith.constant 0 : i32
        %dma_wait3A_810 = arith.constant 0 : i32
        %dma_wait3A_811 = tpu.memref_slice %arg6[%dma_wait3A_808, %dma_wait3A_809, %dma_wait3A_810] : memref<4x2x72xi32, #tpu.memory_space<vmem>> -> memref<1x2x72xi32, #tpu.memory_space<vmem>>
        %dma_wait3A_812 = tpu.memref_squeeze %dma_wait3A_811 : memref<1x2x72xi32, #tpu.memory_space<vmem>> -> memref<2x72xi32, #tpu.memory_space<vmem>>
        %dma_wait3A_813 = arith.constant 0 : i32
        %dma_wait3A_814 = arith.constant 0 : i32
        %dma_wait3A_815 = tpu.memref_slice %arg2[%dma_wait3A_813, %dma_wait3A_814] : memref<16384x200xi32, #tpu.memory_space<hbm>> -> memref<2x72xi32, #tpu.memory_space<hbm>>
        %dma_wait3A_816 = arith.constant 0 : i32
        %dma_wait3A_817 = arith.constant 0 : i32
        %dma_wait3A_818 = tpu.memref_slice %arg6[%dma_wait3A_808, %dma_wait3A_816, %dma_wait3A_817] : memref<4x2x72xi32, #tpu.memory_space<vmem>> -> memref<1x2x72xi32, #tpu.memory_space<vmem>>
        %dma_wait3A_819 = tpu.memref_squeeze %dma_wait3A_818 : memref<1x2x72xi32, #tpu.memory_space<vmem>> -> memref<2x72xi32, #tpu.memory_space<vmem>>
        %dma_wait3A_820 = arith.constant 0 : i32
        %dma_wait3A_821 = arith.constant 0 : i32
        %dma_wait3A_822 = tpu.memref_slice %arg2[%dma_wait3A_820, %dma_wait3A_821] : memref<16384x200xi32, #tpu.memory_space<hbm>> -> memref<2x72xi32, #tpu.memory_space<hbm>>
        tpu.wait_dma2 semaphore(%arg12 : memref<!tpu.dma_semaphore, #tpu.memory_space<semaphore_mem>>) src(%dma_wait3A_822 : memref<2x72xi32, #tpu.memory_space<hbm>>) dst(%dma_wait3A_819 : memref<2x72xi32, #tpu.memory_space<vmem>>)
        %dma_start3A_823 = arith.constant 1 : i32
        %dma_start3A_824 = arith.constant 0 : i32
        %dma_start3A_825 = arith.constant 1 : i32
        %dma_start3A_826 = arith.constant 0 : i32
        %dma_start3A_827 = arith.constant 0 : i32
        %dma_start3A_828 = tpu.memref_slice %arg7[%dma_start3A_825, %dma_start3A_826, %dma_start3A_827] : memref<2x400x64xf32, #tpu.memory_space<vmem>> -> memref<1x128x64xf32, #tpu.memory_space<vmem>>
        %dma_start3A_829 = tpu.memref_squeeze %dma_start3A_828 : memref<1x128x64xf32, #tpu.memory_space<vmem>> -> memref<128x64xf32, #tpu.memory_space<vmem>>
        %dma_start3A_830 = arith.constant 0 : i32
        %dma_start3A_831 = tpu.memref_slice %arg5[%dma_start3A_823, %dma_start3A_824, %dma_start3A_830] : memref<4x2x128xi32, #tpu.memory_space<vmem>> -> memref<1x1x128xi32, #tpu.memory_space<vmem>>
        %dma_start3A_832 = tpu.memref_squeeze %dma_start3A_831 : memref<1x1x128xi32, #tpu.memory_space<vmem>> -> memref<128xi32, #tpu.memory_space<vmem>>
        %dma_start3A_833 = arith.constant 0 : i32
        %dma_start3A_834 = arith.constant 0 : i32
        %dma_start3A_835 = tpu.memref_slice %arg3[%dma_start3A_833, %dma_start3A_834] : memref<1000000x64xf32, #tpu.memory_space<hbm>> -> memref<1000000x64xf32, #tpu.memory_space<hbm>>
        tpu.enqueue_indirect_dma source(%dma_start3A_835 : memref<1000000x64xf32, #tpu.memory_space<hbm>>) target(%dma_start3A_829 : memref<128x64xf32, #tpu.memory_space<vmem>>) offsets(%dma_start3A_832 : memref<128xi32, #tpu.memory_space<vmem>>) semaphore(%arg10 : memref<!tpu.dma_semaphore, #tpu.memory_space<semaphore_mem>>)
        %dma_start3A_836 = arith.constant 1 : i32
        %dma_start3A_837 = arith.constant 0 : i32
        %dma_start3A_838 = arith.constant 1 : i32
        %dma_start3A_839 = arith.constant 128 : i32
        %dma_start3A_840 = arith.constant 0 : i32
        %dma_start3A_841 = tpu.memref_slice %arg7[%dma_start3A_838, %dma_start3A_839, %dma_start3A_840] : memref<2x400x64xf32, #tpu.memory_space<vmem>> -> memref<1x72x64xf32, #tpu.memory_space<vmem>>
        %dma_start3A_842 = tpu.memref_squeeze %dma_start3A_841 : memref<1x72x64xf32, #tpu.memory_space<vmem>> -> memref<72x64xf32, #tpu.memory_space<vmem>>
        %dma_start3A_843 = arith.constant 0 : i32
        %dma_start3A_844 = tpu.memref_slice %arg6[%dma_start3A_836, %dma_start3A_837, %dma_start3A_843] : memref<4x2x72xi32, #tpu.memory_space<vmem>> -> memref<1x1x72xi32, #tpu.memory_space<vmem>>
        %dma_start3A_845 = tpu.memref_squeeze %dma_start3A_844 : memref<1x1x72xi32, #tpu.memory_space<vmem>> -> memref<72xi32, #tpu.memory_space<vmem>>
        %dma_start3A_846 = arith.constant 0 : i32
        %dma_start3A_847 = arith.constant 0 : i32
        %dma_start3A_848 = tpu.memref_slice %arg3[%dma_start3A_846, %dma_start3A_847] : memref<1000000x64xf32, #tpu.memory_space<hbm>> -> memref<1000000x64xf32, #tpu.memory_space<hbm>>
        tpu.enqueue_indirect_dma source(%dma_start3A_848 : memref<1000000x64xf32, #tpu.memory_space<hbm>>) target(%dma_start3A_842 : memref<72x64xf32, #tpu.memory_space<vmem>>) offsets(%dma_start3A_845 : memref<72xi32, #tpu.memory_space<vmem>>) semaphore(%arg10 : memref<!tpu.dma_semaphore, #tpu.memory_space<semaphore_mem>>)
        %dma_start3A_849 = arith.constant 1 : i32
        %dma_start3A_850 = arith.constant 1 : i32
        %dma_start3A_851 = arith.constant 1 : i32
        %dma_start3A_852 = arith.constant 200 : i32
        %dma_start3A_853 = arith.constant 0 : i32
        %dma_start3A_854 = tpu.memref_slice %arg7[%dma_start3A_851, %dma_start3A_852, %dma_start3A_853] : memref<2x400x64xf32, #tpu.memory_space<vmem>> -> memref<1x128x64xf32, #tpu.memory_space<vmem>>
        %dma_start3A_855 = tpu.memref_squeeze %dma_start3A_854 : memref<1x128x64xf32, #tpu.memory_space<vmem>> -> memref<128x64xf32, #tpu.memory_space<vmem>>
        %dma_start3A_856 = arith.constant 0 : i32
        %dma_start3A_857 = tpu.memref_slice %arg5[%dma_start3A_849, %dma_start3A_850, %dma_start3A_856] : memref<4x2x128xi32, #tpu.memory_space<vmem>> -> memref<1x1x128xi32, #tpu.memory_space<vmem>>
        %dma_start3A_858 = tpu.memref_squeeze %dma_start3A_857 : memref<1x1x128xi32, #tpu.memory_space<vmem>> -> memref<128xi32, #tpu.memory_space<vmem>>
        %dma_start3A_859 = arith.constant 0 : i32
        %dma_start3A_860 = arith.constant 0 : i32
        %dma_start3A_861 = tpu.memref_slice %arg3[%dma_start3A_859, %dma_start3A_860] : memref<1000000x64xf32, #tpu.memory_space<hbm>> -> memref<1000000x64xf32, #tpu.memory_space<hbm>>
        tpu.enqueue_indirect_dma source(%dma_start3A_861 : memref<1000000x64xf32, #tpu.memory_space<hbm>>) target(%dma_start3A_855 : memref<128x64xf32, #tpu.memory_space<vmem>>) offsets(%dma_start3A_858 : memref<128xi32, #tpu.memory_space<vmem>>) semaphore(%arg10 : memref<!tpu.dma_semaphore, #tpu.memory_space<semaphore_mem>>)
        %dma_start3A_862 = arith.constant 1 : i32
        %dma_start3A_863 = arith.constant 1 : i32
        %dma_start3A_864 = arith.constant 1 : i32
        %dma_start3A_865 = arith.constant 328 : i32
        %dma_start3A_866 = arith.constant 0 : i32
        %dma_start3A_867 = tpu.memref_slice %arg7[%dma_start3A_864, %dma_start3A_865, %dma_start3A_866] : memref<2x400x64xf32, #tpu.memory_space<vmem>> -> memref<1x72x64xf32, #tpu.memory_space<vmem>>
        %dma_start3A_868 = tpu.memref_squeeze %dma_start3A_867 : memref<1x72x64xf32, #tpu.memory_space<vmem>> -> memref<72x64xf32, #tpu.memory_space<vmem>>
        %dma_start3A_869 = arith.constant 0 : i32
        %dma_start3A_870 = tpu.memref_slice %arg6[%dma_start3A_862, %dma_start3A_863, %dma_start3A_869] : memref<4x2x72xi32, #tpu.memory_space<vmem>> -> memref<1x1x72xi32, #tpu.memory_space<vmem>>
        %dma_start3A_871 = tpu.memref_squeeze %dma_start3A_870 : memref<1x1x72xi32, #tpu.memory_space<vmem>> -> memref<72xi32, #tpu.memory_space<vmem>>
        %dma_start3A_872 = arith.constant 0 : i32
        %dma_start3A_873 = arith.constant 0 : i32
        %dma_start3A_874 = tpu.memref_slice %arg3[%dma_start3A_872, %dma_start3A_873] : memref<1000000x64xf32, #tpu.memory_space<hbm>> -> memref<1000000x64xf32, #tpu.memory_space<hbm>>
        tpu.enqueue_indirect_dma source(%dma_start3A_874 : memref<1000000x64xf32, #tpu.memory_space<hbm>>) target(%dma_start3A_868 : memref<72x64xf32, #tpu.memory_space<vmem>>) offsets(%dma_start3A_871 : memref<72xi32, #tpu.memory_space<vmem>>) semaphore(%arg10 : memref<!tpu.dma_semaphore, #tpu.memory_space<semaphore_mem>>)
      } else {
      }
      %dma_wait3A = arith.constant 0 : i32
      %dma_wait3A_275 = arith.constant 0 : i32
      %dma_wait3A_276 = arith.constant 0 : i32
      %dma_wait3A_277 = tpu.memref_slice %arg7[%dma_wait3A, %dma_wait3A_275, %dma_wait3A_276] : memref<2x400x64xf32, #tpu.memory_space<vmem>> -> memref<1x400x64xf32, #tpu.memory_space<vmem>>
      %dma_wait3A_278 = tpu.memref_squeeze %dma_wait3A_277 : memref<1x400x64xf32, #tpu.memory_space<vmem>> -> memref<400x64xf32, #tpu.memory_space<vmem>>
      %dma_wait3A_279 = arith.constant 0 : i32
      %dma_wait3A_280 = arith.constant 0 : i32
      %dma_wait3A_281 = tpu.memref_slice %arg3[%dma_wait3A_279, %dma_wait3A_280] : memref<1000000x64xf32, #tpu.memory_space<hbm>> -> memref<400x64xf32, #tpu.memory_space<hbm>>
      %dma_wait3A_282 = arith.constant 0 : i32
      %dma_wait3A_283 = arith.constant 0 : i32
      %dma_wait3A_284 = tpu.memref_slice %arg7[%dma_wait3A, %dma_wait3A_282, %dma_wait3A_283] : memref<2x400x64xf32, #tpu.memory_space<vmem>> -> memref<1x400x64xf32, #tpu.memory_space<vmem>>
      %dma_wait3A_285 = tpu.memref_squeeze %dma_wait3A_284 : memref<1x400x64xf32, #tpu.memory_space<vmem>> -> memref<400x64xf32, #tpu.memory_space<vmem>>
      %dma_wait3A_286 = arith.constant 0 : i32
      %dma_wait3A_287 = arith.constant 0 : i32
      %dma_wait3A_288 = tpu.memref_slice %arg3[%dma_wait3A_286, %dma_wait3A_287] : memref<1000000x64xf32, #tpu.memory_space<hbm>> -> memref<400x64xf32, #tpu.memory_space<hbm>>
      tpu.wait_dma2 semaphore(%arg9 : memref<!tpu.dma_semaphore, #tpu.memory_space<semaphore_mem>>) src(%dma_wait3A_288 : memref<400x64xf32, #tpu.memory_space<hbm>>) dst(%dma_wait3A_285 : memref<400x64xf32, #tpu.memory_space<vmem>>)
      %add3A_289 = arith.constant 4 : i32
      %add3A_290 = arith.addi %add3A_270, %add3A_289 : i32
      %lt3A_291 = arith.constant 256 : i32
      %lt3A_292 = arith.cmpi slt, %add3A_290, %lt3A_291 : i32
      %convert_element_type3A_293 = arith.extui %lt3A_292 : i1 to i32
      %cond3A_294 = arith.constant 0 : i32
      %cond3A_295 = arith.cmpi ne, %convert_element_type3A_293, %cond3A_294 : i32
      scf.if %cond3A_295 {
        %add3A_793 = arith.constant 4 : i32
        %add3A_794 = arith.addi %add3A_270, %add3A_793 : i32
        %mul3A_795 = arith.constant 2 : i32
        %mul3A_796 = arith.muli %add3A_794, %mul3A_795 : i32
        %add3A_797 = arith.addi %mul3A_2, %mul3A_796 : i32
        %add3A_798 = arith.constant 0 : i32
        %add3A_799 = arith.addi %add3A_797, %add3A_798 : i32
        %dma_start3A_800 = arith.constant 0 : i32
        %dma_start3A_801 = arith.constant 0 : i32
        %dma_start3A_802 = arith.constant 0 : i32
        %dma_start3A_803 = tpu.memref_slice %arg5[%dma_start3A_800, %dma_start3A_801, %dma_start3A_802] : memref<4x2x128xi32, #tpu.memory_space<vmem>> -> memref<1x1x128xi32, #tpu.memory_space<vmem>>
        %dma_start3A_804 = tpu.memref_squeeze %dma_start3A_803 : memref<1x1x128xi32, #tpu.memory_space<vmem>> -> memref<128xi32, #tpu.memory_space<vmem>>
        %dma_start3A_805 = arith.constant 0 : i32
        %dma_start3A_806 = tpu.memref_slice %arg2[%add3A_799, %dma_start3A_805] : memref<16384x200xi32, #tpu.memory_space<hbm>> -> memref<1x128xi32, #tpu.memory_space<hbm>>
        %dma_start3A_807 = tpu.memref_squeeze %dma_start3A_806 : memref<1x128xi32, #tpu.memory_space<hbm>> -> memref<128xi32, #tpu.memory_space<hbm>>
        %dma_start3A_808 = arith.constant 0 : i32
        %dma_start3A_809 = tpu.memref_slice %arg5[%dma_start3A_800, %dma_start3A_801, %dma_start3A_808] : memref<4x2x128xi32, #tpu.memory_space<vmem>> -> memref<1x1x128xi32, #tpu.memory_space<vmem>>
        %dma_start3A_810 = tpu.memref_squeeze %dma_start3A_809 : memref<1x1x128xi32, #tpu.memory_space<vmem>> -> memref<128xi32, #tpu.memory_space<vmem>>
        %dma_start3A_811 = arith.constant 0 : i32
        %dma_start3A_812 = tpu.memref_slice %arg2[%add3A_799, %dma_start3A_811] : memref<16384x200xi32, #tpu.memory_space<hbm>> -> memref<1x128xi32, #tpu.memory_space<hbm>>
        %dma_start3A_813 = tpu.memref_squeeze %dma_start3A_812 : memref<1x128xi32, #tpu.memory_space<hbm>> -> memref<128xi32, #tpu.memory_space<hbm>>
        tpu.enqueue_dma source(%dma_start3A_813 : memref<128xi32, #tpu.memory_space<hbm>>) target(%dma_start3A_810 : memref<128xi32, #tpu.memory_space<vmem>>) target_semaphore(%arg11 : memref<!tpu.dma_semaphore, #tpu.memory_space<semaphore_mem>>)
        %dma_start3A_814 = arith.constant 0 : i32
        %dma_start3A_815 = arith.constant 0 : i32
        %dma_start3A_816 = arith.constant 0 : i32
        %dma_start3A_817 = tpu.memref_slice %arg6[%dma_start3A_814, %dma_start3A_815, %dma_start3A_816] : memref<4x2x72xi32, #tpu.memory_space<vmem>> -> memref<1x1x72xi32, #tpu.memory_space<vmem>>
        %dma_start3A_818 = tpu.memref_squeeze %dma_start3A_817 : memref<1x1x72xi32, #tpu.memory_space<vmem>> -> memref<72xi32, #tpu.memory_space<vmem>>
        %dma_start3A_819 = arith.constant 128 : i32
        %dma_start3A_820 = tpu.memref_slice %arg2[%add3A_799, %dma_start3A_819] : memref<16384x200xi32, #tpu.memory_space<hbm>> -> memref<1x72xi32, #tpu.memory_space<hbm>>
        %dma_start3A_821 = tpu.memref_squeeze %dma_start3A_820 : memref<1x72xi32, #tpu.memory_space<hbm>> -> memref<72xi32, #tpu.memory_space<hbm>>
        %dma_start3A_822 = arith.constant 0 : i32
        %dma_start3A_823 = tpu.memref_slice %arg6[%dma_start3A_814, %dma_start3A_815, %dma_start3A_822] : memref<4x2x72xi32, #tpu.memory_space<vmem>> -> memref<1x1x72xi32, #tpu.memory_space<vmem>>
        %dma_start3A_824 = tpu.memref_squeeze %dma_start3A_823 : memref<1x1x72xi32, #tpu.memory_space<vmem>> -> memref<72xi32, #tpu.memory_space<vmem>>
        %dma_start3A_825 = arith.constant 128 : i32
        %dma_start3A_826 = tpu.memref_slice %arg2[%add3A_799, %dma_start3A_825] : memref<16384x200xi32, #tpu.memory_space<hbm>> -> memref<1x72xi32, #tpu.memory_space<hbm>>
        %dma_start3A_827 = tpu.memref_squeeze %dma_start3A_826 : memref<1x72xi32, #tpu.memory_space<hbm>> -> memref<72xi32, #tpu.memory_space<hbm>>
        tpu.enqueue_dma source(%dma_start3A_827 : memref<72xi32, #tpu.memory_space<hbm>>) target(%dma_start3A_824 : memref<72xi32, #tpu.memory_space<vmem>>) target_semaphore(%arg11 : memref<!tpu.dma_semaphore, #tpu.memory_space<semaphore_mem>>)
        %mul3A_828 = arith.constant 2 : i32
        %mul3A_829 = arith.muli %add3A_794, %mul3A_828 : i32
        %add3A_830 = arith.addi %mul3A_2, %mul3A_829 : i32
        %add3A_831 = arith.constant 1 : i32
        %add3A_832 = arith.addi %add3A_830, %add3A_831 : i32
        %dma_start3A_833 = arith.constant 0 : i32
        %dma_start3A_834 = arith.constant 1 : i32
        %dma_start3A_835 = arith.constant 0 : i32
        %dma_start3A_836 = tpu.memref_slice %arg5[%dma_start3A_833, %dma_start3A_834, %dma_start3A_835] : memref<4x2x128xi32, #tpu.memory_space<vmem>> -> memref<1x1x128xi32, #tpu.memory_space<vmem>>
        %dma_start3A_837 = tpu.memref_squeeze %dma_start3A_836 : memref<1x1x128xi32, #tpu.memory_space<vmem>> -> memref<128xi32, #tpu.memory_space<vmem>>
        %dma_start3A_838 = arith.constant 0 : i32
        %dma_start3A_839 = tpu.memref_slice %arg2[%add3A_832, %dma_start3A_838] : memref<16384x200xi32, #tpu.memory_space<hbm>> -> memref<1x128xi32, #tpu.memory_space<hbm>>
        %dma_start3A_840 = tpu.memref_squeeze %dma_start3A_839 : memref<1x128xi32, #tpu.memory_space<hbm>> -> memref<128xi32, #tpu.memory_space<hbm>>
        %dma_start3A_841 = arith.constant 0 : i32
        %dma_start3A_842 = tpu.memref_slice %arg5[%dma_start3A_833, %dma_start3A_834, %dma_start3A_841] : memref<4x2x128xi32, #tpu.memory_space<vmem>> -> memref<1x1x128xi32, #tpu.memory_space<vmem>>
        %dma_start3A_843 = tpu.memref_squeeze %dma_start3A_842 : memref<1x1x128xi32, #tpu.memory_space<vmem>> -> memref<128xi32, #tpu.memory_space<vmem>>
        %dma_start3A_844 = arith.constant 0 : i32
        %dma_start3A_845 = tpu.memref_slice %arg2[%add3A_832, %dma_start3A_844] : memref<16384x200xi32, #tpu.memory_space<hbm>> -> memref<1x128xi32, #tpu.memory_space<hbm>>
        %dma_start3A_846 = tpu.memref_squeeze %dma_start3A_845 : memref<1x128xi32, #tpu.memory_space<hbm>> -> memref<128xi32, #tpu.memory_space<hbm>>
        tpu.enqueue_dma source(%dma_start3A_846 : memref<128xi32, #tpu.memory_space<hbm>>) target(%dma_start3A_843 : memref<128xi32, #tpu.memory_space<vmem>>) target_semaphore(%arg11 : memref<!tpu.dma_semaphore, #tpu.memory_space<semaphore_mem>>)
        %dma_start3A_847 = arith.constant 0 : i32
        %dma_start3A_848 = arith.constant 1 : i32
        %dma_start3A_849 = arith.constant 0 : i32
        %dma_start3A_850 = tpu.memref_slice %arg6[%dma_start3A_847, %dma_start3A_848, %dma_start3A_849] : memref<4x2x72xi32, #tpu.memory_space<vmem>> -> memref<1x1x72xi32, #tpu.memory_space<vmem>>
        %dma_start3A_851 = tpu.memref_squeeze %dma_start3A_850 : memref<1x1x72xi32, #tpu.memory_space<vmem>> -> memref<72xi32, #tpu.memory_space<vmem>>
        %dma_start3A_852 = arith.constant 128 : i32
        %dma_start3A_853 = tpu.memref_slice %arg2[%add3A_832, %dma_start3A_852] : memref<16384x200xi32, #tpu.memory_space<hbm>> -> memref<1x72xi32, #tpu.memory_space<hbm>>
        %dma_start3A_854 = tpu.memref_squeeze %dma_start3A_853 : memref<1x72xi32, #tpu.memory_space<hbm>> -> memref<72xi32, #tpu.memory_space<hbm>>
        %dma_start3A_855 = arith.constant 0 : i32
        %dma_start3A_856 = tpu.memref_slice %arg6[%dma_start3A_847, %dma_start3A_848, %dma_start3A_855] : memref<4x2x72xi32, #tpu.memory_space<vmem>> -> memref<1x1x72xi32, #tpu.memory_space<vmem>>
        %dma_start3A_857 = tpu.memref_squeeze %dma_start3A_856 : memref<1x1x72xi32, #tpu.memory_space<vmem>> -> memref<72xi32, #tpu.memory_space<vmem>>
        %dma_start3A_858 = arith.constant 128 : i32
        %dma_start3A_859 = tpu.memref_slice %arg2[%add3A_832, %dma_start3A_858] : memref<16384x200xi32, #tpu.memory_space<hbm>> -> memref<1x72xi32, #tpu.memory_space<hbm>>
        %dma_start3A_860 = tpu.memref_squeeze %dma_start3A_859 : memref<1x72xi32, #tpu.memory_space<hbm>> -> memref<72xi32, #tpu.memory_space<hbm>>
        tpu.enqueue_dma source(%dma_start3A_860 : memref<72xi32, #tpu.memory_space<hbm>>) target(%dma_start3A_857 : memref<72xi32, #tpu.memory_space<vmem>>) target_semaphore(%arg11 : memref<!tpu.dma_semaphore, #tpu.memory_space<semaphore_mem>>)
      } else {
      }
      %broadcast_in_dim3A = arith.constant 0.000000e+00 : f32
      %broadcast_in_dim3A_296 = vector.broadcast %broadcast_in_dim3A : f32 to vector<16xf32>
      %broadcast_in_dim3A_297 = arith.constant 0.000000e+00 : f32
      %broadcast_in_dim3A_298 = vector.broadcast %broadcast_in_dim3A_297 : f32 to vector<16xf32>
      %broadcast_in_dim3A_299 = arith.constant 0.000000e+00 : f32
      %broadcast_in_dim3A_300 = vector.broadcast %broadcast_in_dim3A_299 : f32 to vector<16xf32>
      %broadcast_in_dim3A_301 = arith.constant 0.000000e+00 : f32
      %broadcast_in_dim3A_302 = vector.broadcast %broadcast_in_dim3A_301 : f32 to vector<16xf32>
      %scan3A_303 = arith.constant 0 : i32
      %scan3A_304 = arith.constant 200 : i32
      %scan3A_305 = arith.addi %scan3A_303, %scan3A_304 : i32
      %scan3A_306 = arith.constant 8 : i32
      %scan3A_307:4 = scf.for %scan3A_793 = %scan3A_303 to %scan3A_305 step %scan3A_306 iter_args(%scan3A_794 = %broadcast_in_dim3A_296, %scan3A_795 = %broadcast_in_dim3A_298, %scan3A_796 = %broadcast_in_dim3A_300, %scan3A_797 = %broadcast_in_dim3A_302) -> (vector<16xf32>, vector<16xf32>, vector<16xf32>, vector<16xf32>)  : i32 {
        %add3A_798 = arith.constant 0 : i32
        %add3A_799 = arith.addi %add3A_798, %scan3A_793 : i32
        %get3A = arith.constant 0 : i32
        %get3A_800 = arith.index_cast %get3A : i32 to index
        %get3A_801 = arith.index_cast %add3A_799 : i32 to index
        %get3A_802 = arith.constant 0 : index
        %get3A_803 = tpu.vector_load %arg7[%get3A_800, %get3A_801, %get3A_802] {strides = array<i32>} : memref<2x400x64xf32, #tpu.memory_space<vmem>>, vector<1x1x16xf32>,
        %get3A_804 = vector.shape_cast %get3A_803 : vector<1x1x16xf32> to vector<16xf32>
        %add3A_805 = arith.addf %scan3A_794, %get3A_804 : vector<16xf32>
        %add3A_806 = arith.constant 0 : i32
        %add3A_807 = arith.addi %add3A_806, %scan3A_793 : i32
        %get3A_808 = arith.constant 0 : i32
        %get3A_809 = arith.index_cast %get3A_808 : i32 to index
        %get3A_810 = arith.index_cast %add3A_807 : i32 to index
        %get3A_811 = arith.constant 16 : index
        %get3A_812 = tpu.vector_load %arg7[%get3A_809, %get3A_810, %get3A_811] {strides = array<i32>} : memref<2x400x64xf32, #tpu.memory_space<vmem>>, vector<1x1x16xf32>,
        %get3A_813 = vector.shape_cast %get3A_812 : vector<1x1x16xf32> to vector<16xf32>
        %add3A_814 = arith.addf %scan3A_795, %get3A_813 : vector<16xf32>
        %add3A_815 = arith.constant 0 : i32
        %add3A_816 = arith.addi %add3A_815, %scan3A_793 : i32
        %get3A_817 = arith.constant 0 : i32
        %get3A_818 = arith.index_cast %get3A_817 : i32 to index
        %get3A_819 = arith.index_cast %add3A_816 : i32 to index
        %get3A_820 = arith.constant 32 : index
        %get3A_821 = tpu.vector_load %arg7[%get3A_818, %get3A_819, %get3A_820] {strides = array<i32>} : memref<2x400x64xf32, #tpu.memory_space<vmem>>, vector<1x1x16xf32>,
        %get3A_822 = vector.shape_cast %get3A_821 : vector<1x1x16xf32> to vector<16xf32>
        %add3A_823 = arith.addf %scan3A_796, %get3A_822 : vector<16xf32>
        %add3A_824 = arith.constant 0 : i32
        %add3A_825 = arith.addi %add3A_824, %scan3A_793 : i32
        %get3A_826 = arith.constant 0 : i32
        %get3A_827 = arith.index_cast %get3A_826 : i32 to index
        %get3A_828 = arith.index_cast %add3A_825 : i32 to index
        %get3A_829 = arith.constant 48 : index
        %get3A_830 = tpu.vector_load %arg7[%get3A_827, %get3A_828, %get3A_829] {strides = array<i32>} : memref<2x400x64xf32, #tpu.memory_space<vmem>>, vector<1x1x16xf32>,
        %get3A_831 = vector.shape_cast %get3A_830 : vector<1x1x16xf32> to vector<16xf32>
        %add3A_832 = arith.addf %scan3A_797, %get3A_831 : vector<16xf32>
        %scan3A_833 = arith.constant 1 : i32
        %scan3A_834 = arith.addi %scan3A_793, %scan3A_833 : i32
        %add3A_835 = arith.constant 0 : i32
        %add3A_836 = arith.addi %add3A_835, %scan3A_834 : i32
        %get3A_837 = arith.constant 0 : i32
        %get3A_838 = arith.index_cast %get3A_837 : i32 to index
        %get3A_839 = arith.index_cast %add3A_836 : i32 to index
        %get3A_840 = arith.constant 0 : index
        %get3A_841 = tpu.vector_load %arg7[%get3A_838, %get3A_839, %get3A_840] {strides = array<i32>} : memref<2x400x64xf32, #tpu.memory_space<vmem>>, vector<1x1x16xf32>,
        %get3A_842 = vector.shape_cast %get3A_841 : vector<1x1x16xf32> to vector<16xf32>
        %add3A_843 = arith.addf %add3A_805, %get3A_842 : vector<16xf32>
        %add3A_844 = arith.constant 0 : i32
        %add3A_845 = arith.addi %add3A_844, %scan3A_834 : i32
        %get3A_846 = arith.constant 0 : i32
        %get3A_847 = arith.index_cast %get3A_846 : i32 to index
        %get3A_848 = arith.index_cast %add3A_845 : i32 to index
        %get3A_849 = arith.constant 16 : index
        %get3A_850 = tpu.vector_load %arg7[%get3A_847, %get3A_848, %get3A_849] {strides = array<i32>} : memref<2x400x64xf32, #tpu.memory_space<vmem>>, vector<1x1x16xf32>,
        %get3A_851 = vector.shape_cast %get3A_850 : vector<1x1x16xf32> to vector<16xf32>
        %add3A_852 = arith.addf %add3A_814, %get3A_851 : vector<16xf32>
        %add3A_853 = arith.constant 0 : i32
        %add3A_854 = arith.addi %add3A_853, %scan3A_834 : i32
        %get3A_855 = arith.constant 0 : i32
        %get3A_856 = arith.index_cast %get3A_855 : i32 to index
        %get3A_857 = arith.index_cast %add3A_854 : i32 to index
        %get3A_858 = arith.constant 32 : index
        %get3A_859 = tpu.vector_load %arg7[%get3A_856, %get3A_857, %get3A_858] {strides = array<i32>} : memref<2x400x64xf32, #tpu.memory_space<vmem>>, vector<1x1x16xf32>,
        %get3A_860 = vector.shape_cast %get3A_859 : vector<1x1x16xf32> to vector<16xf32>
        %add3A_861 = arith.addf %add3A_823, %get3A_860 : vector<16xf32>
        %add3A_862 = arith.constant 0 : i32
        %add3A_863 = arith.addi %add3A_862, %scan3A_834 : i32
        %get3A_864 = arith.constant 0 : i32
        %get3A_865 = arith.index_cast %get3A_864 : i32 to index
        %get3A_866 = arith.index_cast %add3A_863 : i32 to index
        %get3A_867 = arith.constant 48 : index
        %get3A_868 = tpu.vector_load %arg7[%get3A_865, %get3A_866, %get3A_867] {strides = array<i32>} : memref<2x400x64xf32, #tpu.memory_space<vmem>>, vector<1x1x16xf32>,
        %get3A_869 = vector.shape_cast %get3A_868 : vector<1x1x16xf32> to vector<16xf32>
        %add3A_870 = arith.addf %add3A_832, %get3A_869 : vector<16xf32>
        %scan3A_871 = arith.constant 2 : i32
        %scan3A_872 = arith.addi %scan3A_793, %scan3A_871 : i32
        %add3A_873 = arith.constant 0 : i32
        %add3A_874 = arith.addi %add3A_873, %scan3A_872 : i32
        %get3A_875 = arith.constant 0 : i32
        %get3A_876 = arith.index_cast %get3A_875 : i32 to index
        %get3A_877 = arith.index_cast %add3A_874 : i32 to index
        %get3A_878 = arith.constant 0 : index
        %get3A_879 = tpu.vector_load %arg7[%get3A_876, %get3A_877, %get3A_878] {strides = array<i32>} : memref<2x400x64xf32, #tpu.memory_space<vmem>>, vector<1x1x16xf32>,
        %get3A_880 = vector.shape_cast %get3A_879 : vector<1x1x16xf32> to vector<16xf32>
        %add3A_881 = arith.addf %add3A_843, %get3A_880 : vector<16xf32>
        %add3A_882 = arith.constant 0 : i32
        %add3A_883 = arith.addi %add3A_882, %scan3A_872 : i32
        %get3A_884 = arith.constant 0 : i32
        %get3A_885 = arith.index_cast %get3A_884 : i32 to index
        %get3A_886 = arith.index_cast %add3A_883 : i32 to index
        %get3A_887 = arith.constant 16 : index
        %get3A_888 = tpu.vector_load %arg7[%get3A_885, %get3A_886, %get3A_887] {strides = array<i32>} : memref<2x400x64xf32, #tpu.memory_space<vmem>>, vector<1x1x16xf32>,
        %get3A_889 = vector.shape_cast %get3A_888 : vector<1x1x16xf32> to vector<16xf32>
        %add3A_890 = arith.addf %add3A_852, %get3A_889 : vector<16xf32>
        %add3A_891 = arith.constant 0 : i32
        %add3A_892 = arith.addi %add3A_891, %scan3A_872 : i32
        %get3A_893 = arith.constant 0 : i32
        %get3A_894 = arith.index_cast %get3A_893 : i32 to index
        %get3A_895 = arith.index_cast %add3A_892 : i32 to index
        %get3A_896 = arith.constant 32 : index
        %get3A_897 = tpu.vector_load %arg7[%get3A_894, %get3A_895, %get3A_896] {strides = array<i32>} : memref<2x400x64xf32, #tpu.memory_space<vmem>>, vector<1x1x16xf32>,
        %get3A_898 = vector.shape_cast %get3A_897 : vector<1x1x16xf32> to vector<16xf32>
        %add3A_899 = arith.addf %add3A_861, %get3A_898 : vector<16xf32>
        %add3A_900 = arith.constant 0 : i32
        %add3A_901 = arith.addi %add3A_900, %scan3A_872 : i32
        %get3A_902 = arith.constant 0 : i32
        %get3A_903 = arith.index_cast %get3A_902 : i32 to index
        %get3A_904 = arith.index_cast %add3A_901 : i32 to index
        %get3A_905 = arith.constant 48 : index
        %get3A_906 = tpu.vector_load %arg7[%get3A_903, %get3A_904, %get3A_905] {strides = array<i32>} : memref<2x400x64xf32, #tpu.memory_space<vmem>>, vector<1x1x16xf32>,
        %get3A_907 = vector.shape_cast %get3A_906 : vector<1x1x16xf32> to vector<16xf32>
        %add3A_908 = arith.addf %add3A_870, %get3A_907 : vector<16xf32>
        %scan3A_909 = arith.constant 3 : i32
        %scan3A_910 = arith.addi %scan3A_793, %scan3A_909 : i32
        %add3A_911 = arith.constant 0 : i32
        %add3A_912 = arith.addi %add3A_911, %scan3A_910 : i32
        %get3A_913 = arith.constant 0 : i32
        %get3A_914 = arith.index_cast %get3A_913 : i32 to index
        %get3A_915 = arith.index_cast %add3A_912 : i32 to index
        %get3A_916 = arith.constant 0 : index
        %get3A_917 = tpu.vector_load %arg7[%get3A_914, %get3A_915, %get3A_916] {strides = array<i32>} : memref<2x400x64xf32, #tpu.memory_space<vmem>>, vector<1x1x16xf32>,
        %get3A_918 = vector.shape_cast %get3A_917 : vector<1x1x16xf32> to vector<16xf32>
        %add3A_919 = arith.addf %add3A_881, %get3A_918 : vector<16xf32>
        %add3A_920 = arith.constant 0 : i32
        %add3A_921 = arith.addi %add3A_920, %scan3A_910 : i32
        %get3A_922 = arith.constant 0 : i32
        %get3A_923 = arith.index_cast %get3A_922 : i32 to index
        %get3A_924 = arith.index_cast %add3A_921 : i32 to index
        %get3A_925 = arith.constant 16 : index
        %get3A_926 = tpu.vector_load %arg7[%get3A_923, %get3A_924, %get3A_925] {strides = array<i32>} : memref<2x400x64xf32, #tpu.memory_space<vmem>>, vector<1x1x16xf32>,
        %get3A_927 = vector.shape_cast %get3A_926 : vector<1x1x16xf32> to vector<16xf32>
        %add3A_928 = arith.addf %add3A_890, %get3A_927 : vector<16xf32>
        %add3A_929 = arith.constant 0 : i32
        %add3A_930 = arith.addi %add3A_929, %scan3A_910 : i32
        %get3A_931 = arith.constant 0 : i32
        %get3A_932 = arith.index_cast %get3A_931 : i32 to index
        %get3A_933 = arith.index_cast %add3A_930 : i32 to index
        %get3A_934 = arith.constant 32 : index
        %get3A_935 = tpu.vector_load %arg7[%get3A_932, %get3A_933, %get3A_934] {strides = array<i32>} : memref<2x400x64xf32, #tpu.memory_space<vmem>>, vector<1x1x16xf32>,
        %get3A_936 = vector.shape_cast %get3A_935 : vector<1x1x16xf32> to vector<16xf32>
        %add3A_937 = arith.addf %add3A_899, %get3A_936 : vector<16xf32>
        %add3A_938 = arith.constant 0 : i32
        %add3A_939 = arith.addi %add3A_938, %scan3A_910 : i32
        %get3A_940 = arith.constant 0 : i32
        %get3A_941 = arith.index_cast %get3A_940 : i32 to index
        %get3A_942 = arith.index_cast %add3A_939 : i32 to index
        %get3A_943 = arith.constant 48 : index
        %get3A_944 = tpu.vector_load %arg7[%get3A_941, %get3A_942, %get3A_943] {strides = array<i32>} : memref<2x400x64xf32, #tpu.memory_space<vmem>>, vector<1x1x16xf32>,
        %get3A_945 = vector.shape_cast %get3A_944 : vector<1x1x16xf32> to vector<16xf32>
        %add3A_946 = arith.addf %add3A_908, %get3A_945 : vector<16xf32>
        %scan3A_947 = arith.constant 4 : i32
        %scan3A_948 = arith.addi %scan3A_793, %scan3A_947 : i32
        %add3A_949 = arith.constant 0 : i32
        %add3A_950 = arith.addi %add3A_949, %scan3A_948 : i32
        %get3A_951 = arith.constant 0 : i32
        %get3A_952 = arith.index_cast %get3A_951 : i32 to index
        %get3A_953 = arith.index_cast %add3A_950 : i32 to index
        %get3A_954 = arith.constant 0 : index
        %get3A_955 = tpu.vector_load %arg7[%get3A_952, %get3A_953, %get3A_954] {strides = array<i32>} : memref<2x400x64xf32, #tpu.memory_space<vmem>>, vector<1x1x16xf32>,
        %get3A_956 = vector.shape_cast %get3A_955 : vector<1x1x16xf32> to vector<16xf32>
        %add3A_957 = arith.addf %add3A_919, %get3A_956 : vector<16xf32>
        %add3A_958 = arith.constant 0 : i32
        %add3A_959 = arith.addi %add3A_958, %scan3A_948 : i32
        %get3A_960 = arith.constant 0 : i32
        %get3A_961 = arith.index_cast %get3A_960 : i32 to index
        %get3A_962 = arith.index_cast %add3A_959 : i32 to index
        %get3A_963 = arith.constant 16 : index
        %get3A_964 = tpu.vector_load %arg7[%get3A_961, %get3A_962, %get3A_963] {strides = array<i32>} : memref<2x400x64xf32, #tpu.memory_space<vmem>>, vector<1x1x16xf32>,
        %get3A_965 = vector.shape_cast %get3A_964 : vector<1x1x16xf32> to vector<16xf32>
        %add3A_966 = arith.addf %add3A_928, %get3A_965 : vector<16xf32>
        %add3A_967 = arith.constant 0 : i32
        %add3A_968 = arith.addi %add3A_967, %scan3A_948 : i32
        %get3A_969 = arith.constant 0 : i32
        %get3A_970 = arith.index_cast %get3A_969 : i32 to index
        %get3A_971 = arith.index_cast %add3A_968 : i32 to index
        %get3A_972 = arith.constant 32 : index
        %get3A_973 = tpu.vector_load %arg7[%get3A_970, %get3A_971, %get3A_972] {strides = array<i32>} : memref<2x400x64xf32, #tpu.memory_space<vmem>>, vector<1x1x16xf32>,
        %get3A_974 = vector.shape_cast %get3A_973 : vector<1x1x16xf32> to vector<16xf32>
        %add3A_975 = arith.addf %add3A_937, %get3A_974 : vector<16xf32>
        %add3A_976 = arith.constant 0 : i32
        %add3A_977 = arith.addi %add3A_976, %scan3A_948 : i32
        %get3A_978 = arith.constant 0 : i32
        %get3A_979 = arith.index_cast %get3A_978 : i32 to index
        %get3A_980 = arith.index_cast %add3A_977 : i32 to index
        %get3A_981 = arith.constant 48 : index
        %get3A_982 = tpu.vector_load %arg7[%get3A_979, %get3A_980, %get3A_981] {strides = array<i32>} : memref<2x400x64xf32, #tpu.memory_space<vmem>>, vector<1x1x16xf32>,
        %get3A_983 = vector.shape_cast %get3A_982 : vector<1x1x16xf32> to vector<16xf32>
        %add3A_984 = arith.addf %add3A_946, %get3A_983 : vector<16xf32>
        %scan3A_985 = arith.constant 5 : i32
        %scan3A_986 = arith.addi %scan3A_793, %scan3A_985 : i32
        %add3A_987 = arith.constant 0 : i32
        %add3A_988 = arith.addi %add3A_987, %scan3A_986 : i32
        %get3A_989 = arith.constant 0 : i32
        %get3A_990 = arith.index_cast %get3A_989 : i32 to index
        %get3A_991 = arith.index_cast %add3A_988 : i32 to index
        %get3A_992 = arith.constant 0 : index
        %get3A_993 = tpu.vector_load %arg7[%get3A_990, %get3A_991, %get3A_992] {strides = array<i32>} : memref<2x400x64xf32, #tpu.memory_space<vmem>>, vector<1x1x16xf32>,
        %get3A_994 = vector.shape_cast %get3A_993 : vector<1x1x16xf32> to vector<16xf32>
        %add3A_995 = arith.addf %add3A_957, %get3A_994 : vector<16xf32>
        %add3A_996 = arith.constant 0 : i32
        %add3A_997 = arith.addi %add3A_996, %scan3A_986 : i32
        %get3A_998 = arith.constant 0 : i32
        %get3A_999 = arith.index_cast %get3A_998 : i32 to index
        %get3A_1000 = arith.index_cast %add3A_997 : i32 to index
        %get3A_1001 = arith.constant 16 : index
        %get3A_1002 = tpu.vector_load %arg7[%get3A_999, %get3A_1000, %get3A_1001] {strides = array<i32>} : memref<2x400x64xf32, #tpu.memory_space<vmem>>, vector<1x1x16xf32>,
        %get3A_1003 = vector.shape_cast %get3A_1002 : vector<1x1x16xf32> to vector<16xf32>
        %add3A_1004 = arith.addf %add3A_966, %get3A_1003 : vector<16xf32>
        %add3A_1005 = arith.constant 0 : i32
        %add3A_1006 = arith.addi %add3A_1005, %scan3A_986 : i32
        %get3A_1007 = arith.constant 0 : i32
        %get3A_1008 = arith.index_cast %get3A_1007 : i32 to index
        %get3A_1009 = arith.index_cast %add3A_1006 : i32 to index
        %get3A_1010 = arith.constant 32 : index
        %get3A_1011 = tpu.vector_load %arg7[%get3A_1008, %get3A_1009, %get3A_1010] {strides = array<i32>} : memref<2x400x64xf32, #tpu.memory_space<vmem>>, vector<1x1x16xf32>,
        %get3A_1012 = vector.shape_cast %get3A_1011 : vector<1x1x16xf32> to vector<16xf32>
        %add3A_1013 = arith.addf %add3A_975, %get3A_1012 : vector<16xf32>
        %add3A_1014 = arith.constant 0 : i32
        %add3A_1015 = arith.addi %add3A_1014, %scan3A_986 : i32
        %get3A_1016 = arith.constant 0 : i32
        %get3A_1017 = arith.index_cast %get3A_1016 : i32 to index
        %get3A_1018 = arith.index_cast %add3A_1015 : i32 to index
        %get3A_1019 = arith.constant 48 : index
        %get3A_1020 = tpu.vector_load %arg7[%get3A_1017, %get3A_1018, %get3A_1019] {strides = array<i32>} : memref<2x400x64xf32, #tpu.memory_space<vmem>>, vector<1x1x16xf32>,
        %get3A_1021 = vector.shape_cast %get3A_1020 : vector<1x1x16xf32> to vector<16xf32>
        %add3A_1022 = arith.addf %add3A_984, %get3A_1021 : vector<16xf32>
        %scan3A_1023 = arith.constant 6 : i32
        %scan3A_1024 = arith.addi %scan3A_793, %scan3A_1023 : i32
        %add3A_1025 = arith.constant 0 : i32
        %add3A_1026 = arith.addi %add3A_1025, %scan3A_1024 : i32
        %get3A_1027 = arith.constant 0 : i32
        %get3A_1028 = arith.index_cast %get3A_1027 : i32 to index
        %get3A_1029 = arith.index_cast %add3A_1026 : i32 to index
        %get3A_1030 = arith.constant 0 : index
        %get3A_1031 = tpu.vector_load %arg7[%get3A_1028, %get3A_1029, %get3A_1030] {strides = array<i32>} : memref<2x400x64xf32, #tpu.memory_space<vmem>>, vector<1x1x16xf32>,
        %get3A_1032 = vector.shape_cast %get3A_1031 : vector<1x1x16xf32> to vector<16xf32>
        %add3A_1033 = arith.addf %add3A_995, %get3A_1032 : vector<16xf32>
        %add3A_1034 = arith.constant 0 : i32
        %add3A_1035 = arith.addi %add3A_1034, %scan3A_1024 : i32
        %get3A_1036 = arith.constant 0 : i32
        %get3A_1037 = arith.index_cast %get3A_1036 : i32 to index
        %get3A_1038 = arith.index_cast %add3A_1035 : i32 to index
        %get3A_1039 = arith.constant 16 : index
        %get3A_1040 = tpu.vector_load %arg7[%get3A_1037, %get3A_1038, %get3A_1039] {strides = array<i32>} : memref<2x400x64xf32, #tpu.memory_space<vmem>>, vector<1x1x16xf32>,
        %get3A_1041 = vector.shape_cast %get3A_1040 : vector<1x1x16xf32> to vector<16xf32>
        %add3A_1042 = arith.addf %add3A_1004, %get3A_1041 : vector<16xf32>
        %add3A_1043 = arith.constant 0 : i32
        %add3A_1044 = arith.addi %add3A_1043, %scan3A_1024 : i32
        %get3A_1045 = arith.constant 0 : i32
        %get3A_1046 = arith.index_cast %get3A_1045 : i32 to index
        %get3A_1047 = arith.index_cast %add3A_1044 : i32 to index
        %get3A_1048 = arith.constant 32 : index
        %get3A_1049 = tpu.vector_load %arg7[%get3A_1046, %get3A_1047, %get3A_1048] {strides = array<i32>} : memref<2x400x64xf32, #tpu.memory_space<vmem>>, vector<1x1x16xf32>,
        %get3A_1050 = vector.shape_cast %get3A_1049 : vector<1x1x16xf32> to vector<16xf32>
        %add3A_1051 = arith.addf %add3A_1013, %get3A_1050 : vector<16xf32>
        %add3A_1052 = arith.constant 0 : i32
        %add3A_1053 = arith.addi %add3A_1052, %scan3A_1024 : i32
        %get3A_1054 = arith.constant 0 : i32
        %get3A_1055 = arith.index_cast %get3A_1054 : i32 to index
        %get3A_1056 = arith.index_cast %add3A_1053 : i32 to index
        %get3A_1057 = arith.constant 48 : index
        %get3A_1058 = tpu.vector_load %arg7[%get3A_1055, %get3A_1056, %get3A_1057] {strides = array<i32>} : memref<2x400x64xf32, #tpu.memory_space<vmem>>, vector<1x1x16xf32>,
        %get3A_1059 = vector.shape_cast %get3A_1058 : vector<1x1x16xf32> to vector<16xf32>
        %add3A_1060 = arith.addf %add3A_1022, %get3A_1059 : vector<16xf32>
        %scan3A_1061 = arith.constant 7 : i32
        %scan3A_1062 = arith.addi %scan3A_793, %scan3A_1061 : i32
        %add3A_1063 = arith.constant 0 : i32
        %add3A_1064 = arith.addi %add3A_1063, %scan3A_1062 : i32
        %get3A_1065 = arith.constant 0 : i32
        %get3A_1066 = arith.index_cast %get3A_1065 : i32 to index
        %get3A_1067 = arith.index_cast %add3A_1064 : i32 to index
        %get3A_1068 = arith.constant 0 : index
        %get3A_1069 = tpu.vector_load %arg7[%get3A_1066, %get3A_1067, %get3A_1068] {strides = array<i32>} : memref<2x400x64xf32, #tpu.memory_space<vmem>>, vector<1x1x16xf32>,
        %get3A_1070 = vector.shape_cast %get3A_1069 : vector<1x1x16xf32> to vector<16xf32>
        %add3A_1071 = arith.addf %add3A_1033, %get3A_1070 : vector<16xf32>
        %add3A_1072 = arith.constant 0 : i32
        %add3A_1073 = arith.addi %add3A_1072, %scan3A_1062 : i32
        %get3A_1074 = arith.constant 0 : i32
        %get3A_1075 = arith.index_cast %get3A_1074 : i32 to index
        %get3A_1076 = arith.index_cast %add3A_1073 : i32 to index
        %get3A_1077 = arith.constant 16 : index
        %get3A_1078 = tpu.vector_load %arg7[%get3A_1075, %get3A_1076, %get3A_1077] {strides = array<i32>} : memref<2x400x64xf32, #tpu.memory_space<vmem>>, vector<1x1x16xf32>,
        %get3A_1079 = vector.shape_cast %get3A_1078 : vector<1x1x16xf32> to vector<16xf32>
        %add3A_1080 = arith.addf %add3A_1042, %get3A_1079 : vector<16xf32>
        %add3A_1081 = arith.constant 0 : i32
        %add3A_1082 = arith.addi %add3A_1081, %scan3A_1062 : i32
        %get3A_1083 = arith.constant 0 : i32
        %get3A_1084 = arith.index_cast %get3A_1083 : i32 to index
        %get3A_1085 = arith.index_cast %add3A_1082 : i32 to index
        %get3A_1086 = arith.constant 32 : index
        %get3A_1087 = tpu.vector_load %arg7[%get3A_1084, %get3A_1085, %get3A_1086] {strides = array<i32>} : memref<2x400x64xf32, #tpu.memory_space<vmem>>, vector<1x1x16xf32>,
        %get3A_1088 = vector.shape_cast %get3A_1087 : vector<1x1x16xf32> to vector<16xf32>
        %add3A_1089 = arith.addf %add3A_1051, %get3A_1088 : vector<16xf32>
        %add3A_1090 = arith.constant 0 : i32
        %add3A_1091 = arith.addi %add3A_1090, %scan3A_1062 : i32
        %get3A_1092 = arith.constant 0 : i32
        %get3A_1093 = arith.index_cast %get3A_1092 : i32 to index
        %get3A_1094 = arith.index_cast %add3A_1091 : i32 to index
        %get3A_1095 = arith.constant 48 : index
        %get3A_1096 = tpu.vector_load %arg7[%get3A_1093, %get3A_1094, %get3A_1095] {strides = array<i32>} : memref<2x400x64xf32, #tpu.memory_space<vmem>>, vector<1x1x16xf32>,
        %get3A_1097 = vector.shape_cast %get3A_1096 : vector<1x1x16xf32> to vector<16xf32>
        %add3A_1098 = arith.addf %add3A_1060, %get3A_1097 : vector<16xf32>
        scf.yield %add3A_1071, %add3A_1080, %add3A_1089, %add3A_1098 : vector<16xf32>, vector<16xf32>, vector<16xf32>, vector<16xf32>
      }
      %scan3A_308 = arith.constant 200 : i32
      %mul3A_309 = arith.constant 2 : i32
      %mul3A_310 = arith.muli %add3A_270, %mul3A_309 : i32
      %add3A_311 = arith.constant 0 : i32
      %add3A_312 = arith.addi %mul3A_310, %add3A_311 : i32
      %swap3A = arith.index_cast %add3A_312 : i32 to index
      %swap3A_313 = arith.constant 0 : index
      %swap3A_314 = tpu.vector_load %arg8[%swap3A, %swap3A_313] {strides = array<i32>} : memref<512x64xf32, #tpu.memory_space<vmem>>, vector<1x16xf32>,
      %swap3A_315 = vector.shape_cast %swap3A_314 : vector<1x16xf32> to vector<16xf32>
      %swap3A_316 = vector.shape_cast %scan3A_307#0 : vector<16xf32> to vector<1x16xf32>
      tpu.vector_store %arg8[%swap3A, %swap3A_313], %swap3A_316 {strides = array<i32>} : memref<512x64xf32, #tpu.memory_space<vmem>>, vector<1x16xf32>,
      %mul3A_317 = arith.constant 2 : i32
      %mul3A_318 = arith.muli %add3A_270, %mul3A_317 : i32
      %add3A_319 = arith.constant 0 : i32
      %add3A_320 = arith.addi %mul3A_318, %add3A_319 : i32
      %swap3A_321 = arith.index_cast %add3A_320 : i32 to index
      %swap3A_322 = arith.constant 16 : index
      %swap3A_323 = tpu.vector_load %arg8[%swap3A_321, %swap3A_322] {strides = array<i32>} : memref<512x64xf32, #tpu.memory_space<vmem>>, vector<1x16xf32>,
      %swap3A_324 = vector.shape_cast %swap3A_323 : vector<1x16xf32> to vector<16xf32>
      %swap3A_325 = vector.shape_cast %scan3A_307#1 : vector<16xf32> to vector<1x16xf32>
      tpu.vector_store %arg8[%swap3A_321, %swap3A_322], %swap3A_325 {strides = array<i32>} : memref<512x64xf32, #tpu.memory_space<vmem>>, vector<1x16xf32>,
      %mul3A_326 = arith.constant 2 : i32
      %mul3A_327 = arith.muli %add3A_270, %mul3A_326 : i32
      %add3A_328 = arith.constant 0 : i32
      %add3A_329 = arith.addi %mul3A_327, %add3A_328 : i32
      %swap3A_330 = arith.index_cast %add3A_329 : i32 to index
      %swap3A_331 = arith.constant 32 : index
      %swap3A_332 = tpu.vector_load %arg8[%swap3A_330, %swap3A_331] {strides = array<i32>} : memref<512x64xf32, #tpu.memory_space<vmem>>, vector<1x16xf32>,
      %swap3A_333 = vector.shape_cast %swap3A_332 : vector<1x16xf32> to vector<16xf32>
      %swap3A_334 = vector.shape_cast %scan3A_307#2 : vector<16xf32> to vector<1x16xf32>
      tpu.vector_store %arg8[%swap3A_330, %swap3A_331], %swap3A_334 {strides = array<i32>} : memref<512x64xf32, #tpu.memory_space<vmem>>, vector<1x16xf32>,
      %mul3A_335 = arith.constant 2 : i32
      %mul3A_336 = arith.muli %add3A_270, %mul3A_335 : i32
      %add3A_337 = arith.constant 0 : i32
      %add3A_338 = arith.addi %mul3A_336, %add3A_337 : i32
      %swap3A_339 = arith.index_cast %add3A_338 : i32 to index
      %swap3A_340 = arith.constant 48 : index
      %swap3A_341 = tpu.vector_load %arg8[%swap3A_339, %swap3A_340] {strides = array<i32>} : memref<512x64xf32, #tpu.memory_space<vmem>>, vector<1x16xf32>,
      %swap3A_342 = vector.shape_cast %swap3A_341 : vector<1x16xf32> to vector<16xf32>
      %swap3A_343 = vector.shape_cast %scan3A_307#3 : vector<16xf32> to vector<1x16xf32>
      tpu.vector_store %arg8[%swap3A_339, %swap3A_340], %swap3A_343 {strides = array<i32>} : memref<512x64xf32, #tpu.memory_space<vmem>>, vector<1x16xf32>,
      %broadcast_in_dim3A_344 = arith.constant 0.000000e+00 : f32
      %broadcast_in_dim3A_345 = vector.broadcast %broadcast_in_dim3A_344 : f32 to vector<16xf32>
      %broadcast_in_dim3A_346 = arith.constant 0.000000e+00 : f32
      %broadcast_in_dim3A_347 = vector.broadcast %broadcast_in_dim3A_346 : f32 to vector<16xf32>
      %broadcast_in_dim3A_348 = arith.constant 0.000000e+00 : f32
      %broadcast_in_dim3A_349 = vector.broadcast %broadcast_in_dim3A_348 : f32 to vector<16xf32>
      %broadcast_in_dim3A_350 = arith.constant 0.000000e+00 : f32
      %broadcast_in_dim3A_351 = vector.broadcast %broadcast_in_dim3A_350 : f32 to vector<16xf32>
      %scan3A_352 = arith.constant 0 : i32
      %scan3A_353 = arith.constant 200 : i32
      %scan3A_354 = arith.addi %scan3A_352, %scan3A_353 : i32
      %scan3A_355 = arith.constant 8 : i32
      %scan3A_356:4 = scf.for %scan3A_793 = %scan3A_352 to %scan3A_354 step %scan3A_355 iter_args(%scan3A_794 = %broadcast_in_dim3A_345, %scan3A_795 = %broadcast_in_dim3A_347, %scan3A_796 = %broadcast_in_dim3A_349, %scan3A_797 = %broadcast_in_dim3A_351) -> (vector<16xf32>, vector<16xf32>, vector<16xf32>, vector<16xf32>)  : i32 {
        %add3A_798 = arith.constant 200 : i32
        %add3A_799 = arith.addi %add3A_798, %scan3A_793 : i32
        %get3A = arith.constant 0 : i32
        %get3A_800 = arith.index_cast %get3A : i32 to index
        %get3A_801 = arith.index_cast %add3A_799 : i32 to index
        %get3A_802 = arith.constant 0 : index
        %get3A_803 = tpu.vector_load %arg7[%get3A_800, %get3A_801, %get3A_802] {strides = array<i32>} : memref<2x400x64xf32, #tpu.memory_space<vmem>>, vector<1x1x16xf32>,
        %get3A_804 = vector.shape_cast %get3A_803 : vector<1x1x16xf32> to vector<16xf32>
        %add3A_805 = arith.addf %scan3A_794, %get3A_804 : vector<16xf32>
        %add3A_806 = arith.constant 200 : i32
        %add3A_807 = arith.addi %add3A_806, %scan3A_793 : i32
        %get3A_808 = arith.constant 0 : i32
        %get3A_809 = arith.index_cast %get3A_808 : i32 to index
        %get3A_810 = arith.index_cast %add3A_807 : i32 to index
        %get3A_811 = arith.constant 16 : index
        %get3A_812 = tpu.vector_load %arg7[%get3A_809, %get3A_810, %get3A_811] {strides = array<i32>} : memref<2x400x64xf32, #tpu.memory_space<vmem>>, vector<1x1x16xf32>,
        %get3A_813 = vector.shape_cast %get3A_812 : vector<1x1x16xf32> to vector<16xf32>
        %add3A_814 = arith.addf %scan3A_795, %get3A_813 : vector<16xf32>
        %add3A_815 = arith.constant 200 : i32
        %add3A_816 = arith.addi %add3A_815, %scan3A_793 : i32
        %get3A_817 = arith.constant 0 : i32
        %get3A_818 = arith.index_cast %get3A_817 : i32 to index
        %get3A_819 = arith.index_cast %add3A_816 : i32 to index
        %get3A_820 = arith.constant 32 : index
        %get3A_821 = tpu.vector_load %arg7[%get3A_818, %get3A_819, %get3A_820] {strides = array<i32>} : memref<2x400x64xf32, #tpu.memory_space<vmem>>, vector<1x1x16xf32>,
        %get3A_822 = vector.shape_cast %get3A_821 : vector<1x1x16xf32> to vector<16xf32>
        %add3A_823 = arith.addf %scan3A_796, %get3A_822 : vector<16xf32>
        %add3A_824 = arith.constant 200 : i32
        %add3A_825 = arith.addi %add3A_824, %scan3A_793 : i32
        %get3A_826 = arith.constant 0 : i32
        %get3A_827 = arith.index_cast %get3A_826 : i32 to index
        %get3A_828 = arith.index_cast %add3A_825 : i32 to index
        %get3A_829 = arith.constant 48 : index
        %get3A_830 = tpu.vector_load %arg7[%get3A_827, %get3A_828, %get3A_829] {strides = array<i32>} : memref<2x400x64xf32, #tpu.memory_space<vmem>>, vector<1x1x16xf32>,
        %get3A_831 = vector.shape_cast %get3A_830 : vector<1x1x16xf32> to vector<16xf32>
        %add3A_832 = arith.addf %scan3A_797, %get3A_831 : vector<16xf32>
        %scan3A_833 = arith.constant 1 : i32
        %scan3A_834 = arith.addi %scan3A_793, %scan3A_833 : i32
        %add3A_835 = arith.constant 200 : i32
        %add3A_836 = arith.addi %add3A_835, %scan3A_834 : i32
        %get3A_837 = arith.constant 0 : i32
        %get3A_838 = arith.index_cast %get3A_837 : i32 to index
        %get3A_839 = arith.index_cast %add3A_836 : i32 to index
        %get3A_840 = arith.constant 0 : index
        %get3A_841 = tpu.vector_load %arg7[%get3A_838, %get3A_839, %get3A_840] {strides = array<i32>} : memref<2x400x64xf32, #tpu.memory_space<vmem>>, vector<1x1x16xf32>,
        %get3A_842 = vector.shape_cast %get3A_841 : vector<1x1x16xf32> to vector<16xf32>
        %add3A_843 = arith.addf %add3A_805, %get3A_842 : vector<16xf32>
        %add3A_844 = arith.constant 200 : i32
        %add3A_845 = arith.addi %add3A_844, %scan3A_834 : i32
        %get3A_846 = arith.constant 0 : i32
        %get3A_847 = arith.index_cast %get3A_846 : i32 to index
        %get3A_848 = arith.index_cast %add3A_845 : i32 to index
        %get3A_849 = arith.constant 16 : index
        %get3A_850 = tpu.vector_load %arg7[%get3A_847, %get3A_848, %get3A_849] {strides = array<i32>} : memref<2x400x64xf32, #tpu.memory_space<vmem>>, vector<1x1x16xf32>,
        %get3A_851 = vector.shape_cast %get3A_850 : vector<1x1x16xf32> to vector<16xf32>
        %add3A_852 = arith.addf %add3A_814, %get3A_851 : vector<16xf32>
        %add3A_853 = arith.constant 200 : i32
        %add3A_854 = arith.addi %add3A_853, %scan3A_834 : i32
        %get3A_855 = arith.constant 0 : i32
        %get3A_856 = arith.index_cast %get3A_855 : i32 to index
        %get3A_857 = arith.index_cast %add3A_854 : i32 to index
        %get3A_858 = arith.constant 32 : index
        %get3A_859 = tpu.vector_load %arg7[%get3A_856, %get3A_857, %get3A_858] {strides = array<i32>} : memref<2x400x64xf32, #tpu.memory_space<vmem>>, vector<1x1x16xf32>,
        %get3A_860 = vector.shape_cast %get3A_859 : vector<1x1x16xf32> to vector<16xf32>
        %add3A_861 = arith.addf %add3A_823, %get3A_860 : vector<16xf32>
        %add3A_862 = arith.constant 200 : i32
        %add3A_863 = arith.addi %add3A_862, %scan3A_834 : i32
        %get3A_864 = arith.constant 0 : i32
        %get3A_865 = arith.index_cast %get3A_864 : i32 to index
        %get3A_866 = arith.index_cast %add3A_863 : i32 to index
        %get3A_867 = arith.constant 48 : index
        %get3A_868 = tpu.vector_load %arg7[%get3A_865, %get3A_866, %get3A_867] {strides = array<i32>} : memref<2x400x64xf32, #tpu.memory_space<vmem>>, vector<1x1x16xf32>,
        %get3A_869 = vector.shape_cast %get3A_868 : vector<1x1x16xf32> to vector<16xf32>
        %add3A_870 = arith.addf %add3A_832, %get3A_869 : vector<16xf32>
        %scan3A_871 = arith.constant 2 : i32
        %scan3A_872 = arith.addi %scan3A_793, %scan3A_871 : i32
        %add3A_873 = arith.constant 200 : i32
        %add3A_874 = arith.addi %add3A_873, %scan3A_872 : i32
        %get3A_875 = arith.constant 0 : i32
        %get3A_876 = arith.index_cast %get3A_875 : i32 to index
        %get3A_877 = arith.index_cast %add3A_874 : i32 to index
        %get3A_878 = arith.constant 0 : index
        %get3A_879 = tpu.vector_load %arg7[%get3A_876, %get3A_877, %get3A_878] {strides = array<i32>} : memref<2x400x64xf32, #tpu.memory_space<vmem>>, vector<1x1x16xf32>,
        %get3A_880 = vector.shape_cast %get3A_879 : vector<1x1x16xf32> to vector<16xf32>
        %add3A_881 = arith.addf %add3A_843, %get3A_880 : vector<16xf32>
        %add3A_882 = arith.constant 200 : i32
        %add3A_883 = arith.addi %add3A_882, %scan3A_872 : i32
        %get3A_884 = arith.constant 0 : i32
        %get3A_885 = arith.index_cast %get3A_884 : i32 to index
        %get3A_886 = arith.index_cast %add3A_883 : i32 to index
        %get3A_887 = arith.constant 16 : index
        %get3A_888 = tpu.vector_load %arg7[%get3A_885, %get3A_886, %get3A_887] {strides = array<i32>} : memref<2x400x64xf32, #tpu.memory_space<vmem>>, vector<1x1x16xf32>,
        %get3A_889 = vector.shape_cast %get3A_888 : vector<1x1x16xf32> to vector<16xf32>
        %add3A_890 = arith.addf %add3A_852, %get3A_889 : vector<16xf32>
        %add3A_891 = arith.constant 200 : i32
        %add3A_892 = arith.addi %add3A_891, %scan3A_872 : i32
        %get3A_893 = arith.constant 0 : i32
        %get3A_894 = arith.index_cast %get3A_893 : i32 to index
        %get3A_895 = arith.index_cast %add3A_892 : i32 to index
        %get3A_896 = arith.constant 32 : index
        %get3A_897 = tpu.vector_load %arg7[%get3A_894, %get3A_895, %get3A_896] {strides = array<i32>} : memref<2x400x64xf32, #tpu.memory_space<vmem>>, vector<1x1x16xf32>,
        %get3A_898 = vector.shape_cast %get3A_897 : vector<1x1x16xf32> to vector<16xf32>
        %add3A_899 = arith.addf %add3A_861, %get3A_898 : vector<16xf32>
        %add3A_900 = arith.constant 200 : i32
        %add3A_901 = arith.addi %add3A_900, %scan3A_872 : i32
        %get3A_902 = arith.constant 0 : i32
        %get3A_903 = arith.index_cast %get3A_902 : i32 to index
        %get3A_904 = arith.index_cast %add3A_901 : i32 to index
        %get3A_905 = arith.constant 48 : index
        %get3A_906 = tpu.vector_load %arg7[%get3A_903, %get3A_904, %get3A_905] {strides = array<i32>} : memref<2x400x64xf32, #tpu.memory_space<vmem>>, vector<1x1x16xf32>,
        %get3A_907 = vector.shape_cast %get3A_906 : vector<1x1x16xf32> to vector<16xf32>
        %add3A_908 = arith.addf %add3A_870, %get3A_907 : vector<16xf32>
        %scan3A_909 = arith.constant 3 : i32
        %scan3A_910 = arith.addi %scan3A_793, %scan3A_909 : i32
        %add3A_911 = arith.constant 200 : i32
        %add3A_912 = arith.addi %add3A_911, %scan3A_910 : i32
        %get3A_913 = arith.constant 0 : i32
        %get3A_914 = arith.index_cast %get3A_913 : i32 to index
        %get3A_915 = arith.index_cast %add3A_912 : i32 to index
        %get3A_916 = arith.constant 0 : index
        %get3A_917 = tpu.vector_load %arg7[%get3A_914, %get3A_915, %get3A_916] {strides = array<i32>} : memref<2x400x64xf32, #tpu.memory_space<vmem>>, vector<1x1x16xf32>,
        %get3A_918 = vector.shape_cast %get3A_917 : vector<1x1x16xf32> to vector<16xf32>
        %add3A_919 = arith.addf %add3A_881, %get3A_918 : vector<16xf32>
        %add3A_920 = arith.constant 200 : i32
        %add3A_921 = arith.addi %add3A_920, %scan3A_910 : i32
        %get3A_922 = arith.constant 0 : i32
        %get3A_923 = arith.index_cast %get3A_922 : i32 to index
        %get3A_924 = arith.index_cast %add3A_921 : i32 to index
        %get3A_925 = arith.constant 16 : index
        %get3A_926 = tpu.vector_load %arg7[%get3A_923, %get3A_924, %get3A_925] {strides = array<i32>} : memref<2x400x64xf32, #tpu.memory_space<vmem>>, vector<1x1x16xf32>,
        %get3A_927 = vector.shape_cast %get3A_926 : vector<1x1x16xf32> to vector<16xf32>
        %add3A_928 = arith.addf %add3A_890, %get3A_927 : vector<16xf32>
        %add3A_929 = arith.constant 200 : i32
        %add3A_930 = arith.addi %add3A_929, %scan3A_910 : i32
        %get3A_931 = arith.constant 0 : i32
        %get3A_932 = arith.index_cast %get3A_931 : i32 to index
        %get3A_933 = arith.index_cast %add3A_930 : i32 to index
        %get3A_934 = arith.constant 32 : index
        %get3A_935 = tpu.vector_load %arg7[%get3A_932, %get3A_933, %get3A_934] {strides = array<i32>} : memref<2x400x64xf32, #tpu.memory_space<vmem>>, vector<1x1x16xf32>,
        %get3A_936 = vector.shape_cast %get3A_935 : vector<1x1x16xf32> to vector<16xf32>
        %add3A_937 = arith.addf %add3A_899, %get3A_936 : vector<16xf32>
        %add3A_938 = arith.constant 200 : i32
        %add3A_939 = arith.addi %add3A_938, %scan3A_910 : i32
        %get3A_940 = arith.constant 0 : i32
        %get3A_941 = arith.index_cast %get3A_940 : i32 to index
        %get3A_942 = arith.index_cast %add3A_939 : i32 to index
        %get3A_943 = arith.constant 48 : index
        %get3A_944 = tpu.vector_load %arg7[%get3A_941, %get3A_942, %get3A_943] {strides = array<i32>} : memref<2x400x64xf32, #tpu.memory_space<vmem>>, vector<1x1x16xf32>,
        %get3A_945 = vector.shape_cast %get3A_944 : vector<1x1x16xf32> to vector<16xf32>
        %add3A_946 = arith.addf %add3A_908, %get3A_945 : vector<16xf32>
        %scan3A_947 = arith.constant 4 : i32
        %scan3A_948 = arith.addi %scan3A_793, %scan3A_947 : i32
        %add3A_949 = arith.constant 200 : i32
        %add3A_950 = arith.addi %add3A_949, %scan3A_948 : i32
        %get3A_951 = arith.constant 0 : i32
        %get3A_952 = arith.index_cast %get3A_951 : i32 to index
        %get3A_953 = arith.index_cast %add3A_950 : i32 to index
        %get3A_954 = arith.constant 0 : index
        %get3A_955 = tpu.vector_load %arg7[%get3A_952, %get3A_953, %get3A_954] {strides = array<i32>} : memref<2x400x64xf32, #tpu.memory_space<vmem>>, vector<1x1x16xf32>,
        %get3A_956 = vector.shape_cast %get3A_955 : vector<1x1x16xf32> to vector<16xf32>
        %add3A_957 = arith.addf %add3A_919, %get3A_956 : vector<16xf32>
        %add3A_958 = arith.constant 200 : i32
        %add3A_959 = arith.addi %add3A_958, %scan3A_948 : i32
        %get3A_960 = arith.constant 0 : i32
        %get3A_961 = arith.index_cast %get3A_960 : i32 to index
        %get3A_962 = arith.index_cast %add3A_959 : i32 to index
        %get3A_963 = arith.constant 16 : index
        %get3A_964 = tpu.vector_load %arg7[%get3A_961, %get3A_962, %get3A_963] {strides = array<i32>} : memref<2x400x64xf32, #tpu.memory_space<vmem>>, vector<1x1x16xf32>,
        %get3A_965 = vector.shape_cast %get3A_964 : vector<1x1x16xf32> to vector<16xf32>
        %add3A_966 = arith.addf %add3A_928, %get3A_965 : vector<16xf32>
        %add3A_967 = arith.constant 200 : i32
        %add3A_968 = arith.addi %add3A_967, %scan3A_948 : i32
        %get3A_969 = arith.constant 0 : i32
        %get3A_970 = arith.index_cast %get3A_969 : i32 to index
        %get3A_971 = arith.index_cast %add3A_968 : i32 to index
        %get3A_972 = arith.constant 32 : index
        %get3A_973 = tpu.vector_load %arg7[%get3A_970, %get3A_971, %get3A_972] {strides = array<i32>} : memref<2x400x64xf32, #tpu.memory_space<vmem>>, vector<1x1x16xf32>,
        %get3A_974 = vector.shape_cast %get3A_973 : vector<1x1x16xf32> to vector<16xf32>
        %add3A_975 = arith.addf %add3A_937, %get3A_974 : vector<16xf32>
        %add3A_976 = arith.constant 200 : i32
        %add3A_977 = arith.addi %add3A_976, %scan3A_948 : i32
        %get3A_978 = arith.constant 0 : i32
        %get3A_979 = arith.index_cast %get3A_978 : i32 to index
        %get3A_980 = arith.index_cast %add3A_977 : i32 to index
        %get3A_981 = arith.constant 48 : index
        %get3A_982 = tpu.vector_load %arg7[%get3A_979, %get3A_980, %get3A_981] {strides = array<i32>} : memref<2x400x64xf32, #tpu.memory_space<vmem>>, vector<1x1x16xf32>,
        %get3A_983 = vector.shape_cast %get3A_982 : vector<1x1x16xf32> to vector<16xf32>
        %add3A_984 = arith.addf %add3A_946, %get3A_983 : vector<16xf32>
        %scan3A_985 = arith.constant 5 : i32
        %scan3A_986 = arith.addi %scan3A_793, %scan3A_985 : i32
        %add3A_987 = arith.constant 200 : i32
        %add3A_988 = arith.addi %add3A_987, %scan3A_986 : i32
        %get3A_989 = arith.constant 0 : i32
        %get3A_990 = arith.index_cast %get3A_989 : i32 to index
        %get3A_991 = arith.index_cast %add3A_988 : i32 to index
        %get3A_992 = arith.constant 0 : index
        %get3A_993 = tpu.vector_load %arg7[%get3A_990, %get3A_991, %get3A_992] {strides = array<i32>} : memref<2x400x64xf32, #tpu.memory_space<vmem>>, vector<1x1x16xf32>,
        %get3A_994 = vector.shape_cast %get3A_993 : vector<1x1x16xf32> to vector<16xf32>
        %add3A_995 = arith.addf %add3A_957, %get3A_994 : vector<16xf32>
        %add3A_996 = arith.constant 200 : i32
        %add3A_997 = arith.addi %add3A_996, %scan3A_986 : i32
        %get3A_998 = arith.constant 0 : i32
        %get3A_999 = arith.index_cast %get3A_998 : i32 to index
        %get3A_1000 = arith.index_cast %add3A_997 : i32 to index
        %get3A_1001 = arith.constant 16 : index
        %get3A_1002 = tpu.vector_load %arg7[%get3A_999, %get3A_1000, %get3A_1001] {strides = array<i32>} : memref<2x400x64xf32, #tpu.memory_space<vmem>>, vector<1x1x16xf32>,
        %get3A_1003 = vector.shape_cast %get3A_1002 : vector<1x1x16xf32> to vector<16xf32>
        %add3A_1004 = arith.addf %add3A_966, %get3A_1003 : vector<16xf32>
        %add3A_1005 = arith.constant 200 : i32
        %add3A_1006 = arith.addi %add3A_1005, %scan3A_986 : i32
        %get3A_1007 = arith.constant 0 : i32
        %get3A_1008 = arith.index_cast %get3A_1007 : i32 to index
        %get3A_1009 = arith.index_cast %add3A_1006 : i32 to index
        %get3A_1010 = arith.constant 32 : index
        %get3A_1011 = tpu.vector_load %arg7[%get3A_1008, %get3A_1009, %get3A_1010] {strides = array<i32>} : memref<2x400x64xf32, #tpu.memory_space<vmem>>, vector<1x1x16xf32>,
        %get3A_1012 = vector.shape_cast %get3A_1011 : vector<1x1x16xf32> to vector<16xf32>
        %add3A_1013 = arith.addf %add3A_975, %get3A_1012 : vector<16xf32>
        %add3A_1014 = arith.constant 200 : i32
        %add3A_1015 = arith.addi %add3A_1014, %scan3A_986 : i32
        %get3A_1016 = arith.constant 0 : i32
        %get3A_1017 = arith.index_cast %get3A_1016 : i32 to index
        %get3A_1018 = arith.index_cast %add3A_1015 : i32 to index
        %get3A_1019 = arith.constant 48 : index
        %get3A_1020 = tpu.vector_load %arg7[%get3A_1017, %get3A_1018, %get3A_1019] {strides = array<i32>} : memref<2x400x64xf32, #tpu.memory_space<vmem>>, vector<1x1x16xf32>,
        %get3A_1021 = vector.shape_cast %get3A_1020 : vector<1x1x16xf32> to vector<16xf32>
        %add3A_1022 = arith.addf %add3A_984, %get3A_1021 : vector<16xf32>
        %scan3A_1023 = arith.constant 6 : i32
        %scan3A_1024 = arith.addi %scan3A_793, %scan3A_1023 : i32
        %add3A_1025 = arith.constant 200 : i32
        %add3A_1026 = arith.addi %add3A_1025, %scan3A_1024 : i32
        %get3A_1027 = arith.constant 0 : i32
        %get3A_1028 = arith.index_cast %get3A_1027 : i32 to index
        %get3A_1029 = arith.index_cast %add3A_1026 : i32 to index
        %get3A_1030 = arith.constant 0 : index
        %get3A_1031 = tpu.vector_load %arg7[%get3A_1028, %get3A_1029, %get3A_1030] {strides = array<i32>} : memref<2x400x64xf32, #tpu.memory_space<vmem>>, vector<1x1x16xf32>,
        %get3A_1032 = vector.shape_cast %get3A_1031 : vector<1x1x16xf32> to vector<16xf32>
        %add3A_1033 = arith.addf %add3A_995, %get3A_1032 : vector<16xf32>
        %add3A_1034 = arith.constant 200 : i32
        %add3A_1035 = arith.addi %add3A_1034, %scan3A_1024 : i32
        %get3A_1036 = arith.constant 0 : i32
        %get3A_1037 = arith.index_cast %get3A_1036 : i32 to index
        %get3A_1038 = arith.index_cast %add3A_1035 : i32 to index
        %get3A_1039 = arith.constant 16 : index
        %get3A_1040 = tpu.vector_load %arg7[%get3A_1037, %get3A_1038, %get3A_1039] {strides = array<i32>} : memref<2x400x64xf32, #tpu.memory_space<vmem>>, vector<1x1x16xf32>,
        %get3A_1041 = vector.shape_cast %get3A_1040 : vector<1x1x16xf32> to vector<16xf32>
        %add3A_1042 = arith.addf %add3A_1004, %get3A_1041 : vector<16xf32>
        %add3A_1043 = arith.constant 200 : i32
        %add3A_1044 = arith.addi %add3A_1043, %scan3A_1024 : i32
        %get3A_1045 = arith.constant 0 : i32
        %get3A_1046 = arith.index_cast %get3A_1045 : i32 to index
        %get3A_1047 = arith.index_cast %add3A_1044 : i32 to index
        %get3A_1048 = arith.constant 32 : index
        %get3A_1049 = tpu.vector_load %arg7[%get3A_1046, %get3A_1047, %get3A_1048] {strides = array<i32>} : memref<2x400x64xf32, #tpu.memory_space<vmem>>, vector<1x1x16xf32>,
        %get3A_1050 = vector.shape_cast %get3A_1049 : vector<1x1x16xf32> to vector<16xf32>
        %add3A_1051 = arith.addf %add3A_1013, %get3A_1050 : vector<16xf32>
        %add3A_1052 = arith.constant 200 : i32
        %add3A_1053 = arith.addi %add3A_1052, %scan3A_1024 : i32
        %get3A_1054 = arith.constant 0 : i32
        %get3A_1055 = arith.index_cast %get3A_1054 : i32 to index
        %get3A_1056 = arith.index_cast %add3A_1053 : i32 to index
        %get3A_1057 = arith.constant 48 : index
        %get3A_1058 = tpu.vector_load %arg7[%get3A_1055, %get3A_1056, %get3A_1057] {strides = array<i32>} : memref<2x400x64xf32, #tpu.memory_space<vmem>>, vector<1x1x16xf32>,
        %get3A_1059 = vector.shape_cast %get3A_1058 : vector<1x1x16xf32> to vector<16xf32>
        %add3A_1060 = arith.addf %add3A_1022, %get3A_1059 : vector<16xf32>
        %scan3A_1061 = arith.constant 7 : i32
        %scan3A_1062 = arith.addi %scan3A_793, %scan3A_1061 : i32
        %add3A_1063 = arith.constant 200 : i32
        %add3A_1064 = arith.addi %add3A_1063, %scan3A_1062 : i32
        %get3A_1065 = arith.constant 0 : i32
        %get3A_1066 = arith.index_cast %get3A_1065 : i32 to index
        %get3A_1067 = arith.index_cast %add3A_1064 : i32 to index
        %get3A_1068 = arith.constant 0 : index
        %get3A_1069 = tpu.vector_load %arg7[%get3A_1066, %get3A_1067, %get3A_1068] {strides = array<i32>} : memref<2x400x64xf32, #tpu.memory_space<vmem>>, vector<1x1x16xf32>,
        %get3A_1070 = vector.shape_cast %get3A_1069 : vector<1x1x16xf32> to vector<16xf32>
        %add3A_1071 = arith.addf %add3A_1033, %get3A_1070 : vector<16xf32>
        %add3A_1072 = arith.constant 200 : i32
        %add3A_1073 = arith.addi %add3A_1072, %scan3A_1062 : i32
        %get3A_1074 = arith.constant 0 : i32
        %get3A_1075 = arith.index_cast %get3A_1074 : i32 to index
        %get3A_1076 = arith.index_cast %add3A_1073 : i32 to index
        %get3A_1077 = arith.constant 16 : index
        %get3A_1078 = tpu.vector_load %arg7[%get3A_1075, %get3A_1076, %get3A_1077] {strides = array<i32>} : memref<2x400x64xf32, #tpu.memory_space<vmem>>, vector<1x1x16xf32>,
        %get3A_1079 = vector.shape_cast %get3A_1078 : vector<1x1x16xf32> to vector<16xf32>
        %add3A_1080 = arith.addf %add3A_1042, %get3A_1079 : vector<16xf32>
        %add3A_1081 = arith.constant 200 : i32
        %add3A_1082 = arith.addi %add3A_1081, %scan3A_1062 : i32
        %get3A_1083 = arith.constant 0 : i32
        %get3A_1084 = arith.index_cast %get3A_1083 : i32 to index
        %get3A_1085 = arith.index_cast %add3A_1082 : i32 to index
        %get3A_1086 = arith.constant 32 : index
        %get3A_1087 = tpu.vector_load %arg7[%get3A_1084, %get3A_1085, %get3A_1086] {strides = array<i32>} : memref<2x400x64xf32, #tpu.memory_space<vmem>>, vector<1x1x16xf32>,
        %get3A_1088 = vector.shape_cast %get3A_1087 : vector<1x1x16xf32> to vector<16xf32>
        %add3A_1089 = arith.addf %add3A_1051, %get3A_1088 : vector<16xf32>
        %add3A_1090 = arith.constant 200 : i32
        %add3A_1091 = arith.addi %add3A_1090, %scan3A_1062 : i32
        %get3A_1092 = arith.constant 0 : i32
        %get3A_1093 = arith.index_cast %get3A_1092 : i32 to index
        %get3A_1094 = arith.index_cast %add3A_1091 : i32 to index
        %get3A_1095 = arith.constant 48 : index
        %get3A_1096 = tpu.vector_load %arg7[%get3A_1093, %get3A_1094, %get3A_1095] {strides = array<i32>} : memref<2x400x64xf32, #tpu.memory_space<vmem>>, vector<1x1x16xf32>,
        %get3A_1097 = vector.shape_cast %get3A_1096 : vector<1x1x16xf32> to vector<16xf32>
        %add3A_1098 = arith.addf %add3A_1060, %get3A_1097 : vector<16xf32>
        scf.yield %add3A_1071, %add3A_1080, %add3A_1089, %add3A_1098 : vector<16xf32>, vector<16xf32>, vector<16xf32>, vector<16xf32>
      }
      %scan3A_357 = arith.constant 200 : i32
      %mul3A_358 = arith.constant 2 : i32
      %mul3A_359 = arith.muli %add3A_270, %mul3A_358 : i32
      %add3A_360 = arith.constant 1 : i32
      %add3A_361 = arith.addi %mul3A_359, %add3A_360 : i32
      %swap3A_362 = arith.index_cast %add3A_361 : i32 to index
      %swap3A_363 = arith.constant 0 : index
      %swap3A_364 = tpu.vector_load %arg8[%swap3A_362, %swap3A_363] {strides = array<i32>} : memref<512x64xf32, #tpu.memory_space<vmem>>, vector<1x16xf32>,
      %swap3A_365 = vector.shape_cast %swap3A_364 : vector<1x16xf32> to vector<16xf32>
      %swap3A_366 = vector.shape_cast %scan3A_356#0 : vector<16xf32> to vector<1x16xf32>
      tpu.vector_store %arg8[%swap3A_362, %swap3A_363], %swap3A_366 {strides = array<i32>} : memref<512x64xf32, #tpu.memory_space<vmem>>, vector<1x16xf32>,
      %mul3A_367 = arith.constant 2 : i32
      %mul3A_368 = arith.muli %add3A_270, %mul3A_367 : i32
      %add3A_369 = arith.constant 1 : i32
      %add3A_370 = arith.addi %mul3A_368, %add3A_369 : i32
      %swap3A_371 = arith.index_cast %add3A_370 : i32 to index
      %swap3A_372 = arith.constant 16 : index
      %swap3A_373 = tpu.vector_load %arg8[%swap3A_371, %swap3A_372] {strides = array<i32>} : memref<512x64xf32, #tpu.memory_space<vmem>>, vector<1x16xf32>,
      %swap3A_374 = vector.shape_cast %swap3A_373 : vector<1x16xf32> to vector<16xf32>
      %swap3A_375 = vector.shape_cast %scan3A_356#1 : vector<16xf32> to vector<1x16xf32>
      tpu.vector_store %arg8[%swap3A_371, %swap3A_372], %swap3A_375 {strides = array<i32>} : memref<512x64xf32, #tpu.memory_space<vmem>>, vector<1x16xf32>,
      %mul3A_376 = arith.constant 2 : i32
      %mul3A_377 = arith.muli %add3A_270, %mul3A_376 : i32
      %add3A_378 = arith.constant 1 : i32
      %add3A_379 = arith.addi %mul3A_377, %add3A_378 : i32
      %swap3A_380 = arith.index_cast %add3A_379 : i32 to index
      %swap3A_381 = arith.constant 32 : index
      %swap3A_382 = tpu.vector_load %arg8[%swap3A_380, %swap3A_381] {strides = array<i32>} : memref<512x64xf32, #tpu.memory_space<vmem>>, vector<1x16xf32>,
      %swap3A_383 = vector.shape_cast %swap3A_382 : vector<1x16xf32> to vector<16xf32>
      %swap3A_384 = vector.shape_cast %scan3A_356#2 : vector<16xf32> to vector<1x16xf32>
      tpu.vector_store %arg8[%swap3A_380, %swap3A_381], %swap3A_384 {strides = array<i32>} : memref<512x64xf32, #tpu.memory_space<vmem>>, vector<1x16xf32>,
      %mul3A_385 = arith.constant 2 : i32
      %mul3A_386 = arith.muli %add3A_270, %mul3A_385 : i32
      %add3A_387 = arith.constant 1 : i32
      %add3A_388 = arith.addi %mul3A_386, %add3A_387 : i32
      %swap3A_389 = arith.index_cast %add3A_388 : i32 to index
      %swap3A_390 = arith.constant 48 : index
      %swap3A_391 = tpu.vector_load %arg8[%swap3A_389, %swap3A_390] {strides = array<i32>} : memref<512x64xf32, #tpu.memory_space<vmem>>, vector<1x16xf32>,
      %swap3A_392 = vector.shape_cast %swap3A_391 : vector<1x16xf32> to vector<16xf32>
      %swap3A_393 = vector.shape_cast %scan3A_356#3 : vector<16xf32> to vector<1x16xf32>
      tpu.vector_store %arg8[%swap3A_389, %swap3A_390], %swap3A_393 {strides = array<i32>} : memref<512x64xf32, #tpu.memory_space<vmem>>, vector<1x16xf32>,
      %mul3A_394 = arith.constant 4 : i32
      %mul3A_395 = arith.muli %mul3A_394, %scan3A_266 : i32
      %add3A_396 = arith.constant 1 : i32
      %add3A_397 = arith.addi %mul3A_395, %add3A_396 : i32
      %add3A_398 = arith.constant 1 : i32
      %add3A_399 = arith.addi %add3A_397, %add3A_398 : i32
      %lt3A_400 = arith.constant 256 : i32
      %lt3A_401 = arith.cmpi slt, %add3A_399, %lt3A_400 : i32
      %convert_element_type3A_402 = arith.extui %lt3A_401 : i1 to i32
      %cond3A_403 = arith.constant 0 : i32
      %cond3A_404 = arith.cmpi ne, %convert_element_type3A_402, %cond3A_403 : i32
      scf.if %cond3A_404 {
        %dma_wait3A_793 = arith.constant 2 : i32
        %dma_wait3A_794 = arith.constant 0 : i32
        %dma_wait3A_795 = arith.constant 0 : i32
        %dma_wait3A_796 = tpu.memref_slice %arg5[%dma_wait3A_793, %dma_wait3A_794, %dma_wait3A_795] : memref<4x2x128xi32, #tpu.memory_space<vmem>> -> memref<1x2x128xi32, #tpu.memory_space<vmem>>
        %dma_wait3A_797 = tpu.memref_squeeze %dma_wait3A_796 : memref<1x2x128xi32, #tpu.memory_space<vmem>> -> memref<2x128xi32, #tpu.memory_space<vmem>>
        %dma_wait3A_798 = arith.constant 0 : i32
        %dma_wait3A_799 = arith.constant 0 : i32
        %dma_wait3A_800 = tpu.memref_slice %arg2[%dma_wait3A_798, %dma_wait3A_799] : memref<16384x200xi32, #tpu.memory_space<hbm>> -> memref<2x128xi32, #tpu.memory_space<hbm>>
        %dma_wait3A_801 = arith.constant 0 : i32
        %dma_wait3A_802 = arith.constant 0 : i32
        %dma_wait3A_803 = tpu.memref_slice %arg5[%dma_wait3A_793, %dma_wait3A_801, %dma_wait3A_802] : memref<4x2x128xi32, #tpu.memory_space<vmem>> -> memref<1x2x128xi32, #tpu.memory_space<vmem>>
        %dma_wait3A_804 = tpu.memref_squeeze %dma_wait3A_803 : memref<1x2x128xi32, #tpu.memory_space<vmem>> -> memref<2x128xi32, #tpu.memory_space<vmem>>
        %dma_wait3A_805 = arith.constant 0 : i32
        %dma_wait3A_806 = arith.constant 0 : i32
        %dma_wait3A_807 = tpu.memref_slice %arg2[%dma_wait3A_805, %dma_wait3A_806] : memref<16384x200xi32, #tpu.memory_space<hbm>> -> memref<2x128xi32, #tpu.memory_space<hbm>>
        tpu.wait_dma2 semaphore(%arg13 : memref<!tpu.dma_semaphore, #tpu.memory_space<semaphore_mem>>) src(%dma_wait3A_807 : memref<2x128xi32, #tpu.memory_space<hbm>>) dst(%dma_wait3A_804 : memref<2x128xi32, #tpu.memory_space<vmem>>)
        %dma_wait3A_808 = arith.constant 2 : i32
        %dma_wait3A_809 = arith.constant 0 : i32
        %dma_wait3A_810 = arith.constant 0 : i32
        %dma_wait3A_811 = tpu.memref_slice %arg6[%dma_wait3A_808, %dma_wait3A_809, %dma_wait3A_810] : memref<4x2x72xi32, #tpu.memory_space<vmem>> -> memref<1x2x72xi32, #tpu.memory_space<vmem>>
        %dma_wait3A_812 = tpu.memref_squeeze %dma_wait3A_811 : memref<1x2x72xi32, #tpu.memory_space<vmem>> -> memref<2x72xi32, #tpu.memory_space<vmem>>
        %dma_wait3A_813 = arith.constant 0 : i32
        %dma_wait3A_814 = arith.constant 0 : i32
        %dma_wait3A_815 = tpu.memref_slice %arg2[%dma_wait3A_813, %dma_wait3A_814] : memref<16384x200xi32, #tpu.memory_space<hbm>> -> memref<2x72xi32, #tpu.memory_space<hbm>>
        %dma_wait3A_816 = arith.constant 0 : i32
        %dma_wait3A_817 = arith.constant 0 : i32
        %dma_wait3A_818 = tpu.memref_slice %arg6[%dma_wait3A_808, %dma_wait3A_816, %dma_wait3A_817] : memref<4x2x72xi32, #tpu.memory_space<vmem>> -> memref<1x2x72xi32, #tpu.memory_space<vmem>>
        %dma_wait3A_819 = tpu.memref_squeeze %dma_wait3A_818 : memref<1x2x72xi32, #tpu.memory_space<vmem>> -> memref<2x72xi32, #tpu.memory_space<vmem>>
        %dma_wait3A_820 = arith.constant 0 : i32
        %dma_wait3A_821 = arith.constant 0 : i32
        %dma_wait3A_822 = tpu.memref_slice %arg2[%dma_wait3A_820, %dma_wait3A_821] : memref<16384x200xi32, #tpu.memory_space<hbm>> -> memref<2x72xi32, #tpu.memory_space<hbm>>
        tpu.wait_dma2 semaphore(%arg13 : memref<!tpu.dma_semaphore, #tpu.memory_space<semaphore_mem>>) src(%dma_wait3A_822 : memref<2x72xi32, #tpu.memory_space<hbm>>) dst(%dma_wait3A_819 : memref<2x72xi32, #tpu.memory_space<vmem>>)
        %dma_start3A_823 = arith.constant 2 : i32
        %dma_start3A_824 = arith.constant 0 : i32
        %dma_start3A_825 = arith.constant 0 : i32
        %dma_start3A_826 = arith.constant 0 : i32
        %dma_start3A_827 = arith.constant 0 : i32
        %dma_start3A_828 = tpu.memref_slice %arg7[%dma_start3A_825, %dma_start3A_826, %dma_start3A_827] : memref<2x400x64xf32, #tpu.memory_space<vmem>> -> memref<1x128x64xf32, #tpu.memory_space<vmem>>
        %dma_start3A_829 = tpu.memref_squeeze %dma_start3A_828 : memref<1x128x64xf32, #tpu.memory_space<vmem>> -> memref<128x64xf32, #tpu.memory_space<vmem>>
        %dma_start3A_830 = arith.constant 0 : i32
        %dma_start3A_831 = tpu.memref_slice %arg5[%dma_start3A_823, %dma_start3A_824, %dma_start3A_830] : memref<4x2x128xi32, #tpu.memory_space<vmem>> -> memref<1x1x128xi32, #tpu.memory_space<vmem>>
        %dma_start3A_832 = tpu.memref_squeeze %dma_start3A_831 : memref<1x1x128xi32, #tpu.memory_space<vmem>> -> memref<128xi32, #tpu.memory_space<vmem>>
        %dma_start3A_833 = arith.constant 0 : i32
        %dma_start3A_834 = arith.constant 0 : i32
        %dma_start3A_835 = tpu.memref_slice %arg3[%dma_start3A_833, %dma_start3A_834] : memref<1000000x64xf32, #tpu.memory_space<hbm>> -> memref<1000000x64xf32, #tpu.memory_space<hbm>>
        tpu.enqueue_indirect_dma source(%dma_start3A_835 : memref<1000000x64xf32, #tpu.memory_space<hbm>>) target(%dma_start3A_829 : memref<128x64xf32, #tpu.memory_space<vmem>>) offsets(%dma_start3A_832 : memref<128xi32, #tpu.memory_space<vmem>>) semaphore(%arg9 : memref<!tpu.dma_semaphore, #tpu.memory_space<semaphore_mem>>)
        %dma_start3A_836 = arith.constant 2 : i32
        %dma_start3A_837 = arith.constant 0 : i32
        %dma_start3A_838 = arith.constant 0 : i32
        %dma_start3A_839 = arith.constant 128 : i32
        %dma_start3A_840 = arith.constant 0 : i32
        %dma_start3A_841 = tpu.memref_slice %arg7[%dma_start3A_838, %dma_start3A_839, %dma_start3A_840] : memref<2x400x64xf32, #tpu.memory_space<vmem>> -> memref<1x72x64xf32, #tpu.memory_space<vmem>>
        %dma_start3A_842 = tpu.memref_squeeze %dma_start3A_841 : memref<1x72x64xf32, #tpu.memory_space<vmem>> -> memref<72x64xf32, #tpu.memory_space<vmem>>
        %dma_start3A_843 = arith.constant 0 : i32
        %dma_start3A_844 = tpu.memref_slice %arg6[%dma_start3A_836, %dma_start3A_837, %dma_start3A_843] : memref<4x2x72xi32, #tpu.memory_space<vmem>> -> memref<1x1x72xi32, #tpu.memory_space<vmem>>
        %dma_start3A_845 = tpu.memref_squeeze %dma_start3A_844 : memref<1x1x72xi32, #tpu.memory_space<vmem>> -> memref<72xi32, #tpu.memory_space<vmem>>
        %dma_start3A_846 = arith.constant 0 : i32
        %dma_start3A_847 = arith.constant 0 : i32
        %dma_start3A_848 = tpu.memref_slice %arg3[%dma_start3A_846, %dma_start3A_847] : memref<1000000x64xf32, #tpu.memory_space<hbm>> -> memref<1000000x64xf32, #tpu.memory_space<hbm>>
        tpu.enqueue_indirect_dma source(%dma_start3A_848 : memref<1000000x64xf32, #tpu.memory_space<hbm>>) target(%dma_start3A_842 : memref<72x64xf32, #tpu.memory_space<vmem>>) offsets(%dma_start3A_845 : memref<72xi32, #tpu.memory_space<vmem>>) semaphore(%arg9 : memref<!tpu.dma_semaphore, #tpu.memory_space<semaphore_mem>>)
        %dma_start3A_849 = arith.constant 2 : i32
        %dma_start3A_850 = arith.constant 1 : i32
        %dma_start3A_851 = arith.constant 0 : i32
        %dma_start3A_852 = arith.constant 200 : i32
        %dma_start3A_853 = arith.constant 0 : i32
        %dma_start3A_854 = tpu.memref_slice %arg7[%dma_start3A_851, %dma_start3A_852, %dma_start3A_853] : memref<2x400x64xf32, #tpu.memory_space<vmem>> -> memref<1x128x64xf32, #tpu.memory_space<vmem>>
        %dma_start3A_855 = tpu.memref_squeeze %dma_start3A_854 : memref<1x128x64xf32, #tpu.memory_space<vmem>> -> memref<128x64xf32, #tpu.memory_space<vmem>>
        %dma_start3A_856 = arith.constant 0 : i32
        %dma_start3A_857 = tpu.memref_slice %arg5[%dma_start3A_849, %dma_start3A_850, %dma_start3A_856] : memref<4x2x128xi32, #tpu.memory_space<vmem>> -> memref<1x1x128xi32, #tpu.memory_space<vmem>>
        %dma_start3A_858 = tpu.memref_squeeze %dma_start3A_857 : memref<1x1x128xi32, #tpu.memory_space<vmem>> -> memref<128xi32, #tpu.memory_space<vmem>>
        %dma_start3A_859 = arith.constant 0 : i32
        %dma_start3A_860 = arith.constant 0 : i32
        %dma_start3A_861 = tpu.memref_slice %arg3[%dma_start3A_859, %dma_start3A_860] : memref<1000000x64xf32, #tpu.memory_space<hbm>> -> memref<1000000x64xf32, #tpu.memory_space<hbm>>
        tpu.enqueue_indirect_dma source(%dma_start3A_861 : memref<1000000x64xf32, #tpu.memory_space<hbm>>) target(%dma_start3A_855 : memref<128x64xf32, #tpu.memory_space<vmem>>) offsets(%dma_start3A_858 : memref<128xi32, #tpu.memory_space<vmem>>) semaphore(%arg9 : memref<!tpu.dma_semaphore, #tpu.memory_space<semaphore_mem>>)
        %dma_start3A_862 = arith.constant 2 : i32
        %dma_start3A_863 = arith.constant 1 : i32
        %dma_start3A_864 = arith.constant 0 : i32
        %dma_start3A_865 = arith.constant 328 : i32
        %dma_start3A_866 = arith.constant 0 : i32
        %dma_start3A_867 = tpu.memref_slice %arg7[%dma_start3A_864, %dma_start3A_865, %dma_start3A_866] : memref<2x400x64xf32, #tpu.memory_space<vmem>> -> memref<1x72x64xf32, #tpu.memory_space<vmem>>
        %dma_start3A_868 = tpu.memref_squeeze %dma_start3A_867 : memref<1x72x64xf32, #tpu.memory_space<vmem>> -> memref<72x64xf32, #tpu.memory_space<vmem>>
        %dma_start3A_869 = arith.constant 0 : i32
        %dma_start3A_870 = tpu.memref_slice %arg6[%dma_start3A_862, %dma_start3A_863, %dma_start3A_869] : memref<4x2x72xi32, #tpu.memory_space<vmem>> -> memref<1x1x72xi32, #tpu.memory_space<vmem>>
        %dma_start3A_871 = tpu.memref_squeeze %dma_start3A_870 : memref<1x1x72xi32, #tpu.memory_space<vmem>> -> memref<72xi32, #tpu.memory_space<vmem>>
        %dma_start3A_872 = arith.constant 0 : i32
        %dma_start3A_873 = arith.constant 0 : i32
        %dma_start3A_874 = tpu.memref_slice %arg3[%dma_start3A_872, %dma_start3A_873] : memref<1000000x64xf32, #tpu.memory_space<hbm>> -> memref<1000000x64xf32, #tpu.memory_space<hbm>>
        tpu.enqueue_indirect_dma source(%dma_start3A_874 : memref<1000000x64xf32, #tpu.memory_space<hbm>>) target(%dma_start3A_868 : memref<72x64xf32, #tpu.memory_space<vmem>>) offsets(%dma_start3A_871 : memref<72xi32, #tpu.memory_space<vmem>>) semaphore(%arg9 : memref<!tpu.dma_semaphore, #tpu.memory_space<semaphore_mem>>)
      } else {
      }
      %dma_wait3A_405 = arith.constant 1 : i32
      %dma_wait3A_406 = arith.constant 0 : i32
      %dma_wait3A_407 = arith.constant 0 : i32
      %dma_wait3A_408 = tpu.memref_slice %arg7[%dma_wait3A_405, %dma_wait3A_406, %dma_wait3A_407] : memref<2x400x64xf32, #tpu.memory_space<vmem>> -> memref<1x400x64xf32, #tpu.memory_space<vmem>>
      %dma_wait3A_409 = tpu.memref_squeeze %dma_wait3A_408 : memref<1x400x64xf32, #tpu.memory_space<vmem>> -> memref<400x64xf32, #tpu.memory_space<vmem>>
      %dma_wait3A_410 = arith.constant 0 : i32
      %dma_wait3A_411 = arith.constant 0 : i32
      %dma_wait3A_412 = tpu.memref_slice %arg3[%dma_wait3A_410, %dma_wait3A_411] : memref<1000000x64xf32, #tpu.memory_space<hbm>> -> memref<400x64xf32, #tpu.memory_space<hbm>>
      %dma_wait3A_413 = arith.constant 0 : i32
      %dma_wait3A_414 = arith.constant 0 : i32
      %dma_wait3A_415 = tpu.memref_slice %arg7[%dma_wait3A_405, %dma_wait3A_413, %dma_wait3A_414] : memref<2x400x64xf32, #tpu.memory_space<vmem>> -> memref<1x400x64xf32, #tpu.memory_space<vmem>>
      %dma_wait3A_416 = tpu.memref_squeeze %dma_wait3A_415 : memref<1x400x64xf32, #tpu.memory_space<vmem>> -> memref<400x64xf32, #tpu.memory_space<vmem>>
      %dma_wait3A_417 = arith.constant 0 : i32
      %dma_wait3A_418 = arith.constant 0 : i32
      %dma_wait3A_419 = tpu.memref_slice %arg3[%dma_wait3A_417, %dma_wait3A_418] : memref<1000000x64xf32, #tpu.memory_space<hbm>> -> memref<400x64xf32, #tpu.memory_space<hbm>>
      tpu.wait_dma2 semaphore(%arg10 : memref<!tpu.dma_semaphore, #tpu.memory_space<semaphore_mem>>) src(%dma_wait3A_419 : memref<400x64xf32, #tpu.memory_space<hbm>>) dst(%dma_wait3A_416 : memref<400x64xf32, #tpu.memory_space<vmem>>)
      %add3A_420 = arith.constant 4 : i32
      %add3A_421 = arith.addi %add3A_397, %add3A_420 : i32
      %lt3A_422 = arith.constant 256 : i32
      %lt3A_423 = arith.cmpi slt, %add3A_421, %lt3A_422 : i32
      %convert_element_type3A_424 = arith.extui %lt3A_423 : i1 to i32
      %cond3A_425 = arith.constant 0 : i32
      %cond3A_426 = arith.cmpi ne, %convert_element_type3A_424, %cond3A_425 : i32
      scf.if %cond3A_426 {
        %add3A_793 = arith.constant 4 : i32
        %add3A_794 = arith.addi %add3A_397, %add3A_793 : i32
        %mul3A_795 = arith.constant 2 : i32
        %mul3A_796 = arith.muli %add3A_794, %mul3A_795 : i32
        %add3A_797 = arith.addi %mul3A_2, %mul3A_796 : i32
        %add3A_798 = arith.constant 0 : i32
        %add3A_799 = arith.addi %add3A_797, %add3A_798 : i32
        %dma_start3A_800 = arith.constant 1 : i32
        %dma_start3A_801 = arith.constant 0 : i32
        %dma_start3A_802 = arith.constant 0 : i32
        %dma_start3A_803 = tpu.memref_slice %arg5[%dma_start3A_800, %dma_start3A_801, %dma_start3A_802] : memref<4x2x128xi32, #tpu.memory_space<vmem>> -> memref<1x1x128xi32, #tpu.memory_space<vmem>>
        %dma_start3A_804 = tpu.memref_squeeze %dma_start3A_803 : memref<1x1x128xi32, #tpu.memory_space<vmem>> -> memref<128xi32, #tpu.memory_space<vmem>>
        %dma_start3A_805 = arith.constant 0 : i32
        %dma_start3A_806 = tpu.memref_slice %arg2[%add3A_799, %dma_start3A_805] : memref<16384x200xi32, #tpu.memory_space<hbm>> -> memref<1x128xi32, #tpu.memory_space<hbm>>
        %dma_start3A_807 = tpu.memref_squeeze %dma_start3A_806 : memref<1x128xi32, #tpu.memory_space<hbm>> -> memref<128xi32, #tpu.memory_space<hbm>>
        %dma_start3A_808 = arith.constant 0 : i32
        %dma_start3A_809 = tpu.memref_slice %arg5[%dma_start3A_800, %dma_start3A_801, %dma_start3A_808] : memref<4x2x128xi32, #tpu.memory_space<vmem>> -> memref<1x1x128xi32, #tpu.memory_space<vmem>>
        %dma_start3A_810 = tpu.memref_squeeze %dma_start3A_809 : memref<1x1x128xi32, #tpu.memory_space<vmem>> -> memref<128xi32, #tpu.memory_space<vmem>>
        %dma_start3A_811 = arith.constant 0 : i32
        %dma_start3A_812 = tpu.memref_slice %arg2[%add3A_799, %dma_start3A_811] : memref<16384x200xi32, #tpu.memory_space<hbm>> -> memref<1x128xi32, #tpu.memory_space<hbm>>
        %dma_start3A_813 = tpu.memref_squeeze %dma_start3A_812 : memref<1x128xi32, #tpu.memory_space<hbm>> -> memref<128xi32, #tpu.memory_space<hbm>>
        tpu.enqueue_dma source(%dma_start3A_813 : memref<128xi32, #tpu.memory_space<hbm>>) target(%dma_start3A_810 : memref<128xi32, #tpu.memory_space<vmem>>) target_semaphore(%arg12 : memref<!tpu.dma_semaphore, #tpu.memory_space<semaphore_mem>>)
        %dma_start3A_814 = arith.constant 1 : i32
        %dma_start3A_815 = arith.constant 0 : i32
        %dma_start3A_816 = arith.constant 0 : i32
        %dma_start3A_817 = tpu.memref_slice %arg6[%dma_start3A_814, %dma_start3A_815, %dma_start3A_816] : memref<4x2x72xi32, #tpu.memory_space<vmem>> -> memref<1x1x72xi32, #tpu.memory_space<vmem>>
        %dma_start3A_818 = tpu.memref_squeeze %dma_start3A_817 : memref<1x1x72xi32, #tpu.memory_space<vmem>> -> memref<72xi32, #tpu.memory_space<vmem>>
        %dma_start3A_819 = arith.constant 128 : i32
        %dma_start3A_820 = tpu.memref_slice %arg2[%add3A_799, %dma_start3A_819] : memref<16384x200xi32, #tpu.memory_space<hbm>> -> memref<1x72xi32, #tpu.memory_space<hbm>>
        %dma_start3A_821 = tpu.memref_squeeze %dma_start3A_820 : memref<1x72xi32, #tpu.memory_space<hbm>> -> memref<72xi32, #tpu.memory_space<hbm>>
        %dma_start3A_822 = arith.constant 0 : i32
        %dma_start3A_823 = tpu.memref_slice %arg6[%dma_start3A_814, %dma_start3A_815, %dma_start3A_822] : memref<4x2x72xi32, #tpu.memory_space<vmem>> -> memref<1x1x72xi32, #tpu.memory_space<vmem>>
        %dma_start3A_824 = tpu.memref_squeeze %dma_start3A_823 : memref<1x1x72xi32, #tpu.memory_space<vmem>> -> memref<72xi32, #tpu.memory_space<vmem>>
        %dma_start3A_825 = arith.constant 128 : i32
        %dma_start3A_826 = tpu.memref_slice %arg2[%add3A_799, %dma_start3A_825] : memref<16384x200xi32, #tpu.memory_space<hbm>> -> memref<1x72xi32, #tpu.memory_space<hbm>>
        %dma_start3A_827 = tpu.memref_squeeze %dma_start3A_826 : memref<1x72xi32, #tpu.memory_space<hbm>> -> memref<72xi32, #tpu.memory_space<hbm>>
        tpu.enqueue_dma source(%dma_start3A_827 : memref<72xi32, #tpu.memory_space<hbm>>) target(%dma_start3A_824 : memref<72xi32, #tpu.memory_space<vmem>>) target_semaphore(%arg12 : memref<!tpu.dma_semaphore, #tpu.memory_space<semaphore_mem>>)
        %mul3A_828 = arith.constant 2 : i32
        %mul3A_829 = arith.muli %add3A_794, %mul3A_828 : i32
        %add3A_830 = arith.addi %mul3A_2, %mul3A_829 : i32
        %add3A_831 = arith.constant 1 : i32
        %add3A_832 = arith.addi %add3A_830, %add3A_831 : i32
        %dma_start3A_833 = arith.constant 1 : i32
        %dma_start3A_834 = arith.constant 1 : i32
        %dma_start3A_835 = arith.constant 0 : i32
        %dma_start3A_836 = tpu.memref_slice %arg5[%dma_start3A_833, %dma_start3A_834, %dma_start3A_835] : memref<4x2x128xi32, #tpu.memory_space<vmem>> -> memref<1x1x128xi32, #tpu.memory_space<vmem>>
        %dma_start3A_837 = tpu.memref_squeeze %dma_start3A_836 : memref<1x1x128xi32, #tpu.memory_space<vmem>> -> memref<128xi32, #tpu.memory_space<vmem>>
        %dma_start3A_838 = arith.constant 0 : i32
        %dma_start3A_839 = tpu.memref_slice %arg2[%add3A_832, %dma_start3A_838] : memref<16384x200xi32, #tpu.memory_space<hbm>> -> memref<1x128xi32, #tpu.memory_space<hbm>>
        %dma_start3A_840 = tpu.memref_squeeze %dma_start3A_839 : memref<1x128xi32, #tpu.memory_space<hbm>> -> memref<128xi32, #tpu.memory_space<hbm>>
        %dma_start3A_841 = arith.constant 0 : i32
        %dma_start3A_842 = tpu.memref_slice %arg5[%dma_start3A_833, %dma_start3A_834, %dma_start3A_841] : memref<4x2x128xi32, #tpu.memory_space<vmem>> -> memref<1x1x128xi32, #tpu.memory_space<vmem>>
        %dma_start3A_843 = tpu.memref_squeeze %dma_start3A_842 : memref<1x1x128xi32, #tpu.memory_space<vmem>> -> memref<128xi32, #tpu.memory_space<vmem>>
        %dma_start3A_844 = arith.constant 0 : i32
        %dma_start3A_845 = tpu.memref_slice %arg2[%add3A_832, %dma_start3A_844] : memref<16384x200xi32, #tpu.memory_space<hbm>> -> memref<1x128xi32, #tpu.memory_space<hbm>>
        %dma_start3A_846 = tpu.memref_squeeze %dma_start3A_845 : memref<1x128xi32, #tpu.memory_space<hbm>> -> memref<128xi32, #tpu.memory_space<hbm>>
        tpu.enqueue_dma source(%dma_start3A_846 : memref<128xi32, #tpu.memory_space<hbm>>) target(%dma_start3A_843 : memref<128xi32, #tpu.memory_space<vmem>>) target_semaphore(%arg12 : memref<!tpu.dma_semaphore, #tpu.memory_space<semaphore_mem>>)
        %dma_start3A_847 = arith.constant 1 : i32
        %dma_start3A_848 = arith.constant 1 : i32
        %dma_start3A_849 = arith.constant 0 : i32
        %dma_start3A_850 = tpu.memref_slice %arg6[%dma_start3A_847, %dma_start3A_848, %dma_start3A_849] : memref<4x2x72xi32, #tpu.memory_space<vmem>> -> memref<1x1x72xi32, #tpu.memory_space<vmem>>
        %dma_start3A_851 = tpu.memref_squeeze %dma_start3A_850 : memref<1x1x72xi32, #tpu.memory_space<vmem>> -> memref<72xi32, #tpu.memory_space<vmem>>
        %dma_start3A_852 = arith.constant 128 : i32
        %dma_start3A_853 = tpu.memref_slice %arg2[%add3A_832, %dma_start3A_852] : memref<16384x200xi32, #tpu.memory_space<hbm>> -> memref<1x72xi32, #tpu.memory_space<hbm>>
        %dma_start3A_854 = tpu.memref_squeeze %dma_start3A_853 : memref<1x72xi32, #tpu.memory_space<hbm>> -> memref<72xi32, #tpu.memory_space<hbm>>
        %dma_start3A_855 = arith.constant 0 : i32
        %dma_start3A_856 = tpu.memref_slice %arg6[%dma_start3A_847, %dma_start3A_848, %dma_start3A_855] : memref<4x2x72xi32, #tpu.memory_space<vmem>> -> memref<1x1x72xi32, #tpu.memory_space<vmem>>
        %dma_start3A_857 = tpu.memref_squeeze %dma_start3A_856 : memref<1x1x72xi32, #tpu.memory_space<vmem>> -> memref<72xi32, #tpu.memory_space<vmem>>
        %dma_start3A_858 = arith.constant 128 : i32
        %dma_start3A_859 = tpu.memref_slice %arg2[%add3A_832, %dma_start3A_858] : memref<16384x200xi32, #tpu.memory_space<hbm>> -> memref<1x72xi32, #tpu.memory_space<hbm>>
        %dma_start3A_860 = tpu.memref_squeeze %dma_start3A_859 : memref<1x72xi32, #tpu.memory_space<hbm>> -> memref<72xi32, #tpu.memory_space<hbm>>
        tpu.enqueue_dma source(%dma_start3A_860 : memref<72xi32, #tpu.memory_space<hbm>>) target(%dma_start3A_857 : memref<72xi32, #tpu.memory_space<vmem>>) target_semaphore(%arg12 : memref<!tpu.dma_semaphore, #tpu.memory_space<semaphore_mem>>)
      } else {
      }
      %broadcast_in_dim3A_427 = arith.constant 0.000000e+00 : f32
      %broadcast_in_dim3A_428 = vector.broadcast %broadcast_in_dim3A_427 : f32 to vector<16xf32>
      %broadcast_in_dim3A_429 = arith.constant 0.000000e+00 : f32
      %broadcast_in_dim3A_430 = vector.broadcast %broadcast_in_dim3A_429 : f32 to vector<16xf32>
      %broadcast_in_dim3A_431 = arith.constant 0.000000e+00 : f32
      %broadcast_in_dim3A_432 = vector.broadcast %broadcast_in_dim3A_431 : f32 to vector<16xf32>
      %broadcast_in_dim3A_433 = arith.constant 0.000000e+00 : f32
      %broadcast_in_dim3A_434 = vector.broadcast %broadcast_in_dim3A_433 : f32 to vector<16xf32>
      %scan3A_435 = arith.constant 0 : i32
      %scan3A_436 = arith.constant 200 : i32
      %scan3A_437 = arith.addi %scan3A_435, %scan3A_436 : i32
      %scan3A_438 = arith.constant 8 : i32
      %scan3A_439:4 = scf.for %scan3A_793 = %scan3A_435 to %scan3A_437 step %scan3A_438 iter_args(%scan3A_794 = %broadcast_in_dim3A_428, %scan3A_795 = %broadcast_in_dim3A_430, %scan3A_796 = %broadcast_in_dim3A_432, %scan3A_797 = %broadcast_in_dim3A_434) -> (vector<16xf32>, vector<16xf32>, vector<16xf32>, vector<16xf32>)  : i32 {
        %add3A_798 = arith.constant 0 : i32
        %add3A_799 = arith.addi %add3A_798, %scan3A_793 : i32
        %get3A = arith.constant 1 : i32
        %get3A_800 = arith.index_cast %get3A : i32 to index
        %get3A_801 = arith.index_cast %add3A_799 : i32 to index
        %get3A_802 = arith.constant 0 : index
        %get3A_803 = tpu.vector_load %arg7[%get3A_800, %get3A_801, %get3A_802] {strides = array<i32>} : memref<2x400x64xf32, #tpu.memory_space<vmem>>, vector<1x1x16xf32>,
        %get3A_804 = vector.shape_cast %get3A_803 : vector<1x1x16xf32> to vector<16xf32>
        %add3A_805 = arith.addf %scan3A_794, %get3A_804 : vector<16xf32>
        %add3A_806 = arith.constant 0 : i32
        %add3A_807 = arith.addi %add3A_806, %scan3A_793 : i32
        %get3A_808 = arith.constant 1 : i32
        %get3A_809 = arith.index_cast %get3A_808 : i32 to index
        %get3A_810 = arith.index_cast %add3A_807 : i32 to index
        %get3A_811 = arith.constant 16 : index
        %get3A_812 = tpu.vector_load %arg7[%get3A_809, %get3A_810, %get3A_811] {strides = array<i32>} : memref<2x400x64xf32, #tpu.memory_space<vmem>>, vector<1x1x16xf32>,
        %get3A_813 = vector.shape_cast %get3A_812 : vector<1x1x16xf32> to vector<16xf32>
        %add3A_814 = arith.addf %scan3A_795, %get3A_813 : vector<16xf32>
        %add3A_815 = arith.constant 0 : i32
        %add3A_816 = arith.addi %add3A_815, %scan3A_793 : i32
        %get3A_817 = arith.constant 1 : i32
        %get3A_818 = arith.index_cast %get3A_817 : i32 to index
        %get3A_819 = arith.index_cast %add3A_816 : i32 to index
        %get3A_820 = arith.constant 32 : index
        %get3A_821 = tpu.vector_load %arg7[%get3A_818, %get3A_819, %get3A_820] {strides = array<i32>} : memref<2x400x64xf32, #tpu.memory_space<vmem>>, vector<1x1x16xf32>,
        %get3A_822 = vector.shape_cast %get3A_821 : vector<1x1x16xf32> to vector<16xf32>
        %add3A_823 = arith.addf %scan3A_796, %get3A_822 : vector<16xf32>
        %add3A_824 = arith.constant 0 : i32
        %add3A_825 = arith.addi %add3A_824, %scan3A_793 : i32
        %get3A_826 = arith.constant 1 : i32
        %get3A_827 = arith.index_cast %get3A_826 : i32 to index
        %get3A_828 = arith.index_cast %add3A_825 : i32 to index
        %get3A_829 = arith.constant 48 : index
        %get3A_830 = tpu.vector_load %arg7[%get3A_827, %get3A_828, %get3A_829] {strides = array<i32>} : memref<2x400x64xf32, #tpu.memory_space<vmem>>, vector<1x1x16xf32>,
        %get3A_831 = vector.shape_cast %get3A_830 : vector<1x1x16xf32> to vector<16xf32>
        %add3A_832 = arith.addf %scan3A_797, %get3A_831 : vector<16xf32>
        %scan3A_833 = arith.constant 1 : i32
        %scan3A_834 = arith.addi %scan3A_793, %scan3A_833 : i32
        %add3A_835 = arith.constant 0 : i32
        %add3A_836 = arith.addi %add3A_835, %scan3A_834 : i32
        %get3A_837 = arith.constant 1 : i32
        %get3A_838 = arith.index_cast %get3A_837 : i32 to index
        %get3A_839 = arith.index_cast %add3A_836 : i32 to index
        %get3A_840 = arith.constant 0 : index
        %get3A_841 = tpu.vector_load %arg7[%get3A_838, %get3A_839, %get3A_840] {strides = array<i32>} : memref<2x400x64xf32, #tpu.memory_space<vmem>>, vector<1x1x16xf32>,
        %get3A_842 = vector.shape_cast %get3A_841 : vector<1x1x16xf32> to vector<16xf32>
        %add3A_843 = arith.addf %add3A_805, %get3A_842 : vector<16xf32>
        %add3A_844 = arith.constant 0 : i32
        %add3A_845 = arith.addi %add3A_844, %scan3A_834 : i32
        %get3A_846 = arith.constant 1 : i32
        %get3A_847 = arith.index_cast %get3A_846 : i32 to index
        %get3A_848 = arith.index_cast %add3A_845 : i32 to index
        %get3A_849 = arith.constant 16 : index
        %get3A_850 = tpu.vector_load %arg7[%get3A_847, %get3A_848, %get3A_849] {strides = array<i32>} : memref<2x400x64xf32, #tpu.memory_space<vmem>>, vector<1x1x16xf32>,
        %get3A_851 = vector.shape_cast %get3A_850 : vector<1x1x16xf32> to vector<16xf32>
        %add3A_852 = arith.addf %add3A_814, %get3A_851 : vector<16xf32>
        %add3A_853 = arith.constant 0 : i32
        %add3A_854 = arith.addi %add3A_853, %scan3A_834 : i32
        %get3A_855 = arith.constant 1 : i32
        %get3A_856 = arith.index_cast %get3A_855 : i32 to index
        %get3A_857 = arith.index_cast %add3A_854 : i32 to index
        %get3A_858 = arith.constant 32 : index
        %get3A_859 = tpu.vector_load %arg7[%get3A_856, %get3A_857, %get3A_858] {strides = array<i32>} : memref<2x400x64xf32, #tpu.memory_space<vmem>>, vector<1x1x16xf32>,
        %get3A_860 = vector.shape_cast %get3A_859 : vector<1x1x16xf32> to vector<16xf32>
        %add3A_861 = arith.addf %add3A_823, %get3A_860 : vector<16xf32>
        %add3A_862 = arith.constant 0 : i32
        %add3A_863 = arith.addi %add3A_862, %scan3A_834 : i32
        %get3A_864 = arith.constant 1 : i32
        %get3A_865 = arith.index_cast %get3A_864 : i32 to index
        %get3A_866 = arith.index_cast %add3A_863 : i32 to index
        %get3A_867 = arith.constant 48 : index
        %get3A_868 = tpu.vector_load %arg7[%get3A_865, %get3A_866, %get3A_867] {strides = array<i32>} : memref<2x400x64xf32, #tpu.memory_space<vmem>>, vector<1x1x16xf32>,
        %get3A_869 = vector.shape_cast %get3A_868 : vector<1x1x16xf32> to vector<16xf32>
        %add3A_870 = arith.addf %add3A_832, %get3A_869 : vector<16xf32>
        %scan3A_871 = arith.constant 2 : i32
        %scan3A_872 = arith.addi %scan3A_793, %scan3A_871 : i32
        %add3A_873 = arith.constant 0 : i32
        %add3A_874 = arith.addi %add3A_873, %scan3A_872 : i32
        %get3A_875 = arith.constant 1 : i32
        %get3A_876 = arith.index_cast %get3A_875 : i32 to index
        %get3A_877 = arith.index_cast %add3A_874 : i32 to index
        %get3A_878 = arith.constant 0 : index
        %get3A_879 = tpu.vector_load %arg7[%get3A_876, %get3A_877, %get3A_878] {strides = array<i32>} : memref<2x400x64xf32, #tpu.memory_space<vmem>>, vector<1x1x16xf32>,
        %get3A_880 = vector.shape_cast %get3A_879 : vector<1x1x16xf32> to vector<16xf32>
        %add3A_881 = arith.addf %add3A_843, %get3A_880 : vector<16xf32>
        %add3A_882 = arith.constant 0 : i32
        %add3A_883 = arith.addi %add3A_882, %scan3A_872 : i32
        %get3A_884 = arith.constant 1 : i32
        %get3A_885 = arith.index_cast %get3A_884 : i32 to index
        %get3A_886 = arith.index_cast %add3A_883 : i32 to index
        %get3A_887 = arith.constant 16 : index
        %get3A_888 = tpu.vector_load %arg7[%get3A_885, %get3A_886, %get3A_887] {strides = array<i32>} : memref<2x400x64xf32, #tpu.memory_space<vmem>>, vector<1x1x16xf32>,
        %get3A_889 = vector.shape_cast %get3A_888 : vector<1x1x16xf32> to vector<16xf32>
        %add3A_890 = arith.addf %add3A_852, %get3A_889 : vector<16xf32>
        %add3A_891 = arith.constant 0 : i32
        %add3A_892 = arith.addi %add3A_891, %scan3A_872 : i32
        %get3A_893 = arith.constant 1 : i32
        %get3A_894 = arith.index_cast %get3A_893 : i32 to index
        %get3A_895 = arith.index_cast %add3A_892 : i32 to index
        %get3A_896 = arith.constant 32 : index
        %get3A_897 = tpu.vector_load %arg7[%get3A_894, %get3A_895, %get3A_896] {strides = array<i32>} : memref<2x400x64xf32, #tpu.memory_space<vmem>>, vector<1x1x16xf32>,
        %get3A_898 = vector.shape_cast %get3A_897 : vector<1x1x16xf32> to vector<16xf32>
        %add3A_899 = arith.addf %add3A_861, %get3A_898 : vector<16xf32>
        %add3A_900 = arith.constant 0 : i32
        %add3A_901 = arith.addi %add3A_900, %scan3A_872 : i32
        %get3A_902 = arith.constant 1 : i32
        %get3A_903 = arith.index_cast %get3A_902 : i32 to index
        %get3A_904 = arith.index_cast %add3A_901 : i32 to index
        %get3A_905 = arith.constant 48 : index
        %get3A_906 = tpu.vector_load %arg7[%get3A_903, %get3A_904, %get3A_905] {strides = array<i32>} : memref<2x400x64xf32, #tpu.memory_space<vmem>>, vector<1x1x16xf32>,
        %get3A_907 = vector.shape_cast %get3A_906 : vector<1x1x16xf32> to vector<16xf32>
        %add3A_908 = arith.addf %add3A_870, %get3A_907 : vector<16xf32>
        %scan3A_909 = arith.constant 3 : i32
        %scan3A_910 = arith.addi %scan3A_793, %scan3A_909 : i32
        %add3A_911 = arith.constant 0 : i32
        %add3A_912 = arith.addi %add3A_911, %scan3A_910 : i32
        %get3A_913 = arith.constant 1 : i32
        %get3A_914 = arith.index_cast %get3A_913 : i32 to index
        %get3A_915 = arith.index_cast %add3A_912 : i32 to index
        %get3A_916 = arith.constant 0 : index
        %get3A_917 = tpu.vector_load %arg7[%get3A_914, %get3A_915, %get3A_916] {strides = array<i32>} : memref<2x400x64xf32, #tpu.memory_space<vmem>>, vector<1x1x16xf32>,
        %get3A_918 = vector.shape_cast %get3A_917 : vector<1x1x16xf32> to vector<16xf32>
        %add3A_919 = arith.addf %add3A_881, %get3A_918 : vector<16xf32>
        %add3A_920 = arith.constant 0 : i32
        %add3A_921 = arith.addi %add3A_920, %scan3A_910 : i32
        %get3A_922 = arith.constant 1 : i32
        %get3A_923 = arith.index_cast %get3A_922 : i32 to index
        %get3A_924 = arith.index_cast %add3A_921 : i32 to index
        %get3A_925 = arith.constant 16 : index
        %get3A_926 = tpu.vector_load %arg7[%get3A_923, %get3A_924, %get3A_925] {strides = array<i32>} : memref<2x400x64xf32, #tpu.memory_space<vmem>>, vector<1x1x16xf32>,
        %get3A_927 = vector.shape_cast %get3A_926 : vector<1x1x16xf32> to vector<16xf32>
        %add3A_928 = arith.addf %add3A_890, %get3A_927 : vector<16xf32>
        %add3A_929 = arith.constant 0 : i32
        %add3A_930 = arith.addi %add3A_929, %scan3A_910 : i32
        %get3A_931 = arith.constant 1 : i32
        %get3A_932 = arith.index_cast %get3A_931 : i32 to index
        %get3A_933 = arith.index_cast %add3A_930 : i32 to index
        %get3A_934 = arith.constant 32 : index
        %get3A_935 = tpu.vector_load %arg7[%get3A_932, %get3A_933, %get3A_934] {strides = array<i32>} : memref<2x400x64xf32, #tpu.memory_space<vmem>>, vector<1x1x16xf32>,
        %get3A_936 = vector.shape_cast %get3A_935 : vector<1x1x16xf32> to vector<16xf32>
        %add3A_937 = arith.addf %add3A_899, %get3A_936 : vector<16xf32>
        %add3A_938 = arith.constant 0 : i32
        %add3A_939 = arith.addi %add3A_938, %scan3A_910 : i32
        %get3A_940 = arith.constant 1 : i32
        %get3A_941 = arith.index_cast %get3A_940 : i32 to index
        %get3A_942 = arith.index_cast %add3A_939 : i32 to index
        %get3A_943 = arith.constant 48 : index
        %get3A_944 = tpu.vector_load %arg7[%get3A_941, %get3A_942, %get3A_943] {strides = array<i32>} : memref<2x400x64xf32, #tpu.memory_space<vmem>>, vector<1x1x16xf32>,
        %get3A_945 = vector.shape_cast %get3A_944 : vector<1x1x16xf32> to vector<16xf32>
        %add3A_946 = arith.addf %add3A_908, %get3A_945 : vector<16xf32>
        %scan3A_947 = arith.constant 4 : i32
        %scan3A_948 = arith.addi %scan3A_793, %scan3A_947 : i32
        %add3A_949 = arith.constant 0 : i32
        %add3A_950 = arith.addi %add3A_949, %scan3A_948 : i32
        %get3A_951 = arith.constant 1 : i32
        %get3A_952 = arith.index_cast %get3A_951 : i32 to index
        %get3A_953 = arith.index_cast %add3A_950 : i32 to index
        %get3A_954 = arith.constant 0 : index
        %get3A_955 = tpu.vector_load %arg7[%get3A_952, %get3A_953, %get3A_954] {strides = array<i32>} : memref<2x400x64xf32, #tpu.memory_space<vmem>>, vector<1x1x16xf32>,
        %get3A_956 = vector.shape_cast %get3A_955 : vector<1x1x16xf32> to vector<16xf32>
        %add3A_957 = arith.addf %add3A_919, %get3A_956 : vector<16xf32>
        %add3A_958 = arith.constant 0 : i32
        %add3A_959 = arith.addi %add3A_958, %scan3A_948 : i32
        %get3A_960 = arith.constant 1 : i32
        %get3A_961 = arith.index_cast %get3A_960 : i32 to index
        %get3A_962 = arith.index_cast %add3A_959 : i32 to index
        %get3A_963 = arith.constant 16 : index
        %get3A_964 = tpu.vector_load %arg7[%get3A_961, %get3A_962, %get3A_963] {strides = array<i32>} : memref<2x400x64xf32, #tpu.memory_space<vmem>>, vector<1x1x16xf32>,
        %get3A_965 = vector.shape_cast %get3A_964 : vector<1x1x16xf32> to vector<16xf32>
        %add3A_966 = arith.addf %add3A_928, %get3A_965 : vector<16xf32>
        %add3A_967 = arith.constant 0 : i32
        %add3A_968 = arith.addi %add3A_967, %scan3A_948 : i32
        %get3A_969 = arith.constant 1 : i32
        %get3A_970 = arith.index_cast %get3A_969 : i32 to index
        %get3A_971 = arith.index_cast %add3A_968 : i32 to index
        %get3A_972 = arith.constant 32 : index
        %get3A_973 = tpu.vector_load %arg7[%get3A_970, %get3A_971, %get3A_972] {strides = array<i32>} : memref<2x400x64xf32, #tpu.memory_space<vmem>>, vector<1x1x16xf32>,
        %get3A_974 = vector.shape_cast %get3A_973 : vector<1x1x16xf32> to vector<16xf32>
        %add3A_975 = arith.addf %add3A_937, %get3A_974 : vector<16xf32>
        %add3A_976 = arith.constant 0 : i32
        %add3A_977 = arith.addi %add3A_976, %scan3A_948 : i32
        %get3A_978 = arith.constant 1 : i32
        %get3A_979 = arith.index_cast %get3A_978 : i32 to index
        %get3A_980 = arith.index_cast %add3A_977 : i32 to index
        %get3A_981 = arith.constant 48 : index
        %get3A_982 = tpu.vector_load %arg7[%get3A_979, %get3A_980, %get3A_981] {strides = array<i32>} : memref<2x400x64xf32, #tpu.memory_space<vmem>>, vector<1x1x16xf32>,
        %get3A_983 = vector.shape_cast %get3A_982 : vector<1x1x16xf32> to vector<16xf32>
        %add3A_984 = arith.addf %add3A_946, %get3A_983 : vector<16xf32>
        %scan3A_985 = arith.constant 5 : i32
        %scan3A_986 = arith.addi %scan3A_793, %scan3A_985 : i32
        %add3A_987 = arith.constant 0 : i32
        %add3A_988 = arith.addi %add3A_987, %scan3A_986 : i32
        %get3A_989 = arith.constant 1 : i32
        %get3A_990 = arith.index_cast %get3A_989 : i32 to index
        %get3A_991 = arith.index_cast %add3A_988 : i32 to index
        %get3A_992 = arith.constant 0 : index
        %get3A_993 = tpu.vector_load %arg7[%get3A_990, %get3A_991, %get3A_992] {strides = array<i32>} : memref<2x400x64xf32, #tpu.memory_space<vmem>>, vector<1x1x16xf32>,
        %get3A_994 = vector.shape_cast %get3A_993 : vector<1x1x16xf32> to vector<16xf32>
        %add3A_995 = arith.addf %add3A_957, %get3A_994 : vector<16xf32>
        %add3A_996 = arith.constant 0 : i32
        %add3A_997 = arith.addi %add3A_996, %scan3A_986 : i32
        %get3A_998 = arith.constant 1 : i32
        %get3A_999 = arith.index_cast %get3A_998 : i32 to index
        %get3A_1000 = arith.index_cast %add3A_997 : i32 to index
        %get3A_1001 = arith.constant 16 : index
        %get3A_1002 = tpu.vector_load %arg7[%get3A_999, %get3A_1000, %get3A_1001] {strides = array<i32>} : memref<2x400x64xf32, #tpu.memory_space<vmem>>, vector<1x1x16xf32>,
        %get3A_1003 = vector.shape_cast %get3A_1002 : vector<1x1x16xf32> to vector<16xf32>
        %add3A_1004 = arith.addf %add3A_966, %get3A_1003 : vector<16xf32>
        %add3A_1005 = arith.constant 0 : i32
        %add3A_1006 = arith.addi %add3A_1005, %scan3A_986 : i32
        %get3A_1007 = arith.constant 1 : i32
        %get3A_1008 = arith.index_cast %get3A_1007 : i32 to index
        %get3A_1009 = arith.index_cast %add3A_1006 : i32 to index
        %get3A_1010 = arith.constant 32 : index
        %get3A_1011 = tpu.vector_load %arg7[%get3A_1008, %get3A_1009, %get3A_1010] {strides = array<i32>} : memref<2x400x64xf32, #tpu.memory_space<vmem>>, vector<1x1x16xf32>,
        %get3A_1012 = vector.shape_cast %get3A_1011 : vector<1x1x16xf32> to vector<16xf32>
        %add3A_1013 = arith.addf %add3A_975, %get3A_1012 : vector<16xf32>
        %add3A_1014 = arith.constant 0 : i32
        %add3A_1015 = arith.addi %add3A_1014, %scan3A_986 : i32
        %get3A_1016 = arith.constant 1 : i32
        %get3A_1017 = arith.index_cast %get3A_1016 : i32 to index
        %get3A_1018 = arith.index_cast %add3A_1015 : i32 to index
        %get3A_1019 = arith.constant 48 : index
        %get3A_1020 = tpu.vector_load %arg7[%get3A_1017, %get3A_1018, %get3A_1019] {strides = array<i32>} : memref<2x400x64xf32, #tpu.memory_space<vmem>>, vector<1x1x16xf32>,
        %get3A_1021 = vector.shape_cast %get3A_1020 : vector<1x1x16xf32> to vector<16xf32>
        %add3A_1022 = arith.addf %add3A_984, %get3A_1021 : vector<16xf32>
        %scan3A_1023 = arith.constant 6 : i32
        %scan3A_1024 = arith.addi %scan3A_793, %scan3A_1023 : i32
        %add3A_1025 = arith.constant 0 : i32
        %add3A_1026 = arith.addi %add3A_1025, %scan3A_1024 : i32
        %get3A_1027 = arith.constant 1 : i32
        %get3A_1028 = arith.index_cast %get3A_1027 : i32 to index
        %get3A_1029 = arith.index_cast %add3A_1026 : i32 to index
        %get3A_1030 = arith.constant 0 : index
        %get3A_1031 = tpu.vector_load %arg7[%get3A_1028, %get3A_1029, %get3A_1030] {strides = array<i32>} : memref<2x400x64xf32, #tpu.memory_space<vmem>>, vector<1x1x16xf32>,
        %get3A_1032 = vector.shape_cast %get3A_1031 : vector<1x1x16xf32> to vector<16xf32>
        %add3A_1033 = arith.addf %add3A_995, %get3A_1032 : vector<16xf32>
        %add3A_1034 = arith.constant 0 : i32
        %add3A_1035 = arith.addi %add3A_1034, %scan3A_1024 : i32
        %get3A_1036 = arith.constant 1 : i32
        %get3A_1037 = arith.index_cast %get3A_1036 : i32 to index
        %get3A_1038 = arith.index_cast %add3A_1035 : i32 to index
        %get3A_1039 = arith.constant 16 : index
        %get3A_1040 = tpu.vector_load %arg7[%get3A_1037, %get3A_1038, %get3A_1039] {strides = array<i32>} : memref<2x400x64xf32, #tpu.memory_space<vmem>>, vector<1x1x16xf32>,
        %get3A_1041 = vector.shape_cast %get3A_1040 : vector<1x1x16xf32> to vector<16xf32>
        %add3A_1042 = arith.addf %add3A_1004, %get3A_1041 : vector<16xf32>
        %add3A_1043 = arith.constant 0 : i32
        %add3A_1044 = arith.addi %add3A_1043, %scan3A_1024 : i32
        %get3A_1045 = arith.constant 1 : i32
        %get3A_1046 = arith.index_cast %get3A_1045 : i32 to index
        %get3A_1047 = arith.index_cast %add3A_1044 : i32 to index
        %get3A_1048 = arith.constant 32 : index
        %get3A_1049 = tpu.vector_load %arg7[%get3A_1046, %get3A_1047, %get3A_1048] {strides = array<i32>} : memref<2x400x64xf32, #tpu.memory_space<vmem>>, vector<1x1x16xf32>,
        %get3A_1050 = vector.shape_cast %get3A_1049 : vector<1x1x16xf32> to vector<16xf32>
        %add3A_1051 = arith.addf %add3A_1013, %get3A_1050 : vector<16xf32>
        %add3A_1052 = arith.constant 0 : i32
        %add3A_1053 = arith.addi %add3A_1052, %scan3A_1024 : i32
        %get3A_1054 = arith.constant 1 : i32
        %get3A_1055 = arith.index_cast %get3A_1054 : i32 to index
        %get3A_1056 = arith.index_cast %add3A_1053 : i32 to index
        %get3A_1057 = arith.constant 48 : index
        %get3A_1058 = tpu.vector_load %arg7[%get3A_1055, %get3A_1056, %get3A_1057] {strides = array<i32>} : memref<2x400x64xf32, #tpu.memory_space<vmem>>, vector<1x1x16xf32>,
        %get3A_1059 = vector.shape_cast %get3A_1058 : vector<1x1x16xf32> to vector<16xf32>
        %add3A_1060 = arith.addf %add3A_1022, %get3A_1059 : vector<16xf32>
        %scan3A_1061 = arith.constant 7 : i32
        %scan3A_1062 = arith.addi %scan3A_793, %scan3A_1061 : i32
        %add3A_1063 = arith.constant 0 : i32
        %add3A_1064 = arith.addi %add3A_1063, %scan3A_1062 : i32
        %get3A_1065 = arith.constant 1 : i32
        %get3A_1066 = arith.index_cast %get3A_1065 : i32 to index
        %get3A_1067 = arith.index_cast %add3A_1064 : i32 to index
        %get3A_1068 = arith.constant 0 : index
        %get3A_1069 = tpu.vector_load %arg7[%get3A_1066, %get3A_1067, %get3A_1068] {strides = array<i32>} : memref<2x400x64xf32, #tpu.memory_space<vmem>>, vector<1x1x16xf32>,
        %get3A_1070 = vector.shape_cast %get3A_1069 : vector<1x1x16xf32> to vector<16xf32>
        %add3A_1071 = arith.addf %add3A_1033, %get3A_1070 : vector<16xf32>
        %add3A_1072 = arith.constant 0 : i32
        %add3A_1073 = arith.addi %add3A_1072, %scan3A_1062 : i32
        %get3A_1074 = arith.constant 1 : i32
        %get3A_1075 = arith.index_cast %get3A_1074 : i32 to index
        %get3A_1076 = arith.index_cast %add3A_1073 : i32 to index
        %get3A_1077 = arith.constant 16 : index
        %get3A_1078 = tpu.vector_load %arg7[%get3A_1075, %get3A_1076, %get3A_1077] {strides = array<i32>} : memref<2x400x64xf32, #tpu.memory_space<vmem>>, vector<1x1x16xf32>,
        %get3A_1079 = vector.shape_cast %get3A_1078 : vector<1x1x16xf32> to vector<16xf32>
        %add3A_1080 = arith.addf %add3A_1042, %get3A_1079 : vector<16xf32>
        %add3A_1081 = arith.constant 0 : i32
        %add3A_1082 = arith.addi %add3A_1081, %scan3A_1062 : i32
        %get3A_1083 = arith.constant 1 : i32
        %get3A_1084 = arith.index_cast %get3A_1083 : i32 to index
        %get3A_1085 = arith.index_cast %add3A_1082 : i32 to index
        %get3A_1086 = arith.constant 32 : index
        %get3A_1087 = tpu.vector_load %arg7[%get3A_1084, %get3A_1085, %get3A_1086] {strides = array<i32>} : memref<2x400x64xf32, #tpu.memory_space<vmem>>, vector<1x1x16xf32>,
        %get3A_1088 = vector.shape_cast %get3A_1087 : vector<1x1x16xf32> to vector<16xf32>
        %add3A_1089 = arith.addf %add3A_1051, %get3A_1088 : vector<16xf32>
        %add3A_1090 = arith.constant 0 : i32
        %add3A_1091 = arith.addi %add3A_1090, %scan3A_1062 : i32
        %get3A_1092 = arith.constant 1 : i32
        %get3A_1093 = arith.index_cast %get3A_1092 : i32 to index
        %get3A_1094 = arith.index_cast %add3A_1091 : i32 to index
        %get3A_1095 = arith.constant 48 : index
        %get3A_1096 = tpu.vector_load %arg7[%get3A_1093, %get3A_1094, %get3A_1095] {strides = array<i32>} : memref<2x400x64xf32, #tpu.memory_space<vmem>>, vector<1x1x16xf32>,
        %get3A_1097 = vector.shape_cast %get3A_1096 : vector<1x1x16xf32> to vector<16xf32>
        %add3A_1098 = arith.addf %add3A_1060, %get3A_1097 : vector<16xf32>
        scf.yield %add3A_1071, %add3A_1080, %add3A_1089, %add3A_1098 : vector<16xf32>, vector<16xf32>, vector<16xf32>, vector<16xf32>
      }
      %scan3A_440 = arith.constant 200 : i32
      %mul3A_441 = arith.constant 2 : i32
      %mul3A_442 = arith.muli %add3A_397, %mul3A_441 : i32
      %add3A_443 = arith.constant 0 : i32
      %add3A_444 = arith.addi %mul3A_442, %add3A_443 : i32
      %swap3A_445 = arith.index_cast %add3A_444 : i32 to index
      %swap3A_446 = arith.constant 0 : index
      %swap3A_447 = tpu.vector_load %arg8[%swap3A_445, %swap3A_446] {strides = array<i32>} : memref<512x64xf32, #tpu.memory_space<vmem>>, vector<1x16xf32>,
      %swap3A_448 = vector.shape_cast %swap3A_447 : vector<1x16xf32> to vector<16xf32>
      %swap3A_449 = vector.shape_cast %scan3A_439#0 : vector<16xf32> to vector<1x16xf32>
      tpu.vector_store %arg8[%swap3A_445, %swap3A_446], %swap3A_449 {strides = array<i32>} : memref<512x64xf32, #tpu.memory_space<vmem>>, vector<1x16xf32>,
      %mul3A_450 = arith.constant 2 : i32
      %mul3A_451 = arith.muli %add3A_397, %mul3A_450 : i32
      %add3A_452 = arith.constant 0 : i32
      %add3A_453 = arith.addi %mul3A_451, %add3A_452 : i32
      %swap3A_454 = arith.index_cast %add3A_453 : i32 to index
      %swap3A_455 = arith.constant 16 : index
      %swap3A_456 = tpu.vector_load %arg8[%swap3A_454, %swap3A_455] {strides = array<i32>} : memref<512x64xf32, #tpu.memory_space<vmem>>, vector<1x16xf32>,
      %swap3A_457 = vector.shape_cast %swap3A_456 : vector<1x16xf32> to vector<16xf32>
      %swap3A_458 = vector.shape_cast %scan3A_439#1 : vector<16xf32> to vector<1x16xf32>
      tpu.vector_store %arg8[%swap3A_454, %swap3A_455], %swap3A_458 {strides = array<i32>} : memref<512x64xf32, #tpu.memory_space<vmem>>, vector<1x16xf32>,
      %mul3A_459 = arith.constant 2 : i32
      %mul3A_460 = arith.muli %add3A_397, %mul3A_459 : i32
      %add3A_461 = arith.constant 0 : i32
      %add3A_462 = arith.addi %mul3A_460, %add3A_461 : i32
      %swap3A_463 = arith.index_cast %add3A_462 : i32 to index
      %swap3A_464 = arith.constant 32 : index
      %swap3A_465 = tpu.vector_load %arg8[%swap3A_463, %swap3A_464] {strides = array<i32>} : memref<512x64xf32, #tpu.memory_space<vmem>>, vector<1x16xf32>,
      %swap3A_466 = vector.shape_cast %swap3A_465 : vector<1x16xf32> to vector<16xf32>
      %swap3A_467 = vector.shape_cast %scan3A_439#2 : vector<16xf32> to vector<1x16xf32>
      tpu.vector_store %arg8[%swap3A_463, %swap3A_464], %swap3A_467 {strides = array<i32>} : memref<512x64xf32, #tpu.memory_space<vmem>>, vector<1x16xf32>,
      %mul3A_468 = arith.constant 2 : i32
      %mul3A_469 = arith.muli %add3A_397, %mul3A_468 : i32
      %add3A_470 = arith.constant 0 : i32
      %add3A_471 = arith.addi %mul3A_469, %add3A_470 : i32
      %swap3A_472 = arith.index_cast %add3A_471 : i32 to index
      %swap3A_473 = arith.constant 48 : index
      %swap3A_474 = tpu.vector_load %arg8[%swap3A_472, %swap3A_473] {strides = array<i32>} : memref<512x64xf32, #tpu.memory_space<vmem>>, vector<1x16xf32>,
      %swap3A_475 = vector.shape_cast %swap3A_474 : vector<1x16xf32> to vector<16xf32>
      %swap3A_476 = vector.shape_cast %scan3A_439#3 : vector<16xf32> to vector<1x16xf32>
      tpu.vector_store %arg8[%swap3A_472, %swap3A_473], %swap3A_476 {strides = array<i32>} : memref<512x64xf32, #tpu.memory_space<vmem>>, vector<1x16xf32>,
      %broadcast_in_dim3A_477 = arith.constant 0.000000e+00 : f32
      %broadcast_in_dim3A_478 = vector.broadcast %broadcast_in_dim3A_477 : f32 to vector<16xf32>
      %broadcast_in_dim3A_479 = arith.constant 0.000000e+00 : f32
      %broadcast_in_dim3A_480 = vector.broadcast %broadcast_in_dim3A_479 : f32 to vector<16xf32>
      %broadcast_in_dim3A_481 = arith.constant 0.000000e+00 : f32
      %broadcast_in_dim3A_482 = vector.broadcast %broadcast_in_dim3A_481 : f32 to vector<16xf32>
      %broadcast_in_dim3A_483 = arith.constant 0.000000e+00 : f32
      %broadcast_in_dim3A_484 = vector.broadcast %broadcast_in_dim3A_483 : f32 to vector<16xf32>
      %scan3A_485 = arith.constant 0 : i32
      %scan3A_486 = arith.constant 200 : i32
      %scan3A_487 = arith.addi %scan3A_485, %scan3A_486 : i32
      %scan3A_488 = arith.constant 8 : i32
      %scan3A_489:4 = scf.for %scan3A_793 = %scan3A_485 to %scan3A_487 step %scan3A_488 iter_args(%scan3A_794 = %broadcast_in_dim3A_478, %scan3A_795 = %broadcast_in_dim3A_480, %scan3A_796 = %broadcast_in_dim3A_482, %scan3A_797 = %broadcast_in_dim3A_484) -> (vector<16xf32>, vector<16xf32>, vector<16xf32>, vector<16xf32>)  : i32 {
        %add3A_798 = arith.constant 200 : i32
        %add3A_799 = arith.addi %add3A_798, %scan3A_793 : i32
        %get3A = arith.constant 1 : i32
        %get3A_800 = arith.index_cast %get3A : i32 to index
        %get3A_801 = arith.index_cast %add3A_799 : i32 to index
        %get3A_802 = arith.constant 0 : index
        %get3A_803 = tpu.vector_load %arg7[%get3A_800, %get3A_801, %get3A_802] {strides = array<i32>} : memref<2x400x64xf32, #tpu.memory_space<vmem>>, vector<1x1x16xf32>,
        %get3A_804 = vector.shape_cast %get3A_803 : vector<1x1x16xf32> to vector<16xf32>
        %add3A_805 = arith.addf %scan3A_794, %get3A_804 : vector<16xf32>
        %add3A_806 = arith.constant 200 : i32
        %add3A_807 = arith.addi %add3A_806, %scan3A_793 : i32
        %get3A_808 = arith.constant 1 : i32
        %get3A_809 = arith.index_cast %get3A_808 : i32 to index
        %get3A_810 = arith.index_cast %add3A_807 : i32 to index
        %get3A_811 = arith.constant 16 : index
        %get3A_812 = tpu.vector_load %arg7[%get3A_809, %get3A_810, %get3A_811] {strides = array<i32>} : memref<2x400x64xf32, #tpu.memory_space<vmem>>, vector<1x1x16xf32>,
        %get3A_813 = vector.shape_cast %get3A_812 : vector<1x1x16xf32> to vector<16xf32>
        %add3A_814 = arith.addf %scan3A_795, %get3A_813 : vector<16xf32>
        %add3A_815 = arith.constant 200 : i32
        %add3A_816 = arith.addi %add3A_815, %scan3A_793 : i32
        %get3A_817 = arith.constant 1 : i32
        %get3A_818 = arith.index_cast %get3A_817 : i32 to index
        %get3A_819 = arith.index_cast %add3A_816 : i32 to index
        %get3A_820 = arith.constant 32 : index
        %get3A_821 = tpu.vector_load %arg7[%get3A_818, %get3A_819, %get3A_820] {strides = array<i32>} : memref<2x400x64xf32, #tpu.memory_space<vmem>>, vector<1x1x16xf32>,
        %get3A_822 = vector.shape_cast %get3A_821 : vector<1x1x16xf32> to vector<16xf32>
        %add3A_823 = arith.addf %scan3A_796, %get3A_822 : vector<16xf32>
        %add3A_824 = arith.constant 200 : i32
        %add3A_825 = arith.addi %add3A_824, %scan3A_793 : i32
        %get3A_826 = arith.constant 1 : i32
        %get3A_827 = arith.index_cast %get3A_826 : i32 to index
        %get3A_828 = arith.index_cast %add3A_825 : i32 to index
        %get3A_829 = arith.constant 48 : index
        %get3A_830 = tpu.vector_load %arg7[%get3A_827, %get3A_828, %get3A_829] {strides = array<i32>} : memref<2x400x64xf32, #tpu.memory_space<vmem>>, vector<1x1x16xf32>,
        %get3A_831 = vector.shape_cast %get3A_830 : vector<1x1x16xf32> to vector<16xf32>
        %add3A_832 = arith.addf %scan3A_797, %get3A_831 : vector<16xf32>
        %scan3A_833 = arith.constant 1 : i32
        %scan3A_834 = arith.addi %scan3A_793, %scan3A_833 : i32
        %add3A_835 = arith.constant 200 : i32
        %add3A_836 = arith.addi %add3A_835, %scan3A_834 : i32
        %get3A_837 = arith.constant 1 : i32
        %get3A_838 = arith.index_cast %get3A_837 : i32 to index
        %get3A_839 = arith.index_cast %add3A_836 : i32 to index
        %get3A_840 = arith.constant 0 : index
        %get3A_841 = tpu.vector_load %arg7[%get3A_838, %get3A_839, %get3A_840] {strides = array<i32>} : memref<2x400x64xf32, #tpu.memory_space<vmem>>, vector<1x1x16xf32>,
        %get3A_842 = vector.shape_cast %get3A_841 : vector<1x1x16xf32> to vector<16xf32>
        %add3A_843 = arith.addf %add3A_805, %get3A_842 : vector<16xf32>
        %add3A_844 = arith.constant 200 : i32
        %add3A_845 = arith.addi %add3A_844, %scan3A_834 : i32
        %get3A_846 = arith.constant 1 : i32
        %get3A_847 = arith.index_cast %get3A_846 : i32 to index
        %get3A_848 = arith.index_cast %add3A_845 : i32 to index
        %get3A_849 = arith.constant 16 : index
        %get3A_850 = tpu.vector_load %arg7[%get3A_847, %get3A_848, %get3A_849] {strides = array<i32>} : memref<2x400x64xf32, #tpu.memory_space<vmem>>, vector<1x1x16xf32>,
        %get3A_851 = vector.shape_cast %get3A_850 : vector<1x1x16xf32> to vector<16xf32>
        %add3A_852 = arith.addf %add3A_814, %get3A_851 : vector<16xf32>
        %add3A_853 = arith.constant 200 : i32
        %add3A_854 = arith.addi %add3A_853, %scan3A_834 : i32
        %get3A_855 = arith.constant 1 : i32
        %get3A_856 = arith.index_cast %get3A_855 : i32 to index
        %get3A_857 = arith.index_cast %add3A_854 : i32 to index
        %get3A_858 = arith.constant 32 : index
        %get3A_859 = tpu.vector_load %arg7[%get3A_856, %get3A_857, %get3A_858] {strides = array<i32>} : memref<2x400x64xf32, #tpu.memory_space<vmem>>, vector<1x1x16xf32>,
        %get3A_860 = vector.shape_cast %get3A_859 : vector<1x1x16xf32> to vector<16xf32>
        %add3A_861 = arith.addf %add3A_823, %get3A_860 : vector<16xf32>
        %add3A_862 = arith.constant 200 : i32
        %add3A_863 = arith.addi %add3A_862, %scan3A_834 : i32
        %get3A_864 = arith.constant 1 : i32
        %get3A_865 = arith.index_cast %get3A_864 : i32 to index
        %get3A_866 = arith.index_cast %add3A_863 : i32 to index
        %get3A_867 = arith.constant 48 : index
        %get3A_868 = tpu.vector_load %arg7[%get3A_865, %get3A_866, %get3A_867] {strides = array<i32>} : memref<2x400x64xf32, #tpu.memory_space<vmem>>, vector<1x1x16xf32>,
        %get3A_869 = vector.shape_cast %get3A_868 : vector<1x1x16xf32> to vector<16xf32>
        %add3A_870 = arith.addf %add3A_832, %get3A_869 : vector<16xf32>
        %scan3A_871 = arith.constant 2 : i32
        %scan3A_872 = arith.addi %scan3A_793, %scan3A_871 : i32
        %add3A_873 = arith.constant 200 : i32
        %add3A_874 = arith.addi %add3A_873, %scan3A_872 : i32
        %get3A_875 = arith.constant 1 : i32
        %get3A_876 = arith.index_cast %get3A_875 : i32 to index
        %get3A_877 = arith.index_cast %add3A_874 : i32 to index
        %get3A_878 = arith.constant 0 : index
        %get3A_879 = tpu.vector_load %arg7[%get3A_876, %get3A_877, %get3A_878] {strides = array<i32>} : memref<2x400x64xf32, #tpu.memory_space<vmem>>, vector<1x1x16xf32>,
        %get3A_880 = vector.shape_cast %get3A_879 : vector<1x1x16xf32> to vector<16xf32>
        %add3A_881 = arith.addf %add3A_843, %get3A_880 : vector<16xf32>
        %add3A_882 = arith.constant 200 : i32
        %add3A_883 = arith.addi %add3A_882, %scan3A_872 : i32
        %get3A_884 = arith.constant 1 : i32
        %get3A_885 = arith.index_cast %get3A_884 : i32 to index
        %get3A_886 = arith.index_cast %add3A_883 : i32 to index
        %get3A_887 = arith.constant 16 : index
        %get3A_888 = tpu.vector_load %arg7[%get3A_885, %get3A_886, %get3A_887] {strides = array<i32>} : memref<2x400x64xf32, #tpu.memory_space<vmem>>, vector<1x1x16xf32>,
        %get3A_889 = vector.shape_cast %get3A_888 : vector<1x1x16xf32> to vector<16xf32>
        %add3A_890 = arith.addf %add3A_852, %get3A_889 : vector<16xf32>
        %add3A_891 = arith.constant 200 : i32
        %add3A_892 = arith.addi %add3A_891, %scan3A_872 : i32
        %get3A_893 = arith.constant 1 : i32
        %get3A_894 = arith.index_cast %get3A_893 : i32 to index
        %get3A_895 = arith.index_cast %add3A_892 : i32 to index
        %get3A_896 = arith.constant 32 : index
        %get3A_897 = tpu.vector_load %arg7[%get3A_894, %get3A_895, %get3A_896] {strides = array<i32>} : memref<2x400x64xf32, #tpu.memory_space<vmem>>, vector<1x1x16xf32>,
        %get3A_898 = vector.shape_cast %get3A_897 : vector<1x1x16xf32> to vector<16xf32>
        %add3A_899 = arith.addf %add3A_861, %get3A_898 : vector<16xf32>
        %add3A_900 = arith.constant 200 : i32
        %add3A_901 = arith.addi %add3A_900, %scan3A_872 : i32
        %get3A_902 = arith.constant 1 : i32
        %get3A_903 = arith.index_cast %get3A_902 : i32 to index
        %get3A_904 = arith.index_cast %add3A_901 : i32 to index
        %get3A_905 = arith.constant 48 : index
        %get3A_906 = tpu.vector_load %arg7[%get3A_903, %get3A_904, %get3A_905] {strides = array<i32>} : memref<2x400x64xf32, #tpu.memory_space<vmem>>, vector<1x1x16xf32>,
        %get3A_907 = vector.shape_cast %get3A_906 : vector<1x1x16xf32> to vector<16xf32>
        %add3A_908 = arith.addf %add3A_870, %get3A_907 : vector<16xf32>
        %scan3A_909 = arith.constant 3 : i32
        %scan3A_910 = arith.addi %scan3A_793, %scan3A_909 : i32
        %add3A_911 = arith.constant 200 : i32
        %add3A_912 = arith.addi %add3A_911, %scan3A_910 : i32
        %get3A_913 = arith.constant 1 : i32
        %get3A_914 = arith.index_cast %get3A_913 : i32 to index
        %get3A_915 = arith.index_cast %add3A_912 : i32 to index
        %get3A_916 = arith.constant 0 : index
        %get3A_917 = tpu.vector_load %arg7[%get3A_914, %get3A_915, %get3A_916] {strides = array<i32>} : memref<2x400x64xf32, #tpu.memory_space<vmem>>, vector<1x1x16xf32>,
        %get3A_918 = vector.shape_cast %get3A_917 : vector<1x1x16xf32> to vector<16xf32>
        %add3A_919 = arith.addf %add3A_881, %get3A_918 : vector<16xf32>
        %add3A_920 = arith.constant 200 : i32
        %add3A_921 = arith.addi %add3A_920, %scan3A_910 : i32
        %get3A_922 = arith.constant 1 : i32
        %get3A_923 = arith.index_cast %get3A_922 : i32 to index
        %get3A_924 = arith.index_cast %add3A_921 : i32 to index
        %get3A_925 = arith.constant 16 : index
        %get3A_926 = tpu.vector_load %arg7[%get3A_923, %get3A_924, %get3A_925] {strides = array<i32>} : memref<2x400x64xf32, #tpu.memory_space<vmem>>, vector<1x1x16xf32>,
        %get3A_927 = vector.shape_cast %get3A_926 : vector<1x1x16xf32> to vector<16xf32>
        %add3A_928 = arith.addf %add3A_890, %get3A_927 : vector<16xf32>
        %add3A_929 = arith.constant 200 : i32
        %add3A_930 = arith.addi %add3A_929, %scan3A_910 : i32
        %get3A_931 = arith.constant 1 : i32
        %get3A_932 = arith.index_cast %get3A_931 : i32 to index
        %get3A_933 = arith.index_cast %add3A_930 : i32 to index
        %get3A_934 = arith.constant 32 : index
        %get3A_935 = tpu.vector_load %arg7[%get3A_932, %get3A_933, %get3A_934] {strides = array<i32>} : memref<2x400x64xf32, #tpu.memory_space<vmem>>, vector<1x1x16xf32>,
        %get3A_936 = vector.shape_cast %get3A_935 : vector<1x1x16xf32> to vector<16xf32>
        %add3A_937 = arith.addf %add3A_899, %get3A_936 : vector<16xf32>
        %add3A_938 = arith.constant 200 : i32
        %add3A_939 = arith.addi %add3A_938, %scan3A_910 : i32
        %get3A_940 = arith.constant 1 : i32
        %get3A_941 = arith.index_cast %get3A_940 : i32 to index
        %get3A_942 = arith.index_cast %add3A_939 : i32 to index
        %get3A_943 = arith.constant 48 : index
        %get3A_944 = tpu.vector_load %arg7[%get3A_941, %get3A_942, %get3A_943] {strides = array<i32>} : memref<2x400x64xf32, #tpu.memory_space<vmem>>, vector<1x1x16xf32>,
        %get3A_945 = vector.shape_cast %get3A_944 : vector<1x1x16xf32> to vector<16xf32>
        %add3A_946 = arith.addf %add3A_908, %get3A_945 : vector<16xf32>
        %scan3A_947 = arith.constant 4 : i32
        %scan3A_948 = arith.addi %scan3A_793, %scan3A_947 : i32
        %add3A_949 = arith.constant 200 : i32
        %add3A_950 = arith.addi %add3A_949, %scan3A_948 : i32
        %get3A_951 = arith.constant 1 : i32
        %get3A_952 = arith.index_cast %get3A_951 : i32 to index
        %get3A_953 = arith.index_cast %add3A_950 : i32 to index
        %get3A_954 = arith.constant 0 : index
        %get3A_955 = tpu.vector_load %arg7[%get3A_952, %get3A_953, %get3A_954] {strides = array<i32>} : memref<2x400x64xf32, #tpu.memory_space<vmem>>, vector<1x1x16xf32>,
        %get3A_956 = vector.shape_cast %get3A_955 : vector<1x1x16xf32> to vector<16xf32>
        %add3A_957 = arith.addf %add3A_919, %get3A_956 : vector<16xf32>
        %add3A_958 = arith.constant 200 : i32
        %add3A_959 = arith.addi %add3A_958, %scan3A_948 : i32
        %get3A_960 = arith.constant 1 : i32
        %get3A_961 = arith.index_cast %get3A_960 : i32 to index
        %get3A_962 = arith.index_cast %add3A_959 : i32 to index
        %get3A_963 = arith.constant 16 : index
        %get3A_964 = tpu.vector_load %arg7[%get3A_961, %get3A_962, %get3A_963] {strides = array<i32>} : memref<2x400x64xf32, #tpu.memory_space<vmem>>, vector<1x1x16xf32>,
        %get3A_965 = vector.shape_cast %get3A_964 : vector<1x1x16xf32> to vector<16xf32>
        %add3A_966 = arith.addf %add3A_928, %get3A_965 : vector<16xf32>
        %add3A_967 = arith.constant 200 : i32
        %add3A_968 = arith.addi %add3A_967, %scan3A_948 : i32
        %get3A_969 = arith.constant 1 : i32
        %get3A_970 = arith.index_cast %get3A_969 : i32 to index
        %get3A_971 = arith.index_cast %add3A_968 : i32 to index
        %get3A_972 = arith.constant 32 : index
        %get3A_973 = tpu.vector_load %arg7[%get3A_970, %get3A_971, %get3A_972] {strides = array<i32>} : memref<2x400x64xf32, #tpu.memory_space<vmem>>, vector<1x1x16xf32>,
        %get3A_974 = vector.shape_cast %get3A_973 : vector<1x1x16xf32> to vector<16xf32>
        %add3A_975 = arith.addf %add3A_937, %get3A_974 : vector<16xf32>
        %add3A_976 = arith.constant 200 : i32
        %add3A_977 = arith.addi %add3A_976, %scan3A_948 : i32
        %get3A_978 = arith.constant 1 : i32
        %get3A_979 = arith.index_cast %get3A_978 : i32 to index
        %get3A_980 = arith.index_cast %add3A_977 : i32 to index
        %get3A_981 = arith.constant 48 : index
        %get3A_982 = tpu.vector_load %arg7[%get3A_979, %get3A_980, %get3A_981] {strides = array<i32>} : memref<2x400x64xf32, #tpu.memory_space<vmem>>, vector<1x1x16xf32>,
        %get3A_983 = vector.shape_cast %get3A_982 : vector<1x1x16xf32> to vector<16xf32>
        %add3A_984 = arith.addf %add3A_946, %get3A_983 : vector<16xf32>
        %scan3A_985 = arith.constant 5 : i32
        %scan3A_986 = arith.addi %scan3A_793, %scan3A_985 : i32
        %add3A_987 = arith.constant 200 : i32
        %add3A_988 = arith.addi %add3A_987, %scan3A_986 : i32
        %get3A_989 = arith.constant 1 : i32
        %get3A_990 = arith.index_cast %get3A_989 : i32 to index
        %get3A_991 = arith.index_cast %add3A_988 : i32 to index
        %get3A_992 = arith.constant 0 : index
        %get3A_993 = tpu.vector_load %arg7[%get3A_990, %get3A_991, %get3A_992] {strides = array<i32>} : memref<2x400x64xf32, #tpu.memory_space<vmem>>, vector<1x1x16xf32>,
        %get3A_994 = vector.shape_cast %get3A_993 : vector<1x1x16xf32> to vector<16xf32>
        %add3A_995 = arith.addf %add3A_957, %get3A_994 : vector<16xf32>
        %add3A_996 = arith.constant 200 : i32
        %add3A_997 = arith.addi %add3A_996, %scan3A_986 : i32
        %get3A_998 = arith.constant 1 : i32
        %get3A_999 = arith.index_cast %get3A_998 : i32 to index
        %get3A_1000 = arith.index_cast %add3A_997 : i32 to index
        %get3A_1001 = arith.constant 16 : index
        %get3A_1002 = tpu.vector_load %arg7[%get3A_999, %get3A_1000, %get3A_1001] {strides = array<i32>} : memref<2x400x64xf32, #tpu.memory_space<vmem>>, vector<1x1x16xf32>,
        %get3A_1003 = vector.shape_cast %get3A_1002 : vector<1x1x16xf32> to vector<16xf32>
        %add3A_1004 = arith.addf %add3A_966, %get3A_1003 : vector<16xf32>
        %add3A_1005 = arith.constant 200 : i32
        %add3A_1006 = arith.addi %add3A_1005, %scan3A_986 : i32
        %get3A_1007 = arith.constant 1 : i32
        %get3A_1008 = arith.index_cast %get3A_1007 : i32 to index
        %get3A_1009 = arith.index_cast %add3A_1006 : i32 to index
        %get3A_1010 = arith.constant 32 : index
        %get3A_1011 = tpu.vector_load %arg7[%get3A_1008, %get3A_1009, %get3A_1010] {strides = array<i32>} : memref<2x400x64xf32, #tpu.memory_space<vmem>>, vector<1x1x16xf32>,
        %get3A_1012 = vector.shape_cast %get3A_1011 : vector<1x1x16xf32> to vector<16xf32>
        %add3A_1013 = arith.addf %add3A_975, %get3A_1012 : vector<16xf32>
        %add3A_1014 = arith.constant 200 : i32
        %add3A_1015 = arith.addi %add3A_1014, %scan3A_986 : i32
        %get3A_1016 = arith.constant 1 : i32
        %get3A_1017 = arith.index_cast %get3A_1016 : i32 to index
        %get3A_1018 = arith.index_cast %add3A_1015 : i32 to index
        %get3A_1019 = arith.constant 48 : index
        %get3A_1020 = tpu.vector_load %arg7[%get3A_1017, %get3A_1018, %get3A_1019] {strides = array<i32>} : memref<2x400x64xf32, #tpu.memory_space<vmem>>, vector<1x1x16xf32>,
        %get3A_1021 = vector.shape_cast %get3A_1020 : vector<1x1x16xf32> to vector<16xf32>
        %add3A_1022 = arith.addf %add3A_984, %get3A_1021 : vector<16xf32>
        %scan3A_1023 = arith.constant 6 : i32
        %scan3A_1024 = arith.addi %scan3A_793, %scan3A_1023 : i32
        %add3A_1025 = arith.constant 200 : i32
        %add3A_1026 = arith.addi %add3A_1025, %scan3A_1024 : i32
        %get3A_1027 = arith.constant 1 : i32
        %get3A_1028 = arith.index_cast %get3A_1027 : i32 to index
        %get3A_1029 = arith.index_cast %add3A_1026 : i32 to index
        %get3A_1030 = arith.constant 0 : index
        %get3A_1031 = tpu.vector_load %arg7[%get3A_1028, %get3A_1029, %get3A_1030] {strides = array<i32>} : memref<2x400x64xf32, #tpu.memory_space<vmem>>, vector<1x1x16xf32>,
        %get3A_1032 = vector.shape_cast %get3A_1031 : vector<1x1x16xf32> to vector<16xf32>
        %add3A_1033 = arith.addf %add3A_995, %get3A_1032 : vector<16xf32>
        %add3A_1034 = arith.constant 200 : i32
        %add3A_1035 = arith.addi %add3A_1034, %scan3A_1024 : i32
        %get3A_1036 = arith.constant 1 : i32
        %get3A_1037 = arith.index_cast %get3A_1036 : i32 to index
        %get3A_1038 = arith.index_cast %add3A_1035 : i32 to index
        %get3A_1039 = arith.constant 16 : index
        %get3A_1040 = tpu.vector_load %arg7[%get3A_1037, %get3A_1038, %get3A_1039] {strides = array<i32>} : memref<2x400x64xf32, #tpu.memory_space<vmem>>, vector<1x1x16xf32>,
        %get3A_1041 = vector.shape_cast %get3A_1040 : vector<1x1x16xf32> to vector<16xf32>
        %add3A_1042 = arith.addf %add3A_1004, %get3A_1041 : vector<16xf32>
        %add3A_1043 = arith.constant 200 : i32
        %add3A_1044 = arith.addi %add3A_1043, %scan3A_1024 : i32
        %get3A_1045 = arith.constant 1 : i32
        %get3A_1046 = arith.index_cast %get3A_1045 : i32 to index
        %get3A_1047 = arith.index_cast %add3A_1044 : i32 to index
        %get3A_1048 = arith.constant 32 : index
        %get3A_1049 = tpu.vector_load %arg7[%get3A_1046, %get3A_1047, %get3A_1048] {strides = array<i32>} : memref<2x400x64xf32, #tpu.memory_space<vmem>>, vector<1x1x16xf32>,
        %get3A_1050 = vector.shape_cast %get3A_1049 : vector<1x1x16xf32> to vector<16xf32>
        %add3A_1051 = arith.addf %add3A_1013, %get3A_1050 : vector<16xf32>
        %add3A_1052 = arith.constant 200 : i32
        %add3A_1053 = arith.addi %add3A_1052, %scan3A_1024 : i32
        %get3A_1054 = arith.constant 1 : i32
        %get3A_1055 = arith.index_cast %get3A_1054 : i32 to index
        %get3A_1056 = arith.index_cast %add3A_1053 : i32 to index
        %get3A_1057 = arith.constant 48 : index
        %get3A_1058 = tpu.vector_load %arg7[%get3A_1055, %get3A_1056, %get3A_1057] {strides = array<i32>} : memref<2x400x64xf32, #tpu.memory_space<vmem>>, vector<1x1x16xf32>,
        %get3A_1059 = vector.shape_cast %get3A_1058 : vector<1x1x16xf32> to vector<16xf32>
        %add3A_1060 = arith.addf %add3A_1022, %get3A_1059 : vector<16xf32>
        %scan3A_1061 = arith.constant 7 : i32
        %scan3A_1062 = arith.addi %scan3A_793, %scan3A_1061 : i32
        %add3A_1063 = arith.constant 200 : i32
        %add3A_1064 = arith.addi %add3A_1063, %scan3A_1062 : i32
        %get3A_1065 = arith.constant 1 : i32
        %get3A_1066 = arith.index_cast %get3A_1065 : i32 to index
        %get3A_1067 = arith.index_cast %add3A_1064 : i32 to index
        %get3A_1068 = arith.constant 0 : index
        %get3A_1069 = tpu.vector_load %arg7[%get3A_1066, %get3A_1067, %get3A_1068] {strides = array<i32>} : memref<2x400x64xf32, #tpu.memory_space<vmem>>, vector<1x1x16xf32>,
        %get3A_1070 = vector.shape_cast %get3A_1069 : vector<1x1x16xf32> to vector<16xf32>
        %add3A_1071 = arith.addf %add3A_1033, %get3A_1070 : vector<16xf32>
        %add3A_1072 = arith.constant 200 : i32
        %add3A_1073 = arith.addi %add3A_1072, %scan3A_1062 : i32
        %get3A_1074 = arith.constant 1 : i32
        %get3A_1075 = arith.index_cast %get3A_1074 : i32 to index
        %get3A_1076 = arith.index_cast %add3A_1073 : i32 to index
        %get3A_1077 = arith.constant 16 : index
        %get3A_1078 = tpu.vector_load %arg7[%get3A_1075, %get3A_1076, %get3A_1077] {strides = array<i32>} : memref<2x400x64xf32, #tpu.memory_space<vmem>>, vector<1x1x16xf32>,
        %get3A_1079 = vector.shape_cast %get3A_1078 : vector<1x1x16xf32> to vector<16xf32>
        %add3A_1080 = arith.addf %add3A_1042, %get3A_1079 : vector<16xf32>
        %add3A_1081 = arith.constant 200 : i32
        %add3A_1082 = arith.addi %add3A_1081, %scan3A_1062 : i32
        %get3A_1083 = arith.constant 1 : i32
        %get3A_1084 = arith.index_cast %get3A_1083 : i32 to index
        %get3A_1085 = arith.index_cast %add3A_1082 : i32 to index
        %get3A_1086 = arith.constant 32 : index
        %get3A_1087 = tpu.vector_load %arg7[%get3A_1084, %get3A_1085, %get3A_1086] {strides = array<i32>} : memref<2x400x64xf32, #tpu.memory_space<vmem>>, vector<1x1x16xf32>,
        %get3A_1088 = vector.shape_cast %get3A_1087 : vector<1x1x16xf32> to vector<16xf32>
        %add3A_1089 = arith.addf %add3A_1051, %get3A_1088 : vector<16xf32>
        %add3A_1090 = arith.constant 200 : i32
        %add3A_1091 = arith.addi %add3A_1090, %scan3A_1062 : i32
        %get3A_1092 = arith.constant 1 : i32
        %get3A_1093 = arith.index_cast %get3A_1092 : i32 to index
        %get3A_1094 = arith.index_cast %add3A_1091 : i32 to index
        %get3A_1095 = arith.constant 48 : index
        %get3A_1096 = tpu.vector_load %arg7[%get3A_1093, %get3A_1094, %get3A_1095] {strides = array<i32>} : memref<2x400x64xf32, #tpu.memory_space<vmem>>, vector<1x1x16xf32>,
        %get3A_1097 = vector.shape_cast %get3A_1096 : vector<1x1x16xf32> to vector<16xf32>
        %add3A_1098 = arith.addf %add3A_1060, %get3A_1097 : vector<16xf32>
        scf.yield %add3A_1071, %add3A_1080, %add3A_1089, %add3A_1098 : vector<16xf32>, vector<16xf32>, vector<16xf32>, vector<16xf32>
      }
      %scan3A_490 = arith.constant 200 : i32
      %mul3A_491 = arith.constant 2 : i32
      %mul3A_492 = arith.muli %add3A_397, %mul3A_491 : i32
      %add3A_493 = arith.constant 1 : i32
      %add3A_494 = arith.addi %mul3A_492, %add3A_493 : i32
      %swap3A_495 = arith.index_cast %add3A_494 : i32 to index
      %swap3A_496 = arith.constant 0 : index
      %swap3A_497 = tpu.vector_load %arg8[%swap3A_495, %swap3A_496] {strides = array<i32>} : memref<512x64xf32, #tpu.memory_space<vmem>>, vector<1x16xf32>,
      %swap3A_498 = vector.shape_cast %swap3A_497 : vector<1x16xf32> to vector<16xf32>
      %swap3A_499 = vector.shape_cast %scan3A_489#0 : vector<16xf32> to vector<1x16xf32>
      tpu.vector_store %arg8[%swap3A_495, %swap3A_496], %swap3A_499 {strides = array<i32>} : memref<512x64xf32, #tpu.memory_space<vmem>>, vector<1x16xf32>,
      %mul3A_500 = arith.constant 2 : i32
      %mul3A_501 = arith.muli %add3A_397, %mul3A_500 : i32
      %add3A_502 = arith.constant 1 : i32
      %add3A_503 = arith.addi %mul3A_501, %add3A_502 : i32
      %swap3A_504 = arith.index_cast %add3A_503 : i32 to index
      %swap3A_505 = arith.constant 16 : index
      %swap3A_506 = tpu.vector_load %arg8[%swap3A_504, %swap3A_505] {strides = array<i32>} : memref<512x64xf32, #tpu.memory_space<vmem>>, vector<1x16xf32>,
      %swap3A_507 = vector.shape_cast %swap3A_506 : vector<1x16xf32> to vector<16xf32>
      %swap3A_508 = vector.shape_cast %scan3A_489#1 : vector<16xf32> to vector<1x16xf32>
      tpu.vector_store %arg8[%swap3A_504, %swap3A_505], %swap3A_508 {strides = array<i32>} : memref<512x64xf32, #tpu.memory_space<vmem>>, vector<1x16xf32>,
      %mul3A_509 = arith.constant 2 : i32
      %mul3A_510 = arith.muli %add3A_397, %mul3A_509 : i32
      %add3A_511 = arith.constant 1 : i32
      %add3A_512 = arith.addi %mul3A_510, %add3A_511 : i32
      %swap3A_513 = arith.index_cast %add3A_512 : i32 to index
      %swap3A_514 = arith.constant 32 : index
      %swap3A_515 = tpu.vector_load %arg8[%swap3A_513, %swap3A_514] {strides = array<i32>} : memref<512x64xf32, #tpu.memory_space<vmem>>, vector<1x16xf32>,
      %swap3A_516 = vector.shape_cast %swap3A_515 : vector<1x16xf32> to vector<16xf32>
      %swap3A_517 = vector.shape_cast %scan3A_489#2 : vector<16xf32> to vector<1x16xf32>
      tpu.vector_store %arg8[%swap3A_513, %swap3A_514], %swap3A_517 {strides = array<i32>} : memref<512x64xf32, #tpu.memory_space<vmem>>, vector<1x16xf32>,
      %mul3A_518 = arith.constant 2 : i32
      %mul3A_519 = arith.muli %add3A_397, %mul3A_518 : i32
      %add3A_520 = arith.constant 1 : i32
      %add3A_521 = arith.addi %mul3A_519, %add3A_520 : i32
      %swap3A_522 = arith.index_cast %add3A_521 : i32 to index
      %swap3A_523 = arith.constant 48 : index
      %swap3A_524 = tpu.vector_load %arg8[%swap3A_522, %swap3A_523] {strides = array<i32>} : memref<512x64xf32, #tpu.memory_space<vmem>>, vector<1x16xf32>,
      %swap3A_525 = vector.shape_cast %swap3A_524 : vector<1x16xf32> to vector<16xf32>
      %swap3A_526 = vector.shape_cast %scan3A_489#3 : vector<16xf32> to vector<1x16xf32>
      tpu.vector_store %arg8[%swap3A_522, %swap3A_523], %swap3A_526 {strides = array<i32>} : memref<512x64xf32, #tpu.memory_space<vmem>>, vector<1x16xf32>,
      %mul3A_527 = arith.constant 4 : i32
      %mul3A_528 = arith.muli %mul3A_527, %scan3A_266 : i32
      %add3A_529 = arith.constant 2 : i32
      %add3A_530 = arith.addi %mul3A_528, %add3A_529 : i32
      %add3A_531 = arith.constant 1 : i32
      %add3A_532 = arith.addi %add3A_530, %add3A_531 : i32
      %lt3A_533 = arith.constant 256 : i32
      %lt3A_534 = arith.cmpi slt, %add3A_532, %lt3A_533 : i32
      %convert_element_type3A_535 = arith.extui %lt3A_534 : i1 to i32
      %cond3A_536 = arith.constant 0 : i32
      %cond3A_537 = arith.cmpi ne, %convert_element_type3A_535, %cond3A_536 : i32
      scf.if %cond3A_537 {
        %dma_wait3A_793 = arith.constant 3 : i32
        %dma_wait3A_794 = arith.constant 0 : i32
        %dma_wait3A_795 = arith.constant 0 : i32
        %dma_wait3A_796 = tpu.memref_slice %arg5[%dma_wait3A_793, %dma_wait3A_794, %dma_wait3A_795] : memref<4x2x128xi32, #tpu.memory_space<vmem>> -> memref<1x2x128xi32, #tpu.memory_space<vmem>>
        %dma_wait3A_797 = tpu.memref_squeeze %dma_wait3A_796 : memref<1x2x128xi32, #tpu.memory_space<vmem>> -> memref<2x128xi32, #tpu.memory_space<vmem>>
        %dma_wait3A_798 = arith.constant 0 : i32
        %dma_wait3A_799 = arith.constant 0 : i32
        %dma_wait3A_800 = tpu.memref_slice %arg2[%dma_wait3A_798, %dma_wait3A_799] : memref<16384x200xi32, #tpu.memory_space<hbm>> -> memref<2x128xi32, #tpu.memory_space<hbm>>
        %dma_wait3A_801 = arith.constant 0 : i32
        %dma_wait3A_802 = arith.constant 0 : i32
        %dma_wait3A_803 = tpu.memref_slice %arg5[%dma_wait3A_793, %dma_wait3A_801, %dma_wait3A_802] : memref<4x2x128xi32, #tpu.memory_space<vmem>> -> memref<1x2x128xi32, #tpu.memory_space<vmem>>
        %dma_wait3A_804 = tpu.memref_squeeze %dma_wait3A_803 : memref<1x2x128xi32, #tpu.memory_space<vmem>> -> memref<2x128xi32, #tpu.memory_space<vmem>>
        %dma_wait3A_805 = arith.constant 0 : i32
        %dma_wait3A_806 = arith.constant 0 : i32
        %dma_wait3A_807 = tpu.memref_slice %arg2[%dma_wait3A_805, %dma_wait3A_806] : memref<16384x200xi32, #tpu.memory_space<hbm>> -> memref<2x128xi32, #tpu.memory_space<hbm>>
        tpu.wait_dma2 semaphore(%arg14 : memref<!tpu.dma_semaphore, #tpu.memory_space<semaphore_mem>>) src(%dma_wait3A_807 : memref<2x128xi32, #tpu.memory_space<hbm>>) dst(%dma_wait3A_804 : memref<2x128xi32, #tpu.memory_space<vmem>>)
        %dma_wait3A_808 = arith.constant 3 : i32
        %dma_wait3A_809 = arith.constant 0 : i32
        %dma_wait3A_810 = arith.constant 0 : i32
        %dma_wait3A_811 = tpu.memref_slice %arg6[%dma_wait3A_808, %dma_wait3A_809, %dma_wait3A_810] : memref<4x2x72xi32, #tpu.memory_space<vmem>> -> memref<1x2x72xi32, #tpu.memory_space<vmem>>
        %dma_wait3A_812 = tpu.memref_squeeze %dma_wait3A_811 : memref<1x2x72xi32, #tpu.memory_space<vmem>> -> memref<2x72xi32, #tpu.memory_space<vmem>>
        %dma_wait3A_813 = arith.constant 0 : i32
        %dma_wait3A_814 = arith.constant 0 : i32
        %dma_wait3A_815 = tpu.memref_slice %arg2[%dma_wait3A_813, %dma_wait3A_814] : memref<16384x200xi32, #tpu.memory_space<hbm>> -> memref<2x72xi32, #tpu.memory_space<hbm>>
        %dma_wait3A_816 = arith.constant 0 : i32
        %dma_wait3A_817 = arith.constant 0 : i32
        %dma_wait3A_818 = tpu.memref_slice %arg6[%dma_wait3A_808, %dma_wait3A_816, %dma_wait3A_817] : memref<4x2x72xi32, #tpu.memory_space<vmem>> -> memref<1x2x72xi32, #tpu.memory_space<vmem>>
        %dma_wait3A_819 = tpu.memref_squeeze %dma_wait3A_818 : memref<1x2x72xi32, #tpu.memory_space<vmem>> -> memref<2x72xi32, #tpu.memory_space<vmem>>
        %dma_wait3A_820 = arith.constant 0 : i32
        %dma_wait3A_821 = arith.constant 0 : i32
        %dma_wait3A_822 = tpu.memref_slice %arg2[%dma_wait3A_820, %dma_wait3A_821] : memref<16384x200xi32, #tpu.memory_space<hbm>> -> memref<2x72xi32, #tpu.memory_space<hbm>>
        tpu.wait_dma2 semaphore(%arg14 : memref<!tpu.dma_semaphore, #tpu.memory_space<semaphore_mem>>) src(%dma_wait3A_822 : memref<2x72xi32, #tpu.memory_space<hbm>>) dst(%dma_wait3A_819 : memref<2x72xi32, #tpu.memory_space<vmem>>)
        %dma_start3A_823 = arith.constant 3 : i32
        %dma_start3A_824 = arith.constant 0 : i32
        %dma_start3A_825 = arith.constant 1 : i32
        %dma_start3A_826 = arith.constant 0 : i32
        %dma_start3A_827 = arith.constant 0 : i32
        %dma_start3A_828 = tpu.memref_slice %arg7[%dma_start3A_825, %dma_start3A_826, %dma_start3A_827] : memref<2x400x64xf32, #tpu.memory_space<vmem>> -> memref<1x128x64xf32, #tpu.memory_space<vmem>>
        %dma_start3A_829 = tpu.memref_squeeze %dma_start3A_828 : memref<1x128x64xf32, #tpu.memory_space<vmem>> -> memref<128x64xf32, #tpu.memory_space<vmem>>
        %dma_start3A_830 = arith.constant 0 : i32
        %dma_start3A_831 = tpu.memref_slice %arg5[%dma_start3A_823, %dma_start3A_824, %dma_start3A_830] : memref<4x2x128xi32, #tpu.memory_space<vmem>> -> memref<1x1x128xi32, #tpu.memory_space<vmem>>
        %dma_start3A_832 = tpu.memref_squeeze %dma_start3A_831 : memref<1x1x128xi32, #tpu.memory_space<vmem>> -> memref<128xi32, #tpu.memory_space<vmem>>
        %dma_start3A_833 = arith.constant 0 : i32
        %dma_start3A_834 = arith.constant 0 : i32
        %dma_start3A_835 = tpu.memref_slice %arg3[%dma_start3A_833, %dma_start3A_834] : memref<1000000x64xf32, #tpu.memory_space<hbm>> -> memref<1000000x64xf32, #tpu.memory_space<hbm>>
        tpu.enqueue_indirect_dma source(%dma_start3A_835 : memref<1000000x64xf32, #tpu.memory_space<hbm>>) target(%dma_start3A_829 : memref<128x64xf32, #tpu.memory_space<vmem>>) offsets(%dma_start3A_832 : memref<128xi32, #tpu.memory_space<vmem>>) semaphore(%arg10 : memref<!tpu.dma_semaphore, #tpu.memory_space<semaphore_mem>>)
        %dma_start3A_836 = arith.constant 3 : i32
        %dma_start3A_837 = arith.constant 0 : i32
        %dma_start3A_838 = arith.constant 1 : i32
        %dma_start3A_839 = arith.constant 128 : i32
        %dma_start3A_840 = arith.constant 0 : i32
        %dma_start3A_841 = tpu.memref_slice %arg7[%dma_start3A_838, %dma_start3A_839, %dma_start3A_840] : memref<2x400x64xf32, #tpu.memory_space<vmem>> -> memref<1x72x64xf32, #tpu.memory_space<vmem>>
        %dma_start3A_842 = tpu.memref_squeeze %dma_start3A_841 : memref<1x72x64xf32, #tpu.memory_space<vmem>> -> memref<72x64xf32, #tpu.memory_space<vmem>>
        %dma_start3A_843 = arith.constant 0 : i32
        %dma_start3A_844 = tpu.memref_slice %arg6[%dma_start3A_836, %dma_start3A_837, %dma_start3A_843] : memref<4x2x72xi32, #tpu.memory_space<vmem>> -> memref<1x1x72xi32, #tpu.memory_space<vmem>>
        %dma_start3A_845 = tpu.memref_squeeze %dma_start3A_844 : memref<1x1x72xi32, #tpu.memory_space<vmem>> -> memref<72xi32, #tpu.memory_space<vmem>>
        %dma_start3A_846 = arith.constant 0 : i32
        %dma_start3A_847 = arith.constant 0 : i32
        %dma_start3A_848 = tpu.memref_slice %arg3[%dma_start3A_846, %dma_start3A_847] : memref<1000000x64xf32, #tpu.memory_space<hbm>> -> memref<1000000x64xf32, #tpu.memory_space<hbm>>
        tpu.enqueue_indirect_dma source(%dma_start3A_848 : memref<1000000x64xf32, #tpu.memory_space<hbm>>) target(%dma_start3A_842 : memref<72x64xf32, #tpu.memory_space<vmem>>) offsets(%dma_start3A_845 : memref<72xi32, #tpu.memory_space<vmem>>) semaphore(%arg10 : memref<!tpu.dma_semaphore, #tpu.memory_space<semaphore_mem>>)
        %dma_start3A_849 = arith.constant 3 : i32
        %dma_start3A_850 = arith.constant 1 : i32
        %dma_start3A_851 = arith.constant 1 : i32
        %dma_start3A_852 = arith.constant 200 : i32
        %dma_start3A_853 = arith.constant 0 : i32
        %dma_start3A_854 = tpu.memref_slice %arg7[%dma_start3A_851, %dma_start3A_852, %dma_start3A_853] : memref<2x400x64xf32, #tpu.memory_space<vmem>> -> memref<1x128x64xf32, #tpu.memory_space<vmem>>
        %dma_start3A_855 = tpu.memref_squeeze %dma_start3A_854 : memref<1x128x64xf32, #tpu.memory_space<vmem>> -> memref<128x64xf32, #tpu.memory_space<vmem>>
        %dma_start3A_856 = arith.constant 0 : i32
        %dma_start3A_857 = tpu.memref_slice %arg5[%dma_start3A_849, %dma_start3A_850, %dma_start3A_856] : memref<4x2x128xi32, #tpu.memory_space<vmem>> -> memref<1x1x128xi32, #tpu.memory_space<vmem>>
        %dma_start3A_858 = tpu.memref_squeeze %dma_start3A_857 : memref<1x1x128xi32, #tpu.memory_space<vmem>> -> memref<128xi32, #tpu.memory_space<vmem>>
        %dma_start3A_859 = arith.constant 0 : i32
        %dma_start3A_860 = arith.constant 0 : i32
        %dma_start3A_861 = tpu.memref_slice %arg3[%dma_start3A_859, %dma_start3A_860] : memref<1000000x64xf32, #tpu.memory_space<hbm>> -> memref<1000000x64xf32, #tpu.memory_space<hbm>>
        tpu.enqueue_indirect_dma source(%dma_start3A_861 : memref<1000000x64xf32, #tpu.memory_space<hbm>>) target(%dma_start3A_855 : memref<128x64xf32, #tpu.memory_space<vmem>>) offsets(%dma_start3A_858 : memref<128xi32, #tpu.memory_space<vmem>>) semaphore(%arg10 : memref<!tpu.dma_semaphore, #tpu.memory_space<semaphore_mem>>)
        %dma_start3A_862 = arith.constant 3 : i32
        %dma_start3A_863 = arith.constant 1 : i32
        %dma_start3A_864 = arith.constant 1 : i32
        %dma_start3A_865 = arith.constant 328 : i32
        %dma_start3A_866 = arith.constant 0 : i32
        %dma_start3A_867 = tpu.memref_slice %arg7[%dma_start3A_864, %dma_start3A_865, %dma_start3A_866] : memref<2x400x64xf32, #tpu.memory_space<vmem>> -> memref<1x72x64xf32, #tpu.memory_space<vmem>>
        %dma_start3A_868 = tpu.memref_squeeze %dma_start3A_867 : memref<1x72x64xf32, #tpu.memory_space<vmem>> -> memref<72x64xf32, #tpu.memory_space<vmem>>
        %dma_start3A_869 = arith.constant 0 : i32
        %dma_start3A_870 = tpu.memref_slice %arg6[%dma_start3A_862, %dma_start3A_863, %dma_start3A_869] : memref<4x2x72xi32, #tpu.memory_space<vmem>> -> memref<1x1x72xi32, #tpu.memory_space<vmem>>
        %dma_start3A_871 = tpu.memref_squeeze %dma_start3A_870 : memref<1x1x72xi32, #tpu.memory_space<vmem>> -> memref<72xi32, #tpu.memory_space<vmem>>
        %dma_start3A_872 = arith.constant 0 : i32
        %dma_start3A_873 = arith.constant 0 : i32
        %dma_start3A_874 = tpu.memref_slice %arg3[%dma_start3A_872, %dma_start3A_873] : memref<1000000x64xf32, #tpu.memory_space<hbm>> -> memref<1000000x64xf32, #tpu.memory_space<hbm>>
        tpu.enqueue_indirect_dma source(%dma_start3A_874 : memref<1000000x64xf32, #tpu.memory_space<hbm>>) target(%dma_start3A_868 : memref<72x64xf32, #tpu.memory_space<vmem>>) offsets(%dma_start3A_871 : memref<72xi32, #tpu.memory_space<vmem>>) semaphore(%arg10 : memref<!tpu.dma_semaphore, #tpu.memory_space<semaphore_mem>>)
      } else {
      }
      %dma_wait3A_538 = arith.constant 0 : i32
      %dma_wait3A_539 = arith.constant 0 : i32
      %dma_wait3A_540 = arith.constant 0 : i32
      %dma_wait3A_541 = tpu.memref_slice %arg7[%dma_wait3A_538, %dma_wait3A_539, %dma_wait3A_540] : memref<2x400x64xf32, #tpu.memory_space<vmem>> -> memref<1x400x64xf32, #tpu.memory_space<vmem>>
      %dma_wait3A_542 = tpu.memref_squeeze %dma_wait3A_541 : memref<1x400x64xf32, #tpu.memory_space<vmem>> -> memref<400x64xf32, #tpu.memory_space<vmem>>
      %dma_wait3A_543 = arith.constant 0 : i32
      %dma_wait3A_544 = arith.constant 0 : i32
      %dma_wait3A_545 = tpu.memref_slice %arg3[%dma_wait3A_543, %dma_wait3A_544] : memref<1000000x64xf32, #tpu.memory_space<hbm>> -> memref<400x64xf32, #tpu.memory_space<hbm>>
      %dma_wait3A_546 = arith.constant 0 : i32
      %dma_wait3A_547 = arith.constant 0 : i32
      %dma_wait3A_548 = tpu.memref_slice %arg7[%dma_wait3A_538, %dma_wait3A_546, %dma_wait3A_547] : memref<2x400x64xf32, #tpu.memory_space<vmem>> -> memref<1x400x64xf32, #tpu.memory_space<vmem>>
      %dma_wait3A_549 = tpu.memref_squeeze %dma_wait3A_548 : memref<1x400x64xf32, #tpu.memory_space<vmem>> -> memref<400x64xf32, #tpu.memory_space<vmem>>
      %dma_wait3A_550 = arith.constant 0 : i32
      %dma_wait3A_551 = arith.constant 0 : i32
      %dma_wait3A_552 = tpu.memref_slice %arg3[%dma_wait3A_550, %dma_wait3A_551] : memref<1000000x64xf32, #tpu.memory_space<hbm>> -> memref<400x64xf32, #tpu.memory_space<hbm>>
      tpu.wait_dma2 semaphore(%arg9 : memref<!tpu.dma_semaphore, #tpu.memory_space<semaphore_mem>>) src(%dma_wait3A_552 : memref<400x64xf32, #tpu.memory_space<hbm>>) dst(%dma_wait3A_549 : memref<400x64xf32, #tpu.memory_space<vmem>>)
      %add3A_553 = arith.constant 4 : i32
      %add3A_554 = arith.addi %add3A_530, %add3A_553 : i32
      %lt3A_555 = arith.constant 256 : i32
      %lt3A_556 = arith.cmpi slt, %add3A_554, %lt3A_555 : i32
      %convert_element_type3A_557 = arith.extui %lt3A_556 : i1 to i32
      %cond3A_558 = arith.constant 0 : i32
      %cond3A_559 = arith.cmpi ne, %convert_element_type3A_557, %cond3A_558 : i32
      scf.if %cond3A_559 {
        %add3A_793 = arith.constant 4 : i32
        %add3A_794 = arith.addi %add3A_530, %add3A_793 : i32
        %mul3A_795 = arith.constant 2 : i32
        %mul3A_796 = arith.muli %add3A_794, %mul3A_795 : i32
        %add3A_797 = arith.addi %mul3A_2, %mul3A_796 : i32
        %add3A_798 = arith.constant 0 : i32
        %add3A_799 = arith.addi %add3A_797, %add3A_798 : i32
        %dma_start3A_800 = arith.constant 2 : i32
        %dma_start3A_801 = arith.constant 0 : i32
        %dma_start3A_802 = arith.constant 0 : i32
        %dma_start3A_803 = tpu.memref_slice %arg5[%dma_start3A_800, %dma_start3A_801, %dma_start3A_802] : memref<4x2x128xi32, #tpu.memory_space<vmem>> -> memref<1x1x128xi32, #tpu.memory_space<vmem>>
        %dma_start3A_804 = tpu.memref_squeeze %dma_start3A_803 : memref<1x1x128xi32, #tpu.memory_space<vmem>> -> memref<128xi32, #tpu.memory_space<vmem>>
        %dma_start3A_805 = arith.constant 0 : i32
        %dma_start3A_806 = tpu.memref_slice %arg2[%add3A_799, %dma_start3A_805] : memref<16384x200xi32, #tpu.memory_space<hbm>> -> memref<1x128xi32, #tpu.memory_space<hbm>>
        %dma_start3A_807 = tpu.memref_squeeze %dma_start3A_806 : memref<1x128xi32, #tpu.memory_space<hbm>> -> memref<128xi32, #tpu.memory_space<hbm>>
        %dma_start3A_808 = arith.constant 0 : i32
        %dma_start3A_809 = tpu.memref_slice %arg5[%dma_start3A_800, %dma_start3A_801, %dma_start3A_808] : memref<4x2x128xi32, #tpu.memory_space<vmem>> -> memref<1x1x128xi32, #tpu.memory_space<vmem>>
        %dma_start3A_810 = tpu.memref_squeeze %dma_start3A_809 : memref<1x1x128xi32, #tpu.memory_space<vmem>> -> memref<128xi32, #tpu.memory_space<vmem>>
        %dma_start3A_811 = arith.constant 0 : i32
        %dma_start3A_812 = tpu.memref_slice %arg2[%add3A_799, %dma_start3A_811] : memref<16384x200xi32, #tpu.memory_space<hbm>> -> memref<1x128xi32, #tpu.memory_space<hbm>>
        %dma_start3A_813 = tpu.memref_squeeze %dma_start3A_812 : memref<1x128xi32, #tpu.memory_space<hbm>> -> memref<128xi32, #tpu.memory_space<hbm>>
        tpu.enqueue_dma source(%dma_start3A_813 : memref<128xi32, #tpu.memory_space<hbm>>) target(%dma_start3A_810 : memref<128xi32, #tpu.memory_space<vmem>>) target_semaphore(%arg13 : memref<!tpu.dma_semaphore, #tpu.memory_space<semaphore_mem>>)
        %dma_start3A_814 = arith.constant 2 : i32
        %dma_start3A_815 = arith.constant 0 : i32
        %dma_start3A_816 = arith.constant 0 : i32
        %dma_start3A_817 = tpu.memref_slice %arg6[%dma_start3A_814, %dma_start3A_815, %dma_start3A_816] : memref<4x2x72xi32, #tpu.memory_space<vmem>> -> memref<1x1x72xi32, #tpu.memory_space<vmem>>
        %dma_start3A_818 = tpu.memref_squeeze %dma_start3A_817 : memref<1x1x72xi32, #tpu.memory_space<vmem>> -> memref<72xi32, #tpu.memory_space<vmem>>
        %dma_start3A_819 = arith.constant 128 : i32
        %dma_start3A_820 = tpu.memref_slice %arg2[%add3A_799, %dma_start3A_819] : memref<16384x200xi32, #tpu.memory_space<hbm>> -> memref<1x72xi32, #tpu.memory_space<hbm>>
        %dma_start3A_821 = tpu.memref_squeeze %dma_start3A_820 : memref<1x72xi32, #tpu.memory_space<hbm>> -> memref<72xi32, #tpu.memory_space<hbm>>
        %dma_start3A_822 = arith.constant 0 : i32
        %dma_start3A_823 = tpu.memref_slice %arg6[%dma_start3A_814, %dma_start3A_815, %dma_start3A_822] : memref<4x2x72xi32, #tpu.memory_space<vmem>> -> memref<1x1x72xi32, #tpu.memory_space<vmem>>
        %dma_start3A_824 = tpu.memref_squeeze %dma_start3A_823 : memref<1x1x72xi32, #tpu.memory_space<vmem>> -> memref<72xi32, #tpu.memory_space<vmem>>
        %dma_start3A_825 = arith.constant 128 : i32
        %dma_start3A_826 = tpu.memref_slice %arg2[%add3A_799, %dma_start3A_825] : memref<16384x200xi32, #tpu.memory_space<hbm>> -> memref<1x72xi32, #tpu.memory_space<hbm>>
        %dma_start3A_827 = tpu.memref_squeeze %dma_start3A_826 : memref<1x72xi32, #tpu.memory_space<hbm>> -> memref<72xi32, #tpu.memory_space<hbm>>
        tpu.enqueue_dma source(%dma_start3A_827 : memref<72xi32, #tpu.memory_space<hbm>>) target(%dma_start3A_824 : memref<72xi32, #tpu.memory_space<vmem>>) target_semaphore(%arg13 : memref<!tpu.dma_semaphore, #tpu.memory_space<semaphore_mem>>)
        %mul3A_828 = arith.constant 2 : i32
        %mul3A_829 = arith.muli %add3A_794, %mul3A_828 : i32
        %add3A_830 = arith.addi %mul3A_2, %mul3A_829 : i32
        %add3A_831 = arith.constant 1 : i32
        %add3A_832 = arith.addi %add3A_830, %add3A_831 : i32
        %dma_start3A_833 = arith.constant 2 : i32
        %dma_start3A_834 = arith.constant 1 : i32
        %dma_start3A_835 = arith.constant 0 : i32
        %dma_start3A_836 = tpu.memref_slice %arg5[%dma_start3A_833, %dma_start3A_834, %dma_start3A_835] : memref<4x2x128xi32, #tpu.memory_space<vmem>> -> memref<1x1x128xi32, #tpu.memory_space<vmem>>
        %dma_start3A_837 = tpu.memref_squeeze %dma_start3A_836 : memref<1x1x128xi32, #tpu.memory_space<vmem>> -> memref<128xi32, #tpu.memory_space<vmem>>
        %dma_start3A_838 = arith.constant 0 : i32
        %dma_start3A_839 = tpu.memref_slice %arg2[%add3A_832, %dma_start3A_838] : memref<16384x200xi32, #tpu.memory_space<hbm>> -> memref<1x128xi32, #tpu.memory_space<hbm>>
        %dma_start3A_840 = tpu.memref_squeeze %dma_start3A_839 : memref<1x128xi32, #tpu.memory_space<hbm>> -> memref<128xi32, #tpu.memory_space<hbm>>
        %dma_start3A_841 = arith.constant 0 : i32
        %dma_start3A_842 = tpu.memref_slice %arg5[%dma_start3A_833, %dma_start3A_834, %dma_start3A_841] : memref<4x2x128xi32, #tpu.memory_space<vmem>> -> memref<1x1x128xi32, #tpu.memory_space<vmem>>
        %dma_start3A_843 = tpu.memref_squeeze %dma_start3A_842 : memref<1x1x128xi32, #tpu.memory_space<vmem>> -> memref<128xi32, #tpu.memory_space<vmem>>
        %dma_start3A_844 = arith.constant 0 : i32
        %dma_start3A_845 = tpu.memref_slice %arg2[%add3A_832, %dma_start3A_844] : memref<16384x200xi32, #tpu.memory_space<hbm>> -> memref<1x128xi32, #tpu.memory_space<hbm>>
        %dma_start3A_846 = tpu.memref_squeeze %dma_start3A_845 : memref<1x128xi32, #tpu.memory_space<hbm>> -> memref<128xi32, #tpu.memory_space<hbm>>
        tpu.enqueue_dma source(%dma_start3A_846 : memref<128xi32, #tpu.memory_space<hbm>>) target(%dma_start3A_843 : memref<128xi32, #tpu.memory_space<vmem>>) target_semaphore(%arg13 : memref<!tpu.dma_semaphore, #tpu.memory_space<semaphore_mem>>)
        %dma_start3A_847 = arith.constant 2 : i32
        %dma_start3A_848 = arith.constant 1 : i32
        %dma_start3A_849 = arith.constant 0 : i32
        %dma_start3A_850 = tpu.memref_slice %arg6[%dma_start3A_847, %dma_start3A_848, %dma_start3A_849] : memref<4x2x72xi32, #tpu.memory_space<vmem>> -> memref<1x1x72xi32, #tpu.memory_space<vmem>>
        %dma_start3A_851 = tpu.memref_squeeze %dma_start3A_850 : memref<1x1x72xi32, #tpu.memory_space<vmem>> -> memref<72xi32, #tpu.memory_space<vmem>>
        %dma_start3A_852 = arith.constant 128 : i32
        %dma_start3A_853 = tpu.memref_slice %arg2[%add3A_832, %dma_start3A_852] : memref<16384x200xi32, #tpu.memory_space<hbm>> -> memref<1x72xi32, #tpu.memory_space<hbm>>
        %dma_start3A_854 = tpu.memref_squeeze %dma_start3A_853 : memref<1x72xi32, #tpu.memory_space<hbm>> -> memref<72xi32, #tpu.memory_space<hbm>>
        %dma_start3A_855 = arith.constant 0 : i32
        %dma_start3A_856 = tpu.memref_slice %arg6[%dma_start3A_847, %dma_start3A_848, %dma_start3A_855] : memref<4x2x72xi32, #tpu.memory_space<vmem>> -> memref<1x1x72xi32, #tpu.memory_space<vmem>>
        %dma_start3A_857 = tpu.memref_squeeze %dma_start3A_856 : memref<1x1x72xi32, #tpu.memory_space<vmem>> -> memref<72xi32, #tpu.memory_space<vmem>>
        %dma_start3A_858 = arith.constant 128 : i32
        %dma_start3A_859 = tpu.memref_slice %arg2[%add3A_832, %dma_start3A_858] : memref<16384x200xi32, #tpu.memory_space<hbm>> -> memref<1x72xi32, #tpu.memory_space<hbm>>
        %dma_start3A_860 = tpu.memref_squeeze %dma_start3A_859 : memref<1x72xi32, #tpu.memory_space<hbm>> -> memref<72xi32, #tpu.memory_space<hbm>>
        tpu.enqueue_dma source(%dma_start3A_860 : memref<72xi32, #tpu.memory_space<hbm>>) target(%dma_start3A_857 : memref<72xi32, #tpu.memory_space<vmem>>) target_semaphore(%arg13 : memref<!tpu.dma_semaphore, #tpu.memory_space<semaphore_mem>>)
      } else {
      }
      %broadcast_in_dim3A_560 = arith.constant 0.000000e+00 : f32
      %broadcast_in_dim3A_561 = vector.broadcast %broadcast_in_dim3A_560 : f32 to vector<16xf32>
      %broadcast_in_dim3A_562 = arith.constant 0.000000e+00 : f32
      %broadcast_in_dim3A_563 = vector.broadcast %broadcast_in_dim3A_562 : f32 to vector<16xf32>
      %broadcast_in_dim3A_564 = arith.constant 0.000000e+00 : f32
      %broadcast_in_dim3A_565 = vector.broadcast %broadcast_in_dim3A_564 : f32 to vector<16xf32>
      %broadcast_in_dim3A_566 = arith.constant 0.000000e+00 : f32
      %broadcast_in_dim3A_567 = vector.broadcast %broadcast_in_dim3A_566 : f32 to vector<16xf32>
      %scan3A_568 = arith.constant 0 : i32
      %scan3A_569 = arith.constant 200 : i32
      %scan3A_570 = arith.addi %scan3A_568, %scan3A_569 : i32
      %scan3A_571 = arith.constant 8 : i32
      %scan3A_572:4 = scf.for %scan3A_793 = %scan3A_568 to %scan3A_570 step %scan3A_571 iter_args(%scan3A_794 = %broadcast_in_dim3A_561, %scan3A_795 = %broadcast_in_dim3A_563, %scan3A_796 = %broadcast_in_dim3A_565, %scan3A_797 = %broadcast_in_dim3A_567) -> (vector<16xf32>, vector<16xf32>, vector<16xf32>, vector<16xf32>)  : i32 {
        %add3A_798 = arith.constant 0 : i32
        %add3A_799 = arith.addi %add3A_798, %scan3A_793 : i32
        %get3A = arith.constant 0 : i32
        %get3A_800 = arith.index_cast %get3A : i32 to index
        %get3A_801 = arith.index_cast %add3A_799 : i32 to index
        %get3A_802 = arith.constant 0 : index
        %get3A_803 = tpu.vector_load %arg7[%get3A_800, %get3A_801, %get3A_802] {strides = array<i32>} : memref<2x400x64xf32, #tpu.memory_space<vmem>>, vector<1x1x16xf32>,
        %get3A_804 = vector.shape_cast %get3A_803 : vector<1x1x16xf32> to vector<16xf32>
        %add3A_805 = arith.addf %scan3A_794, %get3A_804 : vector<16xf32>
        %add3A_806 = arith.constant 0 : i32
        %add3A_807 = arith.addi %add3A_806, %scan3A_793 : i32
        %get3A_808 = arith.constant 0 : i32
        %get3A_809 = arith.index_cast %get3A_808 : i32 to index
        %get3A_810 = arith.index_cast %add3A_807 : i32 to index
        %get3A_811 = arith.constant 16 : index
        %get3A_812 = tpu.vector_load %arg7[%get3A_809, %get3A_810, %get3A_811] {strides = array<i32>} : memref<2x400x64xf32, #tpu.memory_space<vmem>>, vector<1x1x16xf32>,
        %get3A_813 = vector.shape_cast %get3A_812 : vector<1x1x16xf32> to vector<16xf32>
        %add3A_814 = arith.addf %scan3A_795, %get3A_813 : vector<16xf32>
        %add3A_815 = arith.constant 0 : i32
        %add3A_816 = arith.addi %add3A_815, %scan3A_793 : i32
        %get3A_817 = arith.constant 0 : i32
        %get3A_818 = arith.index_cast %get3A_817 : i32 to index
        %get3A_819 = arith.index_cast %add3A_816 : i32 to index
        %get3A_820 = arith.constant 32 : index
        %get3A_821 = tpu.vector_load %arg7[%get3A_818, %get3A_819, %get3A_820] {strides = array<i32>} : memref<2x400x64xf32, #tpu.memory_space<vmem>>, vector<1x1x16xf32>,
        %get3A_822 = vector.shape_cast %get3A_821 : vector<1x1x16xf32> to vector<16xf32>
        %add3A_823 = arith.addf %scan3A_796, %get3A_822 : vector<16xf32>
        %add3A_824 = arith.constant 0 : i32
        %add3A_825 = arith.addi %add3A_824, %scan3A_793 : i32
        %get3A_826 = arith.constant 0 : i32
        %get3A_827 = arith.index_cast %get3A_826 : i32 to index
        %get3A_828 = arith.index_cast %add3A_825 : i32 to index
        %get3A_829 = arith.constant 48 : index
        %get3A_830 = tpu.vector_load %arg7[%get3A_827, %get3A_828, %get3A_829] {strides = array<i32>} : memref<2x400x64xf32, #tpu.memory_space<vmem>>, vector<1x1x16xf32>,
        %get3A_831 = vector.shape_cast %get3A_830 : vector<1x1x16xf32> to vector<16xf32>
        %add3A_832 = arith.addf %scan3A_797, %get3A_831 : vector<16xf32>
        %scan3A_833 = arith.constant 1 : i32
        %scan3A_834 = arith.addi %scan3A_793, %scan3A_833 : i32
        %add3A_835 = arith.constant 0 : i32
        %add3A_836 = arith.addi %add3A_835, %scan3A_834 : i32
        %get3A_837 = arith.constant 0 : i32
        %get3A_838 = arith.index_cast %get3A_837 : i32 to index
        %get3A_839 = arith.index_cast %add3A_836 : i32 to index
        %get3A_840 = arith.constant 0 : index
        %get3A_841 = tpu.vector_load %arg7[%get3A_838, %get3A_839, %get3A_840] {strides = array<i32>} : memref<2x400x64xf32, #tpu.memory_space<vmem>>, vector<1x1x16xf32>,
        %get3A_842 = vector.shape_cast %get3A_841 : vector<1x1x16xf32> to vector<16xf32>
        %add3A_843 = arith.addf %add3A_805, %get3A_842 : vector<16xf32>
        %add3A_844 = arith.constant 0 : i32
        %add3A_845 = arith.addi %add3A_844, %scan3A_834 : i32
        %get3A_846 = arith.constant 0 : i32
        %get3A_847 = arith.index_cast %get3A_846 : i32 to index
        %get3A_848 = arith.index_cast %add3A_845 : i32 to index
        %get3A_849 = arith.constant 16 : index
        %get3A_850 = tpu.vector_load %arg7[%get3A_847, %get3A_848, %get3A_849] {strides = array<i32>} : memref<2x400x64xf32, #tpu.memory_space<vmem>>, vector<1x1x16xf32>,
        %get3A_851 = vector.shape_cast %get3A_850 : vector<1x1x16xf32> to vector<16xf32>
        %add3A_852 = arith.addf %add3A_814, %get3A_851 : vector<16xf32>
        %add3A_853 = arith.constant 0 : i32
        %add3A_854 = arith.addi %add3A_853, %scan3A_834 : i32
        %get3A_855 = arith.constant 0 : i32
        %get3A_856 = arith.index_cast %get3A_855 : i32 to index
        %get3A_857 = arith.index_cast %add3A_854 : i32 to index
        %get3A_858 = arith.constant 32 : index
        %get3A_859 = tpu.vector_load %arg7[%get3A_856, %get3A_857, %get3A_858] {strides = array<i32>} : memref<2x400x64xf32, #tpu.memory_space<vmem>>, vector<1x1x16xf32>,
        %get3A_860 = vector.shape_cast %get3A_859 : vector<1x1x16xf32> to vector<16xf32>
        %add3A_861 = arith.addf %add3A_823, %get3A_860 : vector<16xf32>
        %add3A_862 = arith.constant 0 : i32
        %add3A_863 = arith.addi %add3A_862, %scan3A_834 : i32
        %get3A_864 = arith.constant 0 : i32
        %get3A_865 = arith.index_cast %get3A_864 : i32 to index
        %get3A_866 = arith.index_cast %add3A_863 : i32 to index
        %get3A_867 = arith.constant 48 : index
        %get3A_868 = tpu.vector_load %arg7[%get3A_865, %get3A_866, %get3A_867] {strides = array<i32>} : memref<2x400x64xf32, #tpu.memory_space<vmem>>, vector<1x1x16xf32>,
        %get3A_869 = vector.shape_cast %get3A_868 : vector<1x1x16xf32> to vector<16xf32>
        %add3A_870 = arith.addf %add3A_832, %get3A_869 : vector<16xf32>
        %scan3A_871 = arith.constant 2 : i32
        %scan3A_872 = arith.addi %scan3A_793, %scan3A_871 : i32
        %add3A_873 = arith.constant 0 : i32
        %add3A_874 = arith.addi %add3A_873, %scan3A_872 : i32
        %get3A_875 = arith.constant 0 : i32
        %get3A_876 = arith.index_cast %get3A_875 : i32 to index
        %get3A_877 = arith.index_cast %add3A_874 : i32 to index
        %get3A_878 = arith.constant 0 : index
        %get3A_879 = tpu.vector_load %arg7[%get3A_876, %get3A_877, %get3A_878] {strides = array<i32>} : memref<2x400x64xf32, #tpu.memory_space<vmem>>, vector<1x1x16xf32>,
        %get3A_880 = vector.shape_cast %get3A_879 : vector<1x1x16xf32> to vector<16xf32>
        %add3A_881 = arith.addf %add3A_843, %get3A_880 : vector<16xf32>
        %add3A_882 = arith.constant 0 : i32
        %add3A_883 = arith.addi %add3A_882, %scan3A_872 : i32
        %get3A_884 = arith.constant 0 : i32
        %get3A_885 = arith.index_cast %get3A_884 : i32 to index
        %get3A_886 = arith.index_cast %add3A_883 : i32 to index
        %get3A_887 = arith.constant 16 : index
        %get3A_888 = tpu.vector_load %arg7[%get3A_885, %get3A_886, %get3A_887] {strides = array<i32>} : memref<2x400x64xf32, #tpu.memory_space<vmem>>, vector<1x1x16xf32>,
        %get3A_889 = vector.shape_cast %get3A_888 : vector<1x1x16xf32> to vector<16xf32>
        %add3A_890 = arith.addf %add3A_852, %get3A_889 : vector<16xf32>
        %add3A_891 = arith.constant 0 : i32
        %add3A_892 = arith.addi %add3A_891, %scan3A_872 : i32
        %get3A_893 = arith.constant 0 : i32
        %get3A_894 = arith.index_cast %get3A_893 : i32 to index
        %get3A_895 = arith.index_cast %add3A_892 : i32 to index
        %get3A_896 = arith.constant 32 : index
        %get3A_897 = tpu.vector_load %arg7[%get3A_894, %get3A_895, %get3A_896] {strides = array<i32>} : memref<2x400x64xf32, #tpu.memory_space<vmem>>, vector<1x1x16xf32>,
        %get3A_898 = vector.shape_cast %get3A_897 : vector<1x1x16xf32> to vector<16xf32>
        %add3A_899 = arith.addf %add3A_861, %get3A_898 : vector<16xf32>
        %add3A_900 = arith.constant 0 : i32
        %add3A_901 = arith.addi %add3A_900, %scan3A_872 : i32
        %get3A_902 = arith.constant 0 : i32
        %get3A_903 = arith.index_cast %get3A_902 : i32 to index
        %get3A_904 = arith.index_cast %add3A_901 : i32 to index
        %get3A_905 = arith.constant 48 : index
        %get3A_906 = tpu.vector_load %arg7[%get3A_903, %get3A_904, %get3A_905] {strides = array<i32>} : memref<2x400x64xf32, #tpu.memory_space<vmem>>, vector<1x1x16xf32>,
        %get3A_907 = vector.shape_cast %get3A_906 : vector<1x1x16xf32> to vector<16xf32>
        %add3A_908 = arith.addf %add3A_870, %get3A_907 : vector<16xf32>
        %scan3A_909 = arith.constant 3 : i32
        %scan3A_910 = arith.addi %scan3A_793, %scan3A_909 : i32
        %add3A_911 = arith.constant 0 : i32
        %add3A_912 = arith.addi %add3A_911, %scan3A_910 : i32
        %get3A_913 = arith.constant 0 : i32
        %get3A_914 = arith.index_cast %get3A_913 : i32 to index
        %get3A_915 = arith.index_cast %add3A_912 : i32 to index
        %get3A_916 = arith.constant 0 : index
        %get3A_917 = tpu.vector_load %arg7[%get3A_914, %get3A_915, %get3A_916] {strides = array<i32>} : memref<2x400x64xf32, #tpu.memory_space<vmem>>, vector<1x1x16xf32>,
        %get3A_918 = vector.shape_cast %get3A_917 : vector<1x1x16xf32> to vector<16xf32>
        %add3A_919 = arith.addf %add3A_881, %get3A_918 : vector<16xf32>
        %add3A_920 = arith.constant 0 : i32
        %add3A_921 = arith.addi %add3A_920, %scan3A_910 : i32
        %get3A_922 = arith.constant 0 : i32
        %get3A_923 = arith.index_cast %get3A_922 : i32 to index
        %get3A_924 = arith.index_cast %add3A_921 : i32 to index
        %get3A_925 = arith.constant 16 : index
        %get3A_926 = tpu.vector_load %arg7[%get3A_923, %get3A_924, %get3A_925] {strides = array<i32>} : memref<2x400x64xf32, #tpu.memory_space<vmem>>, vector<1x1x16xf32>,
        %get3A_927 = vector.shape_cast %get3A_926 : vector<1x1x16xf32> to vector<16xf32>
        %add3A_928 = arith.addf %add3A_890, %get3A_927 : vector<16xf32>
        %add3A_929 = arith.constant 0 : i32
        %add3A_930 = arith.addi %add3A_929, %scan3A_910 : i32
        %get3A_931 = arith.constant 0 : i32
        %get3A_932 = arith.index_cast %get3A_931 : i32 to index
        %get3A_933 = arith.index_cast %add3A_930 : i32 to index
        %get3A_934 = arith.constant 32 : index
        %get3A_935 = tpu.vector_load %arg7[%get3A_932, %get3A_933, %get3A_934] {strides = array<i32>} : memref<2x400x64xf32, #tpu.memory_space<vmem>>, vector<1x1x16xf32>,
        %get3A_936 = vector.shape_cast %get3A_935 : vector<1x1x16xf32> to vector<16xf32>
        %add3A_937 = arith.addf %add3A_899, %get3A_936 : vector<16xf32>
        %add3A_938 = arith.constant 0 : i32
        %add3A_939 = arith.addi %add3A_938, %scan3A_910 : i32
        %get3A_940 = arith.constant 0 : i32
        %get3A_941 = arith.index_cast %get3A_940 : i32 to index
        %get3A_942 = arith.index_cast %add3A_939 : i32 to index
        %get3A_943 = arith.constant 48 : index
        %get3A_944 = tpu.vector_load %arg7[%get3A_941, %get3A_942, %get3A_943] {strides = array<i32>} : memref<2x400x64xf32, #tpu.memory_space<vmem>>, vector<1x1x16xf32>,
        %get3A_945 = vector.shape_cast %get3A_944 : vector<1x1x16xf32> to vector<16xf32>
        %add3A_946 = arith.addf %add3A_908, %get3A_945 : vector<16xf32>
        %scan3A_947 = arith.constant 4 : i32
        %scan3A_948 = arith.addi %scan3A_793, %scan3A_947 : i32
        %add3A_949 = arith.constant 0 : i32
        %add3A_950 = arith.addi %add3A_949, %scan3A_948 : i32
        %get3A_951 = arith.constant 0 : i32
        %get3A_952 = arith.index_cast %get3A_951 : i32 to index
        %get3A_953 = arith.index_cast %add3A_950 : i32 to index
        %get3A_954 = arith.constant 0 : index
        %get3A_955 = tpu.vector_load %arg7[%get3A_952, %get3A_953, %get3A_954] {strides = array<i32>} : memref<2x400x64xf32, #tpu.memory_space<vmem>>, vector<1x1x16xf32>,
        %get3A_956 = vector.shape_cast %get3A_955 : vector<1x1x16xf32> to vector<16xf32>
        %add3A_957 = arith.addf %add3A_919, %get3A_956 : vector<16xf32>
        %add3A_958 = arith.constant 0 : i32
        %add3A_959 = arith.addi %add3A_958, %scan3A_948 : i32
        %get3A_960 = arith.constant 0 : i32
        %get3A_961 = arith.index_cast %get3A_960 : i32 to index
        %get3A_962 = arith.index_cast %add3A_959 : i32 to index
        %get3A_963 = arith.constant 16 : index
        %get3A_964 = tpu.vector_load %arg7[%get3A_961, %get3A_962, %get3A_963] {strides = array<i32>} : memref<2x400x64xf32, #tpu.memory_space<vmem>>, vector<1x1x16xf32>,
        %get3A_965 = vector.shape_cast %get3A_964 : vector<1x1x16xf32> to vector<16xf32>
        %add3A_966 = arith.addf %add3A_928, %get3A_965 : vector<16xf32>
        %add3A_967 = arith.constant 0 : i32
        %add3A_968 = arith.addi %add3A_967, %scan3A_948 : i32
        %get3A_969 = arith.constant 0 : i32
        %get3A_970 = arith.index_cast %get3A_969 : i32 to index
        %get3A_971 = arith.index_cast %add3A_968 : i32 to index
        %get3A_972 = arith.constant 32 : index
        %get3A_973 = tpu.vector_load %arg7[%get3A_970, %get3A_971, %get3A_972] {strides = array<i32>} : memref<2x400x64xf32, #tpu.memory_space<vmem>>, vector<1x1x16xf32>,
        %get3A_974 = vector.shape_cast %get3A_973 : vector<1x1x16xf32> to vector<16xf32>
        %add3A_975 = arith.addf %add3A_937, %get3A_974 : vector<16xf32>
        %add3A_976 = arith.constant 0 : i32
        %add3A_977 = arith.addi %add3A_976, %scan3A_948 : i32
        %get3A_978 = arith.constant 0 : i32
        %get3A_979 = arith.index_cast %get3A_978 : i32 to index
        %get3A_980 = arith.index_cast %add3A_977 : i32 to index
        %get3A_981 = arith.constant 48 : index
        %get3A_982 = tpu.vector_load %arg7[%get3A_979, %get3A_980, %get3A_981] {strides = array<i32>} : memref<2x400x64xf32, #tpu.memory_space<vmem>>, vector<1x1x16xf32>,
        %get3A_983 = vector.shape_cast %get3A_982 : vector<1x1x16xf32> to vector<16xf32>
        %add3A_984 = arith.addf %add3A_946, %get3A_983 : vector<16xf32>
        %scan3A_985 = arith.constant 5 : i32
        %scan3A_986 = arith.addi %scan3A_793, %scan3A_985 : i32
        %add3A_987 = arith.constant 0 : i32
        %add3A_988 = arith.addi %add3A_987, %scan3A_986 : i32
        %get3A_989 = arith.constant 0 : i32
        %get3A_990 = arith.index_cast %get3A_989 : i32 to index
        %get3A_991 = arith.index_cast %add3A_988 : i32 to index
        %get3A_992 = arith.constant 0 : index
        %get3A_993 = tpu.vector_load %arg7[%get3A_990, %get3A_991, %get3A_992] {strides = array<i32>} : memref<2x400x64xf32, #tpu.memory_space<vmem>>, vector<1x1x16xf32>,
        %get3A_994 = vector.shape_cast %get3A_993 : vector<1x1x16xf32> to vector<16xf32>
        %add3A_995 = arith.addf %add3A_957, %get3A_994 : vector<16xf32>
        %add3A_996 = arith.constant 0 : i32
        %add3A_997 = arith.addi %add3A_996, %scan3A_986 : i32
        %get3A_998 = arith.constant 0 : i32
        %get3A_999 = arith.index_cast %get3A_998 : i32 to index
        %get3A_1000 = arith.index_cast %add3A_997 : i32 to index
        %get3A_1001 = arith.constant 16 : index
        %get3A_1002 = tpu.vector_load %arg7[%get3A_999, %get3A_1000, %get3A_1001] {strides = array<i32>} : memref<2x400x64xf32, #tpu.memory_space<vmem>>, vector<1x1x16xf32>,
        %get3A_1003 = vector.shape_cast %get3A_1002 : vector<1x1x16xf32> to vector<16xf32>
        %add3A_1004 = arith.addf %add3A_966, %get3A_1003 : vector<16xf32>
        %add3A_1005 = arith.constant 0 : i32
        %add3A_1006 = arith.addi %add3A_1005, %scan3A_986 : i32
        %get3A_1007 = arith.constant 0 : i32
        %get3A_1008 = arith.index_cast %get3A_1007 : i32 to index
        %get3A_1009 = arith.index_cast %add3A_1006 : i32 to index
        %get3A_1010 = arith.constant 32 : index
        %get3A_1011 = tpu.vector_load %arg7[%get3A_1008, %get3A_1009, %get3A_1010] {strides = array<i32>} : memref<2x400x64xf32, #tpu.memory_space<vmem>>, vector<1x1x16xf32>,
        %get3A_1012 = vector.shape_cast %get3A_1011 : vector<1x1x16xf32> to vector<16xf32>
        %add3A_1013 = arith.addf %add3A_975, %get3A_1012 : vector<16xf32>
        %add3A_1014 = arith.constant 0 : i32
        %add3A_1015 = arith.addi %add3A_1014, %scan3A_986 : i32
        %get3A_1016 = arith.constant 0 : i32
        %get3A_1017 = arith.index_cast %get3A_1016 : i32 to index
        %get3A_1018 = arith.index_cast %add3A_1015 : i32 to index
        %get3A_1019 = arith.constant 48 : index
        %get3A_1020 = tpu.vector_load %arg7[%get3A_1017, %get3A_1018, %get3A_1019] {strides = array<i32>} : memref<2x400x64xf32, #tpu.memory_space<vmem>>, vector<1x1x16xf32>,
        %get3A_1021 = vector.shape_cast %get3A_1020 : vector<1x1x16xf32> to vector<16xf32>
        %add3A_1022 = arith.addf %add3A_984, %get3A_1021 : vector<16xf32>
        %scan3A_1023 = arith.constant 6 : i32
        %scan3A_1024 = arith.addi %scan3A_793, %scan3A_1023 : i32
        %add3A_1025 = arith.constant 0 : i32
        %add3A_1026 = arith.addi %add3A_1025, %scan3A_1024 : i32
        %get3A_1027 = arith.constant 0 : i32
        %get3A_1028 = arith.index_cast %get3A_1027 : i32 to index
        %get3A_1029 = arith.index_cast %add3A_1026 : i32 to index
        %get3A_1030 = arith.constant 0 : index
        %get3A_1031 = tpu.vector_load %arg7[%get3A_1028, %get3A_1029, %get3A_1030] {strides = array<i32>} : memref<2x400x64xf32, #tpu.memory_space<vmem>>, vector<1x1x16xf32>,
        %get3A_1032 = vector.shape_cast %get3A_1031 : vector<1x1x16xf32> to vector<16xf32>
        %add3A_1033 = arith.addf %add3A_995, %get3A_1032 : vector<16xf32>
        %add3A_1034 = arith.constant 0 : i32
        %add3A_1035 = arith.addi %add3A_1034, %scan3A_1024 : i32
        %get3A_1036 = arith.constant 0 : i32
        %get3A_1037 = arith.index_cast %get3A_1036 : i32 to index
        %get3A_1038 = arith.index_cast %add3A_1035 : i32 to index
        %get3A_1039 = arith.constant 16 : index
        %get3A_1040 = tpu.vector_load %arg7[%get3A_1037, %get3A_1038, %get3A_1039] {strides = array<i32>} : memref<2x400x64xf32, #tpu.memory_space<vmem>>, vector<1x1x16xf32>,
        %get3A_1041 = vector.shape_cast %get3A_1040 : vector<1x1x16xf32> to vector<16xf32>
        %add3A_1042 = arith.addf %add3A_1004, %get3A_1041 : vector<16xf32>
        %add3A_1043 = arith.constant 0 : i32
        %add3A_1044 = arith.addi %add3A_1043, %scan3A_1024 : i32
        %get3A_1045 = arith.constant 0 : i32
        %get3A_1046 = arith.index_cast %get3A_1045 : i32 to index
        %get3A_1047 = arith.index_cast %add3A_1044 : i32 to index
        %get3A_1048 = arith.constant 32 : index
        %get3A_1049 = tpu.vector_load %arg7[%get3A_1046, %get3A_1047, %get3A_1048] {strides = array<i32>} : memref<2x400x64xf32, #tpu.memory_space<vmem>>, vector<1x1x16xf32>,
        %get3A_1050 = vector.shape_cast %get3A_1049 : vector<1x1x16xf32> to vector<16xf32>
        %add3A_1051 = arith.addf %add3A_1013, %get3A_1050 : vector<16xf32>
        %add3A_1052 = arith.constant 0 : i32
        %add3A_1053 = arith.addi %add3A_1052, %scan3A_1024 : i32
        %get3A_1054 = arith.constant 0 : i32
        %get3A_1055 = arith.index_cast %get3A_1054 : i32 to index
        %get3A_1056 = arith.index_cast %add3A_1053 : i32 to index
        %get3A_1057 = arith.constant 48 : index
        %get3A_1058 = tpu.vector_load %arg7[%get3A_1055, %get3A_1056, %get3A_1057] {strides = array<i32>} : memref<2x400x64xf32, #tpu.memory_space<vmem>>, vector<1x1x16xf32>,
        %get3A_1059 = vector.shape_cast %get3A_1058 : vector<1x1x16xf32> to vector<16xf32>
        %add3A_1060 = arith.addf %add3A_1022, %get3A_1059 : vector<16xf32>
        %scan3A_1061 = arith.constant 7 : i32
        %scan3A_1062 = arith.addi %scan3A_793, %scan3A_1061 : i32
        %add3A_1063 = arith.constant 0 : i32
        %add3A_1064 = arith.addi %add3A_1063, %scan3A_1062 : i32
        %get3A_1065 = arith.constant 0 : i32
        %get3A_1066 = arith.index_cast %get3A_1065 : i32 to index
        %get3A_1067 = arith.index_cast %add3A_1064 : i32 to index
        %get3A_1068 = arith.constant 0 : index
        %get3A_1069 = tpu.vector_load %arg7[%get3A_1066, %get3A_1067, %get3A_1068] {strides = array<i32>} : memref<2x400x64xf32, #tpu.memory_space<vmem>>, vector<1x1x16xf32>,
        %get3A_1070 = vector.shape_cast %get3A_1069 : vector<1x1x16xf32> to vector<16xf32>
        %add3A_1071 = arith.addf %add3A_1033, %get3A_1070 : vector<16xf32>
        %add3A_1072 = arith.constant 0 : i32
        %add3A_1073 = arith.addi %add3A_1072, %scan3A_1062 : i32
        %get3A_1074 = arith.constant 0 : i32
        %get3A_1075 = arith.index_cast %get3A_1074 : i32 to index
        %get3A_1076 = arith.index_cast %add3A_1073 : i32 to index
        %get3A_1077 = arith.constant 16 : index
        %get3A_1078 = tpu.vector_load %arg7[%get3A_1075, %get3A_1076, %get3A_1077] {strides = array<i32>} : memref<2x400x64xf32, #tpu.memory_space<vmem>>, vector<1x1x16xf32>,
        %get3A_1079 = vector.shape_cast %get3A_1078 : vector<1x1x16xf32> to vector<16xf32>
        %add3A_1080 = arith.addf %add3A_1042, %get3A_1079 : vector<16xf32>
        %add3A_1081 = arith.constant 0 : i32
        %add3A_1082 = arith.addi %add3A_1081, %scan3A_1062 : i32
        %get3A_1083 = arith.constant 0 : i32
        %get3A_1084 = arith.index_cast %get3A_1083 : i32 to index
        %get3A_1085 = arith.index_cast %add3A_1082 : i32 to index
        %get3A_1086 = arith.constant 32 : index
        %get3A_1087 = tpu.vector_load %arg7[%get3A_1084, %get3A_1085, %get3A_1086] {strides = array<i32>} : memref<2x400x64xf32, #tpu.memory_space<vmem>>, vector<1x1x16xf32>,
        %get3A_1088 = vector.shape_cast %get3A_1087 : vector<1x1x16xf32> to vector<16xf32>
        %add3A_1089 = arith.addf %add3A_1051, %get3A_1088 : vector<16xf32>
        %add3A_1090 = arith.constant 0 : i32
        %add3A_1091 = arith.addi %add3A_1090, %scan3A_1062 : i32
        %get3A_1092 = arith.constant 0 : i32
        %get3A_1093 = arith.index_cast %get3A_1092 : i32 to index
        %get3A_1094 = arith.index_cast %add3A_1091 : i32 to index
        %get3A_1095 = arith.constant 48 : index
        %get3A_1096 = tpu.vector_load %arg7[%get3A_1093, %get3A_1094, %get3A_1095] {strides = array<i32>} : memref<2x400x64xf32, #tpu.memory_space<vmem>>, vector<1x1x16xf32>,
        %get3A_1097 = vector.shape_cast %get3A_1096 : vector<1x1x16xf32> to vector<16xf32>
        %add3A_1098 = arith.addf %add3A_1060, %get3A_1097 : vector<16xf32>
        scf.yield %add3A_1071, %add3A_1080, %add3A_1089, %add3A_1098 : vector<16xf32>, vector<16xf32>, vector<16xf32>, vector<16xf32>
      }
      %scan3A_573 = arith.constant 200 : i32
      %mul3A_574 = arith.constant 2 : i32
      %mul3A_575 = arith.muli %add3A_530, %mul3A_574 : i32
      %add3A_576 = arith.constant 0 : i32
      %add3A_577 = arith.addi %mul3A_575, %add3A_576 : i32
      %swap3A_578 = arith.index_cast %add3A_577 : i32 to index
      %swap3A_579 = arith.constant 0 : index
      %swap3A_580 = tpu.vector_load %arg8[%swap3A_578, %swap3A_579] {strides = array<i32>} : memref<512x64xf32, #tpu.memory_space<vmem>>, vector<1x16xf32>,
      %swap3A_581 = vector.shape_cast %swap3A_580 : vector<1x16xf32> to vector<16xf32>
      %swap3A_582 = vector.shape_cast %scan3A_572#0 : vector<16xf32> to vector<1x16xf32>
      tpu.vector_store %arg8[%swap3A_578, %swap3A_579], %swap3A_582 {strides = array<i32>} : memref<512x64xf32, #tpu.memory_space<vmem>>, vector<1x16xf32>,
      %mul3A_583 = arith.constant 2 : i32
      %mul3A_584 = arith.muli %add3A_530, %mul3A_583 : i32
      %add3A_585 = arith.constant 0 : i32
      %add3A_586 = arith.addi %mul3A_584, %add3A_585 : i32
      %swap3A_587 = arith.index_cast %add3A_586 : i32 to index
      %swap3A_588 = arith.constant 16 : index
      %swap3A_589 = tpu.vector_load %arg8[%swap3A_587, %swap3A_588] {strides = array<i32>} : memref<512x64xf32, #tpu.memory_space<vmem>>, vector<1x16xf32>,
      %swap3A_590 = vector.shape_cast %swap3A_589 : vector<1x16xf32> to vector<16xf32>
      %swap3A_591 = vector.shape_cast %scan3A_572#1 : vector<16xf32> to vector<1x16xf32>
      tpu.vector_store %arg8[%swap3A_587, %swap3A_588], %swap3A_591 {strides = array<i32>} : memref<512x64xf32, #tpu.memory_space<vmem>>, vector<1x16xf32>,
      %mul3A_592 = arith.constant 2 : i32
      %mul3A_593 = arith.muli %add3A_530, %mul3A_592 : i32
      %add3A_594 = arith.constant 0 : i32
      %add3A_595 = arith.addi %mul3A_593, %add3A_594 : i32
      %swap3A_596 = arith.index_cast %add3A_595 : i32 to index
      %swap3A_597 = arith.constant 32 : index
      %swap3A_598 = tpu.vector_load %arg8[%swap3A_596, %swap3A_597] {strides = array<i32>} : memref<512x64xf32, #tpu.memory_space<vmem>>, vector<1x16xf32>,
      %swap3A_599 = vector.shape_cast %swap3A_598 : vector<1x16xf32> to vector<16xf32>
      %swap3A_600 = vector.shape_cast %scan3A_572#2 : vector<16xf32> to vector<1x16xf32>
      tpu.vector_store %arg8[%swap3A_596, %swap3A_597], %swap3A_600 {strides = array<i32>} : memref<512x64xf32, #tpu.memory_space<vmem>>, vector<1x16xf32>,
      %mul3A_601 = arith.constant 2 : i32
      %mul3A_602 = arith.muli %add3A_530, %mul3A_601 : i32
      %add3A_603 = arith.constant 0 : i32
      %add3A_604 = arith.addi %mul3A_602, %add3A_603 : i32
      %swap3A_605 = arith.index_cast %add3A_604 : i32 to index
      %swap3A_606 = arith.constant 48 : index
      %swap3A_607 = tpu.vector_load %arg8[%swap3A_605, %swap3A_606] {strides = array<i32>} : memref<512x64xf32, #tpu.memory_space<vmem>>, vector<1x16xf32>,
      %swap3A_608 = vector.shape_cast %swap3A_607 : vector<1x16xf32> to vector<16xf32>
      %swap3A_609 = vector.shape_cast %scan3A_572#3 : vector<16xf32> to vector<1x16xf32>
      tpu.vector_store %arg8[%swap3A_605, %swap3A_606], %swap3A_609 {strides = array<i32>} : memref<512x64xf32, #tpu.memory_space<vmem>>, vector<1x16xf32>,
      %broadcast_in_dim3A_610 = arith.constant 0.000000e+00 : f32
      %broadcast_in_dim3A_611 = vector.broadcast %broadcast_in_dim3A_610 : f32 to vector<16xf32>
      %broadcast_in_dim3A_612 = arith.constant 0.000000e+00 : f32
      %broadcast_in_dim3A_613 = vector.broadcast %broadcast_in_dim3A_612 : f32 to vector<16xf32>
      %broadcast_in_dim3A_614 = arith.constant 0.000000e+00 : f32
      %broadcast_in_dim3A_615 = vector.broadcast %broadcast_in_dim3A_614 : f32 to vector<16xf32>
      %broadcast_in_dim3A_616 = arith.constant 0.000000e+00 : f32
      %broadcast_in_dim3A_617 = vector.broadcast %broadcast_in_dim3A_616 : f32 to vector<16xf32>
      %scan3A_618 = arith.constant 0 : i32
      %scan3A_619 = arith.constant 200 : i32
      %scan3A_620 = arith.addi %scan3A_618, %scan3A_619 : i32
      %scan3A_621 = arith.constant 8 : i32
      %scan3A_622:4 = scf.for %scan3A_793 = %scan3A_618 to %scan3A_620 step %scan3A_621 iter_args(%scan3A_794 = %broadcast_in_dim3A_611, %scan3A_795 = %broadcast_in_dim3A_613, %scan3A_796 = %broadcast_in_dim3A_615, %scan3A_797 = %broadcast_in_dim3A_617) -> (vector<16xf32>, vector<16xf32>, vector<16xf32>, vector<16xf32>)  : i32 {
        %add3A_798 = arith.constant 200 : i32
        %add3A_799 = arith.addi %add3A_798, %scan3A_793 : i32
        %get3A = arith.constant 0 : i32
        %get3A_800 = arith.index_cast %get3A : i32 to index
        %get3A_801 = arith.index_cast %add3A_799 : i32 to index
        %get3A_802 = arith.constant 0 : index
        %get3A_803 = tpu.vector_load %arg7[%get3A_800, %get3A_801, %get3A_802] {strides = array<i32>} : memref<2x400x64xf32, #tpu.memory_space<vmem>>, vector<1x1x16xf32>,
        %get3A_804 = vector.shape_cast %get3A_803 : vector<1x1x16xf32> to vector<16xf32>
        %add3A_805 = arith.addf %scan3A_794, %get3A_804 : vector<16xf32>
        %add3A_806 = arith.constant 200 : i32
        %add3A_807 = arith.addi %add3A_806, %scan3A_793 : i32
        %get3A_808 = arith.constant 0 : i32
        %get3A_809 = arith.index_cast %get3A_808 : i32 to index
        %get3A_810 = arith.index_cast %add3A_807 : i32 to index
        %get3A_811 = arith.constant 16 : index
        %get3A_812 = tpu.vector_load %arg7[%get3A_809, %get3A_810, %get3A_811] {strides = array<i32>} : memref<2x400x64xf32, #tpu.memory_space<vmem>>, vector<1x1x16xf32>,
        %get3A_813 = vector.shape_cast %get3A_812 : vector<1x1x16xf32> to vector<16xf32>
        %add3A_814 = arith.addf %scan3A_795, %get3A_813 : vector<16xf32>
        %add3A_815 = arith.constant 200 : i32
        %add3A_816 = arith.addi %add3A_815, %scan3A_793 : i32
        %get3A_817 = arith.constant 0 : i32
        %get3A_818 = arith.index_cast %get3A_817 : i32 to index
        %get3A_819 = arith.index_cast %add3A_816 : i32 to index
        %get3A_820 = arith.constant 32 : index
        %get3A_821 = tpu.vector_load %arg7[%get3A_818, %get3A_819, %get3A_820] {strides = array<i32>} : memref<2x400x64xf32, #tpu.memory_space<vmem>>, vector<1x1x16xf32>,
        %get3A_822 = vector.shape_cast %get3A_821 : vector<1x1x16xf32> to vector<16xf32>
        %add3A_823 = arith.addf %scan3A_796, %get3A_822 : vector<16xf32>
        %add3A_824 = arith.constant 200 : i32
        %add3A_825 = arith.addi %add3A_824, %scan3A_793 : i32
        %get3A_826 = arith.constant 0 : i32
        %get3A_827 = arith.index_cast %get3A_826 : i32 to index
        %get3A_828 = arith.index_cast %add3A_825 : i32 to index
        %get3A_829 = arith.constant 48 : index
        %get3A_830 = tpu.vector_load %arg7[%get3A_827, %get3A_828, %get3A_829] {strides = array<i32>} : memref<2x400x64xf32, #tpu.memory_space<vmem>>, vector<1x1x16xf32>,
        %get3A_831 = vector.shape_cast %get3A_830 : vector<1x1x16xf32> to vector<16xf32>
        %add3A_832 = arith.addf %scan3A_797, %get3A_831 : vector<16xf32>
        %scan3A_833 = arith.constant 1 : i32
        %scan3A_834 = arith.addi %scan3A_793, %scan3A_833 : i32
        %add3A_835 = arith.constant 200 : i32
        %add3A_836 = arith.addi %add3A_835, %scan3A_834 : i32
        %get3A_837 = arith.constant 0 : i32
        %get3A_838 = arith.index_cast %get3A_837 : i32 to index
        %get3A_839 = arith.index_cast %add3A_836 : i32 to index
        %get3A_840 = arith.constant 0 : index
        %get3A_841 = tpu.vector_load %arg7[%get3A_838, %get3A_839, %get3A_840] {strides = array<i32>} : memref<2x400x64xf32, #tpu.memory_space<vmem>>, vector<1x1x16xf32>,
        %get3A_842 = vector.shape_cast %get3A_841 : vector<1x1x16xf32> to vector<16xf32>
        %add3A_843 = arith.addf %add3A_805, %get3A_842 : vector<16xf32>
        %add3A_844 = arith.constant 200 : i32
        %add3A_845 = arith.addi %add3A_844, %scan3A_834 : i32
        %get3A_846 = arith.constant 0 : i32
        %get3A_847 = arith.index_cast %get3A_846 : i32 to index
        %get3A_848 = arith.index_cast %add3A_845 : i32 to index
        %get3A_849 = arith.constant 16 : index
        %get3A_850 = tpu.vector_load %arg7[%get3A_847, %get3A_848, %get3A_849] {strides = array<i32>} : memref<2x400x64xf32, #tpu.memory_space<vmem>>, vector<1x1x16xf32>,
        %get3A_851 = vector.shape_cast %get3A_850 : vector<1x1x16xf32> to vector<16xf32>
        %add3A_852 = arith.addf %add3A_814, %get3A_851 : vector<16xf32>
        %add3A_853 = arith.constant 200 : i32
        %add3A_854 = arith.addi %add3A_853, %scan3A_834 : i32
        %get3A_855 = arith.constant 0 : i32
        %get3A_856 = arith.index_cast %get3A_855 : i32 to index
        %get3A_857 = arith.index_cast %add3A_854 : i32 to index
        %get3A_858 = arith.constant 32 : index
        %get3A_859 = tpu.vector_load %arg7[%get3A_856, %get3A_857, %get3A_858] {strides = array<i32>} : memref<2x400x64xf32, #tpu.memory_space<vmem>>, vector<1x1x16xf32>,
        %get3A_860 = vector.shape_cast %get3A_859 : vector<1x1x16xf32> to vector<16xf32>
        %add3A_861 = arith.addf %add3A_823, %get3A_860 : vector<16xf32>
        %add3A_862 = arith.constant 200 : i32
        %add3A_863 = arith.addi %add3A_862, %scan3A_834 : i32
        %get3A_864 = arith.constant 0 : i32
        %get3A_865 = arith.index_cast %get3A_864 : i32 to index
        %get3A_866 = arith.index_cast %add3A_863 : i32 to index
        %get3A_867 = arith.constant 48 : index
        %get3A_868 = tpu.vector_load %arg7[%get3A_865, %get3A_866, %get3A_867] {strides = array<i32>} : memref<2x400x64xf32, #tpu.memory_space<vmem>>, vector<1x1x16xf32>,
        %get3A_869 = vector.shape_cast %get3A_868 : vector<1x1x16xf32> to vector<16xf32>
        %add3A_870 = arith.addf %add3A_832, %get3A_869 : vector<16xf32>
        %scan3A_871 = arith.constant 2 : i32
        %scan3A_872 = arith.addi %scan3A_793, %scan3A_871 : i32
        %add3A_873 = arith.constant 200 : i32
        %add3A_874 = arith.addi %add3A_873, %scan3A_872 : i32
        %get3A_875 = arith.constant 0 : i32
        %get3A_876 = arith.index_cast %get3A_875 : i32 to index
        %get3A_877 = arith.index_cast %add3A_874 : i32 to index
        %get3A_878 = arith.constant 0 : index
        %get3A_879 = tpu.vector_load %arg7[%get3A_876, %get3A_877, %get3A_878] {strides = array<i32>} : memref<2x400x64xf32, #tpu.memory_space<vmem>>, vector<1x1x16xf32>,
        %get3A_880 = vector.shape_cast %get3A_879 : vector<1x1x16xf32> to vector<16xf32>
        %add3A_881 = arith.addf %add3A_843, %get3A_880 : vector<16xf32>
        %add3A_882 = arith.constant 200 : i32
        %add3A_883 = arith.addi %add3A_882, %scan3A_872 : i32
        %get3A_884 = arith.constant 0 : i32
        %get3A_885 = arith.index_cast %get3A_884 : i32 to index
        %get3A_886 = arith.index_cast %add3A_883 : i32 to index
        %get3A_887 = arith.constant 16 : index
        %get3A_888 = tpu.vector_load %arg7[%get3A_885, %get3A_886, %get3A_887] {strides = array<i32>} : memref<2x400x64xf32, #tpu.memory_space<vmem>>, vector<1x1x16xf32>,
        %get3A_889 = vector.shape_cast %get3A_888 : vector<1x1x16xf32> to vector<16xf32>
        %add3A_890 = arith.addf %add3A_852, %get3A_889 : vector<16xf32>
        %add3A_891 = arith.constant 200 : i32
        %add3A_892 = arith.addi %add3A_891, %scan3A_872 : i32
        %get3A_893 = arith.constant 0 : i32
        %get3A_894 = arith.index_cast %get3A_893 : i32 to index
        %get3A_895 = arith.index_cast %add3A_892 : i32 to index
        %get3A_896 = arith.constant 32 : index
        %get3A_897 = tpu.vector_load %arg7[%get3A_894, %get3A_895, %get3A_896] {strides = array<i32>} : memref<2x400x64xf32, #tpu.memory_space<vmem>>, vector<1x1x16xf32>,
        %get3A_898 = vector.shape_cast %get3A_897 : vector<1x1x16xf32> to vector<16xf32>
        %add3A_899 = arith.addf %add3A_861, %get3A_898 : vector<16xf32>
        %add3A_900 = arith.constant 200 : i32
        %add3A_901 = arith.addi %add3A_900, %scan3A_872 : i32
        %get3A_902 = arith.constant 0 : i32
        %get3A_903 = arith.index_cast %get3A_902 : i32 to index
        %get3A_904 = arith.index_cast %add3A_901 : i32 to index
        %get3A_905 = arith.constant 48 : index
        %get3A_906 = tpu.vector_load %arg7[%get3A_903, %get3A_904, %get3A_905] {strides = array<i32>} : memref<2x400x64xf32, #tpu.memory_space<vmem>>, vector<1x1x16xf32>,
        %get3A_907 = vector.shape_cast %get3A_906 : vector<1x1x16xf32> to vector<16xf32>
        %add3A_908 = arith.addf %add3A_870, %get3A_907 : vector<16xf32>
        %scan3A_909 = arith.constant 3 : i32
        %scan3A_910 = arith.addi %scan3A_793, %scan3A_909 : i32
        %add3A_911 = arith.constant 200 : i32
        %add3A_912 = arith.addi %add3A_911, %scan3A_910 : i32
        %get3A_913 = arith.constant 0 : i32
        %get3A_914 = arith.index_cast %get3A_913 : i32 to index
        %get3A_915 = arith.index_cast %add3A_912 : i32 to index
        %get3A_916 = arith.constant 0 : index
        %get3A_917 = tpu.vector_load %arg7[%get3A_914, %get3A_915, %get3A_916] {strides = array<i32>} : memref<2x400x64xf32, #tpu.memory_space<vmem>>, vector<1x1x16xf32>,
        %get3A_918 = vector.shape_cast %get3A_917 : vector<1x1x16xf32> to vector<16xf32>
        %add3A_919 = arith.addf %add3A_881, %get3A_918 : vector<16xf32>
        %add3A_920 = arith.constant 200 : i32
        %add3A_921 = arith.addi %add3A_920, %scan3A_910 : i32
        %get3A_922 = arith.constant 0 : i32
        %get3A_923 = arith.index_cast %get3A_922 : i32 to index
        %get3A_924 = arith.index_cast %add3A_921 : i32 to index
        %get3A_925 = arith.constant 16 : index
        %get3A_926 = tpu.vector_load %arg7[%get3A_923, %get3A_924, %get3A_925] {strides = array<i32>} : memref<2x400x64xf32, #tpu.memory_space<vmem>>, vector<1x1x16xf32>,
        %get3A_927 = vector.shape_cast %get3A_926 : vector<1x1x16xf32> to vector<16xf32>
        %add3A_928 = arith.addf %add3A_890, %get3A_927 : vector<16xf32>
        %add3A_929 = arith.constant 200 : i32
        %add3A_930 = arith.addi %add3A_929, %scan3A_910 : i32
        %get3A_931 = arith.constant 0 : i32
        %get3A_932 = arith.index_cast %get3A_931 : i32 to index
        %get3A_933 = arith.index_cast %add3A_930 : i32 to index
        %get3A_934 = arith.constant 32 : index
        %get3A_935 = tpu.vector_load %arg7[%get3A_932, %get3A_933, %get3A_934] {strides = array<i32>} : memref<2x400x64xf32, #tpu.memory_space<vmem>>, vector<1x1x16xf32>,
        %get3A_936 = vector.shape_cast %get3A_935 : vector<1x1x16xf32> to vector<16xf32>
        %add3A_937 = arith.addf %add3A_899, %get3A_936 : vector<16xf32>
        %add3A_938 = arith.constant 200 : i32
        %add3A_939 = arith.addi %add3A_938, %scan3A_910 : i32
        %get3A_940 = arith.constant 0 : i32
        %get3A_941 = arith.index_cast %get3A_940 : i32 to index
        %get3A_942 = arith.index_cast %add3A_939 : i32 to index
        %get3A_943 = arith.constant 48 : index
        %get3A_944 = tpu.vector_load %arg7[%get3A_941, %get3A_942, %get3A_943] {strides = array<i32>} : memref<2x400x64xf32, #tpu.memory_space<vmem>>, vector<1x1x16xf32>,
        %get3A_945 = vector.shape_cast %get3A_944 : vector<1x1x16xf32> to vector<16xf32>
        %add3A_946 = arith.addf %add3A_908, %get3A_945 : vector<16xf32>
        %scan3A_947 = arith.constant 4 : i32
        %scan3A_948 = arith.addi %scan3A_793, %scan3A_947 : i32
        %add3A_949 = arith.constant 200 : i32
        %add3A_950 = arith.addi %add3A_949, %scan3A_948 : i32
        %get3A_951 = arith.constant 0 : i32
        %get3A_952 = arith.index_cast %get3A_951 : i32 to index
        %get3A_953 = arith.index_cast %add3A_950 : i32 to index
        %get3A_954 = arith.constant 0 : index
        %get3A_955 = tpu.vector_load %arg7[%get3A_952, %get3A_953, %get3A_954] {strides = array<i32>} : memref<2x400x64xf32, #tpu.memory_space<vmem>>, vector<1x1x16xf32>,
        %get3A_956 = vector.shape_cast %get3A_955 : vector<1x1x16xf32> to vector<16xf32>
        %add3A_957 = arith.addf %add3A_919, %get3A_956 : vector<16xf32>
        %add3A_958 = arith.constant 200 : i32
        %add3A_959 = arith.addi %add3A_958, %scan3A_948 : i32
        %get3A_960 = arith.constant 0 : i32
        %get3A_961 = arith.index_cast %get3A_960 : i32 to index
        %get3A_962 = arith.index_cast %add3A_959 : i32 to index
        %get3A_963 = arith.constant 16 : index
        %get3A_964 = tpu.vector_load %arg7[%get3A_961, %get3A_962, %get3A_963] {strides = array<i32>} : memref<2x400x64xf32, #tpu.memory_space<vmem>>, vector<1x1x16xf32>,
        %get3A_965 = vector.shape_cast %get3A_964 : vector<1x1x16xf32> to vector<16xf32>
        %add3A_966 = arith.addf %add3A_928, %get3A_965 : vector<16xf32>
        %add3A_967 = arith.constant 200 : i32
        %add3A_968 = arith.addi %add3A_967, %scan3A_948 : i32
        %get3A_969 = arith.constant 0 : i32
        %get3A_970 = arith.index_cast %get3A_969 : i32 to index
        %get3A_971 = arith.index_cast %add3A_968 : i32 to index
        %get3A_972 = arith.constant 32 : index
        %get3A_973 = tpu.vector_load %arg7[%get3A_970, %get3A_971, %get3A_972] {strides = array<i32>} : memref<2x400x64xf32, #tpu.memory_space<vmem>>, vector<1x1x16xf32>,
        %get3A_974 = vector.shape_cast %get3A_973 : vector<1x1x16xf32> to vector<16xf32>
        %add3A_975 = arith.addf %add3A_937, %get3A_974 : vector<16xf32>
        %add3A_976 = arith.constant 200 : i32
        %add3A_977 = arith.addi %add3A_976, %scan3A_948 : i32
        %get3A_978 = arith.constant 0 : i32
        %get3A_979 = arith.index_cast %get3A_978 : i32 to index
        %get3A_980 = arith.index_cast %add3A_977 : i32 to index
        %get3A_981 = arith.constant 48 : index
        %get3A_982 = tpu.vector_load %arg7[%get3A_979, %get3A_980, %get3A_981] {strides = array<i32>} : memref<2x400x64xf32, #tpu.memory_space<vmem>>, vector<1x1x16xf32>,
        %get3A_983 = vector.shape_cast %get3A_982 : vector<1x1x16xf32> to vector<16xf32>
        %add3A_984 = arith.addf %add3A_946, %get3A_983 : vector<16xf32>
        %scan3A_985 = arith.constant 5 : i32
        %scan3A_986 = arith.addi %scan3A_793, %scan3A_985 : i32
        %add3A_987 = arith.constant 200 : i32
        %add3A_988 = arith.addi %add3A_987, %scan3A_986 : i32
        %get3A_989 = arith.constant 0 : i32
        %get3A_990 = arith.index_cast %get3A_989 : i32 to index
        %get3A_991 = arith.index_cast %add3A_988 : i32 to index
        %get3A_992 = arith.constant 0 : index
        %get3A_993 = tpu.vector_load %arg7[%get3A_990, %get3A_991, %get3A_992] {strides = array<i32>} : memref<2x400x64xf32, #tpu.memory_space<vmem>>, vector<1x1x16xf32>,
        %get3A_994 = vector.shape_cast %get3A_993 : vector<1x1x16xf32> to vector<16xf32>
        %add3A_995 = arith.addf %add3A_957, %get3A_994 : vector<16xf32>
        %add3A_996 = arith.constant 200 : i32
        %add3A_997 = arith.addi %add3A_996, %scan3A_986 : i32
        %get3A_998 = arith.constant 0 : i32
        %get3A_999 = arith.index_cast %get3A_998 : i32 to index
        %get3A_1000 = arith.index_cast %add3A_997 : i32 to index
        %get3A_1001 = arith.constant 16 : index
        %get3A_1002 = tpu.vector_load %arg7[%get3A_999, %get3A_1000, %get3A_1001] {strides = array<i32>} : memref<2x400x64xf32, #tpu.memory_space<vmem>>, vector<1x1x16xf32>,
        %get3A_1003 = vector.shape_cast %get3A_1002 : vector<1x1x16xf32> to vector<16xf32>
        %add3A_1004 = arith.addf %add3A_966, %get3A_1003 : vector<16xf32>
        %add3A_1005 = arith.constant 200 : i32
        %add3A_1006 = arith.addi %add3A_1005, %scan3A_986 : i32
        %get3A_1007 = arith.constant 0 : i32
        %get3A_1008 = arith.index_cast %get3A_1007 : i32 to index
        %get3A_1009 = arith.index_cast %add3A_1006 : i32 to index
        %get3A_1010 = arith.constant 32 : index
        %get3A_1011 = tpu.vector_load %arg7[%get3A_1008, %get3A_1009, %get3A_1010] {strides = array<i32>} : memref<2x400x64xf32, #tpu.memory_space<vmem>>, vector<1x1x16xf32>,
        %get3A_1012 = vector.shape_cast %get3A_1011 : vector<1x1x16xf32> to vector<16xf32>
        %add3A_1013 = arith.addf %add3A_975, %get3A_1012 : vector<16xf32>
        %add3A_1014 = arith.constant 200 : i32
        %add3A_1015 = arith.addi %add3A_1014, %scan3A_986 : i32
        %get3A_1016 = arith.constant 0 : i32
        %get3A_1017 = arith.index_cast %get3A_1016 : i32 to index
        %get3A_1018 = arith.index_cast %add3A_1015 : i32 to index
        %get3A_1019 = arith.constant 48 : index
        %get3A_1020 = tpu.vector_load %arg7[%get3A_1017, %get3A_1018, %get3A_1019] {strides = array<i32>} : memref<2x400x64xf32, #tpu.memory_space<vmem>>, vector<1x1x16xf32>,
        %get3A_1021 = vector.shape_cast %get3A_1020 : vector<1x1x16xf32> to vector<16xf32>
        %add3A_1022 = arith.addf %add3A_984, %get3A_1021 : vector<16xf32>
        %scan3A_1023 = arith.constant 6 : i32
        %scan3A_1024 = arith.addi %scan3A_793, %scan3A_1023 : i32
        %add3A_1025 = arith.constant 200 : i32
        %add3A_1026 = arith.addi %add3A_1025, %scan3A_1024 : i32
        %get3A_1027 = arith.constant 0 : i32
        %get3A_1028 = arith.index_cast %get3A_1027 : i32 to index
        %get3A_1029 = arith.index_cast %add3A_1026 : i32 to index
        %get3A_1030 = arith.constant 0 : index
        %get3A_1031 = tpu.vector_load %arg7[%get3A_1028, %get3A_1029, %get3A_1030] {strides = array<i32>} : memref<2x400x64xf32, #tpu.memory_space<vmem>>, vector<1x1x16xf32>,
        %get3A_1032 = vector.shape_cast %get3A_1031 : vector<1x1x16xf32> to vector<16xf32>
        %add3A_1033 = arith.addf %add3A_995, %get3A_1032 : vector<16xf32>
        %add3A_1034 = arith.constant 200 : i32
        %add3A_1035 = arith.addi %add3A_1034, %scan3A_1024 : i32
        %get3A_1036 = arith.constant 0 : i32
        %get3A_1037 = arith.index_cast %get3A_1036 : i32 to index
        %get3A_1038 = arith.index_cast %add3A_1035 : i32 to index
        %get3A_1039 = arith.constant 16 : index
        %get3A_1040 = tpu.vector_load %arg7[%get3A_1037, %get3A_1038, %get3A_1039] {strides = array<i32>} : memref<2x400x64xf32, #tpu.memory_space<vmem>>, vector<1x1x16xf32>,
        %get3A_1041 = vector.shape_cast %get3A_1040 : vector<1x1x16xf32> to vector<16xf32>
        %add3A_1042 = arith.addf %add3A_1004, %get3A_1041 : vector<16xf32>
        %add3A_1043 = arith.constant 200 : i32
        %add3A_1044 = arith.addi %add3A_1043, %scan3A_1024 : i32
        %get3A_1045 = arith.constant 0 : i32
        %get3A_1046 = arith.index_cast %get3A_1045 : i32 to index
        %get3A_1047 = arith.index_cast %add3A_1044 : i32 to index
        %get3A_1048 = arith.constant 32 : index
        %get3A_1049 = tpu.vector_load %arg7[%get3A_1046, %get3A_1047, %get3A_1048] {strides = array<i32>} : memref<2x400x64xf32, #tpu.memory_space<vmem>>, vector<1x1x16xf32>,
        %get3A_1050 = vector.shape_cast %get3A_1049 : vector<1x1x16xf32> to vector<16xf32>
        %add3A_1051 = arith.addf %add3A_1013, %get3A_1050 : vector<16xf32>
        %add3A_1052 = arith.constant 200 : i32
        %add3A_1053 = arith.addi %add3A_1052, %scan3A_1024 : i32
        %get3A_1054 = arith.constant 0 : i32
        %get3A_1055 = arith.index_cast %get3A_1054 : i32 to index
        %get3A_1056 = arith.index_cast %add3A_1053 : i32 to index
        %get3A_1057 = arith.constant 48 : index
        %get3A_1058 = tpu.vector_load %arg7[%get3A_1055, %get3A_1056, %get3A_1057] {strides = array<i32>} : memref<2x400x64xf32, #tpu.memory_space<vmem>>, vector<1x1x16xf32>,
        %get3A_1059 = vector.shape_cast %get3A_1058 : vector<1x1x16xf32> to vector<16xf32>
        %add3A_1060 = arith.addf %add3A_1022, %get3A_1059 : vector<16xf32>
        %scan3A_1061 = arith.constant 7 : i32
        %scan3A_1062 = arith.addi %scan3A_793, %scan3A_1061 : i32
        %add3A_1063 = arith.constant 200 : i32
        %add3A_1064 = arith.addi %add3A_1063, %scan3A_1062 : i32
        %get3A_1065 = arith.constant 0 : i32
        %get3A_1066 = arith.index_cast %get3A_1065 : i32 to index
        %get3A_1067 = arith.index_cast %add3A_1064 : i32 to index
        %get3A_1068 = arith.constant 0 : index
        %get3A_1069 = tpu.vector_load %arg7[%get3A_1066, %get3A_1067, %get3A_1068] {strides = array<i32>} : memref<2x400x64xf32, #tpu.memory_space<vmem>>, vector<1x1x16xf32>,
        %get3A_1070 = vector.shape_cast %get3A_1069 : vector<1x1x16xf32> to vector<16xf32>
        %add3A_1071 = arith.addf %add3A_1033, %get3A_1070 : vector<16xf32>
        %add3A_1072 = arith.constant 200 : i32
        %add3A_1073 = arith.addi %add3A_1072, %scan3A_1062 : i32
        %get3A_1074 = arith.constant 0 : i32
        %get3A_1075 = arith.index_cast %get3A_1074 : i32 to index
        %get3A_1076 = arith.index_cast %add3A_1073 : i32 to index
        %get3A_1077 = arith.constant 16 : index
        %get3A_1078 = tpu.vector_load %arg7[%get3A_1075, %get3A_1076, %get3A_1077] {strides = array<i32>} : memref<2x400x64xf32, #tpu.memory_space<vmem>>, vector<1x1x16xf32>,
        %get3A_1079 = vector.shape_cast %get3A_1078 : vector<1x1x16xf32> to vector<16xf32>
        %add3A_1080 = arith.addf %add3A_1042, %get3A_1079 : vector<16xf32>
        %add3A_1081 = arith.constant 200 : i32
        %add3A_1082 = arith.addi %add3A_1081, %scan3A_1062 : i32
        %get3A_1083 = arith.constant 0 : i32
        %get3A_1084 = arith.index_cast %get3A_1083 : i32 to index
        %get3A_1085 = arith.index_cast %add3A_1082 : i32 to index
        %get3A_1086 = arith.constant 32 : index
        %get3A_1087 = tpu.vector_load %arg7[%get3A_1084, %get3A_1085, %get3A_1086] {strides = array<i32>} : memref<2x400x64xf32, #tpu.memory_space<vmem>>, vector<1x1x16xf32>,
        %get3A_1088 = vector.shape_cast %get3A_1087 : vector<1x1x16xf32> to vector<16xf32>
        %add3A_1089 = arith.addf %add3A_1051, %get3A_1088 : vector<16xf32>
        %add3A_1090 = arith.constant 200 : i32
        %add3A_1091 = arith.addi %add3A_1090, %scan3A_1062 : i32
        %get3A_1092 = arith.constant 0 : i32
        %get3A_1093 = arith.index_cast %get3A_1092 : i32 to index
        %get3A_1094 = arith.index_cast %add3A_1091 : i32 to index
        %get3A_1095 = arith.constant 48 : index
        %get3A_1096 = tpu.vector_load %arg7[%get3A_1093, %get3A_1094, %get3A_1095] {strides = array<i32>} : memref<2x400x64xf32, #tpu.memory_space<vmem>>, vector<1x1x16xf32>,
        %get3A_1097 = vector.shape_cast %get3A_1096 : vector<1x1x16xf32> to vector<16xf32>
        %add3A_1098 = arith.addf %add3A_1060, %get3A_1097 : vector<16xf32>
        scf.yield %add3A_1071, %add3A_1080, %add3A_1089, %add3A_1098 : vector<16xf32>, vector<16xf32>, vector<16xf32>, vector<16xf32>
      }
      %scan3A_623 = arith.constant 200 : i32
      %mul3A_624 = arith.constant 2 : i32
      %mul3A_625 = arith.muli %add3A_530, %mul3A_624 : i32
      %add3A_626 = arith.constant 1 : i32
      %add3A_627 = arith.addi %mul3A_625, %add3A_626 : i32
      %swap3A_628 = arith.index_cast %add3A_627 : i32 to index
      %swap3A_629 = arith.constant 0 : index
      %swap3A_630 = tpu.vector_load %arg8[%swap3A_628, %swap3A_629] {strides = array<i32>} : memref<512x64xf32, #tpu.memory_space<vmem>>, vector<1x16xf32>,
      %swap3A_631 = vector.shape_cast %swap3A_630 : vector<1x16xf32> to vector<16xf32>
      %swap3A_632 = vector.shape_cast %scan3A_622#0 : vector<16xf32> to vector<1x16xf32>
      tpu.vector_store %arg8[%swap3A_628, %swap3A_629], %swap3A_632 {strides = array<i32>} : memref<512x64xf32, #tpu.memory_space<vmem>>, vector<1x16xf32>,
      %mul3A_633 = arith.constant 2 : i32
      %mul3A_634 = arith.muli %add3A_530, %mul3A_633 : i32
      %add3A_635 = arith.constant 1 : i32
      %add3A_636 = arith.addi %mul3A_634, %add3A_635 : i32
      %swap3A_637 = arith.index_cast %add3A_636 : i32 to index
      %swap3A_638 = arith.constant 16 : index
      %swap3A_639 = tpu.vector_load %arg8[%swap3A_637, %swap3A_638] {strides = array<i32>} : memref<512x64xf32, #tpu.memory_space<vmem>>, vector<1x16xf32>,
      %swap3A_640 = vector.shape_cast %swap3A_639 : vector<1x16xf32> to vector<16xf32>
      %swap3A_641 = vector.shape_cast %scan3A_622#1 : vector<16xf32> to vector<1x16xf32>
      tpu.vector_store %arg8[%swap3A_637, %swap3A_638], %swap3A_641 {strides = array<i32>} : memref<512x64xf32, #tpu.memory_space<vmem>>, vector<1x16xf32>,
      %mul3A_642 = arith.constant 2 : i32
      %mul3A_643 = arith.muli %add3A_530, %mul3A_642 : i32
      %add3A_644 = arith.constant 1 : i32
      %add3A_645 = arith.addi %mul3A_643, %add3A_644 : i32
      %swap3A_646 = arith.index_cast %add3A_645 : i32 to index
      %swap3A_647 = arith.constant 32 : index
      %swap3A_648 = tpu.vector_load %arg8[%swap3A_646, %swap3A_647] {strides = array<i32>} : memref<512x64xf32, #tpu.memory_space<vmem>>, vector<1x16xf32>,
      %swap3A_649 = vector.shape_cast %swap3A_648 : vector<1x16xf32> to vector<16xf32>
      %swap3A_650 = vector.shape_cast %scan3A_622#2 : vector<16xf32> to vector<1x16xf32>
      tpu.vector_store %arg8[%swap3A_646, %swap3A_647], %swap3A_650 {strides = array<i32>} : memref<512x64xf32, #tpu.memory_space<vmem>>, vector<1x16xf32>,
      %mul3A_651 = arith.constant 2 : i32
      %mul3A_652 = arith.muli %add3A_530, %mul3A_651 : i32
      %add3A_653 = arith.constant 1 : i32
      %add3A_654 = arith.addi %mul3A_652, %add3A_653 : i32
      %swap3A_655 = arith.index_cast %add3A_654 : i32 to index
      %swap3A_656 = arith.constant 48 : index
      %swap3A_657 = tpu.vector_load %arg8[%swap3A_655, %swap3A_656] {strides = array<i32>} : memref<512x64xf32, #tpu.memory_space<vmem>>, vector<1x16xf32>,
      %swap3A_658 = vector.shape_cast %swap3A_657 : vector<1x16xf32> to vector<16xf32>
      %swap3A_659 = vector.shape_cast %scan3A_622#3 : vector<16xf32> to vector<1x16xf32>
      tpu.vector_store %arg8[%swap3A_655, %swap3A_656], %swap3A_659 {strides = array<i32>} : memref<512x64xf32, #tpu.memory_space<vmem>>, vector<1x16xf32>,
      %mul3A_660 = arith.constant 4 : i32
      %mul3A_661 = arith.muli %mul3A_660, %scan3A_266 : i32
      %add3A_662 = arith.constant 3 : i32
      %add3A_663 = arith.addi %mul3A_661, %add3A_662 : i32
      %add3A_664 = arith.constant 1 : i32
      %add3A_665 = arith.addi %add3A_663, %add3A_664 : i32
      %lt3A_666 = arith.constant 256 : i32
      %lt3A_667 = arith.cmpi slt, %add3A_665, %lt3A_666 : i32
      %convert_element_type3A_668 = arith.extui %lt3A_667 : i1 to i32
      %cond3A_669 = arith.constant 0 : i32
      %cond3A_670 = arith.cmpi ne, %convert_element_type3A_668, %cond3A_669 : i32
      scf.if %cond3A_670 {
        %dma_wait3A_793 = arith.constant 0 : i32
        %dma_wait3A_794 = arith.constant 0 : i32
        %dma_wait3A_795 = arith.constant 0 : i32
        %dma_wait3A_796 = tpu.memref_slice %arg5[%dma_wait3A_793, %dma_wait3A_794, %dma_wait3A_795] : memref<4x2x128xi32, #tpu.memory_space<vmem>> -> memref<1x2x128xi32, #tpu.memory_space<vmem>>
        %dma_wait3A_797 = tpu.memref_squeeze %dma_wait3A_796 : memref<1x2x128xi32, #tpu.memory_space<vmem>> -> memref<2x128xi32, #tpu.memory_space<vmem>>
        %dma_wait3A_798 = arith.constant 0 : i32
        %dma_wait3A_799 = arith.constant 0 : i32
        %dma_wait3A_800 = tpu.memref_slice %arg2[%dma_wait3A_798, %dma_wait3A_799] : memref<16384x200xi32, #tpu.memory_space<hbm>> -> memref<2x128xi32, #tpu.memory_space<hbm>>
        %dma_wait3A_801 = arith.constant 0 : i32
        %dma_wait3A_802 = arith.constant 0 : i32
        %dma_wait3A_803 = tpu.memref_slice %arg5[%dma_wait3A_793, %dma_wait3A_801, %dma_wait3A_802] : memref<4x2x128xi32, #tpu.memory_space<vmem>> -> memref<1x2x128xi32, #tpu.memory_space<vmem>>
        %dma_wait3A_804 = tpu.memref_squeeze %dma_wait3A_803 : memref<1x2x128xi32, #tpu.memory_space<vmem>> -> memref<2x128xi32, #tpu.memory_space<vmem>>
        %dma_wait3A_805 = arith.constant 0 : i32
        %dma_wait3A_806 = arith.constant 0 : i32
        %dma_wait3A_807 = tpu.memref_slice %arg2[%dma_wait3A_805, %dma_wait3A_806] : memref<16384x200xi32, #tpu.memory_space<hbm>> -> memref<2x128xi32, #tpu.memory_space<hbm>>
        tpu.wait_dma2 semaphore(%arg11 : memref<!tpu.dma_semaphore, #tpu.memory_space<semaphore_mem>>) src(%dma_wait3A_807 : memref<2x128xi32, #tpu.memory_space<hbm>>) dst(%dma_wait3A_804 : memref<2x128xi32, #tpu.memory_space<vmem>>)
        %dma_wait3A_808 = arith.constant 0 : i32
        %dma_wait3A_809 = arith.constant 0 : i32
        %dma_wait3A_810 = arith.constant 0 : i32
        %dma_wait3A_811 = tpu.memref_slice %arg6[%dma_wait3A_808, %dma_wait3A_809, %dma_wait3A_810] : memref<4x2x72xi32, #tpu.memory_space<vmem>> -> memref<1x2x72xi32, #tpu.memory_space<vmem>>
        %dma_wait3A_812 = tpu.memref_squeeze %dma_wait3A_811 : memref<1x2x72xi32, #tpu.memory_space<vmem>> -> memref<2x72xi32, #tpu.memory_space<vmem>>
        %dma_wait3A_813 = arith.constant 0 : i32
        %dma_wait3A_814 = arith.constant 0 : i32
        %dma_wait3A_815 = tpu.memref_slice %arg2[%dma_wait3A_813, %dma_wait3A_814] : memref<16384x200xi32, #tpu.memory_space<hbm>> -> memref<2x72xi32, #tpu.memory_space<hbm>>
        %dma_wait3A_816 = arith.constant 0 : i32
        %dma_wait3A_817 = arith.constant 0 : i32
        %dma_wait3A_818 = tpu.memref_slice %arg6[%dma_wait3A_808, %dma_wait3A_816, %dma_wait3A_817] : memref<4x2x72xi32, #tpu.memory_space<vmem>> -> memref<1x2x72xi32, #tpu.memory_space<vmem>>
        %dma_wait3A_819 = tpu.memref_squeeze %dma_wait3A_818 : memref<1x2x72xi32, #tpu.memory_space<vmem>> -> memref<2x72xi32, #tpu.memory_space<vmem>>
        %dma_wait3A_820 = arith.constant 0 : i32
        %dma_wait3A_821 = arith.constant 0 : i32
        %dma_wait3A_822 = tpu.memref_slice %arg2[%dma_wait3A_820, %dma_wait3A_821] : memref<16384x200xi32, #tpu.memory_space<hbm>> -> memref<2x72xi32, #tpu.memory_space<hbm>>
        tpu.wait_dma2 semaphore(%arg11 : memref<!tpu.dma_semaphore, #tpu.memory_space<semaphore_mem>>) src(%dma_wait3A_822 : memref<2x72xi32, #tpu.memory_space<hbm>>) dst(%dma_wait3A_819 : memref<2x72xi32, #tpu.memory_space<vmem>>)
        %dma_start3A_823 = arith.constant 0 : i32
        %dma_start3A_824 = arith.constant 0 : i32
        %dma_start3A_825 = arith.constant 0 : i32
        %dma_start3A_826 = arith.constant 0 : i32
        %dma_start3A_827 = arith.constant 0 : i32
        %dma_start3A_828 = tpu.memref_slice %arg7[%dma_start3A_825, %dma_start3A_826, %dma_start3A_827] : memref<2x400x64xf32, #tpu.memory_space<vmem>> -> memref<1x128x64xf32, #tpu.memory_space<vmem>>
        %dma_start3A_829 = tpu.memref_squeeze %dma_start3A_828 : memref<1x128x64xf32, #tpu.memory_space<vmem>> -> memref<128x64xf32, #tpu.memory_space<vmem>>
        %dma_start3A_830 = arith.constant 0 : i32
        %dma_start3A_831 = tpu.memref_slice %arg5[%dma_start3A_823, %dma_start3A_824, %dma_start3A_830] : memref<4x2x128xi32, #tpu.memory_space<vmem>> -> memref<1x1x128xi32, #tpu.memory_space<vmem>>
        %dma_start3A_832 = tpu.memref_squeeze %dma_start3A_831 : memref<1x1x128xi32, #tpu.memory_space<vmem>> -> memref<128xi32, #tpu.memory_space<vmem>>
        %dma_start3A_833 = arith.constant 0 : i32
        %dma_start3A_834 = arith.constant 0 : i32
        %dma_start3A_835 = tpu.memref_slice %arg3[%dma_start3A_833, %dma_start3A_834] : memref<1000000x64xf32, #tpu.memory_space<hbm>> -> memref<1000000x64xf32, #tpu.memory_space<hbm>>
        tpu.enqueue_indirect_dma source(%dma_start3A_835 : memref<1000000x64xf32, #tpu.memory_space<hbm>>) target(%dma_start3A_829 : memref<128x64xf32, #tpu.memory_space<vmem>>) offsets(%dma_start3A_832 : memref<128xi32, #tpu.memory_space<vmem>>) semaphore(%arg9 : memref<!tpu.dma_semaphore, #tpu.memory_space<semaphore_mem>>)
        %dma_start3A_836 = arith.constant 0 : i32
        %dma_start3A_837 = arith.constant 0 : i32
        %dma_start3A_838 = arith.constant 0 : i32
        %dma_start3A_839 = arith.constant 128 : i32
        %dma_start3A_840 = arith.constant 0 : i32
        %dma_start3A_841 = tpu.memref_slice %arg7[%dma_start3A_838, %dma_start3A_839, %dma_start3A_840] : memref<2x400x64xf32, #tpu.memory_space<vmem>> -> memref<1x72x64xf32, #tpu.memory_space<vmem>>
        %dma_start3A_842 = tpu.memref_squeeze %dma_start3A_841 : memref<1x72x64xf32, #tpu.memory_space<vmem>> -> memref<72x64xf32, #tpu.memory_space<vmem>>
        %dma_start3A_843 = arith.constant 0 : i32
        %dma_start3A_844 = tpu.memref_slice %arg6[%dma_start3A_836, %dma_start3A_837, %dma_start3A_843] : memref<4x2x72xi32, #tpu.memory_space<vmem>> -> memref<1x1x72xi32, #tpu.memory_space<vmem>>
        %dma_start3A_845 = tpu.memref_squeeze %dma_start3A_844 : memref<1x1x72xi32, #tpu.memory_space<vmem>> -> memref<72xi32, #tpu.memory_space<vmem>>
        %dma_start3A_846 = arith.constant 0 : i32
        %dma_start3A_847 = arith.constant 0 : i32
        %dma_start3A_848 = tpu.memref_slice %arg3[%dma_start3A_846, %dma_start3A_847] : memref<1000000x64xf32, #tpu.memory_space<hbm>> -> memref<1000000x64xf32, #tpu.memory_space<hbm>>
        tpu.enqueue_indirect_dma source(%dma_start3A_848 : memref<1000000x64xf32, #tpu.memory_space<hbm>>) target(%dma_start3A_842 : memref<72x64xf32, #tpu.memory_space<vmem>>) offsets(%dma_start3A_845 : memref<72xi32, #tpu.memory_space<vmem>>) semaphore(%arg9 : memref<!tpu.dma_semaphore, #tpu.memory_space<semaphore_mem>>)
        %dma_start3A_849 = arith.constant 0 : i32
        %dma_start3A_850 = arith.constant 1 : i32
        %dma_start3A_851 = arith.constant 0 : i32
        %dma_start3A_852 = arith.constant 200 : i32
        %dma_start3A_853 = arith.constant 0 : i32
        %dma_start3A_854 = tpu.memref_slice %arg7[%dma_start3A_851, %dma_start3A_852, %dma_start3A_853] : memref<2x400x64xf32, #tpu.memory_space<vmem>> -> memref<1x128x64xf32, #tpu.memory_space<vmem>>
        %dma_start3A_855 = tpu.memref_squeeze %dma_start3A_854 : memref<1x128x64xf32, #tpu.memory_space<vmem>> -> memref<128x64xf32, #tpu.memory_space<vmem>>
        %dma_start3A_856 = arith.constant 0 : i32
        %dma_start3A_857 = tpu.memref_slice %arg5[%dma_start3A_849, %dma_start3A_850, %dma_start3A_856] : memref<4x2x128xi32, #tpu.memory_space<vmem>> -> memref<1x1x128xi32, #tpu.memory_space<vmem>>
        %dma_start3A_858 = tpu.memref_squeeze %dma_start3A_857 : memref<1x1x128xi32, #tpu.memory_space<vmem>> -> memref<128xi32, #tpu.memory_space<vmem>>
        %dma_start3A_859 = arith.constant 0 : i32
        %dma_start3A_860 = arith.constant 0 : i32
        %dma_start3A_861 = tpu.memref_slice %arg3[%dma_start3A_859, %dma_start3A_860] : memref<1000000x64xf32, #tpu.memory_space<hbm>> -> memref<1000000x64xf32, #tpu.memory_space<hbm>>
        tpu.enqueue_indirect_dma source(%dma_start3A_861 : memref<1000000x64xf32, #tpu.memory_space<hbm>>) target(%dma_start3A_855 : memref<128x64xf32, #tpu.memory_space<vmem>>) offsets(%dma_start3A_858 : memref<128xi32, #tpu.memory_space<vmem>>) semaphore(%arg9 : memref<!tpu.dma_semaphore, #tpu.memory_space<semaphore_mem>>)
        %dma_start3A_862 = arith.constant 0 : i32
        %dma_start3A_863 = arith.constant 1 : i32
        %dma_start3A_864 = arith.constant 0 : i32
        %dma_start3A_865 = arith.constant 328 : i32
        %dma_start3A_866 = arith.constant 0 : i32
        %dma_start3A_867 = tpu.memref_slice %arg7[%dma_start3A_864, %dma_start3A_865, %dma_start3A_866] : memref<2x400x64xf32, #tpu.memory_space<vmem>> -> memref<1x72x64xf32, #tpu.memory_space<vmem>>
        %dma_start3A_868 = tpu.memref_squeeze %dma_start3A_867 : memref<1x72x64xf32, #tpu.memory_space<vmem>> -> memref<72x64xf32, #tpu.memory_space<vmem>>
        %dma_start3A_869 = arith.constant 0 : i32
        %dma_start3A_870 = tpu.memref_slice %arg6[%dma_start3A_862, %dma_start3A_863, %dma_start3A_869] : memref<4x2x72xi32, #tpu.memory_space<vmem>> -> memref<1x1x72xi32, #tpu.memory_space<vmem>>
        %dma_start3A_871 = tpu.memref_squeeze %dma_start3A_870 : memref<1x1x72xi32, #tpu.memory_space<vmem>> -> memref<72xi32, #tpu.memory_space<vmem>>
        %dma_start3A_872 = arith.constant 0 : i32
        %dma_start3A_873 = arith.constant 0 : i32
        %dma_start3A_874 = tpu.memref_slice %arg3[%dma_start3A_872, %dma_start3A_873] : memref<1000000x64xf32, #tpu.memory_space<hbm>> -> memref<1000000x64xf32, #tpu.memory_space<hbm>>
        tpu.enqueue_indirect_dma source(%dma_start3A_874 : memref<1000000x64xf32, #tpu.memory_space<hbm>>) target(%dma_start3A_868 : memref<72x64xf32, #tpu.memory_space<vmem>>) offsets(%dma_start3A_871 : memref<72xi32, #tpu.memory_space<vmem>>) semaphore(%arg9 : memref<!tpu.dma_semaphore, #tpu.memory_space<semaphore_mem>>)
      } else {
      }
      %dma_wait3A_671 = arith.constant 1 : i32
      %dma_wait3A_672 = arith.constant 0 : i32
      %dma_wait3A_673 = arith.constant 0 : i32
      %dma_wait3A_674 = tpu.memref_slice %arg7[%dma_wait3A_671, %dma_wait3A_672, %dma_wait3A_673] : memref<2x400x64xf32, #tpu.memory_space<vmem>> -> memref<1x400x64xf32, #tpu.memory_space<vmem>>
      %dma_wait3A_675 = tpu.memref_squeeze %dma_wait3A_674 : memref<1x400x64xf32, #tpu.memory_space<vmem>> -> memref<400x64xf32, #tpu.memory_space<vmem>>
      %dma_wait3A_676 = arith.constant 0 : i32
      %dma_wait3A_677 = arith.constant 0 : i32
      %dma_wait3A_678 = tpu.memref_slice %arg3[%dma_wait3A_676, %dma_wait3A_677] : memref<1000000x64xf32, #tpu.memory_space<hbm>> -> memref<400x64xf32, #tpu.memory_space<hbm>>
      %dma_wait3A_679 = arith.constant 0 : i32
      %dma_wait3A_680 = arith.constant 0 : i32
      %dma_wait3A_681 = tpu.memref_slice %arg7[%dma_wait3A_671, %dma_wait3A_679, %dma_wait3A_680] : memref<2x400x64xf32, #tpu.memory_space<vmem>> -> memref<1x400x64xf32, #tpu.memory_space<vmem>>
      %dma_wait3A_682 = tpu.memref_squeeze %dma_wait3A_681 : memref<1x400x64xf32, #tpu.memory_space<vmem>> -> memref<400x64xf32, #tpu.memory_space<vmem>>
      %dma_wait3A_683 = arith.constant 0 : i32
      %dma_wait3A_684 = arith.constant 0 : i32
      %dma_wait3A_685 = tpu.memref_slice %arg3[%dma_wait3A_683, %dma_wait3A_684] : memref<1000000x64xf32, #tpu.memory_space<hbm>> -> memref<400x64xf32, #tpu.memory_space<hbm>>
      tpu.wait_dma2 semaphore(%arg10 : memref<!tpu.dma_semaphore, #tpu.memory_space<semaphore_mem>>) src(%dma_wait3A_685 : memref<400x64xf32, #tpu.memory_space<hbm>>) dst(%dma_wait3A_682 : memref<400x64xf32, #tpu.memory_space<vmem>>)
      %add3A_686 = arith.constant 4 : i32
      %add3A_687 = arith.addi %add3A_663, %add3A_686 : i32
      %lt3A_688 = arith.constant 256 : i32
      %lt3A_689 = arith.cmpi slt, %add3A_687, %lt3A_688 : i32
      %convert_element_type3A_690 = arith.extui %lt3A_689 : i1 to i32
      %cond3A_691 = arith.constant 0 : i32
      %cond3A_692 = arith.cmpi ne, %convert_element_type3A_690, %cond3A_691 : i32
      scf.if %cond3A_692 {
        %add3A_793 = arith.constant 4 : i32
        %add3A_794 = arith.addi %add3A_663, %add3A_793 : i32
        %mul3A_795 = arith.constant 2 : i32
        %mul3A_796 = arith.muli %add3A_794, %mul3A_795 : i32
        %add3A_797 = arith.addi %mul3A_2, %mul3A_796 : i32
        %add3A_798 = arith.constant 0 : i32
        %add3A_799 = arith.addi %add3A_797, %add3A_798 : i32
        %dma_start3A_800 = arith.constant 3 : i32
        %dma_start3A_801 = arith.constant 0 : i32
        %dma_start3A_802 = arith.constant 0 : i32
        %dma_start3A_803 = tpu.memref_slice %arg5[%dma_start3A_800, %dma_start3A_801, %dma_start3A_802] : memref<4x2x128xi32, #tpu.memory_space<vmem>> -> memref<1x1x128xi32, #tpu.memory_space<vmem>>
        %dma_start3A_804 = tpu.memref_squeeze %dma_start3A_803 : memref<1x1x128xi32, #tpu.memory_space<vmem>> -> memref<128xi32, #tpu.memory_space<vmem>>
        %dma_start3A_805 = arith.constant 0 : i32
        %dma_start3A_806 = tpu.memref_slice %arg2[%add3A_799, %dma_start3A_805] : memref<16384x200xi32, #tpu.memory_space<hbm>> -> memref<1x128xi32, #tpu.memory_space<hbm>>
        %dma_start3A_807 = tpu.memref_squeeze %dma_start3A_806 : memref<1x128xi32, #tpu.memory_space<hbm>> -> memref<128xi32, #tpu.memory_space<hbm>>
        %dma_start3A_808 = arith.constant 0 : i32
        %dma_start3A_809 = tpu.memref_slice %arg5[%dma_start3A_800, %dma_start3A_801, %dma_start3A_808] : memref<4x2x128xi32, #tpu.memory_space<vmem>> -> memref<1x1x128xi32, #tpu.memory_space<vmem>>
        %dma_start3A_810 = tpu.memref_squeeze %dma_start3A_809 : memref<1x1x128xi32, #tpu.memory_space<vmem>> -> memref<128xi32, #tpu.memory_space<vmem>>
        %dma_start3A_811 = arith.constant 0 : i32
        %dma_start3A_812 = tpu.memref_slice %arg2[%add3A_799, %dma_start3A_811] : memref<16384x200xi32, #tpu.memory_space<hbm>> -> memref<1x128xi32, #tpu.memory_space<hbm>>
        %dma_start3A_813 = tpu.memref_squeeze %dma_start3A_812 : memref<1x128xi32, #tpu.memory_space<hbm>> -> memref<128xi32, #tpu.memory_space<hbm>>
        tpu.enqueue_dma source(%dma_start3A_813 : memref<128xi32, #tpu.memory_space<hbm>>) target(%dma_start3A_810 : memref<128xi32, #tpu.memory_space<vmem>>) target_semaphore(%arg14 : memref<!tpu.dma_semaphore, #tpu.memory_space<semaphore_mem>>)
        %dma_start3A_814 = arith.constant 3 : i32
        %dma_start3A_815 = arith.constant 0 : i32
        %dma_start3A_816 = arith.constant 0 : i32
        %dma_start3A_817 = tpu.memref_slice %arg6[%dma_start3A_814, %dma_start3A_815, %dma_start3A_816] : memref<4x2x72xi32, #tpu.memory_space<vmem>> -> memref<1x1x72xi32, #tpu.memory_space<vmem>>
        %dma_start3A_818 = tpu.memref_squeeze %dma_start3A_817 : memref<1x1x72xi32, #tpu.memory_space<vmem>> -> memref<72xi32, #tpu.memory_space<vmem>>
        %dma_start3A_819 = arith.constant 128 : i32
        %dma_start3A_820 = tpu.memref_slice %arg2[%add3A_799, %dma_start3A_819] : memref<16384x200xi32, #tpu.memory_space<hbm>> -> memref<1x72xi32, #tpu.memory_space<hbm>>
        %dma_start3A_821 = tpu.memref_squeeze %dma_start3A_820 : memref<1x72xi32, #tpu.memory_space<hbm>> -> memref<72xi32, #tpu.memory_space<hbm>>
        %dma_start3A_822 = arith.constant 0 : i32
        %dma_start3A_823 = tpu.memref_slice %arg6[%dma_start3A_814, %dma_start3A_815, %dma_start3A_822] : memref<4x2x72xi32, #tpu.memory_space<vmem>> -> memref<1x1x72xi32, #tpu.memory_space<vmem>>
        %dma_start3A_824 = tpu.memref_squeeze %dma_start3A_823 : memref<1x1x72xi32, #tpu.memory_space<vmem>> -> memref<72xi32, #tpu.memory_space<vmem>>
        %dma_start3A_825 = arith.constant 128 : i32
        %dma_start3A_826 = tpu.memref_slice %arg2[%add3A_799, %dma_start3A_825] : memref<16384x200xi32, #tpu.memory_space<hbm>> -> memref<1x72xi32, #tpu.memory_space<hbm>>
        %dma_start3A_827 = tpu.memref_squeeze %dma_start3A_826 : memref<1x72xi32, #tpu.memory_space<hbm>> -> memref<72xi32, #tpu.memory_space<hbm>>
        tpu.enqueue_dma source(%dma_start3A_827 : memref<72xi32, #tpu.memory_space<hbm>>) target(%dma_start3A_824 : memref<72xi32, #tpu.memory_space<vmem>>) target_semaphore(%arg14 : memref<!tpu.dma_semaphore, #tpu.memory_space<semaphore_mem>>)
        %mul3A_828 = arith.constant 2 : i32
        %mul3A_829 = arith.muli %add3A_794, %mul3A_828 : i32
        %add3A_830 = arith.addi %mul3A_2, %mul3A_829 : i32
        %add3A_831 = arith.constant 1 : i32
        %add3A_832 = arith.addi %add3A_830, %add3A_831 : i32
        %dma_start3A_833 = arith.constant 3 : i32
        %dma_start3A_834 = arith.constant 1 : i32
        %dma_start3A_835 = arith.constant 0 : i32
        %dma_start3A_836 = tpu.memref_slice %arg5[%dma_start3A_833, %dma_start3A_834, %dma_start3A_835] : memref<4x2x128xi32, #tpu.memory_space<vmem>> -> memref<1x1x128xi32, #tpu.memory_space<vmem>>
        %dma_start3A_837 = tpu.memref_squeeze %dma_start3A_836 : memref<1x1x128xi32, #tpu.memory_space<vmem>> -> memref<128xi32, #tpu.memory_space<vmem>>
        %dma_start3A_838 = arith.constant 0 : i32
        %dma_start3A_839 = tpu.memref_slice %arg2[%add3A_832, %dma_start3A_838] : memref<16384x200xi32, #tpu.memory_space<hbm>> -> memref<1x128xi32, #tpu.memory_space<hbm>>
        %dma_start3A_840 = tpu.memref_squeeze %dma_start3A_839 : memref<1x128xi32, #tpu.memory_space<hbm>> -> memref<128xi32, #tpu.memory_space<hbm>>
        %dma_start3A_841 = arith.constant 0 : i32
        %dma_start3A_842 = tpu.memref_slice %arg5[%dma_start3A_833, %dma_start3A_834, %dma_start3A_841] : memref<4x2x128xi32, #tpu.memory_space<vmem>> -> memref<1x1x128xi32, #tpu.memory_space<vmem>>
        %dma_start3A_843 = tpu.memref_squeeze %dma_start3A_842 : memref<1x1x128xi32, #tpu.memory_space<vmem>> -> memref<128xi32, #tpu.memory_space<vmem>>
        %dma_start3A_844 = arith.constant 0 : i32
        %dma_start3A_845 = tpu.memref_slice %arg2[%add3A_832, %dma_start3A_844] : memref<16384x200xi32, #tpu.memory_space<hbm>> -> memref<1x128xi32, #tpu.memory_space<hbm>>
        %dma_start3A_846 = tpu.memref_squeeze %dma_start3A_845 : memref<1x128xi32, #tpu.memory_space<hbm>> -> memref<128xi32, #tpu.memory_space<hbm>>
        tpu.enqueue_dma source(%dma_start3A_846 : memref<128xi32, #tpu.memory_space<hbm>>) target(%dma_start3A_843 : memref<128xi32, #tpu.memory_space<vmem>>) target_semaphore(%arg14 : memref<!tpu.dma_semaphore, #tpu.memory_space<semaphore_mem>>)
        %dma_start3A_847 = arith.constant 3 : i32
        %dma_start3A_848 = arith.constant 1 : i32
        %dma_start3A_849 = arith.constant 0 : i32
        %dma_start3A_850 = tpu.memref_slice %arg6[%dma_start3A_847, %dma_start3A_848, %dma_start3A_849] : memref<4x2x72xi32, #tpu.memory_space<vmem>> -> memref<1x1x72xi32, #tpu.memory_space<vmem>>
        %dma_start3A_851 = tpu.memref_squeeze %dma_start3A_850 : memref<1x1x72xi32, #tpu.memory_space<vmem>> -> memref<72xi32, #tpu.memory_space<vmem>>
        %dma_start3A_852 = arith.constant 128 : i32
        %dma_start3A_853 = tpu.memref_slice %arg2[%add3A_832, %dma_start3A_852] : memref<16384x200xi32, #tpu.memory_space<hbm>> -> memref<1x72xi32, #tpu.memory_space<hbm>>
        %dma_start3A_854 = tpu.memref_squeeze %dma_start3A_853 : memref<1x72xi32, #tpu.memory_space<hbm>> -> memref<72xi32, #tpu.memory_space<hbm>>
        %dma_start3A_855 = arith.constant 0 : i32
        %dma_start3A_856 = tpu.memref_slice %arg6[%dma_start3A_847, %dma_start3A_848, %dma_start3A_855] : memref<4x2x72xi32, #tpu.memory_space<vmem>> -> memref<1x1x72xi32, #tpu.memory_space<vmem>>
        %dma_start3A_857 = tpu.memref_squeeze %dma_start3A_856 : memref<1x1x72xi32, #tpu.memory_space<vmem>> -> memref<72xi32, #tpu.memory_space<vmem>>
        %dma_start3A_858 = arith.constant 128 : i32
        %dma_start3A_859 = tpu.memref_slice %arg2[%add3A_832, %dma_start3A_858] : memref<16384x200xi32, #tpu.memory_space<hbm>> -> memref<1x72xi32, #tpu.memory_space<hbm>>
        %dma_start3A_860 = tpu.memref_squeeze %dma_start3A_859 : memref<1x72xi32, #tpu.memory_space<hbm>> -> memref<72xi32, #tpu.memory_space<hbm>>
        tpu.enqueue_dma source(%dma_start3A_860 : memref<72xi32, #tpu.memory_space<hbm>>) target(%dma_start3A_857 : memref<72xi32, #tpu.memory_space<vmem>>) target_semaphore(%arg14 : memref<!tpu.dma_semaphore, #tpu.memory_space<semaphore_mem>>)
      } else {
      }
      %broadcast_in_dim3A_693 = arith.constant 0.000000e+00 : f32
      %broadcast_in_dim3A_694 = vector.broadcast %broadcast_in_dim3A_693 : f32 to vector<16xf32>
      %broadcast_in_dim3A_695 = arith.constant 0.000000e+00 : f32
      %broadcast_in_dim3A_696 = vector.broadcast %broadcast_in_dim3A_695 : f32 to vector<16xf32>
      %broadcast_in_dim3A_697 = arith.constant 0.000000e+00 : f32
      %broadcast_in_dim3A_698 = vector.broadcast %broadcast_in_dim3A_697 : f32 to vector<16xf32>
      %broadcast_in_dim3A_699 = arith.constant 0.000000e+00 : f32
      %broadcast_in_dim3A_700 = vector.broadcast %broadcast_in_dim3A_699 : f32 to vector<16xf32>
      %scan3A_701 = arith.constant 0 : i32
      %scan3A_702 = arith.constant 200 : i32
      %scan3A_703 = arith.addi %scan3A_701, %scan3A_702 : i32
      %scan3A_704 = arith.constant 8 : i32
      %scan3A_705:4 = scf.for %scan3A_793 = %scan3A_701 to %scan3A_703 step %scan3A_704 iter_args(%scan3A_794 = %broadcast_in_dim3A_694, %scan3A_795 = %broadcast_in_dim3A_696, %scan3A_796 = %broadcast_in_dim3A_698, %scan3A_797 = %broadcast_in_dim3A_700) -> (vector<16xf32>, vector<16xf32>, vector<16xf32>, vector<16xf32>)  : i32 {
        %add3A_798 = arith.constant 0 : i32
        %add3A_799 = arith.addi %add3A_798, %scan3A_793 : i32
        %get3A = arith.constant 1 : i32
        %get3A_800 = arith.index_cast %get3A : i32 to index
        %get3A_801 = arith.index_cast %add3A_799 : i32 to index
        %get3A_802 = arith.constant 0 : index
        %get3A_803 = tpu.vector_load %arg7[%get3A_800, %get3A_801, %get3A_802] {strides = array<i32>} : memref<2x400x64xf32, #tpu.memory_space<vmem>>, vector<1x1x16xf32>,
        %get3A_804 = vector.shape_cast %get3A_803 : vector<1x1x16xf32> to vector<16xf32>
        %add3A_805 = arith.addf %scan3A_794, %get3A_804 : vector<16xf32>
        %add3A_806 = arith.constant 0 : i32
        %add3A_807 = arith.addi %add3A_806, %scan3A_793 : i32
        %get3A_808 = arith.constant 1 : i32
        %get3A_809 = arith.index_cast %get3A_808 : i32 to index
        %get3A_810 = arith.index_cast %add3A_807 : i32 to index
        %get3A_811 = arith.constant 16 : index
        %get3A_812 = tpu.vector_load %arg7[%get3A_809, %get3A_810, %get3A_811] {strides = array<i32>} : memref<2x400x64xf32, #tpu.memory_space<vmem>>, vector<1x1x16xf32>,
        %get3A_813 = vector.shape_cast %get3A_812 : vector<1x1x16xf32> to vector<16xf32>
        %add3A_814 = arith.addf %scan3A_795, %get3A_813 : vector<16xf32>
        %add3A_815 = arith.constant 0 : i32
        %add3A_816 = arith.addi %add3A_815, %scan3A_793 : i32
        %get3A_817 = arith.constant 1 : i32
        %get3A_818 = arith.index_cast %get3A_817 : i32 to index
        %get3A_819 = arith.index_cast %add3A_816 : i32 to index
        %get3A_820 = arith.constant 32 : index
        %get3A_821 = tpu.vector_load %arg7[%get3A_818, %get3A_819, %get3A_820] {strides = array<i32>} : memref<2x400x64xf32, #tpu.memory_space<vmem>>, vector<1x1x16xf32>,
        %get3A_822 = vector.shape_cast %get3A_821 : vector<1x1x16xf32> to vector<16xf32>
        %add3A_823 = arith.addf %scan3A_796, %get3A_822 : vector<16xf32>
        %add3A_824 = arith.constant 0 : i32
        %add3A_825 = arith.addi %add3A_824, %scan3A_793 : i32
        %get3A_826 = arith.constant 1 : i32
        %get3A_827 = arith.index_cast %get3A_826 : i32 to index
        %get3A_828 = arith.index_cast %add3A_825 : i32 to index
        %get3A_829 = arith.constant 48 : index
        %get3A_830 = tpu.vector_load %arg7[%get3A_827, %get3A_828, %get3A_829] {strides = array<i32>} : memref<2x400x64xf32, #tpu.memory_space<vmem>>, vector<1x1x16xf32>,
        %get3A_831 = vector.shape_cast %get3A_830 : vector<1x1x16xf32> to vector<16xf32>
        %add3A_832 = arith.addf %scan3A_797, %get3A_831 : vector<16xf32>
        %scan3A_833 = arith.constant 1 : i32
        %scan3A_834 = arith.addi %scan3A_793, %scan3A_833 : i32
        %add3A_835 = arith.constant 0 : i32
        %add3A_836 = arith.addi %add3A_835, %scan3A_834 : i32
        %get3A_837 = arith.constant 1 : i32
        %get3A_838 = arith.index_cast %get3A_837 : i32 to index
        %get3A_839 = arith.index_cast %add3A_836 : i32 to index
        %get3A_840 = arith.constant 0 : index
        %get3A_841 = tpu.vector_load %arg7[%get3A_838, %get3A_839, %get3A_840] {strides = array<i32>} : memref<2x400x64xf32, #tpu.memory_space<vmem>>, vector<1x1x16xf32>,
        %get3A_842 = vector.shape_cast %get3A_841 : vector<1x1x16xf32> to vector<16xf32>
        %add3A_843 = arith.addf %add3A_805, %get3A_842 : vector<16xf32>
        %add3A_844 = arith.constant 0 : i32
        %add3A_845 = arith.addi %add3A_844, %scan3A_834 : i32
        %get3A_846 = arith.constant 1 : i32
        %get3A_847 = arith.index_cast %get3A_846 : i32 to index
        %get3A_848 = arith.index_cast %add3A_845 : i32 to index
        %get3A_849 = arith.constant 16 : index
        %get3A_850 = tpu.vector_load %arg7[%get3A_847, %get3A_848, %get3A_849] {strides = array<i32>} : memref<2x400x64xf32, #tpu.memory_space<vmem>>, vector<1x1x16xf32>,
        %get3A_851 = vector.shape_cast %get3A_850 : vector<1x1x16xf32> to vector<16xf32>
        %add3A_852 = arith.addf %add3A_814, %get3A_851 : vector<16xf32>
        %add3A_853 = arith.constant 0 : i32
        %add3A_854 = arith.addi %add3A_853, %scan3A_834 : i32
        %get3A_855 = arith.constant 1 : i32
        %get3A_856 = arith.index_cast %get3A_855 : i32 to index
        %get3A_857 = arith.index_cast %add3A_854 : i32 to index
        %get3A_858 = arith.constant 32 : index
        %get3A_859 = tpu.vector_load %arg7[%get3A_856, %get3A_857, %get3A_858] {strides = array<i32>} : memref<2x400x64xf32, #tpu.memory_space<vmem>>, vector<1x1x16xf32>,
        %get3A_860 = vector.shape_cast %get3A_859 : vector<1x1x16xf32> to vector<16xf32>
        %add3A_861 = arith.addf %add3A_823, %get3A_860 : vector<16xf32>
        %add3A_862 = arith.constant 0 : i32
        %add3A_863 = arith.addi %add3A_862, %scan3A_834 : i32
        %get3A_864 = arith.constant 1 : i32
        %get3A_865 = arith.index_cast %get3A_864 : i32 to index
        %get3A_866 = arith.index_cast %add3A_863 : i32 to index
        %get3A_867 = arith.constant 48 : index
        %get3A_868 = tpu.vector_load %arg7[%get3A_865, %get3A_866, %get3A_867] {strides = array<i32>} : memref<2x400x64xf32, #tpu.memory_space<vmem>>, vector<1x1x16xf32>,
        %get3A_869 = vector.shape_cast %get3A_868 : vector<1x1x16xf32> to vector<16xf32>
        %add3A_870 = arith.addf %add3A_832, %get3A_869 : vector<16xf32>
        %scan3A_871 = arith.constant 2 : i32
        %scan3A_872 = arith.addi %scan3A_793, %scan3A_871 : i32
        %add3A_873 = arith.constant 0 : i32
        %add3A_874 = arith.addi %add3A_873, %scan3A_872 : i32
        %get3A_875 = arith.constant 1 : i32
        %get3A_876 = arith.index_cast %get3A_875 : i32 to index
        %get3A_877 = arith.index_cast %add3A_874 : i32 to index
        %get3A_878 = arith.constant 0 : index
        %get3A_879 = tpu.vector_load %arg7[%get3A_876, %get3A_877, %get3A_878] {strides = array<i32>} : memref<2x400x64xf32, #tpu.memory_space<vmem>>, vector<1x1x16xf32>,
        %get3A_880 = vector.shape_cast %get3A_879 : vector<1x1x16xf32> to vector<16xf32>
        %add3A_881 = arith.addf %add3A_843, %get3A_880 : vector<16xf32>
        %add3A_882 = arith.constant 0 : i32
        %add3A_883 = arith.addi %add3A_882, %scan3A_872 : i32
        %get3A_884 = arith.constant 1 : i32
        %get3A_885 = arith.index_cast %get3A_884 : i32 to index
        %get3A_886 = arith.index_cast %add3A_883 : i32 to index
        %get3A_887 = arith.constant 16 : index
        %get3A_888 = tpu.vector_load %arg7[%get3A_885, %get3A_886, %get3A_887] {strides = array<i32>} : memref<2x400x64xf32, #tpu.memory_space<vmem>>, vector<1x1x16xf32>,
        %get3A_889 = vector.shape_cast %get3A_888 : vector<1x1x16xf32> to vector<16xf32>
        %add3A_890 = arith.addf %add3A_852, %get3A_889 : vector<16xf32>
        %add3A_891 = arith.constant 0 : i32
        %add3A_892 = arith.addi %add3A_891, %scan3A_872 : i32
        %get3A_893 = arith.constant 1 : i32
        %get3A_894 = arith.index_cast %get3A_893 : i32 to index
        %get3A_895 = arith.index_cast %add3A_892 : i32 to index
        %get3A_896 = arith.constant 32 : index
        %get3A_897 = tpu.vector_load %arg7[%get3A_894, %get3A_895, %get3A_896] {strides = array<i32>} : memref<2x400x64xf32, #tpu.memory_space<vmem>>, vector<1x1x16xf32>,
        %get3A_898 = vector.shape_cast %get3A_897 : vector<1x1x16xf32> to vector<16xf32>
        %add3A_899 = arith.addf %add3A_861, %get3A_898 : vector<16xf32>
        %add3A_900 = arith.constant 0 : i32
        %add3A_901 = arith.addi %add3A_900, %scan3A_872 : i32
        %get3A_902 = arith.constant 1 : i32
        %get3A_903 = arith.index_cast %get3A_902 : i32 to index
        %get3A_904 = arith.index_cast %add3A_901 : i32 to index
        %get3A_905 = arith.constant 48 : index
        %get3A_906 = tpu.vector_load %arg7[%get3A_903, %get3A_904, %get3A_905] {strides = array<i32>} : memref<2x400x64xf32, #tpu.memory_space<vmem>>, vector<1x1x16xf32>,
        %get3A_907 = vector.shape_cast %get3A_906 : vector<1x1x16xf32> to vector<16xf32>
        %add3A_908 = arith.addf %add3A_870, %get3A_907 : vector<16xf32>
        %scan3A_909 = arith.constant 3 : i32
        %scan3A_910 = arith.addi %scan3A_793, %scan3A_909 : i32
        %add3A_911 = arith.constant 0 : i32
        %add3A_912 = arith.addi %add3A_911, %scan3A_910 : i32
        %get3A_913 = arith.constant 1 : i32
        %get3A_914 = arith.index_cast %get3A_913 : i32 to index
        %get3A_915 = arith.index_cast %add3A_912 : i32 to index
        %get3A_916 = arith.constant 0 : index
        %get3A_917 = tpu.vector_load %arg7[%get3A_914, %get3A_915, %get3A_916] {strides = array<i32>} : memref<2x400x64xf32, #tpu.memory_space<vmem>>, vector<1x1x16xf32>,
        %get3A_918 = vector.shape_cast %get3A_917 : vector<1x1x16xf32> to vector<16xf32>
        %add3A_919 = arith.addf %add3A_881, %get3A_918 : vector<16xf32>
        %add3A_920 = arith.constant 0 : i32
        %add3A_921 = arith.addi %add3A_920, %scan3A_910 : i32
        %get3A_922 = arith.constant 1 : i32
        %get3A_923 = arith.index_cast %get3A_922 : i32 to index
        %get3A_924 = arith.index_cast %add3A_921 : i32 to index
        %get3A_925 = arith.constant 16 : index
        %get3A_926 = tpu.vector_load %arg7[%get3A_923, %get3A_924, %get3A_925] {strides = array<i32>} : memref<2x400x64xf32, #tpu.memory_space<vmem>>, vector<1x1x16xf32>,
        %get3A_927 = vector.shape_cast %get3A_926 : vector<1x1x16xf32> to vector<16xf32>
        %add3A_928 = arith.addf %add3A_890, %get3A_927 : vector<16xf32>
        %add3A_929 = arith.constant 0 : i32
        %add3A_930 = arith.addi %add3A_929, %scan3A_910 : i32
        %get3A_931 = arith.constant 1 : i32
        %get3A_932 = arith.index_cast %get3A_931 : i32 to index
        %get3A_933 = arith.index_cast %add3A_930 : i32 to index
        %get3A_934 = arith.constant 32 : index
        %get3A_935 = tpu.vector_load %arg7[%get3A_932, %get3A_933, %get3A_934] {strides = array<i32>} : memref<2x400x64xf32, #tpu.memory_space<vmem>>, vector<1x1x16xf32>,
        %get3A_936 = vector.shape_cast %get3A_935 : vector<1x1x16xf32> to vector<16xf32>
        %add3A_937 = arith.addf %add3A_899, %get3A_936 : vector<16xf32>
        %add3A_938 = arith.constant 0 : i32
        %add3A_939 = arith.addi %add3A_938, %scan3A_910 : i32
        %get3A_940 = arith.constant 1 : i32
        %get3A_941 = arith.index_cast %get3A_940 : i32 to index
        %get3A_942 = arith.index_cast %add3A_939 : i32 to index
        %get3A_943 = arith.constant 48 : index
        %get3A_944 = tpu.vector_load %arg7[%get3A_941, %get3A_942, %get3A_943] {strides = array<i32>} : memref<2x400x64xf32, #tpu.memory_space<vmem>>, vector<1x1x16xf32>,
        %get3A_945 = vector.shape_cast %get3A_944 : vector<1x1x16xf32> to vector<16xf32>
        %add3A_946 = arith.addf %add3A_908, %get3A_945 : vector<16xf32>
        %scan3A_947 = arith.constant 4 : i32
        %scan3A_948 = arith.addi %scan3A_793, %scan3A_947 : i32
        %add3A_949 = arith.constant 0 : i32
        %add3A_950 = arith.addi %add3A_949, %scan3A_948 : i32
        %get3A_951 = arith.constant 1 : i32
        %get3A_952 = arith.index_cast %get3A_951 : i32 to index
        %get3A_953 = arith.index_cast %add3A_950 : i32 to index
        %get3A_954 = arith.constant 0 : index
        %get3A_955 = tpu.vector_load %arg7[%get3A_952, %get3A_953, %get3A_954] {strides = array<i32>} : memref<2x400x64xf32, #tpu.memory_space<vmem>>, vector<1x1x16xf32>,
        %get3A_956 = vector.shape_cast %get3A_955 : vector<1x1x16xf32> to vector<16xf32>
        %add3A_957 = arith.addf %add3A_919, %get3A_956 : vector<16xf32>
        %add3A_958 = arith.constant 0 : i32
        %add3A_959 = arith.addi %add3A_958, %scan3A_948 : i32
        %get3A_960 = arith.constant 1 : i32
        %get3A_961 = arith.index_cast %get3A_960 : i32 to index
        %get3A_962 = arith.index_cast %add3A_959 : i32 to index
        %get3A_963 = arith.constant 16 : index
        %get3A_964 = tpu.vector_load %arg7[%get3A_961, %get3A_962, %get3A_963] {strides = array<i32>} : memref<2x400x64xf32, #tpu.memory_space<vmem>>, vector<1x1x16xf32>,
        %get3A_965 = vector.shape_cast %get3A_964 : vector<1x1x16xf32> to vector<16xf32>
        %add3A_966 = arith.addf %add3A_928, %get3A_965 : vector<16xf32>
        %add3A_967 = arith.constant 0 : i32
        %add3A_968 = arith.addi %add3A_967, %scan3A_948 : i32
        %get3A_969 = arith.constant 1 : i32
        %get3A_970 = arith.index_cast %get3A_969 : i32 to index
        %get3A_971 = arith.index_cast %add3A_968 : i32 to index
        %get3A_972 = arith.constant 32 : index
        %get3A_973 = tpu.vector_load %arg7[%get3A_970, %get3A_971, %get3A_972] {strides = array<i32>} : memref<2x400x64xf32, #tpu.memory_space<vmem>>, vector<1x1x16xf32>,
        %get3A_974 = vector.shape_cast %get3A_973 : vector<1x1x16xf32> to vector<16xf32>
        %add3A_975 = arith.addf %add3A_937, %get3A_974 : vector<16xf32>
        %add3A_976 = arith.constant 0 : i32
        %add3A_977 = arith.addi %add3A_976, %scan3A_948 : i32
        %get3A_978 = arith.constant 1 : i32
        %get3A_979 = arith.index_cast %get3A_978 : i32 to index
        %get3A_980 = arith.index_cast %add3A_977 : i32 to index
        %get3A_981 = arith.constant 48 : index
        %get3A_982 = tpu.vector_load %arg7[%get3A_979, %get3A_980, %get3A_981] {strides = array<i32>} : memref<2x400x64xf32, #tpu.memory_space<vmem>>, vector<1x1x16xf32>,
        %get3A_983 = vector.shape_cast %get3A_982 : vector<1x1x16xf32> to vector<16xf32>
        %add3A_984 = arith.addf %add3A_946, %get3A_983 : vector<16xf32>
        %scan3A_985 = arith.constant 5 : i32
        %scan3A_986 = arith.addi %scan3A_793, %scan3A_985 : i32
        %add3A_987 = arith.constant 0 : i32
        %add3A_988 = arith.addi %add3A_987, %scan3A_986 : i32
        %get3A_989 = arith.constant 1 : i32
        %get3A_990 = arith.index_cast %get3A_989 : i32 to index
        %get3A_991 = arith.index_cast %add3A_988 : i32 to index
        %get3A_992 = arith.constant 0 : index
        %get3A_993 = tpu.vector_load %arg7[%get3A_990, %get3A_991, %get3A_992] {strides = array<i32>} : memref<2x400x64xf32, #tpu.memory_space<vmem>>, vector<1x1x16xf32>,
        %get3A_994 = vector.shape_cast %get3A_993 : vector<1x1x16xf32> to vector<16xf32>
        %add3A_995 = arith.addf %add3A_957, %get3A_994 : vector<16xf32>
        %add3A_996 = arith.constant 0 : i32
        %add3A_997 = arith.addi %add3A_996, %scan3A_986 : i32
        %get3A_998 = arith.constant 1 : i32
        %get3A_999 = arith.index_cast %get3A_998 : i32 to index
        %get3A_1000 = arith.index_cast %add3A_997 : i32 to index
        %get3A_1001 = arith.constant 16 : index
        %get3A_1002 = tpu.vector_load %arg7[%get3A_999, %get3A_1000, %get3A_1001] {strides = array<i32>} : memref<2x400x64xf32, #tpu.memory_space<vmem>>, vector<1x1x16xf32>,
        %get3A_1003 = vector.shape_cast %get3A_1002 : vector<1x1x16xf32> to vector<16xf32>
        %add3A_1004 = arith.addf %add3A_966, %get3A_1003 : vector<16xf32>
        %add3A_1005 = arith.constant 0 : i32
        %add3A_1006 = arith.addi %add3A_1005, %scan3A_986 : i32
        %get3A_1007 = arith.constant 1 : i32
        %get3A_1008 = arith.index_cast %get3A_1007 : i32 to index
        %get3A_1009 = arith.index_cast %add3A_1006 : i32 to index
        %get3A_1010 = arith.constant 32 : index
        %get3A_1011 = tpu.vector_load %arg7[%get3A_1008, %get3A_1009, %get3A_1010] {strides = array<i32>} : memref<2x400x64xf32, #tpu.memory_space<vmem>>, vector<1x1x16xf32>,
        %get3A_1012 = vector.shape_cast %get3A_1011 : vector<1x1x16xf32> to vector<16xf32>
        %add3A_1013 = arith.addf %add3A_975, %get3A_1012 : vector<16xf32>
        %add3A_1014 = arith.constant 0 : i32
        %add3A_1015 = arith.addi %add3A_1014, %scan3A_986 : i32
        %get3A_1016 = arith.constant 1 : i32
        %get3A_1017 = arith.index_cast %get3A_1016 : i32 to index
        %get3A_1018 = arith.index_cast %add3A_1015 : i32 to index
        %get3A_1019 = arith.constant 48 : index
        %get3A_1020 = tpu.vector_load %arg7[%get3A_1017, %get3A_1018, %get3A_1019] {strides = array<i32>} : memref<2x400x64xf32, #tpu.memory_space<vmem>>, vector<1x1x16xf32>,
        %get3A_1021 = vector.shape_cast %get3A_1020 : vector<1x1x16xf32> to vector<16xf32>
        %add3A_1022 = arith.addf %add3A_984, %get3A_1021 : vector<16xf32>
        %scan3A_1023 = arith.constant 6 : i32
        %scan3A_1024 = arith.addi %scan3A_793, %scan3A_1023 : i32
        %add3A_1025 = arith.constant 0 : i32
        %add3A_1026 = arith.addi %add3A_1025, %scan3A_1024 : i32
        %get3A_1027 = arith.constant 1 : i32
        %get3A_1028 = arith.index_cast %get3A_1027 : i32 to index
        %get3A_1029 = arith.index_cast %add3A_1026 : i32 to index
        %get3A_1030 = arith.constant 0 : index
        %get3A_1031 = tpu.vector_load %arg7[%get3A_1028, %get3A_1029, %get3A_1030] {strides = array<i32>} : memref<2x400x64xf32, #tpu.memory_space<vmem>>, vector<1x1x16xf32>,
        %get3A_1032 = vector.shape_cast %get3A_1031 : vector<1x1x16xf32> to vector<16xf32>
        %add3A_1033 = arith.addf %add3A_995, %get3A_1032 : vector<16xf32>
        %add3A_1034 = arith.constant 0 : i32
        %add3A_1035 = arith.addi %add3A_1034, %scan3A_1024 : i32
        %get3A_1036 = arith.constant 1 : i32
        %get3A_1037 = arith.index_cast %get3A_1036 : i32 to index
        %get3A_1038 = arith.index_cast %add3A_1035 : i32 to index
        %get3A_1039 = arith.constant 16 : index
        %get3A_1040 = tpu.vector_load %arg7[%get3A_1037, %get3A_1038, %get3A_1039] {strides = array<i32>} : memref<2x400x64xf32, #tpu.memory_space<vmem>>, vector<1x1x16xf32>,
        %get3A_1041 = vector.shape_cast %get3A_1040 : vector<1x1x16xf32> to vector<16xf32>
        %add3A_1042 = arith.addf %add3A_1004, %get3A_1041 : vector<16xf32>
        %add3A_1043 = arith.constant 0 : i32
        %add3A_1044 = arith.addi %add3A_1043, %scan3A_1024 : i32
        %get3A_1045 = arith.constant 1 : i32
        %get3A_1046 = arith.index_cast %get3A_1045 : i32 to index
        %get3A_1047 = arith.index_cast %add3A_1044 : i32 to index
        %get3A_1048 = arith.constant 32 : index
        %get3A_1049 = tpu.vector_load %arg7[%get3A_1046, %get3A_1047, %get3A_1048] {strides = array<i32>} : memref<2x400x64xf32, #tpu.memory_space<vmem>>, vector<1x1x16xf32>,
        %get3A_1050 = vector.shape_cast %get3A_1049 : vector<1x1x16xf32> to vector<16xf32>
        %add3A_1051 = arith.addf %add3A_1013, %get3A_1050 : vector<16xf32>
        %add3A_1052 = arith.constant 0 : i32
        %add3A_1053 = arith.addi %add3A_1052, %scan3A_1024 : i32
        %get3A_1054 = arith.constant 1 : i32
        %get3A_1055 = arith.index_cast %get3A_1054 : i32 to index
        %get3A_1056 = arith.index_cast %add3A_1053 : i32 to index
        %get3A_1057 = arith.constant 48 : index
        %get3A_1058 = tpu.vector_load %arg7[%get3A_1055, %get3A_1056, %get3A_1057] {strides = array<i32>} : memref<2x400x64xf32, #tpu.memory_space<vmem>>, vector<1x1x16xf32>,
        %get3A_1059 = vector.shape_cast %get3A_1058 : vector<1x1x16xf32> to vector<16xf32>
        %add3A_1060 = arith.addf %add3A_1022, %get3A_1059 : vector<16xf32>
        %scan3A_1061 = arith.constant 7 : i32
        %scan3A_1062 = arith.addi %scan3A_793, %scan3A_1061 : i32
        %add3A_1063 = arith.constant 0 : i32
        %add3A_1064 = arith.addi %add3A_1063, %scan3A_1062 : i32
        %get3A_1065 = arith.constant 1 : i32
        %get3A_1066 = arith.index_cast %get3A_1065 : i32 to index
        %get3A_1067 = arith.index_cast %add3A_1064 : i32 to index
        %get3A_1068 = arith.constant 0 : index
        %get3A_1069 = tpu.vector_load %arg7[%get3A_1066, %get3A_1067, %get3A_1068] {strides = array<i32>} : memref<2x400x64xf32, #tpu.memory_space<vmem>>, vector<1x1x16xf32>,
        %get3A_1070 = vector.shape_cast %get3A_1069 : vector<1x1x16xf32> to vector<16xf32>
        %add3A_1071 = arith.addf %add3A_1033, %get3A_1070 : vector<16xf32>
        %add3A_1072 = arith.constant 0 : i32
        %add3A_1073 = arith.addi %add3A_1072, %scan3A_1062 : i32
        %get3A_1074 = arith.constant 1 : i32
        %get3A_1075 = arith.index_cast %get3A_1074 : i32 to index
        %get3A_1076 = arith.index_cast %add3A_1073 : i32 to index
        %get3A_1077 = arith.constant 16 : index
        %get3A_1078 = tpu.vector_load %arg7[%get3A_1075, %get3A_1076, %get3A_1077] {strides = array<i32>} : memref<2x400x64xf32, #tpu.memory_space<vmem>>, vector<1x1x16xf32>,
        %get3A_1079 = vector.shape_cast %get3A_1078 : vector<1x1x16xf32> to vector<16xf32>
        %add3A_1080 = arith.addf %add3A_1042, %get3A_1079 : vector<16xf32>
        %add3A_1081 = arith.constant 0 : i32
        %add3A_1082 = arith.addi %add3A_1081, %scan3A_1062 : i32
        %get3A_1083 = arith.constant 1 : i32
        %get3A_1084 = arith.index_cast %get3A_1083 : i32 to index
        %get3A_1085 = arith.index_cast %add3A_1082 : i32 to index
        %get3A_1086 = arith.constant 32 : index
        %get3A_1087 = tpu.vector_load %arg7[%get3A_1084, %get3A_1085, %get3A_1086] {strides = array<i32>} : memref<2x400x64xf32, #tpu.memory_space<vmem>>, vector<1x1x16xf32>,
        %get3A_1088 = vector.shape_cast %get3A_1087 : vector<1x1x16xf32> to vector<16xf32>
        %add3A_1089 = arith.addf %add3A_1051, %get3A_1088 : vector<16xf32>
        %add3A_1090 = arith.constant 0 : i32
        %add3A_1091 = arith.addi %add3A_1090, %scan3A_1062 : i32
        %get3A_1092 = arith.constant 1 : i32
        %get3A_1093 = arith.index_cast %get3A_1092 : i32 to index
        %get3A_1094 = arith.index_cast %add3A_1091 : i32 to index
        %get3A_1095 = arith.constant 48 : index
        %get3A_1096 = tpu.vector_load %arg7[%get3A_1093, %get3A_1094, %get3A_1095] {strides = array<i32>} : memref<2x400x64xf32, #tpu.memory_space<vmem>>, vector<1x1x16xf32>,
        %get3A_1097 = vector.shape_cast %get3A_1096 : vector<1x1x16xf32> to vector<16xf32>
        %add3A_1098 = arith.addf %add3A_1060, %get3A_1097 : vector<16xf32>
        scf.yield %add3A_1071, %add3A_1080, %add3A_1089, %add3A_1098 : vector<16xf32>, vector<16xf32>, vector<16xf32>, vector<16xf32>
      }
      %scan3A_706 = arith.constant 200 : i32
      %mul3A_707 = arith.constant 2 : i32
      %mul3A_708 = arith.muli %add3A_663, %mul3A_707 : i32
      %add3A_709 = arith.constant 0 : i32
      %add3A_710 = arith.addi %mul3A_708, %add3A_709 : i32
      %swap3A_711 = arith.index_cast %add3A_710 : i32 to index
      %swap3A_712 = arith.constant 0 : index
      %swap3A_713 = tpu.vector_load %arg8[%swap3A_711, %swap3A_712] {strides = array<i32>} : memref<512x64xf32, #tpu.memory_space<vmem>>, vector<1x16xf32>,
      %swap3A_714 = vector.shape_cast %swap3A_713 : vector<1x16xf32> to vector<16xf32>
      %swap3A_715 = vector.shape_cast %scan3A_705#0 : vector<16xf32> to vector<1x16xf32>
      tpu.vector_store %arg8[%swap3A_711, %swap3A_712], %swap3A_715 {strides = array<i32>} : memref<512x64xf32, #tpu.memory_space<vmem>>, vector<1x16xf32>,
      %mul3A_716 = arith.constant 2 : i32
      %mul3A_717 = arith.muli %add3A_663, %mul3A_716 : i32
      %add3A_718 = arith.constant 0 : i32
      %add3A_719 = arith.addi %mul3A_717, %add3A_718 : i32
      %swap3A_720 = arith.index_cast %add3A_719 : i32 to index
      %swap3A_721 = arith.constant 16 : index
      %swap3A_722 = tpu.vector_load %arg8[%swap3A_720, %swap3A_721] {strides = array<i32>} : memref<512x64xf32, #tpu.memory_space<vmem>>, vector<1x16xf32>,
      %swap3A_723 = vector.shape_cast %swap3A_722 : vector<1x16xf32> to vector<16xf32>
      %swap3A_724 = vector.shape_cast %scan3A_705#1 : vector<16xf32> to vector<1x16xf32>
      tpu.vector_store %arg8[%swap3A_720, %swap3A_721], %swap3A_724 {strides = array<i32>} : memref<512x64xf32, #tpu.memory_space<vmem>>, vector<1x16xf32>,
      %mul3A_725 = arith.constant 2 : i32
      %mul3A_726 = arith.muli %add3A_663, %mul3A_725 : i32
      %add3A_727 = arith.constant 0 : i32
      %add3A_728 = arith.addi %mul3A_726, %add3A_727 : i32
      %swap3A_729 = arith.index_cast %add3A_728 : i32 to index
      %swap3A_730 = arith.constant 32 : index
      %swap3A_731 = tpu.vector_load %arg8[%swap3A_729, %swap3A_730] {strides = array<i32>} : memref<512x64xf32, #tpu.memory_space<vmem>>, vector<1x16xf32>,
      %swap3A_732 = vector.shape_cast %swap3A_731 : vector<1x16xf32> to vector<16xf32>
      %swap3A_733 = vector.shape_cast %scan3A_705#2 : vector<16xf32> to vector<1x16xf32>
      tpu.vector_store %arg8[%swap3A_729, %swap3A_730], %swap3A_733 {strides = array<i32>} : memref<512x64xf32, #tpu.memory_space<vmem>>, vector<1x16xf32>,
      %mul3A_734 = arith.constant 2 : i32
      %mul3A_735 = arith.muli %add3A_663, %mul3A_734 : i32
      %add3A_736 = arith.constant 0 : i32
      %add3A_737 = arith.addi %mul3A_735, %add3A_736 : i32
      %swap3A_738 = arith.index_cast %add3A_737 : i32 to index
      %swap3A_739 = arith.constant 48 : index
      %swap3A_740 = tpu.vector_load %arg8[%swap3A_738, %swap3A_739] {strides = array<i32>} : memref<512x64xf32, #tpu.memory_space<vmem>>, vector<1x16xf32>,
      %swap3A_741 = vector.shape_cast %swap3A_740 : vector<1x16xf32> to vector<16xf32>
      %swap3A_742 = vector.shape_cast %scan3A_705#3 : vector<16xf32> to vector<1x16xf32>
      tpu.vector_store %arg8[%swap3A_738, %swap3A_739], %swap3A_742 {strides = array<i32>} : memref<512x64xf32, #tpu.memory_space<vmem>>, vector<1x16xf32>,
      %broadcast_in_dim3A_743 = arith.constant 0.000000e+00 : f32
      %broadcast_in_dim3A_744 = vector.broadcast %broadcast_in_dim3A_743 : f32 to vector<16xf32>
      %broadcast_in_dim3A_745 = arith.constant 0.000000e+00 : f32
      %broadcast_in_dim3A_746 = vector.broadcast %broadcast_in_dim3A_745 : f32 to vector<16xf32>
      %broadcast_in_dim3A_747 = arith.constant 0.000000e+00 : f32
      %broadcast_in_dim3A_748 = vector.broadcast %broadcast_in_dim3A_747 : f32 to vector<16xf32>
      %broadcast_in_dim3A_749 = arith.constant 0.000000e+00 : f32
      %broadcast_in_dim3A_750 = vector.broadcast %broadcast_in_dim3A_749 : f32 to vector<16xf32>
      %scan3A_751 = arith.constant 0 : i32
      %scan3A_752 = arith.constant 200 : i32
      %scan3A_753 = arith.addi %scan3A_751, %scan3A_752 : i32
      %scan3A_754 = arith.constant 8 : i32
      %scan3A_755:4 = scf.for %scan3A_793 = %scan3A_751 to %scan3A_753 step %scan3A_754 iter_args(%scan3A_794 = %broadcast_in_dim3A_744, %scan3A_795 = %broadcast_in_dim3A_746, %scan3A_796 = %broadcast_in_dim3A_748, %scan3A_797 = %broadcast_in_dim3A_750) -> (vector<16xf32>, vector<16xf32>, vector<16xf32>, vector<16xf32>)  : i32 {
        %add3A_798 = arith.constant 200 : i32
        %add3A_799 = arith.addi %add3A_798, %scan3A_793 : i32
        %get3A = arith.constant 1 : i32
        %get3A_800 = arith.index_cast %get3A : i32 to index
        %get3A_801 = arith.index_cast %add3A_799 : i32 to index
        %get3A_802 = arith.constant 0 : index
        %get3A_803 = tpu.vector_load %arg7[%get3A_800, %get3A_801, %get3A_802] {strides = array<i32>} : memref<2x400x64xf32, #tpu.memory_space<vmem>>, vector<1x1x16xf32>,
        %get3A_804 = vector.shape_cast %get3A_803 : vector<1x1x16xf32> to vector<16xf32>
        %add3A_805 = arith.addf %scan3A_794, %get3A_804 : vector<16xf32>
        %add3A_806 = arith.constant 200 : i32
        %add3A_807 = arith.addi %add3A_806, %scan3A_793 : i32
        %get3A_808 = arith.constant 1 : i32
        %get3A_809 = arith.index_cast %get3A_808 : i32 to index
        %get3A_810 = arith.index_cast %add3A_807 : i32 to index
        %get3A_811 = arith.constant 16 : index
        %get3A_812 = tpu.vector_load %arg7[%get3A_809, %get3A_810, %get3A_811] {strides = array<i32>} : memref<2x400x64xf32, #tpu.memory_space<vmem>>, vector<1x1x16xf32>,
        %get3A_813 = vector.shape_cast %get3A_812 : vector<1x1x16xf32> to vector<16xf32>
        %add3A_814 = arith.addf %scan3A_795, %get3A_813 : vector<16xf32>
        %add3A_815 = arith.constant 200 : i32
        %add3A_816 = arith.addi %add3A_815, %scan3A_793 : i32
        %get3A_817 = arith.constant 1 : i32
        %get3A_818 = arith.index_cast %get3A_817 : i32 to index
        %get3A_819 = arith.index_cast %add3A_816 : i32 to index
        %get3A_820 = arith.constant 32 : index
        %get3A_821 = tpu.vector_load %arg7[%get3A_818, %get3A_819, %get3A_820] {strides = array<i32>} : memref<2x400x64xf32, #tpu.memory_space<vmem>>, vector<1x1x16xf32>,
        %get3A_822 = vector.shape_cast %get3A_821 : vector<1x1x16xf32> to vector<16xf32>
        %add3A_823 = arith.addf %scan3A_796, %get3A_822 : vector<16xf32>
        %add3A_824 = arith.constant 200 : i32
        %add3A_825 = arith.addi %add3A_824, %scan3A_793 : i32
        %get3A_826 = arith.constant 1 : i32
        %get3A_827 = arith.index_cast %get3A_826 : i32 to index
        %get3A_828 = arith.index_cast %add3A_825 : i32 to index
        %get3A_829 = arith.constant 48 : index
        %get3A_830 = tpu.vector_load %arg7[%get3A_827, %get3A_828, %get3A_829] {strides = array<i32>} : memref<2x400x64xf32, #tpu.memory_space<vmem>>, vector<1x1x16xf32>,
        %get3A_831 = vector.shape_cast %get3A_830 : vector<1x1x16xf32> to vector<16xf32>
        %add3A_832 = arith.addf %scan3A_797, %get3A_831 : vector<16xf32>
        %scan3A_833 = arith.constant 1 : i32
        %scan3A_834 = arith.addi %scan3A_793, %scan3A_833 : i32
        %add3A_835 = arith.constant 200 : i32
        %add3A_836 = arith.addi %add3A_835, %scan3A_834 : i32
        %get3A_837 = arith.constant 1 : i32
        %get3A_838 = arith.index_cast %get3A_837 : i32 to index
        %get3A_839 = arith.index_cast %add3A_836 : i32 to index
        %get3A_840 = arith.constant 0 : index
        %get3A_841 = tpu.vector_load %arg7[%get3A_838, %get3A_839, %get3A_840] {strides = array<i32>} : memref<2x400x64xf32, #tpu.memory_space<vmem>>, vector<1x1x16xf32>,
        %get3A_842 = vector.shape_cast %get3A_841 : vector<1x1x16xf32> to vector<16xf32>
        %add3A_843 = arith.addf %add3A_805, %get3A_842 : vector<16xf32>
        %add3A_844 = arith.constant 200 : i32
        %add3A_845 = arith.addi %add3A_844, %scan3A_834 : i32
        %get3A_846 = arith.constant 1 : i32
        %get3A_847 = arith.index_cast %get3A_846 : i32 to index
        %get3A_848 = arith.index_cast %add3A_845 : i32 to index
        %get3A_849 = arith.constant 16 : index
        %get3A_850 = tpu.vector_load %arg7[%get3A_847, %get3A_848, %get3A_849] {strides = array<i32>} : memref<2x400x64xf32, #tpu.memory_space<vmem>>, vector<1x1x16xf32>,
        %get3A_851 = vector.shape_cast %get3A_850 : vector<1x1x16xf32> to vector<16xf32>
        %add3A_852 = arith.addf %add3A_814, %get3A_851 : vector<16xf32>
        %add3A_853 = arith.constant 200 : i32
        %add3A_854 = arith.addi %add3A_853, %scan3A_834 : i32
        %get3A_855 = arith.constant 1 : i32
        %get3A_856 = arith.index_cast %get3A_855 : i32 to index
        %get3A_857 = arith.index_cast %add3A_854 : i32 to index
        %get3A_858 = arith.constant 32 : index
        %get3A_859 = tpu.vector_load %arg7[%get3A_856, %get3A_857, %get3A_858] {strides = array<i32>} : memref<2x400x64xf32, #tpu.memory_space<vmem>>, vector<1x1x16xf32>,
        %get3A_860 = vector.shape_cast %get3A_859 : vector<1x1x16xf32> to vector<16xf32>
        %add3A_861 = arith.addf %add3A_823, %get3A_860 : vector<16xf32>
        %add3A_862 = arith.constant 200 : i32
        %add3A_863 = arith.addi %add3A_862, %scan3A_834 : i32
        %get3A_864 = arith.constant 1 : i32
        %get3A_865 = arith.index_cast %get3A_864 : i32 to index
        %get3A_866 = arith.index_cast %add3A_863 : i32 to index
        %get3A_867 = arith.constant 48 : index
        %get3A_868 = tpu.vector_load %arg7[%get3A_865, %get3A_866, %get3A_867] {strides = array<i32>} : memref<2x400x64xf32, #tpu.memory_space<vmem>>, vector<1x1x16xf32>,
        %get3A_869 = vector.shape_cast %get3A_868 : vector<1x1x16xf32> to vector<16xf32>
        %add3A_870 = arith.addf %add3A_832, %get3A_869 : vector<16xf32>
        %scan3A_871 = arith.constant 2 : i32
        %scan3A_872 = arith.addi %scan3A_793, %scan3A_871 : i32
        %add3A_873 = arith.constant 200 : i32
        %add3A_874 = arith.addi %add3A_873, %scan3A_872 : i32
        %get3A_875 = arith.constant 1 : i32
        %get3A_876 = arith.index_cast %get3A_875 : i32 to index
        %get3A_877 = arith.index_cast %add3A_874 : i32 to index
        %get3A_878 = arith.constant 0 : index
        %get3A_879 = tpu.vector_load %arg7[%get3A_876, %get3A_877, %get3A_878] {strides = array<i32>} : memref<2x400x64xf32, #tpu.memory_space<vmem>>, vector<1x1x16xf32>,
        %get3A_880 = vector.shape_cast %get3A_879 : vector<1x1x16xf32> to vector<16xf32>
        %add3A_881 = arith.addf %add3A_843, %get3A_880 : vector<16xf32>
        %add3A_882 = arith.constant 200 : i32
        %add3A_883 = arith.addi %add3A_882, %scan3A_872 : i32
        %get3A_884 = arith.constant 1 : i32
        %get3A_885 = arith.index_cast %get3A_884 : i32 to index
        %get3A_886 = arith.index_cast %add3A_883 : i32 to index
        %get3A_887 = arith.constant 16 : index
        %get3A_888 = tpu.vector_load %arg7[%get3A_885, %get3A_886, %get3A_887] {strides = array<i32>} : memref<2x400x64xf32, #tpu.memory_space<vmem>>, vector<1x1x16xf32>,
        %get3A_889 = vector.shape_cast %get3A_888 : vector<1x1x16xf32> to vector<16xf32>
        %add3A_890 = arith.addf %add3A_852, %get3A_889 : vector<16xf32>
        %add3A_891 = arith.constant 200 : i32
        %add3A_892 = arith.addi %add3A_891, %scan3A_872 : i32
        %get3A_893 = arith.constant 1 : i32
        %get3A_894 = arith.index_cast %get3A_893 : i32 to index
        %get3A_895 = arith.index_cast %add3A_892 : i32 to index
        %get3A_896 = arith.constant 32 : index
        %get3A_897 = tpu.vector_load %arg7[%get3A_894, %get3A_895, %get3A_896] {strides = array<i32>} : memref<2x400x64xf32, #tpu.memory_space<vmem>>, vector<1x1x16xf32>,
        %get3A_898 = vector.shape_cast %get3A_897 : vector<1x1x16xf32> to vector<16xf32>
        %add3A_899 = arith.addf %add3A_861, %get3A_898 : vector<16xf32>
        %add3A_900 = arith.constant 200 : i32
        %add3A_901 = arith.addi %add3A_900, %scan3A_872 : i32
        %get3A_902 = arith.constant 1 : i32
        %get3A_903 = arith.index_cast %get3A_902 : i32 to index
        %get3A_904 = arith.index_cast %add3A_901 : i32 to index
        %get3A_905 = arith.constant 48 : index
        %get3A_906 = tpu.vector_load %arg7[%get3A_903, %get3A_904, %get3A_905] {strides = array<i32>} : memref<2x400x64xf32, #tpu.memory_space<vmem>>, vector<1x1x16xf32>,
        %get3A_907 = vector.shape_cast %get3A_906 : vector<1x1x16xf32> to vector<16xf32>
        %add3A_908 = arith.addf %add3A_870, %get3A_907 : vector<16xf32>
        %scan3A_909 = arith.constant 3 : i32
        %scan3A_910 = arith.addi %scan3A_793, %scan3A_909 : i32
        %add3A_911 = arith.constant 200 : i32
        %add3A_912 = arith.addi %add3A_911, %scan3A_910 : i32
        %get3A_913 = arith.constant 1 : i32
        %get3A_914 = arith.index_cast %get3A_913 : i32 to index
        %get3A_915 = arith.index_cast %add3A_912 : i32 to index
        %get3A_916 = arith.constant 0 : index
        %get3A_917 = tpu.vector_load %arg7[%get3A_914, %get3A_915, %get3A_916] {strides = array<i32>} : memref<2x400x64xf32, #tpu.memory_space<vmem>>, vector<1x1x16xf32>,
        %get3A_918 = vector.shape_cast %get3A_917 : vector<1x1x16xf32> to vector<16xf32>
        %add3A_919 = arith.addf %add3A_881, %get3A_918 : vector<16xf32>
        %add3A_920 = arith.constant 200 : i32
        %add3A_921 = arith.addi %add3A_920, %scan3A_910 : i32
        %get3A_922 = arith.constant 1 : i32
        %get3A_923 = arith.index_cast %get3A_922 : i32 to index
        %get3A_924 = arith.index_cast %add3A_921 : i32 to index
        %get3A_925 = arith.constant 16 : index
        %get3A_926 = tpu.vector_load %arg7[%get3A_923, %get3A_924, %get3A_925] {strides = array<i32>} : memref<2x400x64xf32, #tpu.memory_space<vmem>>, vector<1x1x16xf32>,
        %get3A_927 = vector.shape_cast %get3A_926 : vector<1x1x16xf32> to vector<16xf32>
        %add3A_928 = arith.addf %add3A_890, %get3A_927 : vector<16xf32>
        %add3A_929 = arith.constant 200 : i32
        %add3A_930 = arith.addi %add3A_929, %scan3A_910 : i32
        %get3A_931 = arith.constant 1 : i32
        %get3A_932 = arith.index_cast %get3A_931 : i32 to index
        %get3A_933 = arith.index_cast %add3A_930 : i32 to index
        %get3A_934 = arith.constant 32 : index
        %get3A_935 = tpu.vector_load %arg7[%get3A_932, %get3A_933, %get3A_934] {strides = array<i32>} : memref<2x400x64xf32, #tpu.memory_space<vmem>>, vector<1x1x16xf32>,
        %get3A_936 = vector.shape_cast %get3A_935 : vector<1x1x16xf32> to vector<16xf32>
        %add3A_937 = arith.addf %add3A_899, %get3A_936 : vector<16xf32>
        %add3A_938 = arith.constant 200 : i32
        %add3A_939 = arith.addi %add3A_938, %scan3A_910 : i32
        %get3A_940 = arith.constant 1 : i32
        %get3A_941 = arith.index_cast %get3A_940 : i32 to index
        %get3A_942 = arith.index_cast %add3A_939 : i32 to index
        %get3A_943 = arith.constant 48 : index
        %get3A_944 = tpu.vector_load %arg7[%get3A_941, %get3A_942, %get3A_943] {strides = array<i32>} : memref<2x400x64xf32, #tpu.memory_space<vmem>>, vector<1x1x16xf32>,
        %get3A_945 = vector.shape_cast %get3A_944 : vector<1x1x16xf32> to vector<16xf32>
        %add3A_946 = arith.addf %add3A_908, %get3A_945 : vector<16xf32>
        %scan3A_947 = arith.constant 4 : i32
        %scan3A_948 = arith.addi %scan3A_793, %scan3A_947 : i32
        %add3A_949 = arith.constant 200 : i32
        %add3A_950 = arith.addi %add3A_949, %scan3A_948 : i32
        %get3A_951 = arith.constant 1 : i32
        %get3A_952 = arith.index_cast %get3A_951 : i32 to index
        %get3A_953 = arith.index_cast %add3A_950 : i32 to index
        %get3A_954 = arith.constant 0 : index
        %get3A_955 = tpu.vector_load %arg7[%get3A_952, %get3A_953, %get3A_954] {strides = array<i32>} : memref<2x400x64xf32, #tpu.memory_space<vmem>>, vector<1x1x16xf32>,
        %get3A_956 = vector.shape_cast %get3A_955 : vector<1x1x16xf32> to vector<16xf32>
        %add3A_957 = arith.addf %add3A_919, %get3A_956 : vector<16xf32>
        %add3A_958 = arith.constant 200 : i32
        %add3A_959 = arith.addi %add3A_958, %scan3A_948 : i32
        %get3A_960 = arith.constant 1 : i32
        %get3A_961 = arith.index_cast %get3A_960 : i32 to index
        %get3A_962 = arith.index_cast %add3A_959 : i32 to index
        %get3A_963 = arith.constant 16 : index
        %get3A_964 = tpu.vector_load %arg7[%get3A_961, %get3A_962, %get3A_963] {strides = array<i32>} : memref<2x400x64xf32, #tpu.memory_space<vmem>>, vector<1x1x16xf32>,
        %get3A_965 = vector.shape_cast %get3A_964 : vector<1x1x16xf32> to vector<16xf32>
        %add3A_966 = arith.addf %add3A_928, %get3A_965 : vector<16xf32>
        %add3A_967 = arith.constant 200 : i32
        %add3A_968 = arith.addi %add3A_967, %scan3A_948 : i32
        %get3A_969 = arith.constant 1 : i32
        %get3A_970 = arith.index_cast %get3A_969 : i32 to index
        %get3A_971 = arith.index_cast %add3A_968 : i32 to index
        %get3A_972 = arith.constant 32 : index
        %get3A_973 = tpu.vector_load %arg7[%get3A_970, %get3A_971, %get3A_972] {strides = array<i32>} : memref<2x400x64xf32, #tpu.memory_space<vmem>>, vector<1x1x16xf32>,
        %get3A_974 = vector.shape_cast %get3A_973 : vector<1x1x16xf32> to vector<16xf32>
        %add3A_975 = arith.addf %add3A_937, %get3A_974 : vector<16xf32>
        %add3A_976 = arith.constant 200 : i32
        %add3A_977 = arith.addi %add3A_976, %scan3A_948 : i32
        %get3A_978 = arith.constant 1 : i32
        %get3A_979 = arith.index_cast %get3A_978 : i32 to index
        %get3A_980 = arith.index_cast %add3A_977 : i32 to index
        %get3A_981 = arith.constant 48 : index
        %get3A_982 = tpu.vector_load %arg7[%get3A_979, %get3A_980, %get3A_981] {strides = array<i32>} : memref<2x400x64xf32, #tpu.memory_space<vmem>>, vector<1x1x16xf32>,
        %get3A_983 = vector.shape_cast %get3A_982 : vector<1x1x16xf32> to vector<16xf32>
        %add3A_984 = arith.addf %add3A_946, %get3A_983 : vector<16xf32>
        %scan3A_985 = arith.constant 5 : i32
        %scan3A_986 = arith.addi %scan3A_793, %scan3A_985 : i32
        %add3A_987 = arith.constant 200 : i32
        %add3A_988 = arith.addi %add3A_987, %scan3A_986 : i32
        %get3A_989 = arith.constant 1 : i32
        %get3A_990 = arith.index_cast %get3A_989 : i32 to index
        %get3A_991 = arith.index_cast %add3A_988 : i32 to index
        %get3A_992 = arith.constant 0 : index
        %get3A_993 = tpu.vector_load %arg7[%get3A_990, %get3A_991, %get3A_992] {strides = array<i32>} : memref<2x400x64xf32, #tpu.memory_space<vmem>>, vector<1x1x16xf32>,
        %get3A_994 = vector.shape_cast %get3A_993 : vector<1x1x16xf32> to vector<16xf32>
        %add3A_995 = arith.addf %add3A_957, %get3A_994 : vector<16xf32>
        %add3A_996 = arith.constant 200 : i32
        %add3A_997 = arith.addi %add3A_996, %scan3A_986 : i32
        %get3A_998 = arith.constant 1 : i32
        %get3A_999 = arith.index_cast %get3A_998 : i32 to index
        %get3A_1000 = arith.index_cast %add3A_997 : i32 to index
        %get3A_1001 = arith.constant 16 : index
        %get3A_1002 = tpu.vector_load %arg7[%get3A_999, %get3A_1000, %get3A_1001] {strides = array<i32>} : memref<2x400x64xf32, #tpu.memory_space<vmem>>, vector<1x1x16xf32>,
        %get3A_1003 = vector.shape_cast %get3A_1002 : vector<1x1x16xf32> to vector<16xf32>
        %add3A_1004 = arith.addf %add3A_966, %get3A_1003 : vector<16xf32>
        %add3A_1005 = arith.constant 200 : i32
        %add3A_1006 = arith.addi %add3A_1005, %scan3A_986 : i32
        %get3A_1007 = arith.constant 1 : i32
        %get3A_1008 = arith.index_cast %get3A_1007 : i32 to index
        %get3A_1009 = arith.index_cast %add3A_1006 : i32 to index
        %get3A_1010 = arith.constant 32 : index
        %get3A_1011 = tpu.vector_load %arg7[%get3A_1008, %get3A_1009, %get3A_1010] {strides = array<i32>} : memref<2x400x64xf32, #tpu.memory_space<vmem>>, vector<1x1x16xf32>,
        %get3A_1012 = vector.shape_cast %get3A_1011 : vector<1x1x16xf32> to vector<16xf32>
        %add3A_1013 = arith.addf %add3A_975, %get3A_1012 : vector<16xf32>
        %add3A_1014 = arith.constant 200 : i32
        %add3A_1015 = arith.addi %add3A_1014, %scan3A_986 : i32
        %get3A_1016 = arith.constant 1 : i32
        %get3A_1017 = arith.index_cast %get3A_1016 : i32 to index
        %get3A_1018 = arith.index_cast %add3A_1015 : i32 to index
        %get3A_1019 = arith.constant 48 : index
        %get3A_1020 = tpu.vector_load %arg7[%get3A_1017, %get3A_1018, %get3A_1019] {strides = array<i32>} : memref<2x400x64xf32, #tpu.memory_space<vmem>>, vector<1x1x16xf32>,
        %get3A_1021 = vector.shape_cast %get3A_1020 : vector<1x1x16xf32> to vector<16xf32>
        %add3A_1022 = arith.addf %add3A_984, %get3A_1021 : vector<16xf32>
        %scan3A_1023 = arith.constant 6 : i32
        %scan3A_1024 = arith.addi %scan3A_793, %scan3A_1023 : i32
        %add3A_1025 = arith.constant 200 : i32
        %add3A_1026 = arith.addi %add3A_1025, %scan3A_1024 : i32
        %get3A_1027 = arith.constant 1 : i32
        %get3A_1028 = arith.index_cast %get3A_1027 : i32 to index
        %get3A_1029 = arith.index_cast %add3A_1026 : i32 to index
        %get3A_1030 = arith.constant 0 : index
        %get3A_1031 = tpu.vector_load %arg7[%get3A_1028, %get3A_1029, %get3A_1030] {strides = array<i32>} : memref<2x400x64xf32, #tpu.memory_space<vmem>>, vector<1x1x16xf32>,
        %get3A_1032 = vector.shape_cast %get3A_1031 : vector<1x1x16xf32> to vector<16xf32>
        %add3A_1033 = arith.addf %add3A_995, %get3A_1032 : vector<16xf32>
        %add3A_1034 = arith.constant 200 : i32
        %add3A_1035 = arith.addi %add3A_1034, %scan3A_1024 : i32
        %get3A_1036 = arith.constant 1 : i32
        %get3A_1037 = arith.index_cast %get3A_1036 : i32 to index
        %get3A_1038 = arith.index_cast %add3A_1035 : i32 to index
        %get3A_1039 = arith.constant 16 : index
        %get3A_1040 = tpu.vector_load %arg7[%get3A_1037, %get3A_1038, %get3A_1039] {strides = array<i32>} : memref<2x400x64xf32, #tpu.memory_space<vmem>>, vector<1x1x16xf32>,
        %get3A_1041 = vector.shape_cast %get3A_1040 : vector<1x1x16xf32> to vector<16xf32>
        %add3A_1042 = arith.addf %add3A_1004, %get3A_1041 : vector<16xf32>
        %add3A_1043 = arith.constant 200 : i32
        %add3A_1044 = arith.addi %add3A_1043, %scan3A_1024 : i32
        %get3A_1045 = arith.constant 1 : i32
        %get3A_1046 = arith.index_cast %get3A_1045 : i32 to index
        %get3A_1047 = arith.index_cast %add3A_1044 : i32 to index
        %get3A_1048 = arith.constant 32 : index
        %get3A_1049 = tpu.vector_load %arg7[%get3A_1046, %get3A_1047, %get3A_1048] {strides = array<i32>} : memref<2x400x64xf32, #tpu.memory_space<vmem>>, vector<1x1x16xf32>,
        %get3A_1050 = vector.shape_cast %get3A_1049 : vector<1x1x16xf32> to vector<16xf32>
        %add3A_1051 = arith.addf %add3A_1013, %get3A_1050 : vector<16xf32>
        %add3A_1052 = arith.constant 200 : i32
        %add3A_1053 = arith.addi %add3A_1052, %scan3A_1024 : i32
        %get3A_1054 = arith.constant 1 : i32
        %get3A_1055 = arith.index_cast %get3A_1054 : i32 to index
        %get3A_1056 = arith.index_cast %add3A_1053 : i32 to index
        %get3A_1057 = arith.constant 48 : index
        %get3A_1058 = tpu.vector_load %arg7[%get3A_1055, %get3A_1056, %get3A_1057] {strides = array<i32>} : memref<2x400x64xf32, #tpu.memory_space<vmem>>, vector<1x1x16xf32>,
        %get3A_1059 = vector.shape_cast %get3A_1058 : vector<1x1x16xf32> to vector<16xf32>
        %add3A_1060 = arith.addf %add3A_1022, %get3A_1059 : vector<16xf32>
        %scan3A_1061 = arith.constant 7 : i32
        %scan3A_1062 = arith.addi %scan3A_793, %scan3A_1061 : i32
        %add3A_1063 = arith.constant 200 : i32
        %add3A_1064 = arith.addi %add3A_1063, %scan3A_1062 : i32
        %get3A_1065 = arith.constant 1 : i32
        %get3A_1066 = arith.index_cast %get3A_1065 : i32 to index
        %get3A_1067 = arith.index_cast %add3A_1064 : i32 to index
        %get3A_1068 = arith.constant 0 : index
        %get3A_1069 = tpu.vector_load %arg7[%get3A_1066, %get3A_1067, %get3A_1068] {strides = array<i32>} : memref<2x400x64xf32, #tpu.memory_space<vmem>>, vector<1x1x16xf32>,
        %get3A_1070 = vector.shape_cast %get3A_1069 : vector<1x1x16xf32> to vector<16xf32>
        %add3A_1071 = arith.addf %add3A_1033, %get3A_1070 : vector<16xf32>
        %add3A_1072 = arith.constant 200 : i32
        %add3A_1073 = arith.addi %add3A_1072, %scan3A_1062 : i32
        %get3A_1074 = arith.constant 1 : i32
        %get3A_1075 = arith.index_cast %get3A_1074 : i32 to index
        %get3A_1076 = arith.index_cast %add3A_1073 : i32 to index
        %get3A_1077 = arith.constant 16 : index
        %get3A_1078 = tpu.vector_load %arg7[%get3A_1075, %get3A_1076, %get3A_1077] {strides = array<i32>} : memref<2x400x64xf32, #tpu.memory_space<vmem>>, vector<1x1x16xf32>,
        %get3A_1079 = vector.shape_cast %get3A_1078 : vector<1x1x16xf32> to vector<16xf32>
        %add3A_1080 = arith.addf %add3A_1042, %get3A_1079 : vector<16xf32>
        %add3A_1081 = arith.constant 200 : i32
        %add3A_1082 = arith.addi %add3A_1081, %scan3A_1062 : i32
        %get3A_1083 = arith.constant 1 : i32
        %get3A_1084 = arith.index_cast %get3A_1083 : i32 to index
        %get3A_1085 = arith.index_cast %add3A_1082 : i32 to index
        %get3A_1086 = arith.constant 32 : index
        %get3A_1087 = tpu.vector_load %arg7[%get3A_1084, %get3A_1085, %get3A_1086] {strides = array<i32>} : memref<2x400x64xf32, #tpu.memory_space<vmem>>, vector<1x1x16xf32>,
        %get3A_1088 = vector.shape_cast %get3A_1087 : vector<1x1x16xf32> to vector<16xf32>
        %add3A_1089 = arith.addf %add3A_1051, %get3A_1088 : vector<16xf32>
        %add3A_1090 = arith.constant 200 : i32
        %add3A_1091 = arith.addi %add3A_1090, %scan3A_1062 : i32
        %get3A_1092 = arith.constant 1 : i32
        %get3A_1093 = arith.index_cast %get3A_1092 : i32 to index
        %get3A_1094 = arith.index_cast %add3A_1091 : i32 to index
        %get3A_1095 = arith.constant 48 : index
        %get3A_1096 = tpu.vector_load %arg7[%get3A_1093, %get3A_1094, %get3A_1095] {strides = array<i32>} : memref<2x400x64xf32, #tpu.memory_space<vmem>>, vector<1x1x16xf32>,
        %get3A_1097 = vector.shape_cast %get3A_1096 : vector<1x1x16xf32> to vector<16xf32>
        %add3A_1098 = arith.addf %add3A_1060, %get3A_1097 : vector<16xf32>
        scf.yield %add3A_1071, %add3A_1080, %add3A_1089, %add3A_1098 : vector<16xf32>, vector<16xf32>, vector<16xf32>, vector<16xf32>
      }
      %scan3A_756 = arith.constant 200 : i32
      %mul3A_757 = arith.constant 2 : i32
      %mul3A_758 = arith.muli %add3A_663, %mul3A_757 : i32
      %add3A_759 = arith.constant 1 : i32
      %add3A_760 = arith.addi %mul3A_758, %add3A_759 : i32
      %swap3A_761 = arith.index_cast %add3A_760 : i32 to index
      %swap3A_762 = arith.constant 0 : index
      %swap3A_763 = tpu.vector_load %arg8[%swap3A_761, %swap3A_762] {strides = array<i32>} : memref<512x64xf32, #tpu.memory_space<vmem>>, vector<1x16xf32>,
      %swap3A_764 = vector.shape_cast %swap3A_763 : vector<1x16xf32> to vector<16xf32>
      %swap3A_765 = vector.shape_cast %scan3A_755#0 : vector<16xf32> to vector<1x16xf32>
      tpu.vector_store %arg8[%swap3A_761, %swap3A_762], %swap3A_765 {strides = array<i32>} : memref<512x64xf32, #tpu.memory_space<vmem>>, vector<1x16xf32>,
      %mul3A_766 = arith.constant 2 : i32
      %mul3A_767 = arith.muli %add3A_663, %mul3A_766 : i32
      %add3A_768 = arith.constant 1 : i32
      %add3A_769 = arith.addi %mul3A_767, %add3A_768 : i32
      %swap3A_770 = arith.index_cast %add3A_769 : i32 to index
      %swap3A_771 = arith.constant 16 : index
      %swap3A_772 = tpu.vector_load %arg8[%swap3A_770, %swap3A_771] {strides = array<i32>} : memref<512x64xf32, #tpu.memory_space<vmem>>, vector<1x16xf32>,
      %swap3A_773 = vector.shape_cast %swap3A_772 : vector<1x16xf32> to vector<16xf32>
      %swap3A_774 = vector.shape_cast %scan3A_755#1 : vector<16xf32> to vector<1x16xf32>
      tpu.vector_store %arg8[%swap3A_770, %swap3A_771], %swap3A_774 {strides = array<i32>} : memref<512x64xf32, #tpu.memory_space<vmem>>, vector<1x16xf32>,
      %mul3A_775 = arith.constant 2 : i32
      %mul3A_776 = arith.muli %add3A_663, %mul3A_775 : i32
      %add3A_777 = arith.constant 1 : i32
      %add3A_778 = arith.addi %mul3A_776, %add3A_777 : i32
      %swap3A_779 = arith.index_cast %add3A_778 : i32 to index
      %swap3A_780 = arith.constant 32 : index
      %swap3A_781 = tpu.vector_load %arg8[%swap3A_779, %swap3A_780] {strides = array<i32>} : memref<512x64xf32, #tpu.memory_space<vmem>>, vector<1x16xf32>,
      %swap3A_782 = vector.shape_cast %swap3A_781 : vector<1x16xf32> to vector<16xf32>
      %swap3A_783 = vector.shape_cast %scan3A_755#2 : vector<16xf32> to vector<1x16xf32>
      tpu.vector_store %arg8[%swap3A_779, %swap3A_780], %swap3A_783 {strides = array<i32>} : memref<512x64xf32, #tpu.memory_space<vmem>>, vector<1x16xf32>,
      %mul3A_784 = arith.constant 2 : i32
      %mul3A_785 = arith.muli %add3A_663, %mul3A_784 : i32
      %add3A_786 = arith.constant 1 : i32
      %add3A_787 = arith.addi %mul3A_785, %add3A_786 : i32
      %swap3A_788 = arith.index_cast %add3A_787 : i32 to index
      %swap3A_789 = arith.constant 48 : index
      %swap3A_790 = tpu.vector_load %arg8[%swap3A_788, %swap3A_789] {strides = array<i32>} : memref<512x64xf32, #tpu.memory_space<vmem>>, vector<1x16xf32>,
      %swap3A_791 = vector.shape_cast %swap3A_790 : vector<1x16xf32> to vector<16xf32>
      %swap3A_792 = vector.shape_cast %scan3A_755#3 : vector<16xf32> to vector<1x16xf32>
      tpu.vector_store %arg8[%swap3A_788, %swap3A_789], %swap3A_792 {strides = array<i32>} : memref<512x64xf32, #tpu.memory_space<vmem>>, vector<1x16xf32>,
    }
    %scan3A_265 = arith.constant 64 : i32
    "tpu.region"() ({
      %run_scoped3A_266 = tpu.sem_alloc : memref<!tpu.dma_semaphore, #tpu.memory_space<semaphore_mem>>
      %dma_start3A_267 = arith.constant 0 : i32
      %dma_start3A_268 = tpu.memref_slice %arg4[%mul3A_2, %dma_start3A_267] : memref<16384x64xf32, #tpu.memory_space<hbm>> -> memref<512x64xf32, #tpu.memory_space<hbm>>
      %dma_start3A_269 = arith.constant 0 : i32
      %dma_start3A_270 = tpu.memref_slice %arg4[%mul3A_2, %dma_start3A_269] : memref<16384x64xf32, #tpu.memory_space<hbm>> -> memref<512x64xf32, #tpu.memory_space<hbm>>
      tpu.enqueue_dma source(%arg8 : memref<512x64xf32, #tpu.memory_space<vmem>>) target(%dma_start3A_270 : memref<512x64xf32, #tpu.memory_space<hbm>>) target_semaphore(%run_scoped3A_266 : memref<!tpu.dma_semaphore, #tpu.memory_space<semaphore_mem>>)
      %dma_wait3A = arith.constant 0 : i32
      %dma_wait3A_271 = tpu.memref_slice %arg4[%mul3A_2, %dma_wait3A] : memref<16384x64xf32, #tpu.memory_space<hbm>> -> memref<512x64xf32, #tpu.memory_space<hbm>>
      %dma_wait3A_272 = arith.constant 0 : i32
      %dma_wait3A_273 = tpu.memref_slice %arg4[%mul3A_2, %dma_wait3A_272] : memref<16384x64xf32, #tpu.memory_space<hbm>> -> memref<512x64xf32, #tpu.memory_space<hbm>>
      tpu.wait_dma2 semaphore(%run_scoped3A_266 : memref<!tpu.dma_semaphore, #tpu.memory_space<semaphore_mem>>) src(%arg8 : memref<512x64xf32, #tpu.memory_space<vmem>>) dst(%dma_wait3A_273 : memref<512x64xf32, #tpu.memory_space<hbm>>)
      tpu.yield
    }) : () -> ()
    return
  }
}

module attributes {stable_mosaic.version = 14 : i64} {
  func.func @_dense_body(%arg0: i32, %arg1: memref<2048x64xf32, #tpu.memory_space<vmem>>, %arg2: memref<64x64xf32, #tpu.memory_space<vmem>>, %arg3: memref<1x64xf32, #tpu.memory_space<vmem>>, %arg4: memref<2048x64xf32, #tpu.memory_space<vmem>>) attributes {dimension_semantics = [#tpu.dimension_semantics<arbitrary>], iteration_bounds = array<i64: 8>, scalar_prefetch = 0 : i64, scratch_operands = 0 : i64, tpu.core_type = #tpu.core_type<tc>, window_params = [{transform_indices = @transform_0, window_bounds = array<i64: 2048, 64>}, {pipeline_mode = #tpu.pipeline_mode<synchronous>, transform_indices = @transform_1, window_bounds = array<i64: 64, 64>}, {pipeline_mode = #tpu.pipeline_mode<synchronous>, transform_indices = @transform_2, window_bounds = array<i64: 1, 64>}, {transform_indices = @transform_3, window_bounds = array<i64: 2048, 64>}]} {
    %get3A = arith.constant 0 : index
    %get3A_0 = arith.constant 0 : index
    %get3A_1 = vector.load %arg1[%get3A, %get3A_0] : memref<2048x64xf32, #tpu.memory_space<vmem>>, vector<2048x64xf32>
    %get3A_2 = arith.constant 0 : index
    %get3A_3 = arith.constant 0 : index
    %get3A_4 = vector.load %arg2[%get3A_2, %get3A_3] : memref<64x64xf32, #tpu.memory_space<vmem>>, vector<64x64xf32>
    %dot_general3A = arith.constant dense<0.000000e+00> : vector<2048x64xf32>
    %dot_general3A_5 = tpu.matmul %get3A_1, %get3A_4, %dot_general3A {dimension_numbers = #tpu.dot_dimension_numbers<[1], [0], [0], [1], [0, 0, 1, 1], [], []>, transpose_lhs_hint = false} : vector<2048x64xf32>, vector<64x64xf32>, vector<2048x64xf32> -> vector<2048x64xf32>
    %get3A_6 = arith.constant 0 : index
    %get3A_7 = arith.constant 0 : index
    %get3A_8 = vector.load %arg3[%get3A_6, %get3A_7] : memref<1x64xf32, #tpu.memory_space<vmem>>, vector<1x64xf32>
    %add3A = vector.broadcast %get3A_8 : vector<1x64xf32> to vector<2048x64xf32>
    %add3A_9 = arith.addf %dot_general3A_5, %add3A : vector<2048x64xf32>
    %tanh3A = math.tanh %add3A_9 : vector<2048x64xf32>
    %swap3A = arith.constant 0 : index
    %swap3A_10 = arith.constant 0 : index
    %swap3A_11 = vector.load %arg4[%swap3A, %swap3A_10] : memref<2048x64xf32, #tpu.memory_space<vmem>>, vector<2048x64xf32>
    tpu.vector_store %arg4[%swap3A, %swap3A_10], %tanh3A {strides = array<i32>} : memref<2048x64xf32, #tpu.memory_space<vmem>>, vector<2048x64xf32>,
    return
  }
  func.func @transform_0(%arg0: i32) -> (i32, i32) {
    %c0_i32 = arith.constant 0 : i32
    %c0_i32_0 = arith.constant 0 : i32
    return %arg0, %c0_i32 : i32, i32
  }
  func.func @transform_1(%arg0: i32) -> (i32, i32) {
    %c0_i32 = arith.constant 0 : i32
    %c0_i32_0 = arith.constant 0 : i32
    %c0_i32_1 = arith.constant 0 : i32
    return %c0_i32, %c0_i32_0 : i32, i32
  }
  func.func @transform_2(%arg0: i32) -> (i32, i32) {
    %c0_i32 = arith.constant 0 : i32
    %c0_i32_0 = arith.constant 0 : i32
    %c0_i32_1 = arith.constant 0 : i32
    return %c0_i32, %c0_i32_0 : i32, i32
  }
  func.func @transform_3(%arg0: i32) -> (i32, i32) {
    %c0_i32 = arith.constant 0 : i32
    %c0_i32_0 = arith.constant 0 : i32
    return %arg0, %c0_i32 : i32, i32
  }
}

</mosaic_0001>

<sc_bundles>
// kernel: kernel.4.cloned.1.call-start
scs
__scs_entry_jumppad:
0x0: {  	(pc) =	sbr.rel $0x88, $3  }
0x1: {  	(tag) =	ssettag $0x0;
	lr =	simm.s32 $0x1  }
0x2: {  	[smem:$0x3F9D] =	sst lr;
	_ =	strace $0xD0000000  }
0x3: {  	_ = 	snop  }
0x4: {  	_ = 	snop  }
0x5: {  	_ = 	snop  }
0x6: {  	_ = 	snop  }
0x7: {  	_ = 	snop  }
__scs_overlays_trampoline_lowered:
0x8: {  	[smem:$0x3FAC] =	sst s0  }
0x9: {  	[smem:$0x3FAD] =	sst s1  }
0xa: {  	[smem:$0x3FAE] =	sst s2  }
0xb: {  	[smem:$0x3FAF] =	sst s3  }
0xc: {  	[smem:$0x3FB0] =	sst s4  }
0xd: {  	[smem:$0x3FB1] =	sst s5  }
0xe: {  	[smem:$0x3FB2] =	sst s6  }
0xf: {  	[smem:$0x3FB3] =	sst s7  }
0x10: {  	[smem:$0x3FB4] =	sst s8  }
0x11: {  	[smem:$0x3FB5] =	sst s9;
	s0 =	simm.s32 @!p0 $0x0  }
0x12: {  	s1 =	sld [smem:$0x3F9B];
	s0 =	simm.s32 @p0 $0x1  }
0x13: {  	[smem:$0x3FB6] =	sst s0;
	s0 =	simm.s32 @!p1 $0x0  }
0x14: {  	s2 =	sld [smem:$0x3F9A];
	s0 =	simm.s32 @p1 $0x1  }
0x15: {  	[smem:$0x3FB7] =	sst s0;
	s0 =	simm.s32 @!p2 $0x0  }
0x16: {  	s3 =	sld [smem:$0x3FDB];
	s0 =	simm.s32 @p2 $0x1  }
0x17: {  	s4 =	simm.s32 $0x1BF5;
	[smem:$0x3FB9] =	sst s0  }
0x18: {  	s0 =	sld [smem:$0x3F9C];
	_ =	swait.ge [sflag:s4], $0x0  }
0x19: {  	s7 =	sld [smem:$0x3F9D]  }
0x1a: {  	s8 =	sadd.s32 $0xFFFFE003, lr  }
0x1b: {  	s9 =	sadd.s32 $0xFFFFFEF7, lr;
	s5 =	simm.s32 $0xFFFFFFFF;
	p2 =	slt.u32 s8, $0xFFFFF086  }
0x1c: {  	p1 =	slt.u32 s9, $0xF7A;
	s5 =	simm.s32 @!p2 $0x0  }
0x1d: {  	s5 =	simm.s32 @p1 $0x1;
	p0 =	seq.s32 s7, s2  }
0x1e: {  	s7 =	smul.u32 @!p0 $0xF7A, s2;
	p2 =	seq.s32 @!p0 s5, $0x0  }
0x1f: {  	s9 =	smul.u32 $0xF7A, s1;
	s8 =	simm.s32 @!p0 $0x1BF5;
	p2 =	por !p2, p0  }
0x20: {  	[sflag:s8] =	ssyncset.s32 @!p0 $0xFFFFF086;
	s6 =	sadd.s32 @!p0 s3, s7;
	s7 =	simm.s32 @!p0 $0x108  }
0x21: {  	s3 =	sadd.s32 s3, s9;
	s6 =	sadd.s32 @!p0 $0x88, s6;
	s7 =	simm.s32 @p2 $0x1082  }
0x22: {  	[simem:s7], [sflag:s8] =	dma.local @!p0 [hbm:s6], $0xF7A  }
0x23: {  	s9 =	sor.u32 $0xD0000000, s2;
	s6 =	simm.s32 $0x108;
	_ =	swait.ge @!p0 [sflag:s8], $0x0  }
0x24: {  	s3 =	sadd.s32 $0x88, s3;
	s6 =	simm.s32 @!p1 $0x1082;
	[sflag:s4] =	ssyncset.s32 $0xFFFFF086  }
0x25: {  	[simem:s6], [sflag:s4] =	dma.local [hbm:s3], $0xF7A  }
0x26: {  	[smem:$0x3F9D] =	sst s1;
	(tag) =	ssettag s2;
	_ =	strace s9  }
0x27: {  	s1 =	sld [smem:$0x3FAD]  }
0x28: {  	s2 =	sld [smem:$0x3FAE]  }
0x29: {  	s4 =	sld [smem:$0x3FB0]  }
0x2a: {  	p0 =	seq.s32 s5, $0x0;
	s5 =	sld [smem:$0x3FB1]  }
0x2b: {  	s6 =	sld [smem:$0x3FB2]  }
0x2c: {  	s7 =	sld [smem:$0x3FB3]  }
0x2d: {  	s3 =	simm.s32 $0x108;
	s8 =	sld [smem:$0x3FB4]  }
0x2e: {  	s3 =	simm.s32 @!p0 $0x1082;
	s9 =	sld [smem:$0x3FB5]  }
0x2f: {  	lr =	sadd.s32 s0, s3;
	s0 =	sld [smem:$0x3FAC]  }
0x30: {  	s3 =	sld [smem:$0x3FAF]  }
0x31: {  	[smem:$0x3FB8] =	sst s10  }
0x32: {  	s10 =	sld [smem:$0x3FB6];
	_ =	sdelay $0x3  }
0x33: {  	p0 =	seq.s32 s10, $0x1;
	s10 =	sld [smem:$0x3FB8];
	_ =	sdelay $0x3  }
0x34: {  	[smem:$0x3FB8] =	sst s10  }
0x35: {  	s10 =	sld [smem:$0x3FB7];
	_ =	sdelay $0x3  }
0x36: {  	p1 =	seq.s32 s10, $0x1;
	s10 =	sld [smem:$0x3FB8];
	_ =	sdelay $0x3  }
0x37: {  	[smem:$0x3FB8] =	sst s10  }
0x38: {  	s10 =	sld [smem:$0x3FB9]  }
0x39: {  	_ = 	snop;
	(pc) =	sbr.ind lr, $3  }
0x3a: {  	_ = 	snop  }
0x3b: {  	_ = 	snop  }
0x3c: {  	p2 =	seq.s32 s10, $0x1;
	s10 =	sld [smem:$0x3FB8]  }
0x3d: {  	_ =	shalt  }
0x3e: {  	_ =	shalt  }
0x3f: {  	_ =	shalt  }
0x40: {  	_ =	shalt  }
0x41: {  	_ =	shalt  }
0x42: {  	_ =	shalt  }
0x43: {  	_ =	shalt  }
0x44: {  	_ =	shalt  }
0x45: {  	_ =	shalt  }
0x46: {  	_ =	shalt  }
0x47: {  	_ =	shalt  }
0x48: {  	_ =	shalt  }
0x49: {  	_ =	shalt  }
0x4a: {  	_ =	shalt  }
0x4b: {  	_ =	shalt  }
0x4c: {  	_ =	shalt  }
0x4d: {  	_ =	shalt  }
0x4e: {  	_ =	shalt  }
0x4f: {  	_ =	shalt  }
0x50: {  	_ =	shalt  }
0x51: {  	_ =	shalt  }
0x52: {  	_ =	shalt  }
0x53: {  	_ =	shalt  }
0x54: {  	_ =	shalt  }
0x55: {  	_ =	shalt  }
0x56: {  	_ =	shalt  }
0x57: {  	_ =	shalt  }
0x58: {  	_ =	shalt  }
0x59: {  	_ =	shalt  }
0x5a: {  	_ =	shalt  }
0x5b: {  	_ =	shalt  }
0x5c: {  	_ =	shalt  }
0x5d: {  	_ =	shalt  }
0x5e: {  	_ =	shalt  }
0x5f: {  	_ =	shalt  }
0x60: {  	_ =	shalt  }
0x61: {  	_ =	shalt  }
0x62: {  	_ =	shalt  }
0x63: {  	_ =	shalt  }
0x64: {  	_ =	shalt  }
0x65: {  	_ =	shalt  }
0x66: {  	_ =	shalt  }
0x67: {  	_ =	shalt  }
0x68: {  	_ =	shalt  }
0x69: {  	_ =	shalt  }
0x6a: {  	_ =	shalt  }
0x6b: {  	_ =	shalt  }
0x6c: {  	_ =	shalt  }
0x6d: {  	_ =	shalt  }
0x6e: {  	_ =	shalt  }
0x6f: {  	_ =	shalt  }
0x70: {  	_ =	shalt  }
0x71: {  	_ =	shalt  }
0x72: {  	_ =	shalt  }
0x73: {  	_ =	shalt  }
0x74: {  	_ =	shalt  }
0x75: {  	_ =	shalt  }
0x76: {  	_ =	shalt  }
0x77: {  	_ =	shalt  }
0x78: {  	_ =	shalt  }
0x79: {  	_ =	shalt  }
0x7a: {  	_ =	shalt  }
0x7b: {  	_ =	shalt  }
0x7c: {  	_ =	shalt  }
0x7d: {  	_ =	shalt  }
0x7e: {  	_ =	shalt  }
0x7f: {  	_ =	shalt  }
0x80: {  	_ =	shalt  }
0x81: {  	_ =	shalt  }
0x82: {  	_ =	shalt  }
0x83: {  	_ =	shalt  }
0x84: {  	_ =	shalt  }
0x85: {  	_ =	shalt  }
0x86: {  	_ =	shalt  }
0x87: {  	_ =	shalt  }
.Lfunc_end0:
.L_simem_size_0:
called_computation_lowered:
.L_overlay_start_0:
0x88: {  	s2 =	sld [smem:$0x3FD9]  }
0x89: {  	s3 =	sld [smem:$0x3FFE];
	_ =	sdelay $0x1  }
0x8a: {  	s1 =	srdreg.scid  }
0x8b: {  	s0 =	sand.u32 $0x1, s1  }
0x8c: {  	s17 =	sshll.u32 s0, $0xA;
	s2 =	sadd.s32 s3, s2  }
0x8d: {  	s2 =	sadd.s32 s2, s17  }
0x8e: {  	[smem:$0x3FC4] =	sst s2  }
0x8f: {  	_ = 	snop  }
0x90: {  	s2 =	sld [smem:$0x3FD0];
	(tm) =	ssettm $0x1  }
0x91: {  	s18 =	sld [smem:$0x3FFB];
	_ =	sdelay $0x3  }
0x92: {  	_ =	strace s18  }
0x93: {  	s3 =	sld [smem:$0x3FFC];
	_ =	sdelay $0x3  }
0x94: {  	_ =	strace s3  }
0x95: {  	s3 =	sld [smem:$0x3FFD];
	_ =	sdelay $0x3  }
0x96: {  	_ =	strace s3  }
0x97: {  	_ =	strace $0x8FFFFFFF  }
0x98: {  	s19 =	sld [smem:$0x3FDB];
	_ =	sdelay $0x1  }
0x99: {  	s4 =	simm.s32 $_scs_section_size  }
0x9a: {  	s5 =	simm.s32 $_size__tile_overlayer_lowered;
	s6 =	simm.s32 $_tile_overlayer_lowered  }
0x9b: {  	s22 =	simm.s32 $0x1BFF;
	s21 =	sshll.u32 s6, $0x1;
	s3 =	sadd.s32 s4, s19  }
0x9c: {  	s7 =	simm.s32 $0x0;
	s20 =	sshll.u32 s5, $0x1;
	s5 =	sadd.s32 s21, s3  }
0x9d: {  	[timem:s7], [sflag:s22] =	dma.local [hbm:s5], s20  }
0x9e: {  	_ =	swait.ge [sflag:s22], s20  }
0x9f: {  	s4 =	ssub.s32 $0x0, s20;
	[sflag:s22] =	ssyncset.done $0x0  }
0xa0: {  	[sflag:s22] =	ssyncadd.s32 s4;
	_ =	sdelay $0x1  }
0xa1: {  	s23 =	simm.s32 $0x1B8B  }
0xa2: {  	_ =	swait.ge [sflag:s23], $0x1  }
0xa3: {  	[sflag:s23] =	ssyncset.done $0x0  }
0xa4: {  	s25 =	simm.s32 $0x1B8E;
	s24 =	sld [smem:$0x3FFE];
	[sflag:s23] =	ssyncadd.s32 $0xFFFFFFFF  }
0xa5: {  	s26 =	simm.s32 $execute0_lowered;
	[smem:$0x3FD2] =	sst s25  }
0xa6: {  	s5 =	sshll.u32 s26, $0x1;
	_ =	strace $0x80000046;
	[dreg:$0x1] =	wrdreg $0xFFFFFFFF  }
0xa7: {  	s28 =	simm.s32 $_size_execute0_lowered;
	s3 =	sadd.s32 s3, s5;
	[dreg:$0x0] =	wrdreg $0x0  }
0xa8: {  	s5 =	sshll.u32 s28, $0x1;
	[dreg:$0x2] =	wrdreg s3  }
0xa9: {  	[dreg:$0x3] =	wrdreg s5  }
0xaa: {  	[dreg:$0x4] =	wrdreg $0xC0  }
0xab: {  	_ =	task [dreg:s7], $0x5FFFF  }
0xac: {  	[dreg:$0x1] =	wrdreg $0xFFFFFFFF  }
0xad: {  	[dreg:$0x0] =	wrdreg $0x60  }
0xae: {  	[dreg:$0x2] =	wrdreg s24  }
0xaf: {  	[dreg:$0x3] =	wrdreg s2  }
0xb0: {  	[dreg:$0x4] =	wrdreg $0x9  }
0xb1: {  	_ =	task.clear_ibuf [dreg:s7], $0x5FFFF;
	_ =	strace $0x90000046  }
0xb2: {  	s29 =	simm.s32 $0x9;
	_ =	strace $0x80000048  }
0xb3: {  	_ =	swait.ge [sflag:s29], $0x1  }
0xb4: {  	[sflag:s29] =	ssyncadd.s32 $0xFFFFFFFF  }
0xb5: {  	_ =	strace $0x90000048  }
0xb6: {  	_ =	sfence  }
0xb7: {  	s30 =	sld [smem:$0x0];
	_ =	sdelay $0x2  }
0xb8: {  	s31 =	sshll.u32 s1, $0xD;
	s1 =	sshrl.u32 s1, $0x2  }
0xb9: {  	s3 =	sand.u32 $0x4000, s31;
	s1 =	sadd.s32 s1, s30  }
0xba: {  	s0 =	sor.u32 s3, s0;
	s1 =	sshll.u32 s1, $0x11  }
0xbb: {  	s0 =	sor.u32 s1, s0  }
0xbc: {  	s0 =	sadd.s32 $0x8F2B, s0  }
0xbd: {  	[sflag:s0] =	ssyncadd.remote.s32 $0x1  }
0xbe: {  	_ =	sfence.sel $0xFFFF  }
0xbf: {  	[dreg:$0x0] =	wrdreg $0xFFFFFFFF;
	(pc) =	sbr.abs _section_cstart, $3  }
0xc0: {  	[dreg:$0x1] =	wrdreg $0xFFFFFFFF  }
0xc1: {  	_ =	task.clear_ibuf [dreg:s7], $0x2FFFF;
	_ =	strace $0x9FFFFFFF  }
0xc2: {  	(tm) =	ssettm $0x7FFFFFFF  }
0xc3: {  	_ =	shalt  }
tec
execute0_lowered:
.L_overlay_start_1:
0x0: {  	(tag) =	ssettag $0x1  }
0x1: {  	s0 =	srdreg.scid  }
0x2: {  	s1 =	rddreg [dreg:$0x0];
	s3 =	stileid.u32  }
0x3: {  	s2 =	rddreg [dreg:$0x1];
	s8 =	simm.s32 $0x0;
	s0 =	sand.u32 $0x1, s0  }
0x4: {  	s3 =	sshll.u32 s3, $0xA;
	[smem:$0x7FF] =	sst s8;
	s4 =	sshll.u32 s0, $0x9  }
0x5: {  	s0 =	ssub.s32 $0x2, s0;
	s5 =	sor.u32 s4, s3;
	s3 =	sadd.s32 $0xA00, s1  }
0x6: {  	s7 =	sshrl.u32 s0, $0x1;
	s4 =	sadd.s32 $0xF42E00, s1;
	s26 =	sshll.u32 s5, $0x3  }
0x7: {  	s6 =	smul.u32 $0x19, s5;
	s0 =	ssub.s32 s0, s7;
	s1 =	sadd.s32 s2, s26  }
0x8: {  	_ =	strace $0x80000047;
	s0 =	smax.u32 s0, $0x1;
	[dreg:$0x12] =	wrdreg s1  }
0x9: {  	s6 =	sadd.s32 s3, s6;
	[dreg:$0x13] =	wrdreg s0  }
0xa: {  	s12 =	sadd.s32 $0x10, s6;
	[dreg:$0x3] =	wrdreg s6  }
0xb: {  	s13 =	sadd.s32 $0x19, s6;
	[dreg:$0x4] =	wrdreg s12  }
0xc: {  	s14 =	sadd.s32 $0x29, s6;
	[dreg:$0x5] =	wrdreg s13  }
0xd: {  	s15 =	sadd.s32 $0x32, s6;
	[dreg:$0x6] =	wrdreg s14  }
0xe: {  	s16 =	sadd.s32 $0x42, s6;
	[dreg:$0x7] =	wrdreg s15  }
0xf: {  	s30 =	simm.s32 $0x80;
	s17 =	sadd.s32 $0x4B, s6;
	[dreg:$0x8] =	wrdreg s16  }
0x10: {  	s28 =	simm.s32 $0x1;
	s18 =	sadd.s32 $0x5B, s6;
	[dreg:$0x9] =	wrdreg s17  }
0x11: {  	s29 =	simm.s32 $0x6;
	s19 =	sadd.s32 $0x64, s6;
	[dreg:$0xa] =	wrdreg s18  }
0x12: {  	s9 =	simm.s32 $0x0;
	s20 =	sadd.s32 $0x74, s6;
	[dreg:$0xb] =	wrdreg s19  }
0x13: {  	s7 =	simm.s32 $0x7;
	s21 =	sadd.s32 $0x7D, s6;
	[dreg:$0xc] =	wrdreg s20  }
0x14: {  	s26 =	simm.s32 $0x9C40;
	s22 =	sadd.s32 $0x8D, s6;
	[dreg:$0xd] =	wrdreg s21  }
0x15: {  	s2 =	simm.s32 $0x5;
	s23 =	sadd.s32 $0x96, s6;
	[dreg:$0xe] =	wrdreg s22  }
0x16: {  	s0 =	simm.s32 $0x48;
	s24 =	sadd.s32 $0xA6, s6;
	[dreg:$0xf] =	wrdreg s23  }
0x17: {  	s1 =	simm.s32 $0x2;
	s25 =	sadd.s32 $0xAF, s6;
	[dreg:$0x10] =	wrdreg s24  }
0x18: {  	s31 =	sadd.s32 $0xBF, s6;
	[dreg:$0x11] =	wrdreg s25;
	s20 =	sor.u32 $0x8, s5  }
0x19: {  	s21 =	sor.u32 $0xA, s5;
	s23 =	sor.u32 $0xC, s5;
	s24 =	sor.u32 $0xE, s5  }
0x1a: {  	[dreg:$0x14] =	wrdreg s31;
	s12 =	simm.s32 $0x520;
	s13 =	simm.s32 $0x280  }
0x1b: {  	s14 =	simm.s32 $0x568;
	s15 =	simm.s32 $0x300;
	s16 =	simm.s32 $0x5B0  }
0x1c: {  	s17 =	simm.s32 $0x380;
	s18 =	simm.s32 $0x5F8;
	s19 =	simm.s32 $0x4  }
0x1d: {  	s22 =	simm.s32 $0x6A40;
	s25 =	simm.s32 $0x8A40;
	s5 =	simm.s32 $0xBC40  }
.LBB2_1:
0x1e: {  	[dreg:$0x15] =	wrdreg s9  }
0x1f: {  	s6 =	rddreg [dreg:$0x3]  }
0x20: {  	[tilespmem:s8], [sflag:$0x7] =	stream.linear.gather [hbm4b:s6+s8], $0x80, $0x38;
	[tilespmem:$0x14E40] =	vst v63  }
0x21: {  	_ =	swait.ge [sflag:s7], $0x80  }
0x22: {  	[sflag:s7] =	ssyncset.done $0x0  }
0x23: {  	s9 =	simm.s32 $0x400;
	s11 =	rddreg [dreg:$0x4];
	[sflag:s7] =	ssyncadd.s32 $0xFFFFFF80  }
0x24: {  	[tilespmem:s9], [sflag:$0x7] =	stream.linear.gather [hbm4b:s11+s8], $0x48, $0x38;
	[tilespmem:$0x14E40] =	vst v63  }
0x25: {  	_ =	swait.ge [sflag:s7], $0x48  }
0x26: {  	[sflag:s7] =	ssyncset.done $0x0  }
0x27: {  	s10 =	rddreg [dreg:$0x5];
	[sflag:s7] =	ssyncadd.s32 $0xFFFFFFB8  }
0x28: {  	[tilespmem:s30], [sflag:$0x7] =	stream.linear.gather [hbm4b:s10+s8], $0x80, $0x38;
	[tilespmem:$0x14E40] =	vst v63  }
0x29: {  	_ =	swait.ge [sflag:s7], $0x80  }
0x2a: {  	[sflag:s7] =	ssyncset.done $0x0  }
0x2b: {  	s10 =	simm.s32 $0x448;
	s11 =	rddreg [dreg:$0x6];
	[sflag:s7] =	ssyncadd.s32 $0xFFFFFF80  }
0x2c: {  	[tilespmem:s10], [sflag:$0x7] =	stream.linear.gather [hbm4b:s11+s8], $0x48, $0x38;
	[tilespmem:$0x14E40] =	vst v63  }
0x2d: {  	_ =	swait.ge [sflag:s7], $0x48  }
0x2e: {  	[sflag:s7] =	ssyncset.done $0x0  }
0x2f: {  	[sflag:s7] =	ssyncadd.s32 $0xFFFFFFB8;
	s7 =	simm.s32 $0x640  }
0x30: {  	[tilespmem:s7], [sflag:$0x1] =	stream.indirect.gather [hbm4b:s4+s30], $0x40, s8, s30, $0xb8;
	[tilespmem:$0x14E40] =	vst v63  }
0x31: {  	s11 =	simm.s32 $0x2640  }
0x32: {  	[tilespmem:s11], [sflag:$0x1] =	stream.indirect.gather [hbm4b:s4+s0], $0x40, s9, s0, $0xb8;
	[tilespmem:$0x14E40] =	vst v63  }
0x33: {  	s7 =	simm.s32 $0x3840  }
0x34: {  	[tilespmem:s7], [sflag:$0x1] =	stream.indirect.gather [hbm4b:s4+s30], $0x40, s30, s30, $0xb8;
	[tilespmem:$0x14E40] =	vst v63  }
0x35: {  	s9 =	simm.s32 $0x5840  }
0x36: {  	[tilespmem:s9], [sflag:$0x1] =	stream.indirect.gather [hbm4b:s4+s0], $0x40, s10, s0, $0xb8;
	[tilespmem:$0x14E40] =	vst v63  }
0x37: {  	s11 =	simm.s32 $0x100;
	s10 =	rddreg [dreg:$0x7]  }
0x38: {  	[tilespmem:s11], [sflag:$0x4] =	stream.linear.gather [hbm4b:s10+s8], $0x80, $0x38;
	[tilespmem:$0x14E40] =	vst v63  }
0x39: {  	s7 =	rddreg [dreg:$0x8];
	s9 =	simm.s32 $0x490  }
0x3a: {  	[tilespmem:s9], [sflag:$0x4] =	stream.linear.gather [hbm4b:s7+s8], $0x48, $0x38;
	[tilespmem:$0x14E40] =	vst v63  }
0x3b: {  	s10 =	rddreg [dreg:$0x9];
	s11 =	simm.s32 $0x180  }
0x3c: {  	[tilespmem:s11], [sflag:$0x4] =	stream.linear.gather [hbm4b:s10+s8], $0x80, $0x38;
	[tilespmem:$0x14E40] =	vst v63  }
0x3d: {  	s7 =	rddreg [dreg:$0xa];
	s9 =	simm.s32 $0x4D8  }
0x3e: {  	[tilespmem:s9], [sflag:$0x4] =	stream.linear.gather [hbm4b:s7+s8], $0x48, $0x38;
	[tilespmem:$0x14E40] =	vst v63  }
0x3f: {  	s10 =	rddreg [dreg:$0xb];
	s11 =	simm.s32 $0x200  }
0x40: {  	[tilespmem:s11], [sflag:$0x5] =	stream.linear.gather [hbm4b:s10+s8], $0x80, $0x38;
	[tilespmem:$0x14E40] =	vst v63  }
0x41: {  	s9 =	rddreg [dreg:$0xc]  }
0x42: {  	[tilespmem:s12], [sflag:$0x5] =	stream.linear.gather [hbm4b:s9+s8], $0x48, $0x38;
	[tilespmem:$0x14E40] =	vst v63  }
0x43: {  	s10 =	rddreg [dreg:$0xd]  }
0x44: {  	[tilespmem:s13], [sflag:$0x5] =	stream.linear.gather [hbm4b:s10+s8], $0x80, $0x38;
	[tilespmem:$0x14E40] =	vst v63  }
0x45: {  	s11 =	rddreg [dreg:$0xe]  }
0x46: {  	[tilespmem:s14], [sflag:$0x5] =	stream.linear.gather [hbm4b:s11+s8], $0x48, $0x38;
	[tilespmem:$0x14E40] =	vst v63  }
0x47: {  	s7 =	rddreg [dreg:$0xf]  }
0x48: {  	[tilespmem:s15], [sflag:$0x6] =	stream.linear.gather [hbm4b:s7+s8], $0x80, $0x38;
	[tilespmem:$0x14E40] =	vst v63  }
0x49: {  	s9 =	rddreg [dreg:$0x10]  }
0x4a: {  	[tilespmem:s16], [sflag:$0x6] =	stream.linear.gather [hbm4b:s9+s8], $0x48, $0x38;
	[tilespmem:$0x14E40] =	vst v63  }
0x4b: {  	s10 =	rddreg [dreg:$0x11]  }
0x4c: {  	[tilespmem:s17], [sflag:$0x6] =	stream.linear.gather [hbm4b:s10+s8], $0x80, $0x38;
	[tilespmem:$0x14E40] =	vst v63  }
0x4d: {  	s31 =	simm.s32 $0x0;
	s11 =	rddreg [dreg:$0x14]  }
0x4e: {  	[tilespmem:s18], [sflag:$0x6] =	stream.linear.gather [hbm4b:s11+s8], $0x48, $0x38;
	[tilespmem:$0x14E40] =	vst v63  }
.LBB2_2:
0x4f: {  	_ =	swait.ge [sflag:s19], $0x100  }
0x50: {  	[sflag:s19] =	ssyncset.done $0x0  }
0x51: {  	[sflag:s19] =	ssyncadd.s32 $0xFFFFFF00  }
0x52: {  	_ =	swait.ge [sflag:s19], $0x90  }
0x53: {  	[sflag:s19] =	ssyncset.done $0x0  }
0x54: {  	s6 =	simm.s32 $0x100;
	p0 =	seq.s32 s31, $0x3F;
	[sflag:s19] =	ssyncadd.s32 $0xFFFFFF70  }
0x55: {  	[tilespmem:s22], [sflag:$0x2] =	stream.indirect.gather [hbm4b:s4+s30], $0x40, s6, s30, $0xb8;
	[tilespmem:$0x14E40] =	vst v63  }
0x56: {  	s8 =	simm.s32 $0x490;
	s7 =	sshll.u32 @!p0 s31, $0x3  }
0x57: {  	[tilespmem:s25], [sflag:$0x2] =	stream.indirect.gather [hbm4b:s4+s0], $0x40, s8, s0, $0xb8;
	[tilespmem:$0x14E40] =	vst v63  }
0x58: {  	s9 =	simm.s32 $0x180;
	s6 =	sadd.s32 @!p0 s7, s20  }
0x59: {  	[tilespmem:s26], [sflag:$0x2] =	stream.indirect.gather [hbm4b:s4+s30], $0x40, s9, s30, $0xb8;
	[tilespmem:$0x14E40] =	vst v63  }
0x5a: {  	s10 =	simm.s32 $0x4D8;
	s6 =	smul.u32 @!p0 $0xC8, s6  }
0x5b: {  	[tilespmem:s5], [sflag:$0x2] =	stream.indirect.gather [hbm4b:s4+s0], $0x40, s10, s0, $0xb8;
	[tilespmem:$0x14E40] =	vst v63  }
0x5c: {  	_ =	swait.ge [sflag:s28], $0x6400  }
0x5d: {  	s8 =	sshrl.u32 @!p0 s6, $0x3;
	[sflag:s28] =	ssyncset.done $0x0  }
0x5e: {  	s8 =	sadd.s32 @!p0 s3, s8;
	s9 =	simm.s32 @!p0 $0x0;
	[sflag:s28] =	ssyncadd.s32 $0xFFFF9C00  }
0x5f: {  	[tilespmem:s9], [sflag:$0x3] =	stream.linear.gather @!p0 [hbm4b:s8+s9], $0x80, $0x38;
	[tilespmem:$0x14E40] =	vst v63  }
0x60: {  	s10 =	simm.s32 @!p0 $0x400;
	s8 =	sadd.s32 @!p0 $0x10, s8  }
0x61: {  	[tilespmem:s10], [sflag:$0x3] =	stream.linear.gather @!p0 [hbm4b:s8+s9], $0x48, $0x38;
	[tilespmem:$0x14E40] =	vst v63  }
0x62: {  	s8 =	sadd.s32 @!p0 $0xC8, s6  }
0x63: {  	s6 =	sadd.s32 @!p0 $0x148, s6;
	s8 =	sshrl.u32 @!p0 s8, $0x3  }
0x64: {  	s10 =	simm.s32 @!p0 $0x80;
	s6 =	sshrl.u32 @!p0 s6, $0x3;
	s8 =	sadd.s32 @!p0 s3, s8  }
0x65: {  	[tilespmem:s10], [sflag:$0x3] =	stream.linear.gather @!p0 [hbm4b:s8+s9], $0x80, $0x38;
	[tilespmem:$0x14E40] =	vst v63  }
0x66: {  	s11 =	simm.s32 $0x740;
	s6 =	sadd.s32 @!p0 s3, s6;
	s8 =	simm.s32 @!p0 $0x448  }
0x67: {  	[tilespmem:s8], [sflag:$0x3] =	stream.linear.gather @!p0 [hbm4b:s6+s9], $0x48, $0x38;
	[tilespmem:$0x14E40] =	vst v63  }
0x68: {  	v0 =	vld [tilespmem:s11+$0xC0]  }
0x69: {  	v1 =	vld [tilespmem:s11+$0xD0]  }
0x6a: {  	v2 =	vld [tilespmem:s11+$0x80]  }
0x6b: {  	v3 =	vld [tilespmem:s11+$0x90]  }
0x6c: {  	v9 =	vld [tilespmem:s11+$0x40]  }
0x6d: {  	v12 =	vld [tilespmem:s11+$0x50]  }
0x6e: {  	v6 =	vld [tilespmem:s11+$0x0]  }
0x6f: {  	v8 =	vld [tilespmem:s11+$0x10]  }
0x70: {  	v5 =	vld [tilespmem:s11+$0xFFFFFFC0]  }
0x71: {  	v7 =	vld [tilespmem:s11+$0xFFFFFFD0]  }
0x72: {  	v4 =	vld [tilespmem:s11+$0xFFFFFF80]  }
0x73: {  	v10 =	vld [tilespmem:s11+$0xFFFFFF90]  }
0x74: {  	v11 =	vld [tilespmem:s11+$0xFFFFFF40]  }
0x75: {  	v13 =	vld [tilespmem:s11+$0xFFFFFF50]  }
0x76: {  	v14 =	vld [tilespmem:s11+$0xFFFFFF00]  }
0x77: {  	v15 =	vld [tilespmem:s11+$0xFFFFFF10]  }
0x78: {  	v16 =	vld [tilespmem:s11+$0xFFFFFF20]  }
0x79: {  	v17 =	vld [tilespmem:s11+$0xFFFFFF30]  }
0x7a: {  	v18 =	vld [tilespmem:s11+$0xFFFFFF60]  }
0x7b: {  	v19 =	vld [tilespmem:s11+$0xFFFFFF70]  }
0x7c: {  	v20 =	vimm.f32 $0.0e+00;
	v21 =	vld [tilespmem:s11+$0xFFFFFFA0]  }
0x7d: {  	v22 =	vld [tilespmem:s11+$0xFFFFFFB0];
	v14 =	vadd.f32 v14, v20;
	v15 =	vadd.f32 v15, v20  }
0x7e: {  	v59 =	vld [tilespmem:s11+$0xFFFFFFE0];
	v16 =	vadd.f32 v16, v20;
	v17 =	vadd.f32 v17, v20  }
0x7f: {  	v11 =	vadd.f32 v11, v14;
	v13 =	vadd.f32 v13, v15;
	v14 =	vld [tilespmem:s11+$0xFFFFFFF0]  }
0x80: {  	v61 =	vld [tilespmem:s11+$0x20];
	v15 =	vadd.f32 v18, v16;
	v60 =	vadd.f32 v19, v17  }
0x81: {  	v11 =	vadd.f32 v4, v11;
	v10 =	vadd.f32 v10, v13;
	v13 =	vld [tilespmem:s11+$0x30]  }
0x82: {  	v15 =	vadd.f32 v21, v15;
	v16 =	vadd.f32 v22, v60;
	v4 =	vld [tilespmem:s11+$0x60]  }
0x83: {  	v11 =	vadd.f32 v5, v11;
	v10 =	vadd.f32 v7, v10;
	v7 =	vld [tilespmem:s11+$0x70]  }
0x84: {  	v15 =	vadd.f32 v59, v15;
	v5 =	vld [tilespmem:s11+$0xA0];
	v14 =	vadd.f32 v14, v16  }
0x85: {  	v62 =	vadd.f32 v6, v11;
	v63 =	vadd.f32 v8, v10;
	v8 =	vld [tilespmem:s11+$0xB0]  }
0x86: {  	v11 =	vadd.f32 v61, v15;
	v6 =	vld [tilespmem:s11+$0xE0];
	v10 =	vadd.f32 v13, v14  }
0x87: {  	s6 =	simm.s32 $0x0;
	s8 =	simm.s32 $0x940;
	v13 =	vadd.f32 v9, v62;
	v12 =	vadd.f32 v12, v63;
	v9 =	vld [tilespmem:s11+$0xF0]  }
.LBB2_3:
0x88: {  	v14 =	vld [tilespmem:s8+$0xC0];
	v4 =	vadd.f32 v4, v11;
	v7 =	vadd.f32 v7, v10  }
0x89: {  	v10 =	vld [tilespmem:s8+$0xD0];
	v11 =	vadd.f32 v2, v13;
	v12 =	vadd.f32 v3, v12  }
0x8a: {  	v2 =	vld [tilespmem:s8+$0x80];
	v4 =	vadd.f32 v5, v4;
	v5 =	vadd.f32 v8, v7  }
0x8b: {  	v3 =	vld [tilespmem:s8+$0x90];
	v7 =	vadd.f32 v0, v11;
	v8 =	vadd.f32 v1, v12  }
0x8c: {  	v12 =	vld [tilespmem:s8+$0x40];
	v4 =	vadd.f32 v6, v4;
	v5 =	vadd.f32 v9, v5  }
0x8d: {  	v9 =	vld [tilespmem:s8+$0x50];
	v0 =	vmov v14  }
0x8e: {  	v6 =	vld [tilespmem:s8+$0x0];
	v1 =	vmov v10  }
0x8f: {  	v10 =	vld [tilespmem:s8+$0x10]  }
0x90: {  	v11 =	vld [tilespmem:s8+$0xFFFFFFC0]  }
0x91: {  	v13 =	vld [tilespmem:s8+$0xFFFFFFD0]  }
0x92: {  	v14 =	vld [tilespmem:s8+$0xFFFFFF80]  }
0x93: {  	v15 =	vld [tilespmem:s8+$0xFFFFFF90]  }
0x94: {  	v16 =	vld [tilespmem:s8+$0xFFFFFF40]  }
0x95: {  	v17 =	vld [tilespmem:s8+$0xFFFFFF50]  }
0x96: {  	v18 =	vld [tilespmem:s8+$0xFFFFFF00]  }
0x97: {  	v19 =	vld [tilespmem:s8+$0xFFFFFF10]  }
0x98: {  	v20 =	vld [tilespmem:s8+$0xFFFFFF20]  }
0x99: {  	s6 =	sadd.s32 $0x8, s6;
	v21 =	vld [tilespmem:s8+$0xFFFFFF30]  }
0x9a: {  	p1 =	slt.u32 s6, $0xC0;
	v22 =	vld [tilespmem:s8+$0xFFFFFF60]  }
0x9b: {  	v23 =	vld [tilespmem:s8+$0xFFFFFF70]  }
0x9c: {  	v24 =	vld [tilespmem:s8+$0xFFFFFFA0]  }
0x9d: {  	v7 =	vadd.f32 v18, v7;
	v8 =	vadd.f32 v19, v8;
	v18 =	vld [tilespmem:s8+$0xFFFFFFB0]  }
0x9e: {  	v4 =	vadd.f32 v20, v4;
	v5 =	vadd.f32 v21, v5;
	v19 =	vld [tilespmem:s8+$0xFFFFFFE0]  }
0x9f: {  	v7 =	vadd.f32 v16, v7;
	v8 =	vadd.f32 v17, v8;
	v16 =	vld [tilespmem:s8+$0xFFFFFFF0]  }
0xa0: {  	v4 =	vadd.f32 v22, v4;
	v5 =	vadd.f32 v23, v5;
	v17 =	vld [tilespmem:s8+$0x20]  }
0xa1: {  	v7 =	vadd.f32 v14, v7;
	v8 =	vadd.f32 v15, v8;
	v14 =	vld [tilespmem:s8+$0x30]  }
0xa2: {  	v15 =	vadd.f32 v24, v4;
	v5 =	vadd.f32 v18, v5;
	v4 =	vld [tilespmem:s8+$0x60]  }
.Ltmp0:
0xa3: {  	v11 =	vadd.f32 v11, v7;
	v8 =	vadd.f32 v13, v8;
	v7 =	vld [tilespmem:s8+$0x70];
	(pc) =	sbr.rel @p1 .LBB2_3-.Ltmp0, $4  }
0xa4: {  	v13 =	vadd.f32 v19, v15;
	v15 =	vadd.f32 v16, v5;
	v5 =	vld [tilespmem:s8+$0xA0]  }
0xa5: {  	v16 =	vadd.f32 v6, v11;
	v18 =	vadd.f32 v10, v8;
	v8 =	vld [tilespmem:s8+$0xB0]  }
0xa6: {  	v11 =	vadd.f32 v17, v13;
	v10 =	vadd.f32 v14, v15;
	v6 =	vld [tilespmem:s8+$0xE0]  }
0xa7: {  	v13 =	vadd.f32 v12, v16;
	v12 =	vadd.f32 v9, v18;
	v9 =	vld [tilespmem:s8+$0xF0];
	s8 =	sadd.s32 $0x200, s8  }
0xa8: {  	_ = 	snop  }
0xa9: {  	v4 =	vadd.f32 v4, v11;
	v2 =	vadd.f32 v2, v13  }
0xaa: {  	v7 =	vadd.f32 v7, v10;
	v3 =	vadd.f32 v3, v12  }
0xab: {  	s6 =	sshll.u32 s31, $0x9;
	v4 =	vadd.f32 v5, v4;
	v0 =	vadd.f32 v0, v2  }
0xac: {  	s6 =	sand.u32 $0x3FFFFE00, s6;
	v2 =	vadd.f32 v8, v7;
	v1 =	vadd.f32 v1, v3  }
0xad: {  	v3 =	vadd.f32 v6, v4;
	[tilespmem:s6+$0xCE40] =	vst v0  }
0xae: {  	v0 =	vadd.f32 v9, v2;
	[tilespmem:s6+$0xCE50] =	vst v1  }
0xaf: {  	[tilespmem:s6+$0xCE60] =	vst v3  }
0xb0: {  	s9 =	simm.s32 $0x3A30;
	[tilespmem:s6+$0xCE70] =	vst v0  }
0xb1: {  	v0 =	vld [tilespmem:s9+$0xFFFFFFD0]  }
0xb2: {  	v1 =	vld [tilespmem:s9+$0xFFFFFFE0]  }
0xb3: {  	v2 =	vld [tilespmem:s9+$0xFFFFFF90]  }
0xb4: {  	v3 =	vld [tilespmem:s9+$0xFFFFFFA0]  }
0xb5: {  	v9 =	vld [tilespmem:s9+$0xFFFFFF50]  }
0xb6: {  	v12 =	vld [tilespmem:s9+$0xFFFFFF60]  }
0xb7: {  	v7 =	vld [tilespmem:s9+$0xFFFFFF10]  }
0xb8: {  	v8 =	vld [tilespmem:s9+$0xFFFFFF20]  }
0xb9: {  	v5 =	vld [tilespmem:s9+$0xFFFFFED0]  }
0xba: {  	v6 =	vld [tilespmem:s9+$0xFFFFFEE0]  }
0xbb: {  	v4 =	vld [tilespmem:s9+$0xFFFFFE90]  }
0xbc: {  	v10 =	vld [tilespmem:s9+$0xFFFFFEA0]  }
0xbd: {  	v11 =	vld [tilespmem:s9+$0xFFFFFE50]  }
0xbe: {  	v13 =	vld [tilespmem:s9+$0xFFFFFE60]  }
0xbf: {  	v14 =	vld [tilespmem:s9+$0xFFFFFE10]  }
0xc0: {  	v15 =	vld [tilespmem:s9+$0xFFFFFE20]  }
0xc1: {  	v16 =	vld [tilespmem:s9+$0xFFFFFE30]  }
0xc2: {  	v17 =	vld [tilespmem:s9+$0xFFFFFE40]  }
0xc3: {  	v18 =	vld [tilespmem:s9+$0xFFFFFE70]  }
0xc4: {  	v19 =	vld [tilespmem:s9+$0xFFFFFE80]  }
0xc5: {  	v20 =	vimm.f32 $0.0e+00;
	v21 =	vld [tilespmem:s9+$0xFFFFFEB0]  }
0xc6: {  	v22 =	vld [tilespmem:s9+$0xFFFFFEC0];
	v14 =	vadd.f32 v14, v20;
	v15 =	vadd.f32 v15, v20  }
0xc7: {  	v59 =	vld [tilespmem:s9+$0xFFFFFEF0];
	v16 =	vadd.f32 v16, v20;
	v17 =	vadd.f32 v17, v20  }
0xc8: {  	v11 =	vadd.f32 v11, v14;
	v13 =	vadd.f32 v13, v15;
	v14 =	vld [tilespmem:s9+$0xFFFFFF00]  }
0xc9: {  	v61 =	vld [tilespmem:s9+$0xFFFFFF30];
	v15 =	vadd.f32 v18, v16;
	v60 =	vadd.f32 v19, v17  }
0xca: {  	v11 =	vadd.f32 v4, v11;
	v10 =	vadd.f32 v10, v13;
	v13 =	vld [tilespmem:s9+$0xFFFFFF40]  }
0xcb: {  	v15 =	vadd.f32 v21, v15;
	v16 =	vadd.f32 v22, v60;
	v4 =	vld [tilespmem:s9+$0xFFFFFF70]  }
0xcc: {  	v11 =	vadd.f32 v5, v11;
	v10 =	vadd.f32 v6, v10;
	v6 =	vld [tilespmem:s9+$0xFFFFFF80]  }
0xcd: {  	v15 =	vadd.f32 v59, v15;
	v5 =	vld [tilespmem:s9+$0xFFFFFFB0];
	v14 =	vadd.f32 v14, v16  }
0xce: {  	v62 =	vadd.f32 v7, v11;
	v63 =	vadd.f32 v8, v10;
	v8 =	vld [tilespmem:s9+$0xFFFFFFC0]  }
0xcf: {  	v11 =	vadd.f32 v61, v15;
	v7 =	vld [tilespmem:s9+$0xFFFFFFF0];
	v10 =	vadd.f32 v13, v14  }
0xd0: {  	s8 =	simm.s32 $0x0;
	v13 =	vadd.f32 v9, v62;
	v12 =	vadd.f32 v12, v63;
	v9 =	vld [tilespmem:s9+$0x0];
	s9 =	simm.s32 $0x3C30  }
.LBB2_5:
0xd1: {  	v14 =	vld [tilespmem:s9+$0xFFFFFFD0];
	v4 =	vadd.f32 v4, v11;
	v6 =	vadd.f32 v6, v10  }
0xd2: {  	v10 =	vld [tilespmem:s9+$0xFFFFFFE0];
	v11 =	vadd.f32 v2, v13;
	v12 =	vadd.f32 v3, v12  }
0xd3: {  	v2 =	vld [tilespmem:s9+$0xFFFFFF90];
	v4 =	vadd.f32 v5, v4;
	v5 =	vadd.f32 v8, v6  }
0xd4: {  	v3 =	vld [tilespmem:s9+$0xFFFFFFA0];
	v6 =	vadd.f32 v0, v11;
	v8 =	vadd.f32 v1, v12  }
0xd5: {  	v12 =	vld [tilespmem:s9+$0xFFFFFF50];
	v4 =	vadd.f32 v7, v4;
	v5 =	vadd.f32 v9, v5  }
0xd6: {  	v9 =	vld [tilespmem:s9+$0xFFFFFF60];
	v0 =	vmov v14  }
0xd7: {  	v7 =	vld [tilespmem:s9+$0xFFFFFF10];
	v1 =	vmov v10  }
0xd8: {  	v10 =	vld [tilespmem:s9+$0xFFFFFF20]  }
0xd9: {  	v11 =	vld [tilespmem:s9+$0xFFFFFED0]  }
0xda: {  	v13 =	vld [tilespmem:s9+$0xFFFFFEE0]  }
0xdb: {  	v14 =	vld [tilespmem:s9+$0xFFFFFE90]  }
0xdc: {  	v15 =	vld [tilespmem:s9+$0xFFFFFEA0]  }
0xdd: {  	v16 =	vld [tilespmem:s9+$0xFFFFFE50]  }
0xde: {  	v17 =	vld [tilespmem:s9+$0xFFFFFE60]  }
0xdf: {  	v18 =	vld [tilespmem:s9+$0xFFFFFE10]  }
0xe0: {  	v19 =	vld [tilespmem:s9+$0xFFFFFE20]  }
0xe1: {  	v20 =	vld [tilespmem:s9+$0xFFFFFE30]  }
0xe2: {  	s8 =	sadd.s32 $0x8, s8;
	v21 =	vld [tilespmem:s9+$0xFFFFFE40]  }
0xe3: {  	p1 =	slt.u32 s8, $0xC0;
	v22 =	vld [tilespmem:s9+$0xFFFFFE70]  }
0xe4: {  	v23 =	vld [tilespmem:s9+$0xFFFFFE80]  }
0xe5: {  	v24 =	vld [tilespmem:s9+$0xFFFFFEB0]  }
0xe6: {  	v6 =	vadd.f32 v18, v6;
	v8 =	vadd.f32 v19, v8;
	v18 =	vld [tilespmem:s9+$0xFFFFFEC0]  }
0xe7: {  	v4 =	vadd.f32 v20, v4;
	v5 =	vadd.f32 v21, v5;
	v19 =	vld [tilespmem:s9+$0xFFFFFEF0]  }
0xe8: {  	v6 =	vadd.f32 v16, v6;
	v8 =	vadd.f32 v17, v8;
	v16 =	vld [tilespmem:s9+$0xFFFFFF00]  }
0xe9: {  	v4 =	vadd.f32 v22, v4;
	v5 =	vadd.f32 v23, v5;
	v17 =	vld [tilespmem:s9+$0xFFFFFF30]  }
0xea: {  	v6 =	vadd.f32 v14, v6;
	v8 =	vadd.f32 v15, v8;
	v14 =	vld [tilespmem:s9+$0xFFFFFF40]  }
0xeb: {  	v15 =	vadd.f32 v24, v4;
	v5 =	vadd.f32 v18, v5;
	v4 =	vld [tilespmem:s9+$0xFFFFFF70]  }
.Ltmp1:
0xec: {  	v11 =	vadd.f32 v11, v6;
	v8 =	vadd.f32 v13, v8;
	v6 =	vld [tilespmem:s9+$0xFFFFFF80];
	(pc) =	sbr.rel @p1 .LBB2_5-.Ltmp1, $4  }
0xed: {  	v13 =	vadd.f32 v19, v15;
	v15 =	vadd.f32 v16, v5;
	v5 =	vld [tilespmem:s9+$0xFFFFFFB0]  }
0xee: {  	v16 =	vadd.f32 v7, v11;
	v18 =	vadd.f32 v10, v8;
	v8 =	vld [tilespmem:s9+$0xFFFFFFC0]  }
0xef: {  	v11 =	vadd.f32 v17, v13;
	v10 =	vadd.f32 v14, v15;
	v7 =	vld [tilespmem:s9+$0xFFFFFFF0]  }
0xf0: {  	v13 =	vadd.f32 v12, v16;
	v12 =	vadd.f32 v9, v18;
	v9 =	vld [tilespmem:s9+$0x0];
	s9 =	sadd.s32 $0x200, s9  }
0xf1: {  	_ = 	snop  }
0xf2: {  	v4 =	vadd.f32 v4, v11;
	v2 =	vadd.f32 v2, v13  }
0xf3: {  	v6 =	vadd.f32 v6, v10;
	v3 =	vadd.f32 v3, v12  }
0xf4: {  	v4 =	vadd.f32 v5, v4;
	v0 =	vadd.f32 v0, v2  }
0xf5: {  	v2 =	vadd.f32 v8, v6;
	v1 =	vadd.f32 v1, v3  }
0xf6: {  	v3 =	vadd.f32 v7, v4;
	[tilespmem:s6+$0xCE80] =	vst v0  }
0xf7: {  	v0 =	vadd.f32 v9, v2;
	[tilespmem:s6+$0xCE90] =	vst v1  }
0xf8: {  	[tilespmem:s6+$0xCEA0] =	vst v3  }
0xf9: {  	[tilespmem:s6+$0xCEB0] =	vst v0  }
0xfa: {  	_ =	swait.ge [sflag:s2], $0x100  }
0xfb: {  	[sflag:s2] =	ssyncset.done $0x0  }
0xfc: {  	[sflag:s2] =	ssyncadd.s32 $0xFFFFFF00  }
0xfd: {  	_ =	swait.ge [sflag:s2], $0x90  }
0xfe: {  	[sflag:s2] =	ssyncset.done $0x0  }
0xff: {  	s8 =	simm.s32 $0x640;
	s9 =	simm.s32 $0x200;
	[sflag:s2] =	ssyncadd.s32 $0xFFFFFF70  }
0x100: {  	[tilespmem:s8], [sflag:$0x1] =	stream.indirect.gather [hbm4b:s4+s30], $0x40, s9, s30, $0xb8;
	[tilespmem:$0x14E40] =	vst v63  }
0x101: {  	s11 =	simm.s32 $0x2640  }
0x102: {  	[tilespmem:s11], [sflag:$0x1] =	stream.indirect.gather [hbm4b:s4+s0], $0x40, s12, s0, $0xb8;
	[tilespmem:$0x14E40] =	vst v63  }
0x103: {  	s9 =	simm.s32 $0x3840;
	s8 =	sadd.s32 @!p0 s7, s21  }
0x104: {  	[tilespmem:s9], [sflag:$0x1] =	stream.indirect.gather [hbm4b:s4+s30], $0x40, s13, s30, $0xb8;
	[tilespmem:$0x14E40] =	vst v63  }
0x105: {  	s10 =	simm.s32 $0x5840;
	s8 =	smul.u32 @!p0 $0xC8, s8  }
0x106: {  	[tilespmem:s10], [sflag:$0x1] =	stream.indirect.gather [hbm4b:s4+s0], $0x40, s14, s0, $0xb8;
	[tilespmem:$0x14E40] =	vst v63  }
0x107: {  	_ =	swait.ge [sflag:s1], $0x6400  }
0x108: {  	s11 =	simm.s32 @!p0 $0x100;
	s9 =	sshrl.u32 @!p0 s8, $0x3;
	[sflag:s1] =	ssyncset.done $0x0  }
0x109: {  	s9 =	sadd.s32 @!p0 s3, s9;
	s10 =	simm.s32 @!p0 $0x0;
	[sflag:s1] =	ssyncadd.s32 $0xFFFF9C00  }
0x10a: {  	[tilespmem:s11], [sflag:$0x4] =	stream.linear.gather @!p0 [hbm4b:s9+s10], $0x80, $0x38;
	[tilespmem:$0x14E40] =	vst v63  }
0x10b: {  	s9 =	sadd.s32 @!p0 $0x10, s9;
	s11 =	simm.s32 @!p0 $0x490  }
0x10c: {  	[tilespmem:s11], [sflag:$0x4] =	stream.linear.gather @!p0 [hbm4b:s9+s10], $0x48, $0x38;
	[tilespmem:$0x14E40] =	vst v63  }
0x10d: {  	s9 =	sadd.s32 @!p0 $0xC8, s8  }
0x10e: {  	s8 =	sadd.s32 @!p0 $0x148, s8;
	s9 =	sshrl.u32 @!p0 s9, $0x3  }
0x10f: {  	s11 =	simm.s32 @!p0 $0x180;
	s8 =	sshrl.u32 @!p0 s8, $0x3;
	s9 =	sadd.s32 @!p0 s3, s9  }
0x110: {  	[tilespmem:s11], [sflag:$0x4] =	stream.linear.gather @!p0 [hbm4b:s9+s10], $0x80, $0x38;
	[tilespmem:$0x14E40] =	vst v63  }
0x111: {  	s8 =	sadd.s32 @!p0 s3, s8;
	s9 =	simm.s32 @!p0 $0x4D8;
	s11 =	simm.s32 $0x6A40  }
0x112: {  	[tilespmem:s9], [sflag:$0x4] =	stream.linear.gather @!p0 [hbm4b:s8+s10], $0x48, $0x38;
	[tilespmem:$0x14E40] =	vst v63  }
0x113: {  	v0 =	vld [tilespmem:s11+$0x1C0]  }
0x114: {  	v1 =	vld [tilespmem:s11+$0x1D0]  }
0x115: {  	v2 =	vld [tilespmem:s11+$0x180]  }
0x116: {  	v3 =	vld [tilespmem:s11+$0x190]  }
0x117: {  	v9 =	vld [tilespmem:s11+$0x140]  }
0x118: {  	v12 =	vld [tilespmem:s11+$0x150]  }
0x119: {  	v7 =	vld [tilespmem:s11+$0x100]  }
0x11a: {  	v8 =	vld [tilespmem:s11+$0x110]  }
0x11b: {  	v5 =	vld [tilespmem:s11+$0xC0]  }
0x11c: {  	v6 =	vld [tilespmem:s11+$0xD0]  }
0x11d: {  	v4 =	vld [tilespmem:s11+$0x80]  }
0x11e: {  	v10 =	vld [tilespmem:s11+$0x90]  }
0x11f: {  	v11 =	vld [tilespmem:s11+$0x40]  }
0x120: {  	v13 =	vld [tilespmem:s11+$0x50]  }
0x121: {  	v14 =	vld [tilespmem:s11+$0x0]  }
0x122: {  	v15 =	vld [tilespmem:s11+$0x10]  }
0x123: {  	v16 =	vld [tilespmem:s11+$0x20]  }
0x124: {  	v17 =	vld [tilespmem:s11+$0x30]  }
0x125: {  	v18 =	vld [tilespmem:s11+$0x60]  }
0x126: {  	v19 =	vld [tilespmem:s11+$0x70]  }
0x127: {  	v20 =	vimm.f32 $0.0e+00;
	v21 =	vld [tilespmem:s11+$0xA0]  }
0x128: {  	v22 =	vld [tilespmem:s11+$0xB0];
	v14 =	vadd.f32 v14, v20;
	v15 =	vadd.f32 v15, v20  }
0x129: {  	v59 =	vld [tilespmem:s11+$0xE0];
	v16 =	vadd.f32 v16, v20;
	v17 =	vadd.f32 v17, v20  }
0x12a: {  	v11 =	vadd.f32 v11, v14;
	v13 =	vadd.f32 v13, v15;
	v14 =	vld [tilespmem:s11+$0xF0]  }
0x12b: {  	v61 =	vld [tilespmem:s11+$0x120];
	v15 =	vadd.f32 v18, v16;
	v60 =	vadd.f32 v19, v17  }
0x12c: {  	v11 =	vadd.f32 v4, v11;
	v10 =	vadd.f32 v10, v13;
	v13 =	vld [tilespmem:s11+$0x130]  }
0x12d: {  	v15 =	vadd.f32 v21, v15;
	v16 =	vadd.f32 v22, v60;
	v4 =	vld [tilespmem:s11+$0x160]  }
0x12e: {  	v11 =	vadd.f32 v5, v11;
	v10 =	vadd.f32 v6, v10;
	v6 =	vld [tilespmem:s11+$0x170]  }
0x12f: {  	v15 =	vadd.f32 v59, v15;
	v5 =	vld [tilespmem:s11+$0x1A0];
	v14 =	vadd.f32 v14, v16  }
0x130: {  	v62 =	vadd.f32 v7, v11;
	v63 =	vadd.f32 v8, v10;
	v8 =	vld [tilespmem:s11+$0x1B0]  }
0x131: {  	v11 =	vadd.f32 v61, v15;
	v7 =	vld [tilespmem:s11+$0x1E0];
	v10 =	vadd.f32 v13, v14  }
0x132: {  	s8 =	simm.s32 $0x0;
	s9 =	simm.s32 $0x6C40;
	v13 =	vadd.f32 v9, v62;
	v12 =	vadd.f32 v12, v63;
	v9 =	vld [tilespmem:s11+$0x1F0]  }
.LBB2_7:
0x133: {  	v14 =	vld [tilespmem:s9+$0x1C0];
	v4 =	vadd.f32 v4, v11;
	v6 =	vadd.f32 v6, v10  }
0x134: {  	v10 =	vld [tilespmem:s9+$0x1D0];
	v11 =	vadd.f32 v2, v13;
	v12 =	vadd.f32 v3, v12  }
0x135: {  	v2 =	vld [tilespmem:s9+$0x180];
	v4 =	vadd.f32 v5, v4;
	v5 =	vadd.f32 v8, v6  }
0x136: {  	v3 =	vld [tilespmem:s9+$0x190];
	v6 =	vadd.f32 v0, v11;
	v8 =	vadd.f32 v1, v12  }
0x137: {  	v12 =	vld [tilespmem:s9+$0x140];
	v4 =	vadd.f32 v7, v4;
	v5 =	vadd.f32 v9, v5  }
0x138: {  	v9 =	vld [tilespmem:s9+$0x150];
	v0 =	vmov v14  }
0x139: {  	v7 =	vld [tilespmem:s9+$0x100];
	v1 =	vmov v10  }
0x13a: {  	v10 =	vld [tilespmem:s9+$0x110]  }
0x13b: {  	v11 =	vld [tilespmem:s9+$0xC0]  }
0x13c: {  	v13 =	vld [tilespmem:s9+$0xD0]  }
0x13d: {  	v14 =	vld [tilespmem:s9+$0x80]  }
0x13e: {  	v15 =	vld [tilespmem:s9+$0x90]  }
0x13f: {  	v16 =	vld [tilespmem:s9+$0x40]  }
0x140: {  	v17 =	vld [tilespmem:s9+$0x50]  }
0x141: {  	v18 =	vld [tilespmem:s9+$0x0]  }
0x142: {  	v19 =	vld [tilespmem:s9+$0x10]  }
0x143: {  	v20 =	vld [tilespmem:s9+$0x20]  }
0x144: {  	s8 =	sadd.s32 $0x8, s8;
	v21 =	vld [tilespmem:s9+$0x30]  }
0x145: {  	p1 =	slt.u32 s8, $0xC0;
	v22 =	vld [tilespmem:s9+$0x60]  }
0x146: {  	v23 =	vld [tilespmem:s9+$0x70]  }
0x147: {  	v24 =	vld [tilespmem:s9+$0xA0]  }
0x148: {  	v6 =	vadd.f32 v18, v6;
	v8 =	vadd.f32 v19, v8;
	v18 =	vld [tilespmem:s9+$0xB0]  }
0x149: {  	v4 =	vadd.f32 v20, v4;
	v5 =	vadd.f32 v21, v5;
	v19 =	vld [tilespmem:s9+$0xE0]  }
0x14a: {  	v6 =	vadd.f32 v16, v6;
	v8 =	vadd.f32 v17, v8;
	v16 =	vld [tilespmem:s9+$0xF0]  }
0x14b: {  	v4 =	vadd.f32 v22, v4;
	v5 =	vadd.f32 v23, v5;
	v17 =	vld [tilespmem:s9+$0x120]  }
0x14c: {  	v6 =	vadd.f32 v14, v6;
	v8 =	vadd.f32 v15, v8;
	v14 =	vld [tilespmem:s9+$0x130]  }
0x14d: {  	v15 =	vadd.f32 v24, v4;
	v5 =	vadd.f32 v18, v5;
	v4 =	vld [tilespmem:s9+$0x160]  }
.Ltmp2:
0x14e: {  	v11 =	vadd.f32 v11, v6;
	v8 =	vadd.f32 v13, v8;
	v6 =	vld [tilespmem:s9+$0x170];
	(pc) =	sbr.rel @p1 .LBB2_7-.Ltmp2, $4  }
0x14f: {  	v13 =	vadd.f32 v19, v15;
	v15 =	vadd.f32 v16, v5;
	v5 =	vld [tilespmem:s9+$0x1A0]  }
0x150: {  	v16 =	vadd.f32 v7, v11;
	v18 =	vadd.f32 v10, v8;
	v8 =	vld [tilespmem:s9+$0x1B0]  }
0x151: {  	v11 =	vadd.f32 v17, v13;
	v10 =	vadd.f32 v14, v15;
	v7 =	vld [tilespmem:s9+$0x1E0]  }
0x152: {  	v13 =	vadd.f32 v12, v16;
	v12 =	vadd.f32 v9, v18;
	v9 =	vld [tilespmem:s9+$0x1F0];
	s9 =	sadd.s32 $0x200, s9  }
0x153: {  	_ = 	snop  }
0x154: {  	v4 =	vadd.f32 v4, v11;
	v2 =	vadd.f32 v2, v13  }
0x155: {  	v6 =	vadd.f32 v6, v10;
	v3 =	vadd.f32 v3, v12  }
0x156: {  	v4 =	vadd.f32 v5, v4;
	v0 =	vadd.f32 v0, v2  }
0x157: {  	v2 =	vadd.f32 v8, v6;
	v1 =	vadd.f32 v1, v3  }
0x158: {  	v3 =	vadd.f32 v7, v4;
	[tilespmem:s6+$0xCEC0] =	vst v0  }
0x159: {  	v0 =	vadd.f32 v9, v2;
	[tilespmem:s6+$0xCED0] =	vst v1  }
0x15a: {  	[tilespmem:s6+$0xCEE0] =	vst v3  }
0x15b: {  	s9 =	simm.s32 $0x9C40;
	[tilespmem:s6+$0xCEF0] =	vst v0  }
0x15c: {  	v0 =	vld [tilespmem:s9+$0x1C0]  }
0x15d: {  	v1 =	vld [tilespmem:s9+$0x1D0]  }
0x15e: {  	v2 =	vld [tilespmem:s9+$0x180]  }
0x15f: {  	v3 =	vld [tilespmem:s9+$0x190]  }
0x160: {  	v9 =	vld [tilespmem:s9+$0x140]  }
0x161: {  	v12 =	vld [tilespmem:s9+$0x150]  }
0x162: {  	v7 =	vld [tilespmem:s9+$0x100]  }
0x163: {  	v8 =	vld [tilespmem:s9+$0x110]  }
0x164: {  	v5 =	vld [tilespmem:s9+$0xC0]  }
0x165: {  	v6 =	vld [tilespmem:s9+$0xD0]  }
0x166: {  	v4 =	vld [tilespmem:s9+$0x80]  }
0x167: {  	v10 =	vld [tilespmem:s9+$0x90]  }
0x168: {  	v11 =	vld [tilespmem:s9+$0x40]  }
0x169: {  	v13 =	vld [tilespmem:s9+$0x50]  }
0x16a: {  	v14 =	vld [tilespmem:s9+$0x0]  }
0x16b: {  	v15 =	vld [tilespmem:s9+$0x10]  }
0x16c: {  	v16 =	vld [tilespmem:s9+$0x20]  }
0x16d: {  	v17 =	vld [tilespmem:s9+$0x30]  }
0x16e: {  	v18 =	vld [tilespmem:s9+$0x60]  }
0x16f: {  	v19 =	vld [tilespmem:s9+$0x70]  }
0x170: {  	v20 =	vimm.f32 $0.0e+00;
	v21 =	vld [tilespmem:s9+$0xA0]  }
0x171: {  	v22 =	vld [tilespmem:s9+$0xB0];
	v14 =	vadd.f32 v14, v20;
	v15 =	vadd.f32 v15, v20  }
0x172: {  	v59 =	vld [tilespmem:s9+$0xE0];
	v16 =	vadd.f32 v16, v20;
	v17 =	vadd.f32 v17, v20  }
0x173: {  	v11 =	vadd.f32 v11, v14;
	v13 =	vadd.f32 v13, v15;
	v14 =	vld [tilespmem:s9+$0xF0]  }
0x174: {  	v61 =	vld [tilespmem:s9+$0x120];
	v15 =	vadd.f32 v18, v16;
	v60 =	vadd.f32 v19, v17  }
0x175: {  	v11 =	vadd.f32 v4, v11;
	v10 =	vadd.f32 v10, v13;
	v13 =	vld [tilespmem:s9+$0x130]  }
0x176: {  	v15 =	vadd.f32 v21, v15;
	v16 =	vadd.f32 v22, v60;
	v4 =	vld [tilespmem:s9+$0x160]  }
0x177: {  	v11 =	vadd.f32 v5, v11;
	v10 =	vadd.f32 v6, v10;
	v6 =	vld [tilespmem:s9+$0x170]  }
0x178: {  	v15 =	vadd.f32 v59, v15;
	v5 =	vld [tilespmem:s9+$0x1A0];
	v14 =	vadd.f32 v14, v16  }
0x179: {  	v62 =	vadd.f32 v7, v11;
	v63 =	vadd.f32 v8, v10;
	v8 =	vld [tilespmem:s9+$0x1B0]  }
0x17a: {  	v11 =	vadd.f32 v61, v15;
	v7 =	vld [tilespmem:s9+$0x1E0];
	v10 =	vadd.f32 v13, v14  }
0x17b: {  	s8 =	simm.s32 $0x0;
	v13 =	vadd.f32 v9, v62;
	v12 =	vadd.f32 v12, v63;
	v9 =	vld [tilespmem:s9+$0x1F0];
	s9 =	simm.s32 $0x9E40  }
.LBB2_9:
0x17c: {  	v14 =	vld [tilespmem:s9+$0x1C0];
	v4 =	vadd.f32 v4, v11;
	v6 =	vadd.f32 v6, v10  }
0x17d: {  	v10 =	vld [tilespmem:s9+$0x1D0];
	v11 =	vadd.f32 v2, v13;
	v12 =	vadd.f32 v3, v12  }
0x17e: {  	v2 =	vld [tilespmem:s9+$0x180];
	v4 =	vadd.f32 v5, v4;
	v5 =	vadd.f32 v8, v6  }
0x17f: {  	v3 =	vld [tilespmem:s9+$0x190];
	v6 =	vadd.f32 v0, v11;
	v8 =	vadd.f32 v1, v12  }
0x180: {  	v12 =	vld [tilespmem:s9+$0x140];
	v4 =	vadd.f32 v7, v4;
	v5 =	vadd.f32 v9, v5  }
0x181: {  	v9 =	vld [tilespmem:s9+$0x150];
	v0 =	vmov v14  }
0x182: {  	v7 =	vld [tilespmem:s9+$0x100];
	v1 =	vmov v10  }
0x183: {  	v10 =	vld [tilespmem:s9+$0x110]  }
0x184: {  	v11 =	vld [tilespmem:s9+$0xC0]  }
0x185: {  	v13 =	vld [tilespmem:s9+$0xD0]  }
0x186: {  	v14 =	vld [tilespmem:s9+$0x80]  }
0x187: {  	v15 =	vld [tilespmem:s9+$0x90]  }
0x188: {  	v16 =	vld [tilespmem:s9+$0x40]  }
0x189: {  	v17 =	vld [tilespmem:s9+$0x50]  }
0x18a: {  	v18 =	vld [tilespmem:s9+$0x0]  }
0x18b: {  	v19 =	vld [tilespmem:s9+$0x10]  }
0x18c: {  	v20 =	vld [tilespmem:s9+$0x20]  }
0x18d: {  	s8 =	sadd.s32 $0x8, s8;
	v21 =	vld [tilespmem:s9+$0x30]  }
0x18e: {  	p1 =	slt.u32 s8, $0xC0;
	v22 =	vld [tilespmem:s9+$0x60]  }
0x18f: {  	v23 =	vld [tilespmem:s9+$0x70]  }
0x190: {  	v24 =	vld [tilespmem:s9+$0xA0]  }
0x191: {  	v6 =	vadd.f32 v18, v6;
	v8 =	vadd.f32 v19, v8;
	v18 =	vld [tilespmem:s9+$0xB0]  }
0x192: {  	v4 =	vadd.f32 v20, v4;
	v5 =	vadd.f32 v21, v5;
	v19 =	vld [tilespmem:s9+$0xE0]  }
0x193: {  	v6 =	vadd.f32 v16, v6;
	v8 =	vadd.f32 v17, v8;
	v16 =	vld [tilespmem:s9+$0xF0]  }
0x194: {  	v4 =	vadd.f32 v22, v4;
	v5 =	vadd.f32 v23, v5;
	v17 =	vld [tilespmem:s9+$0x120]  }
0x195: {  	v6 =	vadd.f32 v14, v6;
	v8 =	vadd.f32 v15, v8;
	v14 =	vld [tilespmem:s9+$0x130]  }
0x196: {  	v15 =	vadd.f32 v24, v4;
	v5 =	vadd.f32 v18, v5;
	v4 =	vld [tilespmem:s9+$0x160]  }
.Ltmp3:
0x197: {  	v11 =	vadd.f32 v11, v6;
	v8 =	vadd.f32 v13, v8;
	v6 =	vld [tilespmem:s9+$0x170];
	(pc) =	sbr.rel @p1 .LBB2_9-.Ltmp3, $4  }
0x198: {  	v13 =	vadd.f32 v19, v15;
	v15 =	vadd.f32 v16, v5;
	v5 =	vld [tilespmem:s9+$0x1A0]  }
0x199: {  	v16 =	vadd.f32 v7, v11;
	v18 =	vadd.f32 v10, v8;
	v8 =	vld [tilespmem:s9+$0x1B0]  }
0x19a: {  	v11 =	vadd.f32 v17, v13;
	v10 =	vadd.f32 v14, v15;
	v7 =	vld [tilespmem:s9+$0x1E0]  }
0x19b: {  	v13 =	vadd.f32 v12, v16;
	v12 =	vadd.f32 v9, v18;
	v9 =	vld [tilespmem:s9+$0x1F0];
	s9 =	sadd.s32 $0x200, s9  }
0x19c: {  	_ = 	snop  }
0x19d: {  	v4 =	vadd.f32 v4, v11;
	v2 =	vadd.f32 v2, v13  }
0x19e: {  	v6 =	vadd.f32 v6, v10;
	v3 =	vadd.f32 v3, v12  }
0x19f: {  	v4 =	vadd.f32 v5, v4;
	v0 =	vadd.f32 v0, v2  }
0x1a0: {  	v2 =	vadd.f32 v8, v6;
	v1 =	vadd.f32 v1, v3  }
0x1a1: {  	v3 =	vadd.f32 v7, v4;
	[tilespmem:s6+$0xCF00] =	vst v0  }
0x1a2: {  	v0 =	vadd.f32 v9, v2;
	[tilespmem:s6+$0xCF10] =	vst v1  }
0x1a3: {  	[tilespmem:s6+$0xCF20] =	vst v3  }
0x1a4: {  	[tilespmem:s6+$0xCF30] =	vst v0  }
0x1a5: {  	_ =	swait.ge [sflag:s29], $0x100  }
0x1a6: {  	[sflag:s29] =	ssyncset.done $0x0  }
0x1a7: {  	[sflag:s29] =	ssyncadd.s32 $0xFFFFFF00  }
0x1a8: {  	_ =	swait.ge [sflag:s29], $0x90  }
0x1a9: {  	[sflag:s29] =	ssyncset.done $0x0  }
0x1aa: {  	[sflag:s29] =	ssyncadd.s32 $0xFFFFFF70  }
0x1ab: {  	[tilespmem:s22], [sflag:$0x2] =	stream.indirect.gather [hbm4b:s4+s30], $0x40, s15, s30, $0xb8;
	[tilespmem:$0x14E40] =	vst v63  }
0x1ac: {  	_ = 	snop  }
0x1ad: {  	[tilespmem:s25], [sflag:$0x2] =	stream.indirect.gather [hbm4b:s4+s0], $0x40, s16, s0, $0xb8;
	[tilespmem:$0x14E40] =	vst v63  }
0x1ae: {  	s7 =	sadd.s32 @!p0 s7, s23  }
0x1af: {  	[tilespmem:s26], [sflag:$0x2] =	stream.indirect.gather [hbm4b:s4+s30], $0x40, s17, s30, $0xb8;
	[tilespmem:$0x14E40] =	vst v63  }
0x1b0: {  	s7 =	smul.u32 @!p0 $0xC8, s7  }
0x1b1: {  	[tilespmem:s5], [sflag:$0x2] =	stream.indirect.gather [hbm4b:s4+s0], $0x40, s18, s0, $0xb8;
	[tilespmem:$0x14E40] =	vst v63  }
0x1b2: {  	_ =	swait.ge [sflag:s28], $0x6400  }
0x1b3: {  	s9 =	simm.s32 @!p0 $0x0;
	s8 =	sshrl.u32 @!p0 s7, $0x3;
	[sflag:s28] =	ssyncset.done $0x0  }
0x1b4: {  	s10 =	simm.s32 @!p0 $0x200;
	s8 =	sadd.s32 @!p0 s3, s8;
	[sflag:s28] =	ssyncadd.s32 $0xFFFF9C00  }
0x1b5: {  	[tilespmem:s10], [sflag:$0x5] =	stream.linear.gather @!p0 [hbm4b:s8+s9], $0x80, $0x38;
	[tilespmem:$0x14E40] =	vst v63  }
0x1b6: {  	s8 =	sadd.s32 @!p0 $0x10, s8;
	s10 =	simm.s32 @!p0 $0x520  }
0x1b7: {  	[tilespmem:s10], [sflag:$0x5] =	stream.linear.gather @!p0 [hbm4b:s8+s9], $0x48, $0x38;
	[tilespmem:$0x14E40] =	vst v63  }
0x1b8: {  	s8 =	sadd.s32 @!p0 $0xC8, s7  }
0x1b9: {  	s7 =	sadd.s32 @!p0 $0x148, s7;
	s8 =	sshrl.u32 @!p0 s8, $0x3  }
0x1ba: {  	s10 =	simm.s32 @!p0 $0x280;
	s7 =	sshrl.u32 @!p0 s7, $0x3;
	s8 =	sadd.s32 @!p0 s3, s8  }
0x1bb: {  	[tilespmem:s10], [sflag:$0x5] =	stream.linear.gather @!p0 [hbm4b:s8+s9], $0x80, $0x38;
	[tilespmem:$0x14E40] =	vst v63  }
0x1bc: {  	s11 =	simm.s32 $0x740;
	s7 =	sadd.s32 @!p0 s3, s7;
	s8 =	simm.s32 @!p0 $0x568  }
0x1bd: {  	[tilespmem:s8], [sflag:$0x5] =	stream.linear.gather @!p0 [hbm4b:s7+s9], $0x48, $0x38;
	[tilespmem:$0x14E40] =	vst v63  }
0x1be: {  	v0 =	vld [tilespmem:s11+$0xC0]  }
0x1bf: {  	v1 =	vld [tilespmem:s11+$0xD0]  }
0x1c0: {  	v2 =	vld [tilespmem:s11+$0x80]  }
0x1c1: {  	v3 =	vld [tilespmem:s11+$0x90]  }
0x1c2: {  	v9 =	vld [tilespmem:s11+$0x40]  }
0x1c3: {  	v12 =	vld [tilespmem:s11+$0x50]  }
0x1c4: {  	v7 =	vld [tilespmem:s11+$0x0]  }
0x1c5: {  	v8 =	vld [tilespmem:s11+$0x10]  }
0x1c6: {  	v5 =	vld [tilespmem:s11+$0xFFFFFFC0]  }
0x1c7: {  	v6 =	vld [tilespmem:s11+$0xFFFFFFD0]  }
0x1c8: {  	v4 =	vld [tilespmem:s11+$0xFFFFFF80]  }
0x1c9: {  	v10 =	vld [tilespmem:s11+$0xFFFFFF90]  }
0x1ca: {  	v11 =	vld [tilespmem:s11+$0xFFFFFF40]  }
0x1cb: {  	v13 =	vld [tilespmem:s11+$0xFFFFFF50]  }
0x1cc: {  	v14 =	vld [tilespmem:s11+$0xFFFFFF00]  }
0x1cd: {  	v15 =	vld [tilespmem:s11+$0xFFFFFF10]  }
0x1ce: {  	v16 =	vld [tilespmem:s11+$0xFFFFFF20]  }
0x1cf: {  	v17 =	vld [tilespmem:s11+$0xFFFFFF30]  }
0x1d0: {  	v18 =	vld [tilespmem:s11+$0xFFFFFF60]  }
0x1d1: {  	v19 =	vld [tilespmem:s11+$0xFFFFFF70]  }
0x1d2: {  	v20 =	vimm.f32 $0.0e+00;
	v21 =	vld [tilespmem:s11+$0xFFFFFFA0]  }
0x1d3: {  	v22 =	vld [tilespmem:s11+$0xFFFFFFB0];
	v14 =	vadd.f32 v14, v20;
	v15 =	vadd.f32 v15, v20  }
0x1d4: {  	v59 =	vld [tilespmem:s11+$0xFFFFFFE0];
	v16 =	vadd.f32 v16, v20;
	v17 =	vadd.f32 v17, v20  }
0x1d5: {  	v11 =	vadd.f32 v11, v14;
	v13 =	vadd.f32 v13, v15;
	v14 =	vld [tilespmem:s11+$0xFFFFFFF0]  }
0x1d6: {  	v61 =	vld [tilespmem:s11+$0x20];
	v15 =	vadd.f32 v18, v16;
	v60 =	vadd.f32 v19, v17  }
0x1d7: {  	v11 =	vadd.f32 v4, v11;
	v10 =	vadd.f32 v10, v13;
	v13 =	vld [tilespmem:s11+$0x30]  }
0x1d8: {  	v15 =	vadd.f32 v21, v15;
	v16 =	vadd.f32 v22, v60;
	v4 =	vld [tilespmem:s11+$0x60]  }
0x1d9: {  	v11 =	vadd.f32 v5, v11;
	v10 =	vadd.f32 v6, v10;
	v6 =	vld [tilespmem:s11+$0x70]  }
0x1da: {  	v15 =	vadd.f32 v59, v15;
	v5 =	vld [tilespmem:s11+$0xA0];
	v14 =	vadd.f32 v14, v16  }
0x1db: {  	v62 =	vadd.f32 v7, v11;
	v63 =	vadd.f32 v8, v10;
	v8 =	vld [tilespmem:s11+$0xB0]  }
0x1dc: {  	v11 =	vadd.f32 v61, v15;
	v7 =	vld [tilespmem:s11+$0xE0];
	v10 =	vadd.f32 v13, v14  }
0x1dd: {  	s7 =	simm.s32 $0x0;
	s8 =	simm.s32 $0x940;
	v13 =	vadd.f32 v9, v62;
	v12 =	vadd.f32 v12, v63;
	v9 =	vld [tilespmem:s11+$0xF0]  }
.LBB2_11:
0x1de: {  	v14 =	vld [tilespmem:s8+$0xC0];
	v4 =	vadd.f32 v4, v11;
	v6 =	vadd.f32 v6, v10  }
0x1df: {  	v10 =	vld [tilespmem:s8+$0xD0];
	v11 =	vadd.f32 v2, v13;
	v12 =	vadd.f32 v3, v12  }
0x1e0: {  	v2 =	vld [tilespmem:s8+$0x80];
	v4 =	vadd.f32 v5, v4;
	v5 =	vadd.f32 v8, v6  }
0x1e1: {  	v3 =	vld [tilespmem:s8+$0x90];
	v6 =	vadd.f32 v0, v11;
	v8 =	vadd.f32 v1, v12  }
0x1e2: {  	v12 =	vld [tilespmem:s8+$0x40];
	v4 =	vadd.f32 v7, v4;
	v5 =	vadd.f32 v9, v5  }
0x1e3: {  	v9 =	vld [tilespmem:s8+$0x50];
	v0 =	vmov v14  }
0x1e4: {  	v7 =	vld [tilespmem:s8+$0x0];
	v1 =	vmov v10  }
0x1e5: {  	v10 =	vld [tilespmem:s8+$0x10]  }
0x1e6: {  	v11 =	vld [tilespmem:s8+$0xFFFFFFC0]  }
0x1e7: {  	v13 =	vld [tilespmem:s8+$0xFFFFFFD0]  }
0x1e8: {  	v14 =	vld [tilespmem:s8+$0xFFFFFF80]  }
0x1e9: {  	v15 =	vld [tilespmem:s8+$0xFFFFFF90]  }
0x1ea: {  	v16 =	vld [tilespmem:s8+$0xFFFFFF40]  }
0x1eb: {  	v17 =	vld [tilespmem:s8+$0xFFFFFF50]  }
0x1ec: {  	v18 =	vld [tilespmem:s8+$0xFFFFFF00]  }
0x1ed: {  	v19 =	vld [tilespmem:s8+$0xFFFFFF10]  }
0x1ee: {  	v20 =	vld [tilespmem:s8+$0xFFFFFF20]  }
0x1ef: {  	s7 =	sadd.s32 $0x8, s7;
	v21 =	vld [tilespmem:s8+$0xFFFFFF30]  }
0x1f0: {  	p0 =	slt.u32 s7, $0xC0;
	v22 =	vld [tilespmem:s8+$0xFFFFFF60]  }
0x1f1: {  	v23 =	vld [tilespmem:s8+$0xFFFFFF70]  }
0x1f2: {  	v24 =	vld [tilespmem:s8+$0xFFFFFFA0]  }
0x1f3: {  	v6 =	vadd.f32 v18, v6;
	v8 =	vadd.f32 v19, v8;
	v18 =	vld [tilespmem:s8+$0xFFFFFFB0]  }
0x1f4: {  	v4 =	vadd.f32 v20, v4;
	v5 =	vadd.f32 v21, v5;
	v19 =	vld [tilespmem:s8+$0xFFFFFFE0]  }
0x1f5: {  	v6 =	vadd.f32 v16, v6;
	v8 =	vadd.f32 v17, v8;
	v16 =	vld [tilespmem:s8+$0xFFFFFFF0]  }
0x1f6: {  	v4 =	vadd.f32 v22, v4;
	v5 =	vadd.f32 v23, v5;
	v17 =	vld [tilespmem:s8+$0x20]  }
0x1f7: {  	v6 =	vadd.f32 v14, v6;
	v8 =	vadd.f32 v15, v8;
	v14 =	vld [tilespmem:s8+$0x30]  }
0x1f8: {  	v15 =	vadd.f32 v24, v4;
	v5 =	vadd.f32 v18, v5;
	v4 =	vld [tilespmem:s8+$0x60]  }
.Ltmp4:
0x1f9: {  	v11 =	vadd.f32 v11, v6;
	v8 =	vadd.f32 v13, v8;
	v6 =	vld [tilespmem:s8+$0x70];
	(pc) =	sbr.rel @p0 .LBB2_11-.Ltmp4, $4  }
0x1fa: {  	v13 =	vadd.f32 v19, v15;
	v15 =	vadd.f32 v16, v5;
	v5 =	vld [tilespmem:s8+$0xA0]  }
0x1fb: {  	v16 =	vadd.f32 v7, v11;
	v18 =	vadd.f32 v10, v8;
	v8 =	vld [tilespmem:s8+$0xB0]  }
0x1fc: {  	v11 =	vadd.f32 v17, v13;
	v10 =	vadd.f32 v14, v15;
	v7 =	vld [tilespmem:s8+$0xE0]  }
0x1fd: {  	v13 =	vadd.f32 v12, v16;
	v12 =	vadd.f32 v9, v18;
	v9 =	vld [tilespmem:s8+$0xF0];
	s8 =	sadd.s32 $0x200, s8  }
0x1fe: {  	_ = 	snop  }
0x1ff: {  	v4 =	vadd.f32 v4, v11;
	v2 =	vadd.f32 v2, v13  }
0x200: {  	v6 =	vadd.f32 v6, v10;
	v3 =	vadd.f32 v3, v12  }
0x201: {  	v4 =	vadd.f32 v5, v4;
	v0 =	vadd.f32 v0, v2  }
0x202: {  	v2 =	vadd.f32 v8, v6;
	v1 =	vadd.f32 v1, v3  }
0x203: {  	v3 =	vadd.f32 v7, v4;
	[tilespmem:s6+$0xCF40] =	vst v0  }
0x204: {  	v0 =	vadd.f32 v9, v2;
	[tilespmem:s6+$0xCF50] =	vst v1  }
0x205: {  	[tilespmem:s6+$0xCF60] =	vst v3  }
0x206: {  	s8 =	simm.s32 $0x3A30;
	[tilespmem:s6+$0xCF70] =	vst v0  }
0x207: {  	v0 =	vld [tilespmem:s8+$0xFFFFFFD0]  }
0x208: {  	v1 =	vld [tilespmem:s8+$0xFFFFFFE0]  }
0x209: {  	v2 =	vld [tilespmem:s8+$0xFFFFFF90]  }
0x20a: {  	v3 =	vld [tilespmem:s8+$0xFFFFFFA0]  }
0x20b: {  	v9 =	vld [tilespmem:s8+$0xFFFFFF50]  }
0x20c: {  	v12 =	vld [tilespmem:s8+$0xFFFFFF60]  }
0x20d: {  	v7 =	vld [tilespmem:s8+$0xFFFFFF10]  }
0x20e: {  	v8 =	vld [tilespmem:s8+$0xFFFFFF20]  }
0x20f: {  	v5 =	vld [tilespmem:s8+$0xFFFFFED0]  }
0x210: {  	v6 =	vld [tilespmem:s8+$0xFFFFFEE0]  }
0x211: {  	v4 =	vld [tilespmem:s8+$0xFFFFFE90]  }
0x212: {  	v10 =	vld [tilespmem:s8+$0xFFFFFEA0]  }
0x213: {  	v11 =	vld [tilespmem:s8+$0xFFFFFE50]  }
0x214: {  	v13 =	vld [tilespmem:s8+$0xFFFFFE60]  }
0x215: {  	v14 =	vld [tilespmem:s8+$0xFFFFFE10]  }
0x216: {  	v15 =	vld [tilespmem:s8+$0xFFFFFE20]  }
0x217: {  	v16 =	vld [tilespmem:s8+$0xFFFFFE30]  }
0x218: {  	v17 =	vld [tilespmem:s8+$0xFFFFFE40]  }
0x219: {  	v18 =	vld [tilespmem:s8+$0xFFFFFE70]  }
0x21a: {  	v19 =	vld [tilespmem:s8+$0xFFFFFE80]  }
0x21b: {  	v20 =	vimm.f32 $0.0e+00;
	v21 =	vld [tilespmem:s8+$0xFFFFFEB0]  }
0x21c: {  	v22 =	vld [tilespmem:s8+$0xFFFFFEC0];
	v14 =	vadd.f32 v14, v20;
	v15 =	vadd.f32 v15, v20  }
0x21d: {  	v59 =	vld [tilespmem:s8+$0xFFFFFEF0];
	v16 =	vadd.f32 v16, v20;
	v17 =	vadd.f32 v17, v20  }
0x21e: {  	v11 =	vadd.f32 v11, v14;
	v13 =	vadd.f32 v13, v15;
	v14 =	vld [tilespmem:s8+$0xFFFFFF00]  }
0x21f: {  	v61 =	vld [tilespmem:s8+$0xFFFFFF30];
	v15 =	vadd.f32 v18, v16;
	v60 =	vadd.f32 v19, v17  }
0x220: {  	v11 =	vadd.f32 v4, v11;
	v10 =	vadd.f32 v10, v13;
	v13 =	vld [tilespmem:s8+$0xFFFFFF40]  }
0x221: {  	v15 =	vadd.f32 v21, v15;
	v16 =	vadd.f32 v22, v60;
	v4 =	vld [tilespmem:s8+$0xFFFFFF70]  }
0x222: {  	v11 =	vadd.f32 v5, v11;
	v10 =	vadd.f32 v6, v10;
	v6 =	vld [tilespmem:s8+$0xFFFFFF80]  }
0x223: {  	v15 =	vadd.f32 v59, v15;
	v5 =	vld [tilespmem:s8+$0xFFFFFFB0];
	v14 =	vadd.f32 v14, v16  }
0x224: {  	v62 =	vadd.f32 v7, v11;
	v63 =	vadd.f32 v8, v10;
	v8 =	vld [tilespmem:s8+$0xFFFFFFC0]  }
0x225: {  	v11 =	vadd.f32 v61, v15;
	v7 =	vld [tilespmem:s8+$0xFFFFFFF0];
	v10 =	vadd.f32 v13, v14  }
0x226: {  	s7 =	simm.s32 $0x0;
	v13 =	vadd.f32 v9, v62;
	v12 =	vadd.f32 v12, v63;
	v9 =	vld [tilespmem:s8+$0x0];
	s8 =	simm.s32 $0x3C30  }
.LBB2_13:
0x227: {  	v14 =	vld [tilespmem:s8+$0xFFFFFFD0];
	v4 =	vadd.f32 v4, v11;
	v6 =	vadd.f32 v6, v10  }
0x228: {  	v10 =	vld [tilespmem:s8+$0xFFFFFFE0];
	v11 =	vadd.f32 v2, v13;
	v12 =	vadd.f32 v3, v12  }
0x229: {  	v2 =	vld [tilespmem:s8+$0xFFFFFF90];
	v4 =	vadd.f32 v5, v4;
	v5 =	vadd.f32 v8, v6  }
0x22a: {  	v3 =	vld [tilespmem:s8+$0xFFFFFFA0];
	v6 =	vadd.f32 v0, v11;
	v8 =	vadd.f32 v1, v12  }
0x22b: {  	v12 =	vld [tilespmem:s8+$0xFFFFFF50];
	v4 =	vadd.f32 v7, v4;
	v5 =	vadd.f32 v9, v5  }
0x22c: {  	v9 =	vld [tilespmem:s8+$0xFFFFFF60];
	v0 =	vmov v14  }
0x22d: {  	v7 =	vld [tilespmem:s8+$0xFFFFFF10];
	v1 =	vmov v10  }
0x22e: {  	v10 =	vld [tilespmem:s8+$0xFFFFFF20]  }
0x22f: {  	v11 =	vld [tilespmem:s8+$0xFFFFFED0]  }
0x230: {  	v13 =	vld [tilespmem:s8+$0xFFFFFEE0]  }
0x231: {  	v14 =	vld [tilespmem:s8+$0xFFFFFE90]  }
0x232: {  	v15 =	vld [tilespmem:s8+$0xFFFFFEA0]  }
0x233: {  	v16 =	vld [tilespmem:s8+$0xFFFFFE50]  }
0x234: {  	v17 =	vld [tilespmem:s8+$0xFFFFFE60]  }
0x235: {  	v18 =	vld [tilespmem:s8+$0xFFFFFE10]  }
0x236: {  	v19 =	vld [tilespmem:s8+$0xFFFFFE20]  }
0x237: {  	v20 =	vld [tilespmem:s8+$0xFFFFFE30]  }
0x238: {  	s7 =	sadd.s32 $0x8, s7;
	v21 =	vld [tilespmem:s8+$0xFFFFFE40]  }
0x239: {  	p0 =	slt.u32 s7, $0xC0;
	v22 =	vld [tilespmem:s8+$0xFFFFFE70]  }
0x23a: {  	v23 =	vld [tilespmem:s8+$0xFFFFFE80]  }
0x23b: {  	v24 =	vld [tilespmem:s8+$0xFFFFFEB0]  }
0x23c: {  	v6 =	vadd.f32 v18, v6;
	v8 =	vadd.f32 v19, v8;
	v18 =	vld [tilespmem:s8+$0xFFFFFEC0]  }
0x23d: {  	v4 =	vadd.f32 v20, v4;
	v5 =	vadd.f32 v21, v5;
	v19 =	vld [tilespmem:s8+$0xFFFFFEF0]  }
0x23e: {  	v6 =	vadd.f32 v16, v6;
	v8 =	vadd.f32 v17, v8;
	v16 =	vld [tilespmem:s8+$0xFFFFFF00]  }
0x23f: {  	v4 =	vadd.f32 v22, v4;
	v5 =	vadd.f32 v23, v5;
	v17 =	vld [tilespmem:s8+$0xFFFFFF30]  }
0x240: {  	v6 =	vadd.f32 v14, v6;
	v8 =	vadd.f32 v15, v8;
	v14 =	vld [tilespmem:s8+$0xFFFFFF40]  }
0x241: {  	v15 =	vadd.f32 v24, v4;
	v5 =	vadd.f32 v18, v5;
	v4 =	vld [tilespmem:s8+$0xFFFFFF70]  }
.Ltmp5:
0x242: {  	v11 =	vadd.f32 v11, v6;
	v8 =	vadd.f32 v13, v8;
	v6 =	vld [tilespmem:s8+$0xFFFFFF80];
	(pc) =	sbr.rel @p0 .LBB2_13-.Ltmp5, $4  }
0x243: {  	v13 =	vadd.f32 v19, v15;
	v15 =	vadd.f32 v16, v5;
	v5 =	vld [tilespmem:s8+$0xFFFFFFB0]  }
0x244: {  	v16 =	vadd.f32 v7, v11;
	v18 =	vadd.f32 v10, v8;
	v8 =	vld [tilespmem:s8+$0xFFFFFFC0]  }
0x245: {  	v11 =	vadd.f32 v17, v13;
	v10 =	vadd.f32 v14, v15;
	v7 =	vld [tilespmem:s8+$0xFFFFFFF0]  }
0x246: {  	v13 =	vadd.f32 v12, v16;
	v12 =	vadd.f32 v9, v18;
	v9 =	vld [tilespmem:s8+$0x0];
	s8 =	sadd.s32 $0x200, s8  }
0x247: {  	_ = 	snop  }
0x248: {  	v4 =	vadd.f32 v4, v11;
	v2 =	vadd.f32 v2, v13  }
0x249: {  	v6 =	vadd.f32 v6, v10;
	v3 =	vadd.f32 v3, v12  }
0x24a: {  	v4 =	vadd.f32 v5, v4;
	v0 =	vadd.f32 v0, v2  }
0x24b: {  	v2 =	vadd.f32 v8, v6;
	v1 =	vadd.f32 v1, v3  }
0x24c: {  	v3 =	vadd.f32 v7, v4;
	[tilespmem:s6+$0xCF80] =	vst v0  }
0x24d: {  	v0 =	vadd.f32 v9, v2;
	[tilespmem:s6+$0xCF90] =	vst v1  }
0x24e: {  	p0 =	sne.s32 s31, $0x3F;
	[tilespmem:s6+$0xCFA0] =	vst v3  }
0x24f: {  	s7 =	simm.s32 @p0 $0x3;
	[tilespmem:s6+$0xCFB0] =	vst v0  }
0x250: {  	_ =	swait.ge @p0 [sflag:s7], $0x100  }
0x251: {  	[sflag:s7] =	ssyncset.done @p0 $0x0  }
0x252: {  	[sflag:s7] =	ssyncadd.s32 @p0 $0xFFFFFF00  }
0x253: {  	_ =	swait.ge @p0 [sflag:s7], $0x90  }
0x254: {  	s8 =	simm.s32 @p0 $0x0;
	[sflag:s7] =	ssyncset.done @p0 $0x0  }
0x255: {  	s9 =	simm.s32 @p0 $0x640;
	[sflag:s7] =	ssyncadd.s32 @p0 $0xFFFFFF70;
	s7 =	simm.s32 @p0 $0x80  }
0x256: {  	[tilespmem:s9], [sflag:$0x1] =	stream.indirect.gather @p0 [hbm4b:s4+s7], $0x40, s8, s7, $0xb8;
	[tilespmem:$0x14E40] =	vst v63  }
0x257: {  	s10 =	simm.s32 @p0 $0x400;
	s11 =	simm.s32 @p0 $0x2640;
	s9 =	simm.s32 @p0 $0x48  }
0x258: {  	[tilespmem:s11], [sflag:$0x1] =	stream.indirect.gather @p0 [hbm4b:s4+s9], $0x40, s10, s9, $0xb8;
	[tilespmem:$0x14E40] =	vst v63  }
0x259: {  	s10 =	simm.s32 @p0 $0x3840  }
0x25a: {  	[tilespmem:s10], [sflag:$0x1] =	stream.indirect.gather @p0 [hbm4b:s4+s7], $0x40, s7, s7, $0xb8;
	[tilespmem:$0x14E40] =	vst v63  }
0x25b: {  	s7 =	simm.s32 @p0 $0x448;
	s10 =	simm.s32 @p0 $0x5840  }
0x25c: {  	[tilespmem:s10], [sflag:$0x1] =	stream.indirect.gather @p0 [hbm4b:s4+s9], $0x40, s7, s9, $0xb8;
	[tilespmem:$0x14E40] =	vst v63  }
0x25d: {  	s7 =	sshll.u32 @p0 s31, $0x3  }
0x25e: {  	s7 =	sadd.s32 @p0 s7, s24  }
0x25f: {  	s9 =	simm.s32 @p0 $0x2;
	s7 =	smul.u32 @p0 $0xC8, s7  }
0x260: {  	_ =	swait.ge @p0 [sflag:s9], $0x6400  }
0x261: {  	[sflag:s9] =	ssyncset.done @p0 $0x0;
	s10 =	sshrl.u32 @p0 s7, $0x3  }
0x262: {  	[sflag:s9] =	ssyncadd.s32 @p0 $0xFFFF9C00;
	s9 =	sadd.s32 @p0 s3, s10;
	s10 =	simm.s32 @p0 $0x300  }
0x263: {  	[tilespmem:s10], [sflag:$0x6] =	stream.linear.gather @p0 [hbm4b:s9+s8], $0x80, $0x38;
	[tilespmem:$0x14E40] =	vst v63  }
0x264: {  	s9 =	sadd.s32 @p0 $0x10, s9;
	s10 =	simm.s32 @p0 $0x5B0  }
0x265: {  	[tilespmem:s10], [sflag:$0x6] =	stream.linear.gather @p0 [hbm4b:s9+s8], $0x48, $0x38;
	[tilespmem:$0x14E40] =	vst v63  }
0x266: {  	s9 =	sadd.s32 @p0 $0xC8, s7  }
0x267: {  	s7 =	sadd.s32 @p0 $0x148, s7;
	s9 =	sshrl.u32 @p0 s9, $0x3  }
0x268: {  	s10 =	simm.s32 @p0 $0x380;
	s7 =	sshrl.u32 @p0 s7, $0x3;
	s9 =	sadd.s32 @p0 s3, s9  }
0x269: {  	[tilespmem:s10], [sflag:$0x6] =	stream.linear.gather @p0 [hbm4b:s9+s8], $0x80, $0x38;
	[tilespmem:$0x14E40] =	vst v63  }
0x26a: {  	s7 =	sadd.s32 @p0 s3, s7;
	s9 =	simm.s32 @p0 $0x5F8  }
0x26b: {  	[tilespmem:s9], [sflag:$0x6] =	stream.linear.gather @p0 [hbm4b:s7+s8], $0x48, $0x38;
	[tilespmem:$0x14E40] =	vst v63  }
0x26c: {  	s7 =	simm.s32 @!p0 $0x2  }
0x26d: {  	_ =	swait.ge @!p0 [sflag:s7], $0x6400  }
0x26e: {  	[sflag:s7] =	ssyncset.done @!p0 $0x0  }
0x26f: {  	s11 =	simm.s32 $0x6A40;
	[sflag:s7] =	ssyncadd.s32 @!p0 $0xFFFF9C00  }
0x270: {  	v0 =	vld [tilespmem:s11+$0x1C0]  }
0x271: {  	v1 =	vld [tilespmem:s11+$0x1D0]  }
0x272: {  	v2 =	vld [tilespmem:s11+$0x180]  }
0x273: {  	v3 =	vld [tilespmem:s11+$0x190]  }
0x274: {  	v9 =	vld [tilespmem:s11+$0x140]  }
0x275: {  	v12 =	vld [tilespmem:s11+$0x150]  }
0x276: {  	v7 =	vld [tilespmem:s11+$0x100]  }
0x277: {  	v8 =	vld [tilespmem:s11+$0x110]  }
0x278: {  	v5 =	vld [tilespmem:s11+$0xC0]  }
0x279: {  	v6 =	vld [tilespmem:s11+$0xD0]  }
0x27a: {  	v4 =	vld [tilespmem:s11+$0x80]  }
0x27b: {  	v10 =	vld [tilespmem:s11+$0x90]  }
0x27c: {  	v11 =	vld [tilespmem:s11+$0x40]  }
0x27d: {  	v13 =	vld [tilespmem:s11+$0x50]  }
0x27e: {  	v14 =	vld [tilespmem:s11+$0x0]  }
0x27f: {  	v15 =	vld [tilespmem:s11+$0x10]  }
0x280: {  	v16 =	vld [tilespmem:s11+$0x20]  }
0x281: {  	v17 =	vld [tilespmem:s11+$0x30]  }
0x282: {  	v18 =	vld [tilespmem:s11+$0x60]  }
0x283: {  	v19 =	vld [tilespmem:s11+$0x70]  }
0x284: {  	v20 =	vimm.f32 $0.0e+00;
	v21 =	vld [tilespmem:s11+$0xA0]  }
0x285: {  	v22 =	vld [tilespmem:s11+$0xB0];
	v14 =	vadd.f32 v14, v20;
	v15 =	vadd.f32 v15, v20  }
0x286: {  	v59 =	vld [tilespmem:s11+$0xE0];
	v16 =	vadd.f32 v16, v20;
	v17 =	vadd.f32 v17, v20  }
0x287: {  	v11 =	vadd.f32 v11, v14;
	v13 =	vadd.f32 v13, v15;
	v14 =	vld [tilespmem:s11+$0xF0]  }
0x288: {  	v61 =	vld [tilespmem:s11+$0x120];
	v15 =	vadd.f32 v18, v16;
	v60 =	vadd.f32 v19, v17  }
0x289: {  	v11 =	vadd.f32 v4, v11;
	v10 =	vadd.f32 v10, v13;
	v13 =	vld [tilespmem:s11+$0x130]  }
0x28a: {  	v15 =	vadd.f32 v21, v15;
	v16 =	vadd.f32 v22, v60;
	v4 =	vld [tilespmem:s11+$0x160]  }
0x28b: {  	v11 =	vadd.f32 v5, v11;
	v10 =	vadd.f32 v6, v10;
	v6 =	vld [tilespmem:s11+$0x170]  }
0x28c: {  	v15 =	vadd.f32 v59, v15;
	v5 =	vld [tilespmem:s11+$0x1A0];
	v14 =	vadd.f32 v14, v16  }
0x28d: {  	v62 =	vadd.f32 v7, v11;
	v63 =	vadd.f32 v8, v10;
	v8 =	vld [tilespmem:s11+$0x1B0]  }
0x28e: {  	v11 =	vadd.f32 v61, v15;
	v7 =	vld [tilespmem:s11+$0x1E0];
	v10 =	vadd.f32 v13, v14  }
0x28f: {  	s8 =	simm.s32 $0x6C40;
	s7 =	simm.s32 $0x0;
	v13 =	vadd.f32 v9, v62;
	v12 =	vadd.f32 v12, v63;
	v9 =	vld [tilespmem:s11+$0x1F0]  }
.LBB2_15:
0x290: {  	v14 =	vld [tilespmem:s8+$0x1C0];
	v4 =	vadd.f32 v4, v11;
	v6 =	vadd.f32 v6, v10  }
0x291: {  	v10 =	vld [tilespmem:s8+$0x1D0];
	v11 =	vadd.f32 v2, v13;
	v12 =	vadd.f32 v3, v12  }
0x292: {  	v2 =	vld [tilespmem:s8+$0x180];
	v4 =	vadd.f32 v5, v4;
	v5 =	vadd.f32 v8, v6  }
0x293: {  	v3 =	vld [tilespmem:s8+$0x190];
	v6 =	vadd.f32 v0, v11;
	v8 =	vadd.f32 v1, v12  }
0x294: {  	v12 =	vld [tilespmem:s8+$0x140];
	v4 =	vadd.f32 v7, v4;
	v5 =	vadd.f32 v9, v5  }
0x295: {  	v9 =	vld [tilespmem:s8+$0x150];
	v0 =	vmov v14  }
0x296: {  	v7 =	vld [tilespmem:s8+$0x100];
	v1 =	vmov v10  }
0x297: {  	v10 =	vld [tilespmem:s8+$0x110]  }
0x298: {  	v11 =	vld [tilespmem:s8+$0xC0]  }
0x299: {  	v13 =	vld [tilespmem:s8+$0xD0]  }
0x29a: {  	v14 =	vld [tilespmem:s8+$0x80]  }
0x29b: {  	v15 =	vld [tilespmem:s8+$0x90]  }
0x29c: {  	v16 =	vld [tilespmem:s8+$0x40]  }
0x29d: {  	v17 =	vld [tilespmem:s8+$0x50]  }
0x29e: {  	v18 =	vld [tilespmem:s8+$0x0]  }
0x29f: {  	v19 =	vld [tilespmem:s8+$0x10]  }
0x2a0: {  	v20 =	vld [tilespmem:s8+$0x20]  }
0x2a1: {  	s7 =	sadd.s32 $0x8, s7;
	v21 =	vld [tilespmem:s8+$0x30]  }
0x2a2: {  	p0 =	slt.u32 s7, $0xC0;
	v22 =	vld [tilespmem:s8+$0x60]  }
0x2a3: {  	v23 =	vld [tilespmem:s8+$0x70]  }
0x2a4: {  	v24 =	vld [tilespmem:s8+$0xA0]  }
0x2a5: {  	v6 =	vadd.f32 v18, v6;
	v8 =	vadd.f32 v19, v8;
	v18 =	vld [tilespmem:s8+$0xB0]  }
0x2a6: {  	v4 =	vadd.f32 v20, v4;
	v5 =	vadd.f32 v21, v5;
	v19 =	vld [tilespmem:s8+$0xE0]  }
0x2a7: {  	v6 =	vadd.f32 v16, v6;
	v8 =	vadd.f32 v17, v8;
	v16 =	vld [tilespmem:s8+$0xF0]  }
0x2a8: {  	v4 =	vadd.f32 v22, v4;
	v5 =	vadd.f32 v23, v5;
	v17 =	vld [tilespmem:s8+$0x120]  }
0x2a9: {  	v6 =	vadd.f32 v14, v6;
	v8 =	vadd.f32 v15, v8;
	v14 =	vld [tilespmem:s8+$0x130]  }
0x2aa: {  	v15 =	vadd.f32 v24, v4;
	v5 =	vadd.f32 v18, v5;
	v4 =	vld [tilespmem:s8+$0x160]  }
.Ltmp6:
0x2ab: {  	v11 =	vadd.f32 v11, v6;
	v8 =	vadd.f32 v13, v8;
	v6 =	vld [tilespmem:s8+$0x170];
	(pc) =	sbr.rel @p0 .LBB2_15-.Ltmp6, $4  }
0x2ac: {  	v13 =	vadd.f32 v19, v15;
	v15 =	vadd.f32 v16, v5;
	v5 =	vld [tilespmem:s8+$0x1A0]  }
0x2ad: {  	v16 =	vadd.f32 v7, v11;
	v18 =	vadd.f32 v10, v8;
	v8 =	vld [tilespmem:s8+$0x1B0]  }
0x2ae: {  	v11 =	vadd.f32 v17, v13;
	v10 =	vadd.f32 v14, v15;
	v7 =	vld [tilespmem:s8+$0x1E0]  }
0x2af: {  	v13 =	vadd.f32 v12, v16;
	v12 =	vadd.f32 v9, v18;
	v9 =	vld [tilespmem:s8+$0x1F0];
	s8 =	sadd.s32 $0x200, s8  }
0x2b0: {  	_ = 	snop  }
0x2b1: {  	v4 =	vadd.f32 v4, v11;
	v2 =	vadd.f32 v2, v13  }
0x2b2: {  	v6 =	vadd.f32 v6, v10;
	v3 =	vadd.f32 v3, v12  }
0x2b3: {  	v4 =	vadd.f32 v5, v4;
	v0 =	vadd.f32 v0, v2  }
0x2b4: {  	v2 =	vadd.f32 v8, v6;
	v1 =	vadd.f32 v1, v3  }
0x2b5: {  	v3 =	vadd.f32 v7, v4;
	[tilespmem:s6+$0xCFC0] =	vst v0  }
0x2b6: {  	v0 =	vadd.f32 v9, v2;
	[tilespmem:s6+$0xCFD0] =	vst v1  }
0x2b7: {  	[tilespmem:s6+$0xCFE0] =	vst v3  }
0x2b8: {  	s8 =	simm.s32 $0x9C40;
	[tilespmem:s6+$0xCFF0] =	vst v0  }
0x2b9: {  	v0 =	vld [tilespmem:s8+$0x1C0]  }
0x2ba: {  	v1 =	vld [tilespmem:s8+$0x1D0]  }
0x2bb: {  	v2 =	vld [tilespmem:s8+$0x180]  }
0x2bc: {  	v3 =	vld [tilespmem:s8+$0x190]  }
0x2bd: {  	v9 =	vld [tilespmem:s8+$0x140]  }
0x2be: {  	v12 =	vld [tilespmem:s8+$0x150]  }
0x2bf: {  	v7 =	vld [tilespmem:s8+$0x100]  }
0x2c0: {  	v8 =	vld [tilespmem:s8+$0x110]  }
0x2c1: {  	v5 =	vld [tilespmem:s8+$0xC0]  }
0x2c2: {  	v6 =	vld [tilespmem:s8+$0xD0]  }
0x2c3: {  	v4 =	vld [tilespmem:s8+$0x80]  }
0x2c4: {  	v10 =	vld [tilespmem:s8+$0x90]  }
0x2c5: {  	v11 =	vld [tilespmem:s8+$0x40]  }
0x2c6: {  	v13 =	vld [tilespmem:s8+$0x50]  }
0x2c7: {  	v14 =	vld [tilespmem:s8+$0x0]  }
0x2c8: {  	v15 =	vld [tilespmem:s8+$0x10]  }
0x2c9: {  	v16 =	vld [tilespmem:s8+$0x20]  }
0x2ca: {  	v17 =	vld [tilespmem:s8+$0x30]  }
0x2cb: {  	v18 =	vld [tilespmem:s8+$0x60]  }
0x2cc: {  	v19 =	vld [tilespmem:s8+$0x70]  }
0x2cd: {  	v20 =	vimm.f32 $0.0e+00;
	v21 =	vld [tilespmem:s8+$0xA0]  }
0x2ce: {  	v22 =	vld [tilespmem:s8+$0xB0];
	v14 =	vadd.f32 v14, v20;
	v15 =	vadd.f32 v15, v20  }
0x2cf: {  	v59 =	vld [tilespmem:s8+$0xE0];
	v16 =	vadd.f32 v16, v20;
	v17 =	vadd.f32 v17, v20  }
0x2d0: {  	v11 =	vadd.f32 v11, v14;
	v13 =	vadd.f32 v13, v15;
	v14 =	vld [tilespmem:s8+$0xF0]  }
0x2d1: {  	v61 =	vld [tilespmem:s8+$0x120];
	v15 =	vadd.f32 v18, v16;
	v60 =	vadd.f32 v19, v17  }
0x2d2: {  	v11 =	vadd.f32 v4, v11;
	v10 =	vadd.f32 v10, v13;
	v13 =	vld [tilespmem:s8+$0x130]  }
0x2d3: {  	v15 =	vadd.f32 v21, v15;
	v16 =	vadd.f32 v22, v60;
	v4 =	vld [tilespmem:s8+$0x160]  }
0x2d4: {  	v11 =	vadd.f32 v5, v11;
	v10 =	vadd.f32 v6, v10;
	v6 =	vld [tilespmem:s8+$0x170]  }
0x2d5: {  	v15 =	vadd.f32 v59, v15;
	v5 =	vld [tilespmem:s8+$0x1A0];
	v14 =	vadd.f32 v14, v16  }
0x2d6: {  	v62 =	vadd.f32 v7, v11;
	v63 =	vadd.f32 v8, v10;
	v8 =	vld [tilespmem:s8+$0x1B0]  }
0x2d7: {  	v11 =	vadd.f32 v61, v15;
	v7 =	vld [tilespmem:s8+$0x1E0];
	v10 =	vadd.f32 v13, v14  }
0x2d8: {  	s7 =	simm.s32 $0x0;
	v13 =	vadd.f32 v9, v62;
	v12 =	vadd.f32 v12, v63;
	v9 =	vld [tilespmem:s8+$0x1F0];
	s8 =	simm.s32 $0x9E40  }
.LBB2_17:
0x2d9: {  	v14 =	vld [tilespmem:s8+$0x1C0];
	v4 =	vadd.f32 v4, v11;
	v6 =	vadd.f32 v6, v10  }
0x2da: {  	v10 =	vld [tilespmem:s8+$0x1D0];
	v11 =	vadd.f32 v2, v13;
	v12 =	vadd.f32 v3, v12  }
0x2db: {  	v2 =	vld [tilespmem:s8+$0x180];
	v4 =	vadd.f32 v5, v4;
	v5 =	vadd.f32 v8, v6  }
0x2dc: {  	v3 =	vld [tilespmem:s8+$0x190];
	v6 =	vadd.f32 v0, v11;
	v8 =	vadd.f32 v1, v12  }
0x2dd: {  	v12 =	vld [tilespmem:s8+$0x140];
	v4 =	vadd.f32 v7, v4;
	v5 =	vadd.f32 v9, v5  }
0x2de: {  	v9 =	vld [tilespmem:s8+$0x150];
	v0 =	vmov v14  }
0x2df: {  	v7 =	vld [tilespmem:s8+$0x100];
	v1 =	vmov v10  }
0x2e0: {  	v10 =	vld [tilespmem:s8+$0x110]  }
0x2e1: {  	v11 =	vld [tilespmem:s8+$0xC0]  }
0x2e2: {  	v13 =	vld [tilespmem:s8+$0xD0]  }
0x2e3: {  	v14 =	vld [tilespmem:s8+$0x80]  }
0x2e4: {  	v15 =	vld [tilespmem:s8+$0x90]  }
0x2e5: {  	v16 =	vld [tilespmem:s8+$0x40]  }
0x2e6: {  	v17 =	vld [tilespmem:s8+$0x50]  }
0x2e7: {  	v18 =	vld [tilespmem:s8+$0x0]  }
0x2e8: {  	v19 =	vld [tilespmem:s8+$0x10]  }
0x2e9: {  	v20 =	vld [tilespmem:s8+$0x20]  }
0x2ea: {  	s7 =	sadd.s32 $0x8, s7;
	v21 =	vld [tilespmem:s8+$0x30]  }
0x2eb: {  	p0 =	slt.u32 s7, $0xC0;
	v22 =	vld [tilespmem:s8+$0x60]  }
0x2ec: {  	v23 =	vld [tilespmem:s8+$0x70]  }
0x2ed: {  	v24 =	vld [tilespmem:s8+$0xA0]  }
0x2ee: {  	v6 =	vadd.f32 v18, v6;
	v8 =	vadd.f32 v19, v8;
	v18 =	vld [tilespmem:s8+$0xB0]  }
0x2ef: {  	v4 =	vadd.f32 v20, v4;
	v5 =	vadd.f32 v21, v5;
	v19 =	vld [tilespmem:s8+$0xE0]  }
0x2f0: {  	v6 =	vadd.f32 v16, v6;
	v8 =	vadd.f32 v17, v8;
	v16 =	vld [tilespmem:s8+$0xF0]  }
0x2f1: {  	v4 =	vadd.f32 v22, v4;
	v5 =	vadd.f32 v23, v5;
	v17 =	vld [tilespmem:s8+$0x120]  }
0x2f2: {  	v6 =	vadd.f32 v14, v6;
	v8 =	vadd.f32 v15, v8;
	v14 =	vld [tilespmem:s8+$0x130]  }
0x2f3: {  	v15 =	vadd.f32 v24, v4;
	v5 =	vadd.f32 v18, v5;
	v4 =	vld [tilespmem:s8+$0x160]  }
.Ltmp7:
0x2f4: {  	v11 =	vadd.f32 v11, v6;
	v8 =	vadd.f32 v13, v8;
	v6 =	vld [tilespmem:s8+$0x170];
	(pc) =	sbr.rel @p0 .LBB2_17-.Ltmp7, $4  }
0x2f5: {  	v13 =	vadd.f32 v19, v15;
	v15 =	vadd.f32 v16, v5;
	v5 =	vld [tilespmem:s8+$0x1A0]  }
0x2f6: {  	v16 =	vadd.f32 v7, v11;
	v18 =	vadd.f32 v10, v8;
	v8 =	vld [tilespmem:s8+$0x1B0]  }
0x2f7: {  	v11 =	vadd.f32 v17, v13;
	v10 =	vadd.f32 v14, v15;
	v7 =	vld [tilespmem:s8+$0x1E0]  }
0x2f8: {  	v13 =	vadd.f32 v12, v16;
	v12 =	vadd.f32 v9, v18;
	v9 =	vld [tilespmem:s8+$0x1F0];
	s8 =	sadd.s32 $0x200, s8  }
0x2f9: {  	_ = 	snop  }
0x2fa: {  	v4 =	vadd.f32 v4, v11;
	v2 =	vadd.f32 v2, v13  }
0x2fb: {  	v6 =	vadd.f32 v6, v10;
	s31 =	sadd.s32 $0x1, s31;
	v3 =	vadd.f32 v3, v12  }
0x2fc: {  	p0 =	sne.s32 s31, $0x40;
	v4 =	vadd.f32 v5, v4;
	v0 =	vadd.f32 v0, v2  }
.Ltmp8:
0x2fd: {  	v61 =	vadd.f32 v8, v6;
	v1 =	vadd.f32 v1, v3;
	(pc) =	sbr.rel @p0 .LBB2_2-.Ltmp8, $4  }
0x2fe: {  	v62 =	vadd.f32 v7, v4;
	[tilespmem:s6+$0xD000] =	vst v0  }
0x2ff: {  	v63 =	vadd.f32 v9, v61;
	[tilespmem:s6+$0xD010] =	vst v1  }
0x300: {  	[tilespmem:s6+$0xD020] =	vst v62  }
0x301: {  	[tilespmem:s6+$0xD030] =	vst v63  }
0x302: {  	s8 =	simm.s32 $0x0;
	s6 =	rddreg [dreg:$0x12];
	s7 =	simm.s32 $0xCE40  }
0x303: {  	[hbm4b:s6+s8] =	stream.linear.scatter [tilespmem:s7], [sflag:$0x7], $0x8000, $0x38;
	[tilespmem:$0x14E40] =	vst v63  }
0x304: {  	s7 =	simm.s32 $0x7  }
0x305: {  	_ =	swait.ge [sflag:s7], $0x8000  }
0x306: {  	s9 =	rddreg [dreg:$0x15]  }
0x307: {  	s31 =	rddreg [dreg:$0x13];
	s9 =	sadd.s32 $0x1, s9  }
0x308: {  	p0 =	sne.s32 s9, s31  }
.Ltmp9:
0x309: {  	_ = 	snop;
	(pc) =	sbr.rel @p0 .LBB2_1-.Ltmp9, $3  }
0x30a: {  	_ =	sdelay $0x1  }
0x30b: {  	[sflag:s7] =	ssyncset.done $0x0  }
0x30c: {  	[sflag:s7] =	ssyncadd.s32 $0xFFFF8000  }
0x30d: {  	_ =	sfence.sel $0x180000  }
0x30e: {  	[bflag:$0x0] =	sbarrier.arrive $0xFFFF  }
0x30f: {  	_ =	strace $0x90000047  }
0x310: {  	s0 =	stileid.u32;
	[bflag:$0x2] =	sbarrier.arrive $0xFFFF  }
0x311: {  	p0 =	sne.s32 s0, $0x0;
	s0 =	rddreg [dreg:$0x2]  }
0x312: {  	s0 =	sadd.s32 @!p0 $0x100000, s0  }
0x313: {  	[sflag:s0] =	ssyncadd.tile.s32 @!p0 $0x1;
	_ =	shalt  }
.Lfunc_end2:
_tile_overlayer_lowered:
.L_overlay_start_2:
0x314: {  	(tag) =	ssettag $0x2  }
0x315: {  	s0 =	rddreg [dreg:$0x0];
	s2 =	stileid.u32  }
0x316: {  	s1 =	rddreg [dreg:$0x1];
	p0 =	sne.s32 s2, $0x0  }
0x317: {  	s3 =	rddreg [dreg:$0x2];
	[bflag:$0x3] =	sbarrier.arrive $0xFFFF;
	s2 =	simm.s32 @!p0 $0x1C07  }
0x318: {  	[timem:s3], [sflag:s2] =	dma.local @!p0 [hbm:s0], s1  }
0x319: {  	s0 =	simm.s32 @!p0 $0x7  }
0x31a: {  	_ =	swait.ge @!p0 [sflag:s0], s1  }
0x31b: {  	s1 =	ssub.s32 @!p0 $0x0, s1;
	[sflag:s0] =	ssyncset.done @!p0 $0x0  }
0x31c: {  	[sflag:s0] =	ssyncadd.s32 @!p0 s1  }
0x31d: {  	[bflag:$0x3] =	sbarrier.arrive $0xFFFF  }
0x31e: {  	_ =	shalt  }

</sc_bundles>
